<compile_context>
chip_gen: v7x
topology: tpu7x:2x2x1
jax: 0.10.2.dev20260603
libtpu: 0.0.44.dev20260713+nightly
codegen_flags: <defaults>
</compile_context>

<pallas_src>
import jax
import jax.numpy as jnp
from jax import lax
from jax.experimental import pallas as pl
from jax.experimental.pallas import tpu as pltpu
from jax.experimental.pallas import tpu_sc as plsc

N_NODES_C = 10000
N_EDGES_C = 320000
D_C = 128

NC = 2
NS = 16
LANES = 16

CH = 128
NCHT = 78
NXTRA = 4
DUMMY = N_NODES_C
ACC_PER_TILE = 632
ACC_ROWS = NS * ACC_PER_TILE


def _sc_body(feat_hbm, ei_hbm, out_hbm, *refs):
    idx = refs[0:3]
    rows = refs[3:6]
    acc = refs[6]
    isems = refs[7:10]
    gsems = refs[10:13]
    ssems = refs[13:16]

    c = lax.axis_index("c")
    s = lax.axis_index("s")
    w = c * NS + s

    def idx_start(b, eoff):
        pltpu.async_copy(
            ei_hbm.at[pl.ds(0, 2), pl.ds(eoff, CH)], idx[b], isems[b])

    def idx_wait(b):
        pltpu.make_async_copy(
            ei_hbm.at[pl.ds(0, 2), pl.ds(0, CH)], idx[b], isems[b]).wait()

    def mask(b):
        for j in range(CH // LANES):
            sl = pl.ds(j * LANES, LANES)
            sv = idx[b][0, sl]
            dv = idx[b][1, sl]
            idx[b][1, sl] = jnp.where(
                sv == dv, jnp.full((LANES,), DUMMY, jnp.int32), dv)

    H = CH // 2

    def g_start(b):
        pltpu.async_copy(feat_hbm.at[idx[b].at[0, pl.ds(0, H)]],
                         rows[b].at[pl.ds(0, H)], gsems[b])
        pltpu.async_copy(feat_hbm.at[idx[b].at[0, pl.ds(H, H)]],
                         rows[b].at[pl.ds(H, H)], gsems[b])

    def g_wait(b):
        pltpu.make_async_copy(feat_hbm.at[idx[b].at[0, pl.ds(0, H)]],
                              rows[b].at[pl.ds(0, H)], gsems[b]).wait()
        pltpu.make_async_copy(feat_hbm.at[idx[b].at[0, pl.ds(H, H)]],
                              rows[b].at[pl.ds(H, H)], gsems[b]).wait()

    def s_start(b):
        pltpu.async_copy(rows[b], acc.at[idx[b].at[1]], ssems[b], add=True)

    def s_wait(b):
        pltpu.make_async_copy(rows[b], acc.at[idx[b].at[1]], ssems[b]).wait()

    @pl.loop(0, CH)
    def _(i):
        @pl.loop(0, D_C // LANES)
        def _(k):
            rows[0][i, pl.ds(k * LANES, LANES)] = jnp.zeros(
                (LANES,), jnp.float32)

    abase = s * ACC_PER_TILE

    @pl.loop(0, 4)
    def _(j):
        pltpu.sync_copy(rows[0], acc.at[pl.ds(abase + j * CH, CH)])
    pltpu.sync_copy(rows[0].at[pl.ds(0, ACC_PER_TILE - 4 * CH)],
                    acc.at[pl.ds(abase + 4 * CH, ACC_PER_TILE - 4 * CH)])

    plsc.subcore_barrier()

    ebase = w * (NCHT * CH)
    xoff = (NS * NC * NCHT + 2 * c + s) * CH

    def eoff_of(kk, static_k, n):
        if static_k == n - 1 and n == NCHT + 1:
            return xoff
        return ebase + kk * CH

    def do_iter(k, b, n, k_traced=None):
        kk = k if k_traced is None else k_traced
        b1, b2 = (b + 1) % 3, (b + 2) % 3
        if k + 1 < n:
            idx_wait(b1)
            mask(b1)
            g_start(b1)
        g_wait(b)
        s_start(b)
        if k >= 1:
            s_wait(b2)
        if k + 2 < n:
            idx_start(b2, eoff_of(kk + 2, k + 2, n))

    def pipeline(n):
        idx_start(0, eoff_of(0, 0, n))
        idx_start(1, eoff_of(1, 1, n))
        idx_wait(0)
        mask(0)
        g_start(0)

        nmain = ((n - 6) // 3) * 3

        for k in range(0, 3):
            do_iter(k, k % 3, n)

        @pl.loop(3, 3 + nmain, step=3)
        def _(k):
            do_iter(4, 0, n, k_traced=k)
            do_iter(4, 1, n, k_traced=k + 1)
            do_iter(4, 2, n, k_traced=k + 2)

        for k in range(3 + nmain, n):
            do_iter(k, k % 3, n)
        s_wait((n - 1) % 3)

    @pl.when(s < 2)
    def _():
        pipeline(NCHT + 1)

    @pl.when(s >= 2)
    def _():
        pipeline(NCHT)

    plsc.subcore_barrier()

    pltpu.sync_copy(acc.at[pl.ds(abase, ACC_PER_TILE)],
                    out_hbm.at[c].at[pl.ds(abase, ACC_PER_TILE)])


@jax.jit
def _sc_scatter(feat, edge_index):
    mesh = plsc.VectorSubcoreMesh(core_axis_name="c", subcore_axis_name="s")
    k = pl.kernel(
        _sc_body,
        out_type=jax.ShapeDtypeStruct((NC, ACC_ROWS, D_C), jnp.float32),
        mesh=mesh,
        scratch_types=(
            [pltpu.VMEM((2, CH), jnp.int32) for _ in range(3)]
            + [pltpu.VMEM((CH, D_C), jnp.float32) for _ in range(3)]
            + [pltpu.VMEM_SHARED((ACC_ROWS, D_C), jnp.float32)]
            + [pltpu.SemaphoreType.DMA for _ in range(9)]
        ),
    )
    return k(feat, edge_index)


def _finish_body(p0_ref, p1_ref, f_ref, w_ref, o_ref):
    x = p0_ref[0] + p1_ref[0] + f_ref[...]
    y = lax.dot_general(x, w_ref[...], (((1,), (0,)), ((), ())),
                        preferred_element_type=jnp.float32,
                        precision=lax.Precision.DEFAULT)
    o_ref[...] = jnp.maximum(y, 0.0)


BR = 2000


@jax.jit
def _tc_finish(partials, feat, weight1):
    return pl.pallas_call(
        _finish_body,
        grid=(N_NODES_C // BR,),
        in_specs=[
            pl.BlockSpec((1, BR, D_C), lambda i: (0, i, 0)),
            pl.BlockSpec((1, BR, D_C), lambda i: (1, i, 0)),
            pl.BlockSpec((BR, D_C), lambda i: (i, 0)),
            pl.BlockSpec((D_C, D_C), lambda i: (0, 0)),
        ],
        out_specs=pl.BlockSpec((BR, D_C), lambda i: (i, 0)),
        out_shape=jax.ShapeDtypeStruct((N_NODES_C, D_C), jnp.float32),
    )(partials, partials, feat, weight1)


def kernel(feat, edge_index, weight1):
    ei = edge_index.astype(jnp.int32)
    partials = _sc_scatter(feat, ei)
    return _tc_finish(partials, feat, weight1)

# --- scband reference (transcript-rebuilt; emitter-appended) ---
"""Pipeline reference for scband-graph-conv-32607391711589 (READ-ONLY COPY).

The authoritative reference and input builder live on the scoring server;
editing this copy changes nothing except your own understanding.
"""

import jax, jax.numpy as jnp
import numpy as np

N_NODES = 10000
N_EDGES = 320000
D_IN = 128
D_OUT = 128


def setup_inputs(seed: int = 0) -> dict:
    key = jax.random.key(seed)
    k1, k2, k3 = jax.random.split(key, 3)
    feat = jax.random.normal(k1, (N_NODES, D_IN), dtype=jnp.float32)
    edge_index = jax.random.randint(k2, (2, N_EDGES), 0, N_NODES, dtype=jnp.int64)
    # xavier_uniform init for weight1 [in_feats, out_feats]
    limit = float(np.sqrt(6.0 / (D_IN + D_OUT)))
    weight1 = jax.random.uniform(k3, (D_IN, D_OUT), dtype=jnp.float32, minval=-limit, maxval=limit)
    return {"feat": feat, "edge_index": edge_index, "weight1": weight1}


def reference(feat, edge_index, weight1):
    # GraphConv forward (homogeneous graph, single canonical etype, eval mode):
    #  1) remove self-loops (src == dst edges dropped)
    #  2) message passing: copy_src('h','m') then fn.sum -> scatter-add of source feats into dst
    #  3) h = matmul(agg + feat, weight1); activation; dropout(training=False) is identity
    src = edge_index[0]
    dst = edge_index[1]
    # self-loop removal as a multiplicative edge mask
    keep = (src != dst).astype(feat.dtype)
    msgs = jnp.take(feat, src, axis=0) * keep[:, None]
    agg = jax.ops.segment_sum(msgs, dst, num_segments=feat.shape[0])
    h = jnp.matmul(agg + feat, weight1)
    h = jax.nn.relu(h)
    # F.dropout(h, p=0.1, training=False) -> identity
    return h

if __name__ == "__main__":
    import jax
    _d = setup_inputs()
    print(jax.jit(kernel)(*tuple(_d.values())))

</pallas_src>

<mosaic_0001>
#map = affine_map<(d0, d1) -> (0, 0)>
#map1 = affine_map<(d0, d1) -> (0, 0, 0)>
module attributes {stable_mosaic.version = 14 : i64} {
  func.func @_sc_body(%arg0: i32, %arg1: i32, %arg2: memref<10000x128xf32, #tpu.memory_space<hbm>>, %arg3: memref<2x320000xi32, #tpu.memory_space<hbm>>, %arg4: memref<2x10112x128xf32, #tpu.memory_space<hbm>>, %arg5: memref<2x128xi32, #tpu.memory_space<vmem>>, %arg6: memref<2x128xi32, #tpu.memory_space<vmem>>, %arg7: memref<2x128xi32, #tpu.memory_space<vmem>>, %arg8: memref<128x128xf32, #tpu.memory_space<vmem>>, %arg9: memref<128x128xf32, #tpu.memory_space<vmem>>, %arg10: memref<128x128xf32, #tpu.memory_space<vmem>>, %arg11: memref<10112x128xf32, #tpu.memory_space<vmem_shared>>, %arg12: memref<!tpu.dma_semaphore, #tpu.memory_space<semaphore_mem>>, %arg13: memref<!tpu.dma_semaphore, #tpu.memory_space<semaphore_mem>>, %arg14: memref<!tpu.dma_semaphore, #tpu.memory_space<semaphore_mem>>, %arg15: memref<!tpu.dma_semaphore, #tpu.memory_space<semaphore_mem>>, %arg16: memref<!tpu.dma_semaphore, #tpu.memory_space<semaphore_mem>>, %arg17: memref<!tpu.dma_semaphore, #tpu.memory_space<semaphore_mem>>, %arg18: memref<!tpu.dma_semaphore, #tpu.memory_space<semaphore_mem>>, %arg19: memref<!tpu.dma_semaphore, #tpu.memory_space<semaphore_mem>>, %arg20: memref<!tpu.dma_semaphore, #tpu.memory_space<semaphore_mem>>) attributes {dimension_semantics = [#tpu.dimension_semantics<core_parallel>, #tpu.dimension_semantics<subcore_parallel>], iteration_bounds = array<i64: 2, 16>, scalar_prefetch = 0 : i64, scratch_operands = 16 : i64, tpu.core_type = #tpu.core_type<sc_vector_subcore>, window_params = [{transform_indices = #map}, {transform_indices = #map}, {transform_indices = #map1}]} {
    %mul3A = arith.constant 16 : i32
    %mul3A_0 = arith.muli %arg0, %mul3A : i32
    %add3A = arith.addi %mul3A_0, %arg1 : i32
    %scan3A = arith.constant 0 : i32
    %scan3A_1 = arith.constant 128 : i32
    %scan3A_2 = arith.addi %scan3A, %scan3A_1 : i32
    %scan3A_3 = arith.constant 1 : i32
    scf.for %scan3A_30 = %scan3A to %scan3A_2 step %scan3A_3  : i32 {
      %mul3A_31 = arith.constant 1 : i32
      %mul3A_32 = arith.muli %scan3A_30, %mul3A_31 : i32
      %add3A_33 = arith.constant 0 : i32
      %add3A_34 = arith.addi %add3A_33, %mul3A_32 : i32
      %scan3A_35 = arith.constant 0 : i32
      %scan3A_36 = arith.constant 8 : i32
      %scan3A_37 = arith.addi %scan3A_35, %scan3A_36 : i32
      %scan3A_38 = arith.constant 1 : i32
      scf.for %scan3A_40 = %scan3A_35 to %scan3A_37 step %scan3A_38  : i32 {
        %mul3A_41 = arith.constant 1 : i32
        %mul3A_42 = arith.muli %scan3A_40, %mul3A_41 : i32
        %add3A_43 = arith.constant 0 : i32
        %add3A_44 = arith.addi %add3A_43, %mul3A_42 : i32
        %broadcast_in_dim3A = arith.constant 0.000000e+00 : f32
        %broadcast_in_dim3A_45 = vector.broadcast %broadcast_in_dim3A : f32 to vector<16xf32>
        %mul3A_46 = arith.constant 16 : i32
        %mul3A_47 = arith.muli %add3A_44, %mul3A_46 : i32
        %swap3A = arith.index_cast %add3A_34 : i32 to index
        %swap3A_48 = arith.index_cast %mul3A_47 : i32 to index
        %swap3A_49 = tpu.vector_load %arg8[%swap3A, %swap3A_48] {strides = array<i32>} : memref<128x128xf32, #tpu.memory_space<vmem>>, vector<1x16xf32>,
        %swap3A_50 = vector.shape_cast %swap3A_49 : vector<1x16xf32> to vector<16xf32>
        %swap3A_51 = vector.shape_cast %broadcast_in_dim3A_45 : vector<16xf32> to vector<1x16xf32>
        tpu.vector_store %arg8[%swap3A, %swap3A_48], %swap3A_51 {strides = array<i32>} : memref<128x128xf32, #tpu.memory_space<vmem>>, vector<1x16xf32>,
      }
      %scan3A_39 = arith.constant 8 : i32
    }
    %scan3A_4 = arith.constant 128 : i32
    %mul3A_5 = arith.constant 632 : i32
    %mul3A_6 = arith.muli %arg1, %mul3A_5 : i32
    %scan3A_7 = arith.constant 0 : i32
    %scan3A_8 = arith.constant 4 : i32
    %scan3A_9 = arith.addi %scan3A_7, %scan3A_8 : i32
    %scan3A_10 = arith.constant 1 : i32
    scf.for %scan3A_30 = %scan3A_7 to %scan3A_9 step %scan3A_10  : i32 {
      %mul3A_31 = arith.constant 1 : i32
      %mul3A_32 = arith.muli %scan3A_30, %mul3A_31 : i32
      %add3A_33 = arith.constant 0 : i32
      %add3A_34 = arith.addi %add3A_33, %mul3A_32 : i32
      %mul3A_35 = arith.constant 128 : i32
      %mul3A_36 = arith.muli %add3A_34, %mul3A_35 : i32
      %add3A_37 = arith.addi %mul3A_6, %mul3A_36 : i32
      "tpu.region"() ({
        %run_scoped3A = tpu.sem_alloc : memref<!tpu.dma_semaphore, #tpu.memory_space<semaphore_mem>>
        %dma_start3A = arith.constant 0 : i32
        %dma_start3A_38 = tpu.memref_slice %arg11[%add3A_37, %dma_start3A] : memref<10112x128xf32, #tpu.memory_space<vmem_shared>> -> memref<128x128xf32, #tpu.memory_space<vmem_shared>>
        %dma_start3A_39 = arith.constant 0 : i32
        %dma_start3A_40 = tpu.memref_slice %arg11[%add3A_37, %dma_start3A_39] : memref<10112x128xf32, #tpu.memory_space<vmem_shared>> -> memref<128x128xf32, #tpu.memory_space<vmem_shared>>
        tpu.enqueue_dma source(%arg8 : memref<128x128xf32, #tpu.memory_space<vmem>>) target(%dma_start3A_40 : memref<128x128xf32, #tpu.memory_space<vmem_shared>>) target_semaphore(%run_scoped3A : memref<!tpu.dma_semaphore, #tpu.memory_space<semaphore_mem>>)
        %dma_wait3A = arith.constant 0 : i32
        %dma_wait3A_41 = tpu.memref_slice %arg11[%add3A_37, %dma_wait3A] : memref<10112x128xf32, #tpu.memory_space<vmem_shared>> -> memref<128x128xf32, #tpu.memory_space<vmem_shared>>
        %dma_wait3A_42 = arith.constant 0 : i32
        %dma_wait3A_43 = tpu.memref_slice %arg11[%add3A_37, %dma_wait3A_42] : memref<10112x128xf32, #tpu.memory_space<vmem_shared>> -> memref<128x128xf32, #tpu.memory_space<vmem_shared>>
        tpu.wait_dma2 semaphore(%run_scoped3A : memref<!tpu.dma_semaphore, #tpu.memory_space<semaphore_mem>>) src(%arg8 : memref<128x128xf32, #tpu.memory_space<vmem>>) dst(%dma_wait3A_43 : memref<128x128xf32, #tpu.memory_space<vmem_shared>>)
        tpu.yield
      }) : () -> ()
    }
    %scan3A_11 = arith.constant 4 : i32
    %add3A_12 = arith.constant 512 : i32
    %add3A_13 = arith.addi %mul3A_6, %add3A_12 : i32
    "tpu.region"() ({
      %run_scoped3A = tpu.sem_alloc : memref<!tpu.dma_semaphore, #tpu.memory_space<semaphore_mem>>
      %dma_start3A = arith.constant 0 : i32
      %dma_start3A_30 = arith.constant 0 : i32
      %dma_start3A_31 = tpu.memref_slice %arg8[%dma_start3A, %dma_start3A_30] : memref<128x128xf32, #tpu.memory_space<vmem>> -> memref<120x128xf32, #tpu.memory_space<vmem>>
      %dma_start3A_32 = arith.constant 0 : i32
      %dma_start3A_33 = tpu.memref_slice %arg11[%add3A_13, %dma_start3A_32] : memref<10112x128xf32, #tpu.memory_space<vmem_shared>> -> memref<120x128xf32, #tpu.memory_space<vmem_shared>>
      %dma_start3A_34 = arith.constant 0 : i32
      %dma_start3A_35 = tpu.memref_slice %arg11[%add3A_13, %dma_start3A_34] : memref<10112x128xf32, #tpu.memory_space<vmem_shared>> -> memref<120x128xf32, #tpu.memory_space<vmem_shared>>
      %dma_start3A_36 = arith.constant 0 : i32
      %dma_start3A_37 = arith.constant 0 : i32
      %dma_start3A_38 = tpu.memref_slice %arg8[%dma_start3A_36, %dma_start3A_37] : memref<128x128xf32, #tpu.memory_space<vmem>> -> memref<120x128xf32, #tpu.memory_space<vmem>>
      tpu.enqueue_dma source(%dma_start3A_38 : memref<120x128xf32, #tpu.memory_space<vmem>>) target(%dma_start3A_35 : memref<120x128xf32, #tpu.memory_space<vmem_shared>>) target_semaphore(%run_scoped3A : memref<!tpu.dma_semaphore, #tpu.memory_space<semaphore_mem>>)
      %dma_wait3A = arith.constant 0 : i32
      %dma_wait3A_39 = arith.constant 0 : i32
      %dma_wait3A_40 = tpu.memref_slice %arg8[%dma_wait3A, %dma_wait3A_39] : memref<128x128xf32, #tpu.memory_space<vmem>> -> memref<120x128xf32, #tpu.memory_space<vmem>>
      %dma_wait3A_41 = arith.constant 0 : i32
      %dma_wait3A_42 = tpu.memref_slice %arg11[%add3A_13, %dma_wait3A_41] : memref<10112x128xf32, #tpu.memory_space<vmem_shared>> -> memref<120x128xf32, #tpu.memory_space<vmem_shared>>
      %dma_wait3A_43 = arith.constant 0 : i32
      %dma_wait3A_44 = tpu.memref_slice %arg11[%add3A_13, %dma_wait3A_43] : memref<10112x128xf32, #tpu.memory_space<vmem_shared>> -> memref<120x128xf32, #tpu.memory_space<vmem_shared>>
      %dma_wait3A_45 = arith.constant 0 : i32
      %dma_wait3A_46 = arith.constant 0 : i32
      %dma_wait3A_47 = tpu.memref_slice %arg8[%dma_wait3A_45, %dma_wait3A_46] : memref<128x128xf32, #tpu.memory_space<vmem>> -> memref<120x128xf32, #tpu.memory_space<vmem>>
      tpu.wait_dma2 semaphore(%run_scoped3A : memref<!tpu.dma_semaphore, #tpu.memory_space<semaphore_mem>>) src(%dma_wait3A_47 : memref<120x128xf32, #tpu.memory_space<vmem>>) dst(%dma_wait3A_44 : memref<120x128xf32, #tpu.memory_space<vmem_shared>>)
      tpu.yield
    }) : () -> ()
    %barrier3A = arith.constant 0 : index
    tpu.barrier barrier_id(%barrier3A)
    %mul3A_14 = arith.constant 9984 : i32
    %mul3A_15 = arith.muli %add3A, %mul3A_14 : i32
    %mul3A_16 = arith.constant 2 : i32
    %mul3A_17 = arith.muli %mul3A_16, %arg0 : i32
    %add3A_18 = arith.constant 2496 : i32
    %add3A_19 = arith.addi %add3A_18, %mul3A_17 : i32
    %add3A_20 = arith.addi %add3A_19, %arg1 : i32
    %mul3A_21 = arith.constant 128 : i32
    %mul3A_22 = arith.muli %add3A_20, %mul3A_21 : i32
    %lt3A = arith.constant 2 : i32
    %lt3A_23 = arith.cmpi slt, %arg1, %lt3A : i32
    %convert_element_type3A = arith.extui %lt3A_23 : i1 to i32
    %cond3A = arith.constant 0 : i32
    %cond3A_24 = arith.cmpi ne, %convert_element_type3A, %cond3A : i32
    scf.if %cond3A_24 {
      %add3A_30 = arith.constant 0 : i32
      %add3A_31 = arith.addi %mul3A_15, %add3A_30 : i32
      %dma_start3A = arith.constant 0 : i32
      %dma_start3A_32 = tpu.memref_slice %arg3[%dma_start3A, %add3A_31] : memref<2x320000xi32, #tpu.memory_space<hbm>> -> memref<2x128xi32, #tpu.memory_space<hbm>>
      %dma_start3A_33 = arith.constant 0 : i32
      %dma_start3A_34 = tpu.memref_slice %arg3[%dma_start3A_33, %add3A_31] : memref<2x320000xi32, #tpu.memory_space<hbm>> -> memref<2x128xi32, #tpu.memory_space<hbm>>
      tpu.enqueue_dma source(%dma_start3A_34 : memref<2x128xi32, #tpu.memory_space<hbm>>) target(%arg5 : memref<2x128xi32, #tpu.memory_space<vmem>>) target_semaphore(%arg12 : memref<!tpu.dma_semaphore, #tpu.memory_space<semaphore_mem>>)
      %add3A_35 = arith.constant 128 : i32
      %add3A_36 = arith.addi %mul3A_15, %add3A_35 : i32
      %dma_start3A_37 = arith.constant 0 : i32
      %dma_start3A_38 = tpu.memref_slice %arg3[%dma_start3A_37, %add3A_36] : memref<2x320000xi32, #tpu.memory_space<hbm>> -> memref<2x128xi32, #tpu.memory_space<hbm>>
      %dma_start3A_39 = arith.constant 0 : i32
      %dma_start3A_40 = tpu.memref_slice %arg3[%dma_start3A_39, %add3A_36] : memref<2x320000xi32, #tpu.memory_space<hbm>> -> memref<2x128xi32, #tpu.memory_space<hbm>>
      tpu.enqueue_dma source(%dma_start3A_40 : memref<2x128xi32, #tpu.memory_space<hbm>>) target(%arg6 : memref<2x128xi32, #tpu.memory_space<vmem>>) target_semaphore(%arg13 : memref<!tpu.dma_semaphore, #tpu.memory_space<semaphore_mem>>)
      %dma_wait3A = arith.constant 0 : i32
      %dma_wait3A_41 = arith.constant 0 : i32
      %dma_wait3A_42 = tpu.memref_slice %arg3[%dma_wait3A, %dma_wait3A_41] : memref<2x320000xi32, #tpu.memory_space<hbm>> -> memref<2x128xi32, #tpu.memory_space<hbm>>
      %dma_wait3A_43 = arith.constant 0 : i32
      %dma_wait3A_44 = arith.constant 0 : i32
      %dma_wait3A_45 = tpu.memref_slice %arg3[%dma_wait3A_43, %dma_wait3A_44] : memref<2x320000xi32, #tpu.memory_space<hbm>> -> memref<2x128xi32, #tpu.memory_space<hbm>>
      tpu.wait_dma2 semaphore(%arg12 : memref<!tpu.dma_semaphore, #tpu.memory_space<semaphore_mem>>) src(%dma_wait3A_45 : memref<2x128xi32, #tpu.memory_space<hbm>>) dst(%arg5 : memref<2x128xi32, #tpu.memory_space<vmem>>)
      %get3A = arith.constant 0 : i32
      %get3A_46 = arith.index_cast %get3A : i32 to index
      %get3A_47 = arith.constant 0 : index
      %get3A_48 = tpu.vector_load %arg5[%get3A_46, %get3A_47] {strides = array<i32>} : memref<2x128xi32, #tpu.memory_space<vmem>>, vector<1x16xi32>,
      %get3A_49 = vector.shape_cast %get3A_48 : vector<1x16xi32> to vector<16xi32>
      %get3A_50 = arith.constant 1 : i32
      %get3A_51 = arith.index_cast %get3A_50 : i32 to index
      %get3A_52 = arith.constant 0 : index
      %get3A_53 = tpu.vector_load %arg5[%get3A_51, %get3A_52] {strides = array<i32>} : memref<2x128xi32, #tpu.memory_space<vmem>>, vector<1x16xi32>,
      %get3A_54 = vector.shape_cast %get3A_53 : vector<1x16xi32> to vector<16xi32>
      %eq3A = arith.cmpi eq, %get3A_49, %get3A_54 : vector<16xi32>
      %broadcast_in_dim3A = arith.constant 10000 : i32
      %broadcast_in_dim3A_55 = vector.broadcast %broadcast_in_dim3A : i32 to vector<16xi32>
      %select_n3A = arith.select %eq3A, %broadcast_in_dim3A_55, %get3A_54 : vector<16xi1>, vector<16xi32>
      %swap3A = arith.constant 1 : i32
      %swap3A_56 = arith.index_cast %swap3A : i32 to index
      %swap3A_57 = arith.constant 0 : index
      %swap3A_58 = tpu.vector_load %arg5[%swap3A_56, %swap3A_57] {strides = array<i32>} : memref<2x128xi32, #tpu.memory_space<vmem>>, vector<1x16xi32>,
      %swap3A_59 = vector.shape_cast %swap3A_58 : vector<1x16xi32> to vector<16xi32>
      %swap3A_60 = vector.shape_cast %select_n3A : vector<16xi32> to vector<1x16xi32>
      tpu.vector_store %arg5[%swap3A_56, %swap3A_57], %swap3A_60 {strides = array<i32>} : memref<2x128xi32, #tpu.memory_space<vmem>>, vector<1x16xi32>,
      %get3A_61 = arith.constant 0 : i32
      %get3A_62 = arith.index_cast %get3A_61 : i32 to index
      %get3A_63 = arith.constant 16 : index
      %get3A_64 = tpu.vector_load %arg5[%get3A_62, %get3A_63] {strides = array<i32>} : memref<2x128xi32, #tpu.memory_space<vmem>>, vector<1x16xi32>,
      %get3A_65 = vector.shape_cast %get3A_64 : vector<1x16xi32> to vector<16xi32>
      %get3A_66 = arith.constant 1 : i32
      %get3A_67 = arith.index_cast %get3A_66 : i32 to index
      %get3A_68 = arith.constant 16 : index
      %get3A_69 = tpu.vector_load %arg5[%get3A_67, %get3A_68] {strides = array<i32>} : memref<2x128xi32, #tpu.memory_space<vmem>>, vector<1x16xi32>,
      %get3A_70 = vector.shape_cast %get3A_69 : vector<1x16xi32> to vector<16xi32>
      %eq3A_71 = arith.cmpi eq, %get3A_65, %get3A_70 : vector<16xi32>
      %broadcast_in_dim3A_72 = arith.constant 10000 : i32
      %broadcast_in_dim3A_73 = vector.broadcast %broadcast_in_dim3A_72 : i32 to vector<16xi32>
      %select_n3A_74 = arith.select %eq3A_71, %broadcast_in_dim3A_73, %get3A_70 : vector<16xi1>, vector<16xi32>
      %swap3A_75 = arith.constant 1 : i32
      %swap3A_76 = arith.index_cast %swap3A_75 : i32 to index
      %swap3A_77 = arith.constant 16 : index
      %swap3A_78 = tpu.vector_load %arg5[%swap3A_76, %swap3A_77] {strides = array<i32>} : memref<2x128xi32, #tpu.memory_space<vmem>>, vector<1x16xi32>,
      %swap3A_79 = vector.shape_cast %swap3A_78 : vector<1x16xi32> to vector<16xi32>
      %swap3A_80 = vector.shape_cast %select_n3A_74 : vector<16xi32> to vector<1x16xi32>
      tpu.vector_store %arg5[%swap3A_76, %swap3A_77], %swap3A_80 {strides = array<i32>} : memref<2x128xi32, #tpu.memory_space<vmem>>, vector<1x16xi32>,
      %get3A_81 = arith.constant 0 : i32
      %get3A_82 = arith.index_cast %get3A_81 : i32 to index
      %get3A_83 = arith.constant 32 : index
      %get3A_84 = tpu.vector_load %arg5[%get3A_82, %get3A_83] {strides = array<i32>} : memref<2x128xi32, #tpu.memory_space<vmem>>, vector<1x16xi32>,
      %get3A_85 = vector.shape_cast %get3A_84 : vector<1x16xi32> to vector<16xi32>
      %get3A_86 = arith.constant 1 : i32
      %get3A_87 = arith.index_cast %get3A_86 : i32 to index
      %get3A_88 = arith.constant 32 : index
      %get3A_89 = tpu.vector_load %arg5[%get3A_87, %get3A_88] {strides = array<i32>} : memref<2x128xi32, #tpu.memory_space<vmem>>, vector<1x16xi32>,
      %get3A_90 = vector.shape_cast %get3A_89 : vector<1x16xi32> to vector<16xi32>
      %eq3A_91 = arith.cmpi eq, %get3A_85, %get3A_90 : vector<16xi32>
      %broadcast_in_dim3A_92 = arith.constant 10000 : i32
      %broadcast_in_dim3A_93 = vector.broadcast %broadcast_in_dim3A_92 : i32 to vector<16xi32>
      %select_n3A_94 = arith.select %eq3A_91, %broadcast_in_dim3A_93, %get3A_90 : vector<16xi1>, vector<16xi32>
      %swap3A_95 = arith.constant 1 : i32
      %swap3A_96 = arith.index_cast %swap3A_95 : i32 to index
      %swap3A_97 = arith.constant 32 : index
      %swap3A_98 = tpu.vector_load %arg5[%swap3A_96, %swap3A_97] {strides = array<i32>} : memref<2x128xi32, #tpu.memory_space<vmem>>, vector<1x16xi32>,
      %swap3A_99 = vector.shape_cast %swap3A_98 : vector<1x16xi32> to vector<16xi32>
      %swap3A_100 = vector.shape_cast %select_n3A_94 : vector<16xi32> to vector<1x16xi32>
      tpu.vector_store %arg5[%swap3A_96, %swap3A_97], %swap3A_100 {strides = array<i32>} : memref<2x128xi32, #tpu.memory_space<vmem>>, vector<1x16xi32>,
      %get3A_101 = arith.constant 0 : i32
      %get3A_102 = arith.index_cast %get3A_101 : i32 to index
      %get3A_103 = arith.constant 48 : index
      %get3A_104 = tpu.vector_load %arg5[%get3A_102, %get3A_103] {strides = array<i32>} : memref<2x128xi32, #tpu.memory_space<vmem>>, vector<1x16xi32>,
      %get3A_105 = vector.shape_cast %get3A_104 : vector<1x16xi32> to vector<16xi32>
      %get3A_106 = arith.constant 1 : i32
      %get3A_107 = arith.index_cast %get3A_106 : i32 to index
      %get3A_108 = arith.constant 48 : index
      %get3A_109 = tpu.vector_load %arg5[%get3A_107, %get3A_108] {strides = array<i32>} : memref<2x128xi32, #tpu.memory_space<vmem>>, vector<1x16xi32>,
      %get3A_110 = vector.shape_cast %get3A_109 : vector<1x16xi32> to vector<16xi32>
      %eq3A_111 = arith.cmpi eq, %get3A_105, %get3A_110 : vector<16xi32>
      %broadcast_in_dim3A_112 = arith.constant 10000 : i32
      %broadcast_in_dim3A_113 = vector.broadcast %broadcast_in_dim3A_112 : i32 to vector<16xi32>
      %select_n3A_114 = arith.select %eq3A_111, %broadcast_in_dim3A_113, %get3A_110 : vector<16xi1>, vector<16xi32>
      %swap3A_115 = arith.constant 1 : i32
      %swap3A_116 = arith.index_cast %swap3A_115 : i32 to index
      %swap3A_117 = arith.constant 48 : index
      %swap3A_118 = tpu.vector_load %arg5[%swap3A_116, %swap3A_117] {strides = array<i32>} : memref<2x128xi32, #tpu.memory_space<vmem>>, vector<1x16xi32>,
      %swap3A_119 = vector.shape_cast %swap3A_118 : vector<1x16xi32> to vector<16xi32>
      %swap3A_120 = vector.shape_cast %select_n3A_114 : vector<16xi32> to vector<1x16xi32>
      tpu.vector_store %arg5[%swap3A_116, %swap3A_117], %swap3A_120 {strides = array<i32>} : memref<2x128xi32, #tpu.memory_space<vmem>>, vector<1x16xi32>,
      %get3A_121 = arith.constant 0 : i32
      %get3A_122 = arith.index_cast %get3A_121 : i32 to index
      %get3A_123 = arith.constant 64 : index
      %get3A_124 = tpu.vector_load %arg5[%get3A_122, %get3A_123] {strides = array<i32>} : memref<2x128xi32, #tpu.memory_space<vmem>>, vector<1x16xi32>,
      %get3A_125 = vector.shape_cast %get3A_124 : vector<1x16xi32> to vector<16xi32>
      %get3A_126 = arith.constant 1 : i32
      %get3A_127 = arith.index_cast %get3A_126 : i32 to index
      %get3A_128 = arith.constant 64 : index
      %get3A_129 = tpu.vector_load %arg5[%get3A_127, %get3A_128] {strides = array<i32>} : memref<2x128xi32, #tpu.memory_space<vmem>>, vector<1x16xi32>,
      %get3A_130 = vector.shape_cast %get3A_129 : vector<1x16xi32> to vector<16xi32>
      %eq3A_131 = arith.cmpi eq, %get3A_125, %get3A_130 : vector<16xi32>
      %broadcast_in_dim3A_132 = arith.constant 10000 : i32
      %broadcast_in_dim3A_133 = vector.broadcast %broadcast_in_dim3A_132 : i32 to vector<16xi32>
      %select_n3A_134 = arith.select %eq3A_131, %broadcast_in_dim3A_133, %get3A_130 : vector<16xi1>, vector<16xi32>
      %swap3A_135 = arith.constant 1 : i32
      %swap3A_136 = arith.index_cast %swap3A_135 : i32 to index
      %swap3A_137 = arith.constant 64 : index
      %swap3A_138 = tpu.vector_load %arg5[%swap3A_136, %swap3A_137] {strides = array<i32>} : memref<2x128xi32, #tpu.memory_space<vmem>>, vector<1x16xi32>,
      %swap3A_139 = vector.shape_cast %swap3A_138 : vector<1x16xi32> to vector<16xi32>
      %swap3A_140 = vector.shape_cast %select_n3A_134 : vector<16xi32> to vector<1x16xi32>
      tpu.vector_store %arg5[%swap3A_136, %swap3A_137], %swap3A_140 {strides = array<i32>} : memref<2x128xi32, #tpu.memory_space<vmem>>, vector<1x16xi32>,
      %get3A_141 = arith.constant 0 : i32
      %get3A_142 = arith.index_cast %get3A_141 : i32 to index
      %get3A_143 = arith.constant 80 : index
      %get3A_144 = tpu.vector_load %arg5[%get3A_142, %get3A_143] {strides = array<i32>} : memref<2x128xi32, #tpu.memory_space<vmem>>, vector<1x16xi32>,
      %get3A_145 = vector.shape_cast %get3A_144 : vector<1x16xi32> to vector<16xi32>
      %get3A_146 = arith.constant 1 : i32
      %get3A_147 = arith.index_cast %get3A_146 : i32 to index
      %get3A_148 = arith.constant 80 : index
      %get3A_149 = tpu.vector_load %arg5[%get3A_147, %get3A_148] {strides = array<i32>} : memref<2x128xi32, #tpu.memory_space<vmem>>, vector<1x16xi32>,
      %get3A_150 = vector.shape_cast %get3A_149 : vector<1x16xi32> to vector<16xi32>
      %eq3A_151 = arith.cmpi eq, %get3A_145, %get3A_150 : vector<16xi32>
      %broadcast_in_dim3A_152 = arith.constant 10000 : i32
      %broadcast_in_dim3A_153 = vector.broadcast %broadcast_in_dim3A_152 : i32 to vector<16xi32>
      %select_n3A_154 = arith.select %eq3A_151, %broadcast_in_dim3A_153, %get3A_150 : vector<16xi1>, vector<16xi32>
      %swap3A_155 = arith.constant 1 : i32
      %swap3A_156 = arith.index_cast %swap3A_155 : i32 to index
      %swap3A_157 = arith.constant 80 : index
      %swap3A_158 = tpu.vector_load %arg5[%swap3A_156, %swap3A_157] {strides = array<i32>} : memref<2x128xi32, #tpu.memory_space<vmem>>, vector<1x16xi32>,
      %swap3A_159 = vector.shape_cast %swap3A_158 : vector<1x16xi32> to vector<16xi32>
      %swap3A_160 = vector.shape_cast %select_n3A_154 : vector<16xi32> to vector<1x16xi32>
      tpu.vector_store %arg5[%swap3A_156, %swap3A_157], %swap3A_160 {strides = array<i32>} : memref<2x128xi32, #tpu.memory_space<vmem>>, vector<1x16xi32>,
      %get3A_161 = arith.constant 0 : i32
      %get3A_162 = arith.index_cast %get3A_161 : i32 to index
      %get3A_163 = arith.constant 96 : index
      %get3A_164 = tpu.vector_load %arg5[%get3A_162, %get3A_163] {strides = array<i32>} : memref<2x128xi32, #tpu.memory_space<vmem>>, vector<1x16xi32>,
      %get3A_165 = vector.shape_cast %get3A_164 : vector<1x16xi32> to vector<16xi32>
      %get3A_166 = arith.constant 1 : i32
      %get3A_167 = arith.index_cast %get3A_166 : i32 to index
      %get3A_168 = arith.constant 96 : index
      %get3A_169 = tpu.vector_load %arg5[%get3A_167, %get3A_168] {strides = array<i32>} : memref<2x128xi32, #tpu.memory_space<vmem>>, vector<1x16xi32>,
      %get3A_170 = vector.shape_cast %get3A_169 : vector<1x16xi32> to vector<16xi32>
      %eq3A_171 = arith.cmpi eq, %get3A_165, %get3A_170 : vector<16xi32>
      %broadcast_in_dim3A_172 = arith.constant 10000 : i32
      %broadcast_in_dim3A_173 = vector.broadcast %broadcast_in_dim3A_172 : i32 to vector<16xi32>
      %select_n3A_174 = arith.select %eq3A_171, %broadcast_in_dim3A_173, %get3A_170 : vector<16xi1>, vector<16xi32>
      %swap3A_175 = arith.constant 1 : i32
      %swap3A_176 = arith.index_cast %swap3A_175 : i32 to index
      %swap3A_177 = arith.constant 96 : index
      %swap3A_178 = tpu.vector_load %arg5[%swap3A_176, %swap3A_177] {strides = array<i32>} : memref<2x128xi32, #tpu.memory_space<vmem>>, vector<1x16xi32>,
      %swap3A_179 = vector.shape_cast %swap3A_178 : vector<1x16xi32> to vector<16xi32>
      %swap3A_180 = vector.shape_cast %select_n3A_174 : vector<16xi32> to vector<1x16xi32>
      tpu.vector_store %arg5[%swap3A_176, %swap3A_177], %swap3A_180 {strides = array<i32>} : memref<2x128xi32, #tpu.memory_space<vmem>>, vector<1x16xi32>,
      %get3A_181 = arith.constant 0 : i32
      %get3A_182 = arith.index_cast %get3A_181 : i32 to index
      %get3A_183 = arith.constant 112 : index
      %get3A_184 = tpu.vector_load %arg5[%get3A_182, %get3A_183] {strides = array<i32>} : memref<2x128xi32, #tpu.memory_space<vmem>>, vector<1x16xi32>,
      %get3A_185 = vector.shape_cast %get3A_184 : vector<1x16xi32> to vector<16xi32>
      %get3A_186 = arith.constant 1 : i32
      %get3A_187 = arith.index_cast %get3A_186 : i32 to index
      %get3A_188 = arith.constant 112 : index
      %get3A_189 = tpu.vector_load %arg5[%get3A_187, %get3A_188] {strides = array<i32>} : memref<2x128xi32, #tpu.memory_space<vmem>>, vector<1x16xi32>,
      %get3A_190 = vector.shape_cast %get3A_189 : vector<1x16xi32> to vector<16xi32>
      %eq3A_191 = arith.cmpi eq, %get3A_185, %get3A_190 : vector<16xi32>
      %broadcast_in_dim3A_192 = arith.constant 10000 : i32
      %broadcast_in_dim3A_193 = vector.broadcast %broadcast_in_dim3A_192 : i32 to vector<16xi32>
      %select_n3A_194 = arith.select %eq3A_191, %broadcast_in_dim3A_193, %get3A_190 : vector<16xi1>, vector<16xi32>
      %swap3A_195 = arith.constant 1 : i32
      %swap3A_196 = arith.index_cast %swap3A_195 : i32 to index
      %swap3A_197 = arith.constant 112 : index
      %swap3A_198 = tpu.vector_load %arg5[%swap3A_196, %swap3A_197] {strides = array<i32>} : memref<2x128xi32, #tpu.memory_space<vmem>>, vector<1x16xi32>,
      %swap3A_199 = vector.shape_cast %swap3A_198 : vector<1x16xi32> to vector<16xi32>
      %swap3A_200 = vector.shape_cast %select_n3A_194 : vector<16xi32> to vector<1x16xi32>
      tpu.vector_store %arg5[%swap3A_196, %swap3A_197], %swap3A_200 {strides = array<i32>} : memref<2x128xi32, #tpu.memory_space<vmem>>, vector<1x16xi32>,
      %dma_start3A_201 = arith.constant 0 : i32
      %dma_start3A_202 = arith.constant 0 : i32
      %dma_start3A_203 = arith.constant 0 : i32
      %dma_start3A_204 = tpu.memref_slice %arg8[%dma_start3A_202, %dma_start3A_203] : memref<128x128xf32, #tpu.memory_space<vmem>> -> memref<64x128xf32, #tpu.memory_space<vmem>>
      %dma_start3A_205 = arith.constant 0 : i32
      %dma_start3A_206 = tpu.memref_slice %arg5[%dma_start3A_201, %dma_start3A_205] : memref<2x128xi32, #tpu.memory_space<vmem>> -> memref<1x64xi32, #tpu.memory_space<vmem>>
      %dma_start3A_207 = tpu.memref_squeeze %dma_start3A_206 : memref<1x64xi32, #tpu.memory_space<vmem>> -> memref<64xi32, #tpu.memory_space<vmem>>
      %dma_start3A_208 = arith.constant 0 : i32
      %dma_start3A_209 = arith.constant 0 : i32
      %dma_start3A_210 = tpu.memref_slice %arg2[%dma_start3A_208, %dma_start3A_209] : memref<10000x128xf32, #tpu.memory_space<hbm>> -> memref<10000x128xf32, #tpu.memory_space<hbm>>
      tpu.enqueue_indirect_dma source(%dma_start3A_210 : memref<10000x128xf32, #tpu.memory_space<hbm>>) target(%dma_start3A_204 : memref<64x128xf32, #tpu.memory_space<vmem>>) offsets(%dma_start3A_207 : memref<64xi32, #tpu.memory_space<vmem>>) semaphore(%arg15 : memref<!tpu.dma_semaphore, #tpu.memory_space<semaphore_mem>>)
      %dma_start3A_211 = arith.constant 0 : i32
      %dma_start3A_212 = arith.constant 64 : i32
      %dma_start3A_213 = arith.constant 0 : i32
      %dma_start3A_214 = tpu.memref_slice %arg8[%dma_start3A_212, %dma_start3A_213] : memref<128x128xf32, #tpu.memory_space<vmem>> -> memref<64x128xf32, #tpu.memory_space<vmem>>
      %dma_start3A_215 = arith.constant 64 : i32
      %dma_start3A_216 = tpu.memref_slice %arg5[%dma_start3A_211, %dma_start3A_215] : memref<2x128xi32, #tpu.memory_space<vmem>> -> memref<1x64xi32, #tpu.memory_space<vmem>>
      %dma_start3A_217 = tpu.memref_squeeze %dma_start3A_216 : memref<1x64xi32, #tpu.memory_space<vmem>> -> memref<64xi32, #tpu.memory_space<vmem>>
      %dma_start3A_218 = arith.constant 0 : i32
      %dma_start3A_219 = arith.constant 0 : i32
      %dma_start3A_220 = tpu.memref_slice %arg2[%dma_start3A_218, %dma_start3A_219] : memref<10000x128xf32, #tpu.memory_space<hbm>> -> memref<10000x128xf32, #tpu.memory_space<hbm>>
      tpu.enqueue_indirect_dma source(%dma_start3A_220 : memref<10000x128xf32, #tpu.memory_space<hbm>>) target(%dma_start3A_214 : memref<64x128xf32, #tpu.memory_space<vmem>>) offsets(%dma_start3A_217 : memref<64xi32, #tpu.memory_space<vmem>>) semaphore(%arg15 : memref<!tpu.dma_semaphore, #tpu.memory_space<semaphore_mem>>)
      %dma_wait3A_221 = arith.constant 0 : i32
      %dma_wait3A_222 = arith.constant 0 : i32
      %dma_wait3A_223 = tpu.memref_slice %arg3[%dma_wait3A_221, %dma_wait3A_222] : memref<2x320000xi32, #tpu.memory_space<hbm>> -> memref<2x128xi32, #tpu.memory_space<hbm>>
      %dma_wait3A_224 = arith.constant 0 : i32
      %dma_wait3A_225 = arith.constant 0 : i32
      %dma_wait3A_226 = tpu.memref_slice %arg3[%dma_wait3A_224, %dma_wait3A_225] : memref<2x320000xi32, #tpu.memory_space<hbm>> -> memref<2x128xi32, #tpu.memory_space<hbm>>
      tpu.wait_dma2 semaphore(%arg13 : memref<!tpu.dma_semaphore, #tpu.memory_space<semaphore_mem>>) src(%dma_wait3A_226 : memref<2x128xi32, #tpu.memory_space<hbm>>) dst(%arg6 : memref<2x128xi32, #tpu.memory_space<vmem>>)
      %get3A_227 = arith.constant 0 : i32
      %get3A_228 = arith.index_cast %get3A_227 : i32 to index
      %get3A_229 = arith.constant 0 : index
      %get3A_230 = tpu.vector_load %arg6[%get3A_228, %get3A_229] {strides = array<i32>} : memref<2x128xi32, #tpu.memory_space<vmem>>, vector<1x16xi32>,
      %get3A_231 = vector.shape_cast %get3A_230 : vector<1x16xi32> to vector<16xi32>
      %get3A_232 = arith.constant 1 : i32
      %get3A_233 = arith.index_cast %get3A_232 : i32 to index
      %get3A_234 = arith.constant 0 : index
      %get3A_235 = tpu.vector_load %arg6[%get3A_233, %get3A_234] {strides = array<i32>} : memref<2x128xi32, #tpu.memory_space<vmem>>, vector<1x16xi32>,
      %get3A_236 = vector.shape_cast %get3A_235 : vector<1x16xi32> to vector<16xi32>
      %eq3A_237 = arith.cmpi eq, %get3A_231, %get3A_236 : vector<16xi32>
      %broadcast_in_dim3A_238 = arith.constant 10000 : i32
      %broadcast_in_dim3A_239 = vector.broadcast %broadcast_in_dim3A_238 : i32 to vector<16xi32>
      %select_n3A_240 = arith.select %eq3A_237, %broadcast_in_dim3A_239, %get3A_236 : vector<16xi1>, vector<16xi32>
      %swap3A_241 = arith.constant 1 : i32
      %swap3A_242 = arith.index_cast %swap3A_241 : i32 to index
      %swap3A_243 = arith.constant 0 : index
      %swap3A_244 = tpu.vector_load %arg6[%swap3A_242, %swap3A_243] {strides = array<i32>} : memref<2x128xi32, #tpu.memory_space<vmem>>, vector<1x16xi32>,
      %swap3A_245 = vector.shape_cast %swap3A_244 : vector<1x16xi32> to vector<16xi32>
      %swap3A_246 = vector.shape_cast %select_n3A_240 : vector<16xi32> to vector<1x16xi32>
      tpu.vector_store %arg6[%swap3A_242, %swap3A_243], %swap3A_246 {strides = array<i32>} : memref<2x128xi32, #tpu.memory_space<vmem>>, vector<1x16xi32>,
      %get3A_247 = arith.constant 0 : i32
      %get3A_248 = arith.index_cast %get3A_247 : i32 to index
      %get3A_249 = arith.constant 16 : index
      %get3A_250 = tpu.vector_load %arg6[%get3A_248, %get3A_249] {strides = array<i32>} : memref<2x128xi32, #tpu.memory_space<vmem>>, vector<1x16xi32>,
      %get3A_251 = vector.shape_cast %get3A_250 : vector<1x16xi32> to vector<16xi32>
      %get3A_252 = arith.constant 1 : i32
      %get3A_253 = arith.index_cast %get3A_252 : i32 to index
      %get3A_254 = arith.constant 16 : index
      %get3A_255 = tpu.vector_load %arg6[%get3A_253, %get3A_254] {strides = array<i32>} : memref<2x128xi32, #tpu.memory_space<vmem>>, vector<1x16xi32>,
      %get3A_256 = vector.shape_cast %get3A_255 : vector<1x16xi32> to vector<16xi32>
      %eq3A_257 = arith.cmpi eq, %get3A_251, %get3A_256 : vector<16xi32>
      %broadcast_in_dim3A_258 = arith.constant 10000 : i32
      %broadcast_in_dim3A_259 = vector.broadcast %broadcast_in_dim3A_258 : i32 to vector<16xi32>
      %select_n3A_260 = arith.select %eq3A_257, %broadcast_in_dim3A_259, %get3A_256 : vector<16xi1>, vector<16xi32>
      %swap3A_261 = arith.constant 1 : i32
      %swap3A_262 = arith.index_cast %swap3A_261 : i32 to index
      %swap3A_263 = arith.constant 16 : index
      %swap3A_264 = tpu.vector_load %arg6[%swap3A_262, %swap3A_263] {strides = array<i32>} : memref<2x128xi32, #tpu.memory_space<vmem>>, vector<1x16xi32>,
      %swap3A_265 = vector.shape_cast %swap3A_264 : vector<1x16xi32> to vector<16xi32>
      %swap3A_266 = vector.shape_cast %select_n3A_260 : vector<16xi32> to vector<1x16xi32>
      tpu.vector_store %arg6[%swap3A_262, %swap3A_263], %swap3A_266 {strides = array<i32>} : memref<2x128xi32, #tpu.memory_space<vmem>>, vector<1x16xi32>,
      %get3A_267 = arith.constant 0 : i32
      %get3A_268 = arith.index_cast %get3A_267 : i32 to index
      %get3A_269 = arith.constant 32 : index
      %get3A_270 = tpu.vector_load %arg6[%get3A_268, %get3A_269] {strides = array<i32>} : memref<2x128xi32, #tpu.memory_space<vmem>>, vector<1x16xi32>,
      %get3A_271 = vector.shape_cast %get3A_270 : vector<1x16xi32> to vector<16xi32>
      %get3A_272 = arith.constant 1 : i32
      %get3A_273 = arith.index_cast %get3A_272 : i32 to index
      %get3A_274 = arith.constant 32 : index
      %get3A_275 = tpu.vector_load %arg6[%get3A_273, %get3A_274] {strides = array<i32>} : memref<2x128xi32, #tpu.memory_space<vmem>>, vector<1x16xi32>,
      %get3A_276 = vector.shape_cast %get3A_275 : vector<1x16xi32> to vector<16xi32>
      %eq3A_277 = arith.cmpi eq, %get3A_271, %get3A_276 : vector<16xi32>
      %broadcast_in_dim3A_278 = arith.constant 10000 : i32
      %broadcast_in_dim3A_279 = vector.broadcast %broadcast_in_dim3A_278 : i32 to vector<16xi32>
      %select_n3A_280 = arith.select %eq3A_277, %broadcast_in_dim3A_279, %get3A_276 : vector<16xi1>, vector<16xi32>
      %swap3A_281 = arith.constant 1 : i32
      %swap3A_282 = arith.index_cast %swap3A_281 : i32 to index
      %swap3A_283 = arith.constant 32 : index
      %swap3A_284 = tpu.vector_load %arg6[%swap3A_282, %swap3A_283] {strides = array<i32>} : memref<2x128xi32, #tpu.memory_space<vmem>>, vector<1x16xi32>,
      %swap3A_285 = vector.shape_cast %swap3A_284 : vector<1x16xi32> to vector<16xi32>
      %swap3A_286 = vector.shape_cast %select_n3A_280 : vector<16xi32> to vector<1x16xi32>
      tpu.vector_store %arg6[%swap3A_282, %swap3A_283], %swap3A_286 {strides = array<i32>} : memref<2x128xi32, #tpu.memory_space<vmem>>, vector<1x16xi32>,
      %get3A_287 = arith.constant 0 : i32
      %get3A_288 = arith.index_cast %get3A_287 : i32 to index
      %get3A_289 = arith.constant 48 : index
      %get3A_290 = tpu.vector_load %arg6[%get3A_288, %get3A_289] {strides = array<i32>} : memref<2x128xi32, #tpu.memory_space<vmem>>, vector<1x16xi32>,
      %get3A_291 = vector.shape_cast %get3A_290 : vector<1x16xi32> to vector<16xi32>
      %get3A_292 = arith.constant 1 : i32
      %get3A_293 = arith.index_cast %get3A_292 : i32 to index
      %get3A_294 = arith.constant 48 : index
      %get3A_295 = tpu.vector_load %arg6[%get3A_293, %get3A_294] {strides = array<i32>} : memref<2x128xi32, #tpu.memory_space<vmem>>, vector<1x16xi32>,
      %get3A_296 = vector.shape_cast %get3A_295 : vector<1x16xi32> to vector<16xi32>
      %eq3A_297 = arith.cmpi eq, %get3A_291, %get3A_296 : vector<16xi32>
      %broadcast_in_dim3A_298 = arith.constant 10000 : i32
      %broadcast_in_dim3A_299 = vector.broadcast %broadcast_in_dim3A_298 : i32 to vector<16xi32>
      %select_n3A_300 = arith.select %eq3A_297, %broadcast_in_dim3A_299, %get3A_296 : vector<16xi1>, vector<16xi32>
      %swap3A_301 = arith.constant 1 : i32
      %swap3A_302 = arith.index_cast %swap3A_301 : i32 to index
      %swap3A_303 = arith.constant 48 : index
      %swap3A_304 = tpu.vector_load %arg6[%swap3A_302, %swap3A_303] {strides = array<i32>} : memref<2x128xi32, #tpu.memory_space<vmem>>, vector<1x16xi32>,
      %swap3A_305 = vector.shape_cast %swap3A_304 : vector<1x16xi32> to vector<16xi32>
      %swap3A_306 = vector.shape_cast %select_n3A_300 : vector<16xi32> to vector<1x16xi32>
      tpu.vector_store %arg6[%swap3A_302, %swap3A_303], %swap3A_306 {strides = array<i32>} : memref<2x128xi32, #tpu.memory_space<vmem>>, vector<1x16xi32>,
      %get3A_307 = arith.constant 0 : i32
      %get3A_308 = arith.index_cast %get3A_307 : i32 to index
      %get3A_309 = arith.constant 64 : index
      %get3A_310 = tpu.vector_load %arg6[%get3A_308, %get3A_309] {strides = array<i32>} : memref<2x128xi32, #tpu.memory_space<vmem>>, vector<1x16xi32>,
      %get3A_311 = vector.shape_cast %get3A_310 : vector<1x16xi32> to vector<16xi32>
      %get3A_312 = arith.constant 1 : i32
      %get3A_313 = arith.index_cast %get3A_312 : i32 to index
      %get3A_314 = arith.constant 64 : index
      %get3A_315 = tpu.vector_load %arg6[%get3A_313, %get3A_314] {strides = array<i32>} : memref<2x128xi32, #tpu.memory_space<vmem>>, vector<1x16xi32>,
      %get3A_316 = vector.shape_cast %get3A_315 : vector<1x16xi32> to vector<16xi32>
      %eq3A_317 = arith.cmpi eq, %get3A_311, %get3A_316 : vector<16xi32>
      %broadcast_in_dim3A_318 = arith.constant 10000 : i32
      %broadcast_in_dim3A_319 = vector.broadcast %broadcast_in_dim3A_318 : i32 to vector<16xi32>
      %select_n3A_320 = arith.select %eq3A_317, %broadcast_in_dim3A_319, %get3A_316 : vector<16xi1>, vector<16xi32>
      %swap3A_321 = arith.constant 1 : i32
      %swap3A_322 = arith.index_cast %swap3A_321 : i32 to index
      %swap3A_323 = arith.constant 64 : index
      %swap3A_324 = tpu.vector_load %arg6[%swap3A_322, %swap3A_323] {strides = array<i32>} : memref<2x128xi32, #tpu.memory_space<vmem>>, vector<1x16xi32>,
      %swap3A_325 = vector.shape_cast %swap3A_324 : vector<1x16xi32> to vector<16xi32>
      %swap3A_326 = vector.shape_cast %select_n3A_320 : vector<16xi32> to vector<1x16xi32>
      tpu.vector_store %arg6[%swap3A_322, %swap3A_323], %swap3A_326 {strides = array<i32>} : memref<2x128xi32, #tpu.memory_space<vmem>>, vector<1x16xi32>,
      %get3A_327 = arith.constant 0 : i32
      %get3A_328 = arith.index_cast %get3A_327 : i32 to index
      %get3A_329 = arith.constant 80 : index
      %get3A_330 = tpu.vector_load %arg6[%get3A_328, %get3A_329] {strides = array<i32>} : memref<2x128xi32, #tpu.memory_space<vmem>>, vector<1x16xi32>,
      %get3A_331 = vector.shape_cast %get3A_330 : vector<1x16xi32> to vector<16xi32>
      %get3A_332 = arith.constant 1 : i32
      %get3A_333 = arith.index_cast %get3A_332 : i32 to index
      %get3A_334 = arith.constant 80 : index
      %get3A_335 = tpu.vector_load %arg6[%get3A_333, %get3A_334] {strides = array<i32>} : memref<2x128xi32, #tpu.memory_space<vmem>>, vector<1x16xi32>,
      %get3A_336 = vector.shape_cast %get3A_335 : vector<1x16xi32> to vector<16xi32>
      %eq3A_337 = arith.cmpi eq, %get3A_331, %get3A_336 : vector<16xi32>
      %broadcast_in_dim3A_338 = arith.constant 10000 : i32
      %broadcast_in_dim3A_339 = vector.broadcast %broadcast_in_dim3A_338 : i32 to vector<16xi32>
      %select_n3A_340 = arith.select %eq3A_337, %broadcast_in_dim3A_339, %get3A_336 : vector<16xi1>, vector<16xi32>
      %swap3A_341 = arith.constant 1 : i32
      %swap3A_342 = arith.index_cast %swap3A_341 : i32 to index
      %swap3A_343 = arith.constant 80 : index
      %swap3A_344 = tpu.vector_load %arg6[%swap3A_342, %swap3A_343] {strides = array<i32>} : memref<2x128xi32, #tpu.memory_space<vmem>>, vector<1x16xi32>,
      %swap3A_345 = vector.shape_cast %swap3A_344 : vector<1x16xi32> to vector<16xi32>
      %swap3A_346 = vector.shape_cast %select_n3A_340 : vector<16xi32> to vector<1x16xi32>
      tpu.vector_store %arg6[%swap3A_342, %swap3A_343], %swap3A_346 {strides = array<i32>} : memref<2x128xi32, #tpu.memory_space<vmem>>, vector<1x16xi32>,
      %get3A_347 = arith.constant 0 : i32
      %get3A_348 = arith.index_cast %get3A_347 : i32 to index
      %get3A_349 = arith.constant 96 : index
      %get3A_350 = tpu.vector_load %arg6[%get3A_348, %get3A_349] {strides = array<i32>} : memref<2x128xi32, #tpu.memory_space<vmem>>, vector<1x16xi32>,
      %get3A_351 = vector.shape_cast %get3A_350 : vector<1x16xi32> to vector<16xi32>
      %get3A_352 = arith.constant 1 : i32
      %get3A_353 = arith.index_cast %get3A_352 : i32 to index
      %get3A_354 = arith.constant 96 : index
      %get3A_355 = tpu.vector_load %arg6[%get3A_353, %get3A_354] {strides = array<i32>} : memref<2x128xi32, #tpu.memory_space<vmem>>, vector<1x16xi32>,
      %get3A_356 = vector.shape_cast %get3A_355 : vector<1x16xi32> to vector<16xi32>
      %eq3A_357 = arith.cmpi eq, %get3A_351, %get3A_356 : vector<16xi32>
      %broadcast_in_dim3A_358 = arith.constant 10000 : i32
      %broadcast_in_dim3A_359 = vector.broadcast %broadcast_in_dim3A_358 : i32 to vector<16xi32>
      %select_n3A_360 = arith.select %eq3A_357, %broadcast_in_dim3A_359, %get3A_356 : vector<16xi1>, vector<16xi32>
      %swap3A_361 = arith.constant 1 : i32
      %swap3A_362 = arith.index_cast %swap3A_361 : i32 to index
      %swap3A_363 = arith.constant 96 : index
      %swap3A_364 = tpu.vector_load %arg6[%swap3A_362, %swap3A_363] {strides = array<i32>} : memref<2x128xi32, #tpu.memory_space<vmem>>, vector<1x16xi32>,
      %swap3A_365 = vector.shape_cast %swap3A_364 : vector<1x16xi32> to vector<16xi32>
      %swap3A_366 = vector.shape_cast %select_n3A_360 : vector<16xi32> to vector<1x16xi32>
      tpu.vector_store %arg6[%swap3A_362, %swap3A_363], %swap3A_366 {strides = array<i32>} : memref<2x128xi32, #tpu.memory_space<vmem>>, vector<1x16xi32>,
      %get3A_367 = arith.constant 0 : i32
      %get3A_368 = arith.index_cast %get3A_367 : i32 to index
      %get3A_369 = arith.constant 112 : index
      %get3A_370 = tpu.vector_load %arg6[%get3A_368, %get3A_369] {strides = array<i32>} : memref<2x128xi32, #tpu.memory_space<vmem>>, vector<1x16xi32>,
      %get3A_371 = vector.shape_cast %get3A_370 : vector<1x16xi32> to vector<16xi32>
      %get3A_372 = arith.constant 1 : i32
      %get3A_373 = arith.index_cast %get3A_372 : i32 to index
      %get3A_374 = arith.constant 112 : index
      %get3A_375 = tpu.vector_load %arg6[%get3A_373, %get3A_374] {strides = array<i32>} : memref<2x128xi32, #tpu.memory_space<vmem>>, vector<1x16xi32>,
      %get3A_376 = vector.shape_cast %get3A_375 : vector<1x16xi32> to vector<16xi32>
      %eq3A_377 = arith.cmpi eq, %get3A_371, %get3A_376 : vector<16xi32>
      %broadcast_in_dim3A_378 = arith.constant 10000 : i32
      %broadcast_in_dim3A_379 = vector.broadcast %broadcast_in_dim3A_378 : i32 to vector<16xi32>
      %select_n3A_380 = arith.select %eq3A_377, %broadcast_in_dim3A_379, %get3A_376 : vector<16xi1>, vector<16xi32>
      %swap3A_381 = arith.constant 1 : i32
      %swap3A_382 = arith.index_cast %swap3A_381 : i32 to index
      %swap3A_383 = arith.constant 112 : index
      %swap3A_384 = tpu.vector_load %arg6[%swap3A_382, %swap3A_383] {strides = array<i32>} : memref<2x128xi32, #tpu.memory_space<vmem>>, vector<1x16xi32>,
      %swap3A_385 = vector.shape_cast %swap3A_384 : vector<1x16xi32> to vector<16xi32>
      %swap3A_386 = vector.shape_cast %select_n3A_380 : vector<16xi32> to vector<1x16xi32>
      tpu.vector_store %arg6[%swap3A_382, %swap3A_383], %swap3A_386 {strides = array<i32>} : memref<2x128xi32, #tpu.memory_space<vmem>>, vector<1x16xi32>,
      %dma_start3A_387 = arith.constant 0 : i32
      %dma_start3A_388 = arith.constant 0 : i32
      %dma_start3A_389 = arith.constant 0 : i32
      %dma_start3A_390 = tpu.memref_slice %arg9[%dma_start3A_388, %dma_start3A_389] : memref<128x128xf32, #tpu.memory_space<vmem>> -> memref<64x128xf32, #tpu.memory_space<vmem>>
      %dma_start3A_391 = arith.constant 0 : i32
      %dma_start3A_392 = tpu.memref_slice %arg6[%dma_start3A_387, %dma_start3A_391] : memref<2x128xi32, #tpu.memory_space<vmem>> -> memref<1x64xi32, #tpu.memory_space<vmem>>
      %dma_start3A_393 = tpu.memref_squeeze %dma_start3A_392 : memref<1x64xi32, #tpu.memory_space<vmem>> -> memref<64xi32, #tpu.memory_space<vmem>>
      %dma_start3A_394 = arith.constant 0 : i32
      %dma_start3A_395 = arith.constant 0 : i32
      %dma_start3A_396 = tpu.memref_slice %arg2[%dma_start3A_394, %dma_start3A_395] : memref<10000x128xf32, #tpu.memory_space<hbm>> -> memref<10000x128xf32, #tpu.memory_space<hbm>>
      tpu.enqueue_indirect_dma source(%dma_start3A_396 : memref<10000x128xf32, #tpu.memory_space<hbm>>) target(%dma_start3A_390 : memref<64x128xf32, #tpu.memory_space<vmem>>) offsets(%dma_start3A_393 : memref<64xi32, #tpu.memory_space<vmem>>) semaphore(%arg16 : memref<!tpu.dma_semaphore, #tpu.memory_space<semaphore_mem>>)
      %dma_start3A_397 = arith.constant 0 : i32
      %dma_start3A_398 = arith.constant 64 : i32
      %dma_start3A_399 = arith.constant 0 : i32
      %dma_start3A_400 = tpu.memref_slice %arg9[%dma_start3A_398, %dma_start3A_399] : memref<128x128xf32, #tpu.memory_space<vmem>> -> memref<64x128xf32, #tpu.memory_space<vmem>>
      %dma_start3A_401 = arith.constant 64 : i32
      %dma_start3A_402 = tpu.memref_slice %arg6[%dma_start3A_397, %dma_start3A_401] : memref<2x128xi32, #tpu.memory_space<vmem>> -> memref<1x64xi32, #tpu.memory_space<vmem>>
      %dma_start3A_403 = tpu.memref_squeeze %dma_start3A_402 : memref<1x64xi32, #tpu.memory_space<vmem>> -> memref<64xi32, #tpu.memory_space<vmem>>
      %dma_start3A_404 = arith.constant 0 : i32
      %dma_start3A_405 = arith.constant 0 : i32
      %dma_start3A_406 = tpu.memref_slice %arg2[%dma_start3A_404, %dma_start3A_405] : memref<10000x128xf32, #tpu.memory_space<hbm>> -> memref<10000x128xf32, #tpu.memory_space<hbm>>
      tpu.enqueue_indirect_dma source(%dma_start3A_406 : memref<10000x128xf32, #tpu.memory_space<hbm>>) target(%dma_start3A_400 : memref<64x128xf32, #tpu.memory_space<vmem>>) offsets(%dma_start3A_403 : memref<64xi32, #tpu.memory_space<vmem>>) semaphore(%arg16 : memref<!tpu.dma_semaphore, #tpu.memory_space<semaphore_mem>>)
      %dma_wait3A_407 = arith.constant 0 : i32
      %dma_wait3A_408 = arith.constant 0 : i32
      %dma_wait3A_409 = arith.constant 0 : i32
      %dma_wait3A_410 = tpu.memref_slice %arg8[%dma_wait3A_408, %dma_wait3A_409] : memref<128x128xf32, #tpu.memory_space<vmem>> -> memref<64x128xf32, #tpu.memory_space<vmem>>
      %dma_wait3A_411 = arith.constant 0 : i32
      %dma_wait3A_412 = tpu.memref_slice %arg5[%dma_wait3A_407, %dma_wait3A_411] : memref<2x128xi32, #tpu.memory_space<vmem>> -> memref<1x64xi32, #tpu.memory_space<vmem>>
      %dma_wait3A_413 = tpu.memref_squeeze %dma_wait3A_412 : memref<1x64xi32, #tpu.memory_space<vmem>> -> memref<64xi32, #tpu.memory_space<vmem>>
      %dma_wait3A_414 = arith.constant 0 : i32
      %dma_wait3A_415 = arith.constant 0 : i32
      %dma_wait3A_416 = tpu.memref_slice %arg2[%dma_wait3A_414, %dma_wait3A_415] : memref<10000x128xf32, #tpu.memory_space<hbm>> -> memref<10000x128xf32, #tpu.memory_space<hbm>>
      tpu.wait_indirect_dma semaphore(%arg15 : memref<!tpu.dma_semaphore, #tpu.memory_space<semaphore_mem>>) src(%dma_wait3A_416 : memref<10000x128xf32, #tpu.memory_space<hbm>>) dst(%dma_wait3A_410 : memref<64x128xf32, #tpu.memory_space<vmem>>)
      %dma_wait3A_417 = arith.constant 0 : i32
      %dma_wait3A_418 = arith.constant 64 : i32
      %dma_wait3A_419 = arith.constant 0 : i32
      %dma_wait3A_420 = tpu.memref_slice %arg8[%dma_wait3A_418, %dma_wait3A_419] : memref<128x128xf32, #tpu.memory_space<vmem>> -> memref<64x128xf32, #tpu.memory_space<vmem>>
      %dma_wait3A_421 = arith.constant 64 : i32
      %dma_wait3A_422 = tpu.memref_slice %arg5[%dma_wait3A_417, %dma_wait3A_421] : memref<2x128xi32, #tpu.memory_space<vmem>> -> memref<1x64xi32, #tpu.memory_space<vmem>>
      %dma_wait3A_423 = tpu.memref_squeeze %dma_wait3A_422 : memref<1x64xi32, #tpu.memory_space<vmem>> -> memref<64xi32, #tpu.memory_space<vmem>>
      %dma_wait3A_424 = arith.constant 0 : i32
      %dma_wait3A_425 = arith.constant 0 : i32
      %dma_wait3A_426 = tpu.memref_slice %arg2[%dma_wait3A_424, %dma_wait3A_425] : memref<10000x128xf32, #tpu.memory_space<hbm>> -> memref<10000x128xf32, #tpu.memory_space<hbm>>
      tpu.wait_indirect_dma semaphore(%arg15 : memref<!tpu.dma_semaphore, #tpu.memory_space<semaphore_mem>>) src(%dma_wait3A_426 : memref<10000x128xf32, #tpu.memory_space<hbm>>) dst(%dma_wait3A_420 : memref<64x128xf32, #tpu.memory_space<vmem>>)
      %dma_start3A_427 = arith.constant 1 : i32
      %dma_start3A_428 = arith.constant 0 : i32
      %dma_start3A_429 = tpu.memref_slice %arg5[%dma_start3A_427, %dma_start3A_428] : memref<2x128xi32, #tpu.memory_space<vmem>> -> memref<1x128xi32, #tpu.memory_space<vmem>>
      %dma_start3A_430 = tpu.memref_squeeze %dma_start3A_429 : memref<1x128xi32, #tpu.memory_space<vmem>> -> memref<128xi32, #tpu.memory_space<vmem>>
      %dma_start3A_431 = arith.constant 0 : i32
      %dma_start3A_432 = arith.constant 0 : i32
      %dma_start3A_433 = tpu.memref_slice %arg11[%dma_start3A_431, %dma_start3A_432] : memref<10112x128xf32, #tpu.memory_space<vmem_shared>> -> memref<10112x128xf32, #tpu.memory_space<vmem_shared>>
      tpu.enqueue_indirect_dma source(%arg8 : memref<128x128xf32, #tpu.memory_space<vmem>>) target(%dma_start3A_433 : memref<10112x128xf32, #tpu.memory_space<vmem_shared>>) offsets(%dma_start3A_430 : memref<128xi32, #tpu.memory_space<vmem>>) semaphore(%arg18 : memref<!tpu.dma_semaphore, #tpu.memory_space<semaphore_mem>>) {add = true}
      %add3A_434 = arith.constant 256 : i32
      %add3A_435 = arith.addi %mul3A_15, %add3A_434 : i32
      %dma_start3A_436 = arith.constant 0 : i32
      %dma_start3A_437 = tpu.memref_slice %arg3[%dma_start3A_436, %add3A_435] : memref<2x320000xi32, #tpu.memory_space<hbm>> -> memref<2x128xi32, #tpu.memory_space<hbm>>
      %dma_start3A_438 = arith.constant 0 : i32
      %dma_start3A_439 = tpu.memref_slice %arg3[%dma_start3A_438, %add3A_435] : memref<2x320000xi32, #tpu.memory_space<hbm>> -> memref<2x128xi32, #tpu.memory_space<hbm>>
      tpu.enqueue_dma source(%dma_start3A_439 : memref<2x128xi32, #tpu.memory_space<hbm>>) target(%arg7 : memref<2x128xi32, #tpu.memory_space<vmem>>) target_semaphore(%arg14 : memref<!tpu.dma_semaphore, #tpu.memory_space<semaphore_mem>>)
      %dma_wait3A_440 = arith.constant 0 : i32
      %dma_wait3A_441 = arith.constant 0 : i32
      %dma_wait3A_442 = tpu.memref_slice %arg3[%dma_wait3A_440, %dma_wait3A_441] : memref<2x320000xi32, #tpu.memory_space<hbm>> -> memref<2x128xi32, #tpu.memory_space<hbm>>
      %dma_wait3A_443 = arith.constant 0 : i32
      %dma_wait3A_444 = arith.constant 0 : i32
      %dma_wait3A_445 = tpu.memref_slice %arg3[%dma_wait3A_443, %dma_wait3A_444] : memref<2x320000xi32, #tpu.memory_space<hbm>> -> memref<2x128xi32, #tpu.memory_space<hbm>>
      tpu.wait_dma2 semaphore(%arg14 : memref<!tpu.dma_semaphore, #tpu.memory_space<semaphore_mem>>) src(%dma_wait3A_445 : memref<2x128xi32, #tpu.memory_space<hbm>>) dst(%arg7 : memref<2x128xi32, #tpu.memory_space<vmem>>)
      %get3A_446 = arith.constant 0 : i32
      %get3A_447 = arith.index_cast %get3A_446 : i32 to index
      %get3A_448 = arith.constant 0 : index
      %get3A_449 = tpu.vector_load %arg7[%get3A_447, %get3A_448] {strides = array<i32>} : memref<2x128xi32, #tpu.memory_space<vmem>>, vector<1x16xi32>,
      %get3A_450 = vector.shape_cast %get3A_449 : vector<1x16xi32> to vector<16xi32>
      %get3A_451 = arith.constant 1 : i32
      %get3A_452 = arith.index_cast %get3A_451 : i32 to index
      %get3A_453 = arith.constant 0 : index
      %get3A_454 = tpu.vector_load %arg7[%get3A_452, %get3A_453] {strides = array<i32>} : memref<2x128xi32, #tpu.memory_space<vmem>>, vector<1x16xi32>,
      %get3A_455 = vector.shape_cast %get3A_454 : vector<1x16xi32> to vector<16xi32>
      %eq3A_456 = arith.cmpi eq, %get3A_450, %get3A_455 : vector<16xi32>
      %broadcast_in_dim3A_457 = arith.constant 10000 : i32
      %broadcast_in_dim3A_458 = vector.broadcast %broadcast_in_dim3A_457 : i32 to vector<16xi32>
      %select_n3A_459 = arith.select %eq3A_456, %broadcast_in_dim3A_458, %get3A_455 : vector<16xi1>, vector<16xi32>
      %swap3A_460 = arith.constant 1 : i32
      %swap3A_461 = arith.index_cast %swap3A_460 : i32 to index
      %swap3A_462 = arith.constant 0 : index
      %swap3A_463 = tpu.vector_load %arg7[%swap3A_461, %swap3A_462] {strides = array<i32>} : memref<2x128xi32, #tpu.memory_space<vmem>>, vector<1x16xi32>,
      %swap3A_464 = vector.shape_cast %swap3A_463 : vector<1x16xi32> to vector<16xi32>
      %swap3A_465 = vector.shape_cast %select_n3A_459 : vector<16xi32> to vector<1x16xi32>
      tpu.vector_store %arg7[%swap3A_461, %swap3A_462], %swap3A_465 {strides = array<i32>} : memref<2x128xi32, #tpu.memory_space<vmem>>, vector<1x16xi32>,
      %get3A_466 = arith.constant 0 : i32
      %get3A_467 = arith.index_cast %get3A_466 : i32 to index
      %get3A_468 = arith.constant 16 : index
      %get3A_469 = tpu.vector_load %arg7[%get3A_467, %get3A_468] {strides = array<i32>} : memref<2x128xi32, #tpu.memory_space<vmem>>, vector<1x16xi32>,
      %get3A_470 = vector.shape_cast %get3A_469 : vector<1x16xi32> to vector<16xi32>
      %get3A_471 = arith.constant 1 : i32
      %get3A_472 = arith.index_cast %get3A_471 : i32 to index
      %get3A_473 = arith.constant 16 : index
      %get3A_474 = tpu.vector_load %arg7[%get3A_472, %get3A_473] {strides = array<i32>} : memref<2x128xi32, #tpu.memory_space<vmem>>, vector<1x16xi32>,
      %get3A_475 = vector.shape_cast %get3A_474 : vector<1x16xi32> to vector<16xi32>
      %eq3A_476 = arith.cmpi eq, %get3A_470, %get3A_475 : vector<16xi32>
      %broadcast_in_dim3A_477 = arith.constant 10000 : i32
      %broadcast_in_dim3A_478 = vector.broadcast %broadcast_in_dim3A_477 : i32 to vector<16xi32>
      %select_n3A_479 = arith.select %eq3A_476, %broadcast_in_dim3A_478, %get3A_475 : vector<16xi1>, vector<16xi32>
      %swap3A_480 = arith.constant 1 : i32
      %swap3A_481 = arith.index_cast %swap3A_480 : i32 to index
      %swap3A_482 = arith.constant 16 : index
      %swap3A_483 = tpu.vector_load %arg7[%swap3A_481, %swap3A_482] {strides = array<i32>} : memref<2x128xi32, #tpu.memory_space<vmem>>, vector<1x16xi32>,
      %swap3A_484 = vector.shape_cast %swap3A_483 : vector<1x16xi32> to vector<16xi32>
      %swap3A_485 = vector.shape_cast %select_n3A_479 : vector<16xi32> to vector<1x16xi32>
      tpu.vector_store %arg7[%swap3A_481, %swap3A_482], %swap3A_485 {strides = array<i32>} : memref<2x128xi32, #tpu.memory_space<vmem>>, vector<1x16xi32>,
      %get3A_486 = arith.constant 0 : i32
      %get3A_487 = arith.index_cast %get3A_486 : i32 to index
      %get3A_488 = arith.constant 32 : index
      %get3A_489 = tpu.vector_load %arg7[%get3A_487, %get3A_488] {strides = array<i32>} : memref<2x128xi32, #tpu.memory_space<vmem>>, vector<1x16xi32>,
      %get3A_490 = vector.shape_cast %get3A_489 : vector<1x16xi32> to vector<16xi32>
      %get3A_491 = arith.constant 1 : i32
      %get3A_492 = arith.index_cast %get3A_491 : i32 to index
      %get3A_493 = arith.constant 32 : index
      %get3A_494 = tpu.vector_load %arg7[%get3A_492, %get3A_493] {strides = array<i32>} : memref<2x128xi32, #tpu.memory_space<vmem>>, vector<1x16xi32>,
      %get3A_495 = vector.shape_cast %get3A_494 : vector<1x16xi32> to vector<16xi32>
      %eq3A_496 = arith.cmpi eq, %get3A_490, %get3A_495 : vector<16xi32>
      %broadcast_in_dim3A_497 = arith.constant 10000 : i32
      %broadcast_in_dim3A_498 = vector.broadcast %broadcast_in_dim3A_497 : i32 to vector<16xi32>
      %select_n3A_499 = arith.select %eq3A_496, %broadcast_in_dim3A_498, %get3A_495 : vector<16xi1>, vector<16xi32>
      %swap3A_500 = arith.constant 1 : i32
      %swap3A_501 = arith.index_cast %swap3A_500 : i32 to index
      %swap3A_502 = arith.constant 32 : index
      %swap3A_503 = tpu.vector_load %arg7[%swap3A_501, %swap3A_502] {strides = array<i32>} : memref<2x128xi32, #tpu.memory_space<vmem>>, vector<1x16xi32>,
      %swap3A_504 = vector.shape_cast %swap3A_503 : vector<1x16xi32> to vector<16xi32>
      %swap3A_505 = vector.shape_cast %select_n3A_499 : vector<16xi32> to vector<1x16xi32>
      tpu.vector_store %arg7[%swap3A_501, %swap3A_502], %swap3A_505 {strides = array<i32>} : memref<2x128xi32, #tpu.memory_space<vmem>>, vector<1x16xi32>,
      %get3A_506 = arith.constant 0 : i32
      %get3A_507 = arith.index_cast %get3A_506 : i32 to index
      %get3A_508 = arith.constant 48 : index
      %get3A_509 = tpu.vector_load %arg7[%get3A_507, %get3A_508] {strides = array<i32>} : memref<2x128xi32, #tpu.memory_space<vmem>>, vector<1x16xi32>,
      %get3A_510 = vector.shape_cast %get3A_509 : vector<1x16xi32> to vector<16xi32>
      %get3A_511 = arith.constant 1 : i32
      %get3A_512 = arith.index_cast %get3A_511 : i32 to index
      %get3A_513 = arith.constant 48 : index
      %get3A_514 = tpu.vector_load %arg7[%get3A_512, %get3A_513] {strides = array<i32>} : memref<2x128xi32, #tpu.memory_space<vmem>>, vector<1x16xi32>,
      %get3A_515 = vector.shape_cast %get3A_514 : vector<1x16xi32> to vector<16xi32>
      %eq3A_516 = arith.cmpi eq, %get3A_510, %get3A_515 : vector<16xi32>
      %broadcast_in_dim3A_517 = arith.constant 10000 : i32
      %broadcast_in_dim3A_518 = vector.broadcast %broadcast_in_dim3A_517 : i32 to vector<16xi32>
      %select_n3A_519 = arith.select %eq3A_516, %broadcast_in_dim3A_518, %get3A_515 : vector<16xi1>, vector<16xi32>
      %swap3A_520 = arith.constant 1 : i32
      %swap3A_521 = arith.index_cast %swap3A_520 : i32 to index
      %swap3A_522 = arith.constant 48 : index
      %swap3A_523 = tpu.vector_load %arg7[%swap3A_521, %swap3A_522] {strides = array<i32>} : memref<2x128xi32, #tpu.memory_space<vmem>>, vector<1x16xi32>,
      %swap3A_524 = vector.shape_cast %swap3A_523 : vector<1x16xi32> to vector<16xi32>
      %swap3A_525 = vector.shape_cast %select_n3A_519 : vector<16xi32> to vector<1x16xi32>
      tpu.vector_store %arg7[%swap3A_521, %swap3A_522], %swap3A_525 {strides = array<i32>} : memref<2x128xi32, #tpu.memory_space<vmem>>, vector<1x16xi32>,
      %get3A_526 = arith.constant 0 : i32
      %get3A_527 = arith.index_cast %get3A_526 : i32 to index
      %get3A_528 = arith.constant 64 : index
      %get3A_529 = tpu.vector_load %arg7[%get3A_527, %get3A_528] {strides = array<i32>} : memref<2x128xi32, #tpu.memory_space<vmem>>, vector<1x16xi32>,
      %get3A_530 = vector.shape_cast %get3A_529 : vector<1x16xi32> to vector<16xi32>
      %get3A_531 = arith.constant 1 : i32
      %get3A_532 = arith.index_cast %get3A_531 : i32 to index
      %get3A_533 = arith.constant 64 : index
      %get3A_534 = tpu.vector_load %arg7[%get3A_532, %get3A_533] {strides = array<i32>} : memref<2x128xi32, #tpu.memory_space<vmem>>, vector<1x16xi32>,
      %get3A_535 = vector.shape_cast %get3A_534 : vector<1x16xi32> to vector<16xi32>
      %eq3A_536 = arith.cmpi eq, %get3A_530, %get3A_535 : vector<16xi32>
      %broadcast_in_dim3A_537 = arith.constant 10000 : i32
      %broadcast_in_dim3A_538 = vector.broadcast %broadcast_in_dim3A_537 : i32 to vector<16xi32>
      %select_n3A_539 = arith.select %eq3A_536, %broadcast_in_dim3A_538, %get3A_535 : vector<16xi1>, vector<16xi32>
      %swap3A_540 = arith.constant 1 : i32
      %swap3A_541 = arith.index_cast %swap3A_540 : i32 to index
      %swap3A_542 = arith.constant 64 : index
      %swap3A_543 = tpu.vector_load %arg7[%swap3A_541, %swap3A_542] {strides = array<i32>} : memref<2x128xi32, #tpu.memory_space<vmem>>, vector<1x16xi32>,
      %swap3A_544 = vector.shape_cast %swap3A_543 : vector<1x16xi32> to vector<16xi32>
      %swap3A_545 = vector.shape_cast %select_n3A_539 : vector<16xi32> to vector<1x16xi32>
      tpu.vector_store %arg7[%swap3A_541, %swap3A_542], %swap3A_545 {strides = array<i32>} : memref<2x128xi32, #tpu.memory_space<vmem>>, vector<1x16xi32>,
      %get3A_546 = arith.constant 0 : i32
      %get3A_547 = arith.index_cast %get3A_546 : i32 to index
      %get3A_548 = arith.constant 80 : index
      %get3A_549 = tpu.vector_load %arg7[%get3A_547, %get3A_548] {strides = array<i32>} : memref<2x128xi32, #tpu.memory_space<vmem>>, vector<1x16xi32>,
      %get3A_550 = vector.shape_cast %get3A_549 : vector<1x16xi32> to vector<16xi32>
      %get3A_551 = arith.constant 1 : i32
      %get3A_552 = arith.index_cast %get3A_551 : i32 to index
      %get3A_553 = arith.constant 80 : index
      %get3A_554 = tpu.vector_load %arg7[%get3A_552, %get3A_553] {strides = array<i32>} : memref<2x128xi32, #tpu.memory_space<vmem>>, vector<1x16xi32>,
      %get3A_555 = vector.shape_cast %get3A_554 : vector<1x16xi32> to vector<16xi32>
      %eq3A_556 = arith.cmpi eq, %get3A_550, %get3A_555 : vector<16xi32>
      %broadcast_in_dim3A_557 = arith.constant 10000 : i32
      %broadcast_in_dim3A_558 = vector.broadcast %broadcast_in_dim3A_557 : i32 to vector<16xi32>
      %select_n3A_559 = arith.select %eq3A_556, %broadcast_in_dim3A_558, %get3A_555 : vector<16xi1>, vector<16xi32>
      %swap3A_560 = arith.constant 1 : i32
      %swap3A_561 = arith.index_cast %swap3A_560 : i32 to index
      %swap3A_562 = arith.constant 80 : index
      %swap3A_563 = tpu.vector_load %arg7[%swap3A_561, %swap3A_562] {strides = array<i32>} : memref<2x128xi32, #tpu.memory_space<vmem>>, vector<1x16xi32>,
      %swap3A_564 = vector.shape_cast %swap3A_563 : vector<1x16xi32> to vector<16xi32>
      %swap3A_565 = vector.shape_cast %select_n3A_559 : vector<16xi32> to vector<1x16xi32>
      tpu.vector_store %arg7[%swap3A_561, %swap3A_562], %swap3A_565 {strides = array<i32>} : memref<2x128xi32, #tpu.memory_space<vmem>>, vector<1x16xi32>,
      %get3A_566 = arith.constant 0 : i32
      %get3A_567 = arith.index_cast %get3A_566 : i32 to index
      %get3A_568 = arith.constant 96 : index
      %get3A_569 = tpu.vector_load %arg7[%get3A_567, %get3A_568] {strides = array<i32>} : memref<2x128xi32, #tpu.memory_space<vmem>>, vector<1x16xi32>,
      %get3A_570 = vector.shape_cast %get3A_569 : vector<1x16xi32> to vector<16xi32>
      %get3A_571 = arith.constant 1 : i32
      %get3A_572 = arith.index_cast %get3A_571 : i32 to index
      %get3A_573 = arith.constant 96 : index
      %get3A_574 = tpu.vector_load %arg7[%get3A_572, %get3A_573] {strides = array<i32>} : memref<2x128xi32, #tpu.memory_space<vmem>>, vector<1x16xi32>,
      %get3A_575 = vector.shape_cast %get3A_574 : vector<1x16xi32> to vector<16xi32>
      %eq3A_576 = arith.cmpi eq, %get3A_570, %get3A_575 : vector<16xi32>
      %broadcast_in_dim3A_577 = arith.constant 10000 : i32
      %broadcast_in_dim3A_578 = vector.broadcast %broadcast_in_dim3A_577 : i32 to vector<16xi32>
      %select_n3A_579 = arith.select %eq3A_576, %broadcast_in_dim3A_578, %get3A_575 : vector<16xi1>, vector<16xi32>
      %swap3A_580 = arith.constant 1 : i32
      %swap3A_581 = arith.index_cast %swap3A_580 : i32 to index
      %swap3A_582 = arith.constant 96 : index
      %swap3A_583 = tpu.vector_load %arg7[%swap3A_581, %swap3A_582] {strides = array<i32>} : memref<2x128xi32, #tpu.memory_space<vmem>>, vector<1x16xi32>,
      %swap3A_584 = vector.shape_cast %swap3A_583 : vector<1x16xi32> to vector<16xi32>
      %swap3A_585 = vector.shape_cast %select_n3A_579 : vector<16xi32> to vector<1x16xi32>
      tpu.vector_store %arg7[%swap3A_581, %swap3A_582], %swap3A_585 {strides = array<i32>} : memref<2x128xi32, #tpu.memory_space<vmem>>, vector<1x16xi32>,
      %get3A_586 = arith.constant 0 : i32
      %get3A_587 = arith.index_cast %get3A_586 : i32 to index
      %get3A_588 = arith.constant 112 : index
      %get3A_589 = tpu.vector_load %arg7[%get3A_587, %get3A_588] {strides = array<i32>} : memref<2x128xi32, #tpu.memory_space<vmem>>, vector<1x16xi32>,
      %get3A_590 = vector.shape_cast %get3A_589 : vector<1x16xi32> to vector<16xi32>
      %get3A_591 = arith.constant 1 : i32
      %get3A_592 = arith.index_cast %get3A_591 : i32 to index
      %get3A_593 = arith.constant 112 : index
      %get3A_594 = tpu.vector_load %arg7[%get3A_592, %get3A_593] {strides = array<i32>} : memref<2x128xi32, #tpu.memory_space<vmem>>, vector<1x16xi32>,
      %get3A_595 = vector.shape_cast %get3A_594 : vector<1x16xi32> to vector<16xi32>
      %eq3A_596 = arith.cmpi eq, %get3A_590, %get3A_595 : vector<16xi32>
      %broadcast_in_dim3A_597 = arith.constant 10000 : i32
      %broadcast_in_dim3A_598 = vector.broadcast %broadcast_in_dim3A_597 : i32 to vector<16xi32>
      %select_n3A_599 = arith.select %eq3A_596, %broadcast_in_dim3A_598, %get3A_595 : vector<16xi1>, vector<16xi32>
      %swap3A_600 = arith.constant 1 : i32
      %swap3A_601 = arith.index_cast %swap3A_600 : i32 to index
      %swap3A_602 = arith.constant 112 : index
      %swap3A_603 = tpu.vector_load %arg7[%swap3A_601, %swap3A_602] {strides = array<i32>} : memref<2x128xi32, #tpu.memory_space<vmem>>, vector<1x16xi32>,
      %swap3A_604 = vector.shape_cast %swap3A_603 : vector<1x16xi32> to vector<16xi32>
      %swap3A_605 = vector.shape_cast %select_n3A_599 : vector<16xi32> to vector<1x16xi32>
      tpu.vector_store %arg7[%swap3A_601, %swap3A_602], %swap3A_605 {strides = array<i32>} : memref<2x128xi32, #tpu.memory_space<vmem>>, vector<1x16xi32>,
      %dma_start3A_606 = arith.constant 0 : i32
      %dma_start3A_607 = arith.constant 0 : i32
      %dma_start3A_608 = arith.constant 0 : i32
      %dma_start3A_609 = tpu.memref_slice %arg10[%dma_start3A_607, %dma_start3A_608] : memref<128x128xf32, #tpu.memory_space<vmem>> -> memref<64x128xf32, #tpu.memory_space<vmem>>
      %dma_start3A_610 = arith.constant 0 : i32
      %dma_start3A_611 = tpu.memref_slice %arg7[%dma_start3A_606, %dma_start3A_610] : memref<2x128xi32, #tpu.memory_space<vmem>> -> memref<1x64xi32, #tpu.memory_space<vmem>>
      %dma_start3A_612 = tpu.memref_squeeze %dma_start3A_611 : memref<1x64xi32, #tpu.memory_space<vmem>> -> memref<64xi32, #tpu.memory_space<vmem>>
      %dma_start3A_613 = arith.constant 0 : i32
      %dma_start3A_614 = arith.constant 0 : i32
      %dma_start3A_615 = tpu.memref_slice %arg2[%dma_start3A_613, %dma_start3A_614] : memref<10000x128xf32, #tpu.memory_space<hbm>> -> memref<10000x128xf32, #tpu.memory_space<hbm>>
      tpu.enqueue_indirect_dma source(%dma_start3A_615 : memref<10000x128xf32, #tpu.memory_space<hbm>>) target(%dma_start3A_609 : memref<64x128xf32, #tpu.memory_space<vmem>>) offsets(%dma_start3A_612 : memref<64xi32, #tpu.memory_space<vmem>>) semaphore(%arg17 : memref<!tpu.dma_semaphore, #tpu.memory_space<semaphore_mem>>)
      %dma_start3A_616 = arith.constant 0 : i32
      %dma_start3A_617 = arith.constant 64 : i32
      %dma_start3A_618 = arith.constant 0 : i32
      %dma_start3A_619 = tpu.memref_slice %arg10[%dma_start3A_617, %dma_start3A_618] : memref<128x128xf32, #tpu.memory_space<vmem>> -> memref<64x128xf32, #tpu.memory_space<vmem>>
      %dma_start3A_620 = arith.constant 64 : i32
      %dma_start3A_621 = tpu.memref_slice %arg7[%dma_start3A_616, %dma_start3A_620] : memref<2x128xi32, #tpu.memory_space<vmem>> -> memref<1x64xi32, #tpu.memory_space<vmem>>
      %dma_start3A_622 = tpu.memref_squeeze %dma_start3A_621 : memref<1x64xi32, #tpu.memory_space<vmem>> -> memref<64xi32, #tpu.memory_space<vmem>>
      %dma_start3A_623 = arith.constant 0 : i32
      %dma_start3A_624 = arith.constant 0 : i32
      %dma_start3A_625 = tpu.memref_slice %arg2[%dma_start3A_623, %dma_start3A_624] : memref<10000x128xf32, #tpu.memory_space<hbm>> -> memref<10000x128xf32, #tpu.memory_space<hbm>>
      tpu.enqueue_indirect_dma source(%dma_start3A_625 : memref<10000x128xf32, #tpu.memory_space<hbm>>) target(%dma_start3A_619 : memref<64x128xf32, #tpu.memory_space<vmem>>) offsets(%dma_start3A_622 : memref<64xi32, #tpu.memory_space<vmem>>) semaphore(%arg17 : memref<!tpu.dma_semaphore, #tpu.memory_space<semaphore_mem>>)
      %dma_wait3A_626 = arith.constant 0 : i32
      %dma_wait3A_627 = arith.constant 0 : i32
      %dma_wait3A_628 = arith.constant 0 : i32
      %dma_wait3A_629 = tpu.memref_slice %arg9[%dma_wait3A_627, %dma_wait3A_628] : memref<128x128xf32, #tpu.memory_space<vmem>> -> memref<64x128xf32, #tpu.memory_space<vmem>>
      %dma_wait3A_630 = arith.constant 0 : i32
      %dma_wait3A_631 = tpu.memref_slice %arg6[%dma_wait3A_626, %dma_wait3A_630] : memref<2x128xi32, #tpu.memory_space<vmem>> -> memref<1x64xi32, #tpu.memory_space<vmem>>
      %dma_wait3A_632 = tpu.memref_squeeze %dma_wait3A_631 : memref<1x64xi32, #tpu.memory_space<vmem>> -> memref<64xi32, #tpu.memory_space<vmem>>
      %dma_wait3A_633 = arith.constant 0 : i32
      %dma_wait3A_634 = arith.constant 0 : i32
      %dma_wait3A_635 = tpu.memref_slice %arg2[%dma_wait3A_633, %dma_wait3A_634] : memref<10000x128xf32, #tpu.memory_space<hbm>> -> memref<10000x128xf32, #tpu.memory_space<hbm>>
      tpu.wait_indirect_dma semaphore(%arg16 : memref<!tpu.dma_semaphore, #tpu.memory_space<semaphore_mem>>) src(%dma_wait3A_635 : memref<10000x128xf32, #tpu.memory_space<hbm>>) dst(%dma_wait3A_629 : memref<64x128xf32, #tpu.memory_space<vmem>>)
      %dma_wait3A_636 = arith.constant 0 : i32
      %dma_wait3A_637 = arith.constant 64 : i32
      %dma_wait3A_638 = arith.constant 0 : i32
      %dma_wait3A_639 = tpu.memref_slice %arg9[%dma_wait3A_637, %dma_wait3A_638] : memref<128x128xf32, #tpu.memory_space<vmem>> -> memref<64x128xf32, #tpu.memory_space<vmem>>
      %dma_wait3A_640 = arith.constant 64 : i32
      %dma_wait3A_641 = tpu.memref_slice %arg6[%dma_wait3A_636, %dma_wait3A_640] : memref<2x128xi32, #tpu.memory_space<vmem>> -> memref<1x64xi32, #tpu.memory_space<vmem>>
      %dma_wait3A_642 = tpu.memref_squeeze %dma_wait3A_641 : memref<1x64xi32, #tpu.memory_space<vmem>> -> memref<64xi32, #tpu.memory_space<vmem>>
      %dma_wait3A_643 = arith.constant 0 : i32
      %dma_wait3A_644 = arith.constant 0 : i32
      %dma_wait3A_645 = tpu.memref_slice %arg2[%dma_wait3A_643, %dma_wait3A_644] : memref<10000x128xf32, #tpu.memory_space<hbm>> -> memref<10000x128xf32, #tpu.memory_space<hbm>>
      tpu.wait_indirect_dma semaphore(%arg16 : memref<!tpu.dma_semaphore, #tpu.memory_space<semaphore_mem>>) src(%dma_wait3A_645 : memref<10000x128xf32, #tpu.memory_space<hbm>>) dst(%dma_wait3A_639 : memref<64x128xf32, #tpu.memory_space<vmem>>)
      %dma_start3A_646 = arith.constant 1 : i32
      %dma_start3A_647 = arith.constant 0 : i32
      %dma_start3A_648 = tpu.memref_slice %arg6[%dma_start3A_646, %dma_start3A_647] : memref<2x128xi32, #tpu.memory_space<vmem>> -> memref<1x128xi32, #tpu.memory_space<vmem>>
      %dma_start3A_649 = tpu.memref_squeeze %dma_start3A_648 : memref<1x128xi32, #tpu.memory_space<vmem>> -> memref<128xi32, #tpu.memory_space<vmem>>
      %dma_start3A_650 = arith.constant 0 : i32
      %dma_start3A_651 = arith.constant 0 : i32
      %dma_start3A_652 = tpu.memref_slice %arg11[%dma_start3A_650, %dma_start3A_651] : memref<10112x128xf32, #tpu.memory_space<vmem_shared>> -> memref<10112x128xf32, #tpu.memory_space<vmem_shared>>
      tpu.enqueue_indirect_dma source(%arg9 : memref<128x128xf32, #tpu.memory_space<vmem>>) target(%dma_start3A_652 : memref<10112x128xf32, #tpu.memory_space<vmem_shared>>) offsets(%dma_start3A_649 : memref<128xi32, #tpu.memory_space<vmem>>) semaphore(%arg19 : memref<!tpu.dma_semaphore, #tpu.memory_space<semaphore_mem>>) {add = true}
      %dma_wait3A_653 = arith.constant 1 : i32
      %dma_wait3A_654 = arith.constant 0 : i32
      %dma_wait3A_655 = tpu.memref_slice %arg5[%dma_wait3A_653, %dma_wait3A_654] : memref<2x128xi32, #tpu.memory_space<vmem>> -> memref<1x128xi32, #tpu.memory_space<vmem>>
      %dma_wait3A_656 = tpu.memref_squeeze %dma_wait3A_655 : memref<1x128xi32, #tpu.memory_space<vmem>> -> memref<128xi32, #tpu.memory_space<vmem>>
      %dma_wait3A_657 = arith.constant 0 : i32
      %dma_wait3A_658 = arith.constant 0 : i32
      %dma_wait3A_659 = tpu.memref_slice %arg11[%dma_wait3A_657, %dma_wait3A_658] : memref<10112x128xf32, #tpu.memory_space<vmem_shared>> -> memref<10112x128xf32, #tpu.memory_space<vmem_shared>>
      tpu.wait_indirect_dma semaphore(%arg18 : memref<!tpu.dma_semaphore, #tpu.memory_space<semaphore_mem>>) src(%arg8 : memref<128x128xf32, #tpu.memory_space<vmem>>) dst(%dma_wait3A_659 : memref<10112x128xf32, #tpu.memory_space<vmem_shared>>)
      %add3A_660 = arith.constant 384 : i32
      %add3A_661 = arith.addi %mul3A_15, %add3A_660 : i32
      %dma_start3A_662 = arith.constant 0 : i32
      %dma_start3A_663 = tpu.memref_slice %arg3[%dma_start3A_662, %add3A_661] : memref<2x320000xi32, #tpu.memory_space<hbm>> -> memref<2x128xi32, #tpu.memory_space<hbm>>
      %dma_start3A_664 = arith.constant 0 : i32
      %dma_start3A_665 = tpu.memref_slice %arg3[%dma_start3A_664, %add3A_661] : memref<2x320000xi32, #tpu.memory_space<hbm>> -> memref<2x128xi32, #tpu.memory_space<hbm>>
      tpu.enqueue_dma source(%dma_start3A_665 : memref<2x128xi32, #tpu.memory_space<hbm>>) target(%arg5 : memref<2x128xi32, #tpu.memory_space<vmem>>) target_semaphore(%arg12 : memref<!tpu.dma_semaphore, #tpu.memory_space<semaphore_mem>>)
      %dma_wait3A_666 = arith.constant 0 : i32
      %dma_wait3A_667 = arith.constant 0 : i32
      %dma_wait3A_668 = tpu.memref_slice %arg3[%dma_wait3A_666, %dma_wait3A_667] : memref<2x320000xi32, #tpu.memory_space<hbm>> -> memref<2x128xi32, #tpu.memory_space<hbm>>
      %dma_wait3A_669 = arith.constant 0 : i32
      %dma_wait3A_670 = arith.constant 0 : i32
      %dma_wait3A_671 = tpu.memref_slice %arg3[%dma_wait3A_669, %dma_wait3A_670] : memref<2x320000xi32, #tpu.memory_space<hbm>> -> memref<2x128xi32, #tpu.memory_space<hbm>>
      tpu.wait_dma2 semaphore(%arg12 : memref<!tpu.dma_semaphore, #tpu.memory_space<semaphore_mem>>) src(%dma_wait3A_671 : memref<2x128xi32, #tpu.memory_space<hbm>>) dst(%arg5 : memref<2x128xi32, #tpu.memory_space<vmem>>)
      %get3A_672 = arith.constant 0 : i32
      %get3A_673 = arith.index_cast %get3A_672 : i32 to index
      %get3A_674 = arith.constant 0 : index
      %get3A_675 = tpu.vector_load %arg5[%get3A_673, %get3A_674] {strides = array<i32>} : memref<2x128xi32, #tpu.memory_space<vmem>>, vector<1x16xi32>,
      %get3A_676 = vector.shape_cast %get3A_675 : vector<1x16xi32> to vector<16xi32>
      %get3A_677 = arith.constant 1 : i32
      %get3A_678 = arith.index_cast %get3A_677 : i32 to index
      %get3A_679 = arith.constant 0 : index
      %get3A_680 = tpu.vector_load %arg5[%get3A_678, %get3A_679] {strides = array<i32>} : memref<2x128xi32, #tpu.memory_space<vmem>>, vector<1x16xi32>,
      %get3A_681 = vector.shape_cast %get3A_680 : vector<1x16xi32> to vector<16xi32>
      %eq3A_682 = arith.cmpi eq, %get3A_676, %get3A_681 : vector<16xi32>
      %broadcast_in_dim3A_683 = arith.constant 10000 : i32
      %broadcast_in_dim3A_684 = vector.broadcast %broadcast_in_dim3A_683 : i32 to vector<16xi32>
      %select_n3A_685 = arith.select %eq3A_682, %broadcast_in_dim3A_684, %get3A_681 : vector<16xi1>, vector<16xi32>
      %swap3A_686 = arith.constant 1 : i32
      %swap3A_687 = arith.index_cast %swap3A_686 : i32 to index
      %swap3A_688 = arith.constant 0 : index
      %swap3A_689 = tpu.vector_load %arg5[%swap3A_687, %swap3A_688] {strides = array<i32>} : memref<2x128xi32, #tpu.memory_space<vmem>>, vector<1x16xi32>,
      %swap3A_690 = vector.shape_cast %swap3A_689 : vector<1x16xi32> to vector<16xi32>
      %swap3A_691 = vector.shape_cast %select_n3A_685 : vector<16xi32> to vector<1x16xi32>
      tpu.vector_store %arg5[%swap3A_687, %swap3A_688], %swap3A_691 {strides = array<i32>} : memref<2x128xi32, #tpu.memory_space<vmem>>, vector<1x16xi32>,
      %get3A_692 = arith.constant 0 : i32
      %get3A_693 = arith.index_cast %get3A_692 : i32 to index
      %get3A_694 = arith.constant 16 : index
      %get3A_695 = tpu.vector_load %arg5[%get3A_693, %get3A_694] {strides = array<i32>} : memref<2x128xi32, #tpu.memory_space<vmem>>, vector<1x16xi32>,
      %get3A_696 = vector.shape_cast %get3A_695 : vector<1x16xi32> to vector<16xi32>
      %get3A_697 = arith.constant 1 : i32
      %get3A_698 = arith.index_cast %get3A_697 : i32 to index
      %get3A_699 = arith.constant 16 : index
      %get3A_700 = tpu.vector_load %arg5[%get3A_698, %get3A_699] {strides = array<i32>} : memref<2x128xi32, #tpu.memory_space<vmem>>, vector<1x16xi32>,
      %get3A_701 = vector.shape_cast %get3A_700 : vector<1x16xi32> to vector<16xi32>
      %eq3A_702 = arith.cmpi eq, %get3A_696, %get3A_701 : vector<16xi32>
      %broadcast_in_dim3A_703 = arith.constant 10000 : i32
      %broadcast_in_dim3A_704 = vector.broadcast %broadcast_in_dim3A_703 : i32 to vector<16xi32>
      %select_n3A_705 = arith.select %eq3A_702, %broadcast_in_dim3A_704, %get3A_701 : vector<16xi1>, vector<16xi32>
      %swap3A_706 = arith.constant 1 : i32
      %swap3A_707 = arith.index_cast %swap3A_706 : i32 to index
      %swap3A_708 = arith.constant 16 : index
      %swap3A_709 = tpu.vector_load %arg5[%swap3A_707, %swap3A_708] {strides = array<i32>} : memref<2x128xi32, #tpu.memory_space<vmem>>, vector<1x16xi32>,
      %swap3A_710 = vector.shape_cast %swap3A_709 : vector<1x16xi32> to vector<16xi32>
      %swap3A_711 = vector.shape_cast %select_n3A_705 : vector<16xi32> to vector<1x16xi32>
      tpu.vector_store %arg5[%swap3A_707, %swap3A_708], %swap3A_711 {strides = array<i32>} : memref<2x128xi32, #tpu.memory_space<vmem>>, vector<1x16xi32>,
      %get3A_712 = arith.constant 0 : i32
      %get3A_713 = arith.index_cast %get3A_712 : i32 to index
      %get3A_714 = arith.constant 32 : index
      %get3A_715 = tpu.vector_load %arg5[%get3A_713, %get3A_714] {strides = array<i32>} : memref<2x128xi32, #tpu.memory_space<vmem>>, vector<1x16xi32>,
      %get3A_716 = vector.shape_cast %get3A_715 : vector<1x16xi32> to vector<16xi32>
      %get3A_717 = arith.constant 1 : i32
      %get3A_718 = arith.index_cast %get3A_717 : i32 to index
      %get3A_719 = arith.constant 32 : index
      %get3A_720 = tpu.vector_load %arg5[%get3A_718, %get3A_719] {strides = array<i32>} : memref<2x128xi32, #tpu.memory_space<vmem>>, vector<1x16xi32>,
      %get3A_721 = vector.shape_cast %get3A_720 : vector<1x16xi32> to vector<16xi32>
      %eq3A_722 = arith.cmpi eq, %get3A_716, %get3A_721 : vector<16xi32>
      %broadcast_in_dim3A_723 = arith.constant 10000 : i32
      %broadcast_in_dim3A_724 = vector.broadcast %broadcast_in_dim3A_723 : i32 to vector<16xi32>
      %select_n3A_725 = arith.select %eq3A_722, %broadcast_in_dim3A_724, %get3A_721 : vector<16xi1>, vector<16xi32>
      %swap3A_726 = arith.constant 1 : i32
      %swap3A_727 = arith.index_cast %swap3A_726 : i32 to index
      %swap3A_728 = arith.constant 32 : index
      %swap3A_729 = tpu.vector_load %arg5[%swap3A_727, %swap3A_728] {strides = array<i32>} : memref<2x128xi32, #tpu.memory_space<vmem>>, vector<1x16xi32>,
      %swap3A_730 = vector.shape_cast %swap3A_729 : vector<1x16xi32> to vector<16xi32>
      %swap3A_731 = vector.shape_cast %select_n3A_725 : vector<16xi32> to vector<1x16xi32>
      tpu.vector_store %arg5[%swap3A_727, %swap3A_728], %swap3A_731 {strides = array<i32>} : memref<2x128xi32, #tpu.memory_space<vmem>>, vector<1x16xi32>,
      %get3A_732 = arith.constant 0 : i32
      %get3A_733 = arith.index_cast %get3A_732 : i32 to index
      %get3A_734 = arith.constant 48 : index
      %get3A_735 = tpu.vector_load %arg5[%get3A_733, %get3A_734] {strides = array<i32>} : memref<2x128xi32, #tpu.memory_space<vmem>>, vector<1x16xi32>,
      %get3A_736 = vector.shape_cast %get3A_735 : vector<1x16xi32> to vector<16xi32>
      %get3A_737 = arith.constant 1 : i32
      %get3A_738 = arith.index_cast %get3A_737 : i32 to index
      %get3A_739 = arith.constant 48 : index
      %get3A_740 = tpu.vector_load %arg5[%get3A_738, %get3A_739] {strides = array<i32>} : memref<2x128xi32, #tpu.memory_space<vmem>>, vector<1x16xi32>,
      %get3A_741 = vector.shape_cast %get3A_740 : vector<1x16xi32> to vector<16xi32>
      %eq3A_742 = arith.cmpi eq, %get3A_736, %get3A_741 : vector<16xi32>
      %broadcast_in_dim3A_743 = arith.constant 10000 : i32
      %broadcast_in_dim3A_744 = vector.broadcast %broadcast_in_dim3A_743 : i32 to vector<16xi32>
      %select_n3A_745 = arith.select %eq3A_742, %broadcast_in_dim3A_744, %get3A_741 : vector<16xi1>, vector<16xi32>
      %swap3A_746 = arith.constant 1 : i32
      %swap3A_747 = arith.index_cast %swap3A_746 : i32 to index
      %swap3A_748 = arith.constant 48 : index
      %swap3A_749 = tpu.vector_load %arg5[%swap3A_747, %swap3A_748] {strides = array<i32>} : memref<2x128xi32, #tpu.memory_space<vmem>>, vector<1x16xi32>,
      %swap3A_750 = vector.shape_cast %swap3A_749 : vector<1x16xi32> to vector<16xi32>
      %swap3A_751 = vector.shape_cast %select_n3A_745 : vector<16xi32> to vector<1x16xi32>
      tpu.vector_store %arg5[%swap3A_747, %swap3A_748], %swap3A_751 {strides = array<i32>} : memref<2x128xi32, #tpu.memory_space<vmem>>, vector<1x16xi32>,
      %get3A_752 = arith.constant 0 : i32
      %get3A_753 = arith.index_cast %get3A_752 : i32 to index
      %get3A_754 = arith.constant 64 : index
      %get3A_755 = tpu.vector_load %arg5[%get3A_753, %get3A_754] {strides = array<i32>} : memref<2x128xi32, #tpu.memory_space<vmem>>, vector<1x16xi32>,
      %get3A_756 = vector.shape_cast %get3A_755 : vector<1x16xi32> to vector<16xi32>
      %get3A_757 = arith.constant 1 : i32
      %get3A_758 = arith.index_cast %get3A_757 : i32 to index
      %get3A_759 = arith.constant 64 : index
      %get3A_760 = tpu.vector_load %arg5[%get3A_758, %get3A_759] {strides = array<i32>} : memref<2x128xi32, #tpu.memory_space<vmem>>, vector<1x16xi32>,
      %get3A_761 = vector.shape_cast %get3A_760 : vector<1x16xi32> to vector<16xi32>
      %eq3A_762 = arith.cmpi eq, %get3A_756, %get3A_761 : vector<16xi32>
      %broadcast_in_dim3A_763 = arith.constant 10000 : i32
      %broadcast_in_dim3A_764 = vector.broadcast %broadcast_in_dim3A_763 : i32 to vector<16xi32>
      %select_n3A_765 = arith.select %eq3A_762, %broadcast_in_dim3A_764, %get3A_761 : vector<16xi1>, vector<16xi32>
      %swap3A_766 = arith.constant 1 : i32
      %swap3A_767 = arith.index_cast %swap3A_766 : i32 to index
      %swap3A_768 = arith.constant 64 : index
      %swap3A_769 = tpu.vector_load %arg5[%swap3A_767, %swap3A_768] {strides = array<i32>} : memref<2x128xi32, #tpu.memory_space<vmem>>, vector<1x16xi32>,
      %swap3A_770 = vector.shape_cast %swap3A_769 : vector<1x16xi32> to vector<16xi32>
      %swap3A_771 = vector.shape_cast %select_n3A_765 : vector<16xi32> to vector<1x16xi32>
      tpu.vector_store %arg5[%swap3A_767, %swap3A_768], %swap3A_771 {strides = array<i32>} : memref<2x128xi32, #tpu.memory_space<vmem>>, vector<1x16xi32>,
      %get3A_772 = arith.constant 0 : i32
      %get3A_773 = arith.index_cast %get3A_772 : i32 to index
      %get3A_774 = arith.constant 80 : index
      %get3A_775 = tpu.vector_load %arg5[%get3A_773, %get3A_774] {strides = array<i32>} : memref<2x128xi32, #tpu.memory_space<vmem>>, vector<1x16xi32>,
      %get3A_776 = vector.shape_cast %get3A_775 : vector<1x16xi32> to vector<16xi32>
      %get3A_777 = arith.constant 1 : i32
      %get3A_778 = arith.index_cast %get3A_777 : i32 to index
      %get3A_779 = arith.constant 80 : index
      %get3A_780 = tpu.vector_load %arg5[%get3A_778, %get3A_779] {strides = array<i32>} : memref<2x128xi32, #tpu.memory_space<vmem>>, vector<1x16xi32>,
      %get3A_781 = vector.shape_cast %get3A_780 : vector<1x16xi32> to vector<16xi32>
      %eq3A_782 = arith.cmpi eq, %get3A_776, %get3A_781 : vector<16xi32>
      %broadcast_in_dim3A_783 = arith.constant 10000 : i32
      %broadcast_in_dim3A_784 = vector.broadcast %broadcast_in_dim3A_783 : i32 to vector<16xi32>
      %select_n3A_785 = arith.select %eq3A_782, %broadcast_in_dim3A_784, %get3A_781 : vector<16xi1>, vector<16xi32>
      %swap3A_786 = arith.constant 1 : i32
      %swap3A_787 = arith.index_cast %swap3A_786 : i32 to index
      %swap3A_788 = arith.constant 80 : index
      %swap3A_789 = tpu.vector_load %arg5[%swap3A_787, %swap3A_788] {strides = array<i32>} : memref<2x128xi32, #tpu.memory_space<vmem>>, vector<1x16xi32>,
      %swap3A_790 = vector.shape_cast %swap3A_789 : vector<1x16xi32> to vector<16xi32>
      %swap3A_791 = vector.shape_cast %select_n3A_785 : vector<16xi32> to vector<1x16xi32>
      tpu.vector_store %arg5[%swap3A_787, %swap3A_788], %swap3A_791 {strides = array<i32>} : memref<2x128xi32, #tpu.memory_space<vmem>>, vector<1x16xi32>,
      %get3A_792 = arith.constant 0 : i32
      %get3A_793 = arith.index_cast %get3A_792 : i32 to index
      %get3A_794 = arith.constant 96 : index
      %get3A_795 = tpu.vector_load %arg5[%get3A_793, %get3A_794] {strides = array<i32>} : memref<2x128xi32, #tpu.memory_space<vmem>>, vector<1x16xi32>,
      %get3A_796 = vector.shape_cast %get3A_795 : vector<1x16xi32> to vector<16xi32>
      %get3A_797 = arith.constant 1 : i32
      %get3A_798 = arith.index_cast %get3A_797 : i32 to index
      %get3A_799 = arith.constant 96 : index
      %get3A_800 = tpu.vector_load %arg5[%get3A_798, %get3A_799] {strides = array<i32>} : memref<2x128xi32, #tpu.memory_space<vmem>>, vector<1x16xi32>,
      %get3A_801 = vector.shape_cast %get3A_800 : vector<1x16xi32> to vector<16xi32>
      %eq3A_802 = arith.cmpi eq, %get3A_796, %get3A_801 : vector<16xi32>
      %broadcast_in_dim3A_803 = arith.constant 10000 : i32
      %broadcast_in_dim3A_804 = vector.broadcast %broadcast_in_dim3A_803 : i32 to vector<16xi32>
      %select_n3A_805 = arith.select %eq3A_802, %broadcast_in_dim3A_804, %get3A_801 : vector<16xi1>, vector<16xi32>
      %swap3A_806 = arith.constant 1 : i32
      %swap3A_807 = arith.index_cast %swap3A_806 : i32 to index
      %swap3A_808 = arith.constant 96 : index
      %swap3A_809 = tpu.vector_load %arg5[%swap3A_807, %swap3A_808] {strides = array<i32>} : memref<2x128xi32, #tpu.memory_space<vmem>>, vector<1x16xi32>,
      %swap3A_810 = vector.shape_cast %swap3A_809 : vector<1x16xi32> to vector<16xi32>
      %swap3A_811 = vector.shape_cast %select_n3A_805 : vector<16xi32> to vector<1x16xi32>
      tpu.vector_store %arg5[%swap3A_807, %swap3A_808], %swap3A_811 {strides = array<i32>} : memref<2x128xi32, #tpu.memory_space<vmem>>, vector<1x16xi32>,
      %get3A_812 = arith.constant 0 : i32
      %get3A_813 = arith.index_cast %get3A_812 : i32 to index
      %get3A_814 = arith.constant 112 : index
      %get3A_815 = tpu.vector_load %arg5[%get3A_813, %get3A_814] {strides = array<i32>} : memref<2x128xi32, #tpu.memory_space<vmem>>, vector<1x16xi32>,
      %get3A_816 = vector.shape_cast %get3A_815 : vector<1x16xi32> to vector<16xi32>
      %get3A_817 = arith.constant 1 : i32
      %get3A_818 = arith.index_cast %get3A_817 : i32 to index
      %get3A_819 = arith.constant 112 : index
      %get3A_820 = tpu.vector_load %arg5[%get3A_818, %get3A_819] {strides = array<i32>} : memref<2x128xi32, #tpu.memory_space<vmem>>, vector<1x16xi32>,
      %get3A_821 = vector.shape_cast %get3A_820 : vector<1x16xi32> to vector<16xi32>
      %eq3A_822 = arith.cmpi eq, %get3A_816, %get3A_821 : vector<16xi32>
      %broadcast_in_dim3A_823 = arith.constant 10000 : i32
      %broadcast_in_dim3A_824 = vector.broadcast %broadcast_in_dim3A_823 : i32 to vector<16xi32>
      %select_n3A_825 = arith.select %eq3A_822, %broadcast_in_dim3A_824, %get3A_821 : vector<16xi1>, vector<16xi32>
      %swap3A_826 = arith.constant 1 : i32
      %swap3A_827 = arith.index_cast %swap3A_826 : i32 to index
      %swap3A_828 = arith.constant 112 : index
      %swap3A_829 = tpu.vector_load %arg5[%swap3A_827, %swap3A_828] {strides = array<i32>} : memref<2x128xi32, #tpu.memory_space<vmem>>, vector<1x16xi32>,
      %swap3A_830 = vector.shape_cast %swap3A_829 : vector<1x16xi32> to vector<16xi32>
      %swap3A_831 = vector.shape_cast %select_n3A_825 : vector<16xi32> to vector<1x16xi32>
      tpu.vector_store %arg5[%swap3A_827, %swap3A_828], %swap3A_831 {strides = array<i32>} : memref<2x128xi32, #tpu.memory_space<vmem>>, vector<1x16xi32>,
      %dma_start3A_832 = arith.constant 0 : i32
      %dma_start3A_833 = arith.constant 0 : i32
      %dma_start3A_834 = arith.constant 0 : i32
      %dma_start3A_835 = tpu.memref_slice %arg8[%dma_start3A_833, %dma_start3A_834] : memref<128x128xf32, #tpu.memory_space<vmem>> -> memref<64x128xf32, #tpu.memory_space<vmem>>
      %dma_start3A_836 = arith.constant 0 : i32
      %dma_start3A_837 = tpu.memref_slice %arg5[%dma_start3A_832, %dma_start3A_836] : memref<2x128xi32, #tpu.memory_space<vmem>> -> memref<1x64xi32, #tpu.memory_space<vmem>>
      %dma_start3A_838 = tpu.memref_squeeze %dma_start3A_837 : memref<1x64xi32, #tpu.memory_space<vmem>> -> memref<64xi32, #tpu.memory_space<vmem>>
      %dma_start3A_839 = arith.constant 0 : i32
      %dma_start3A_840 = arith.constant 0 : i32
      %dma_start3A_841 = tpu.memref_slice %arg2[%dma_start3A_839, %dma_start3A_840] : memref<10000x128xf32, #tpu.memory_space<hbm>> -> memref<10000x128xf32, #tpu.memory_space<hbm>>
      tpu.enqueue_indirect_dma source(%dma_start3A_841 : memref<10000x128xf32, #tpu.memory_space<hbm>>) target(%dma_start3A_835 : memref<64x128xf32, #tpu.memory_space<vmem>>) offsets(%dma_start3A_838 : memref<64xi32, #tpu.memory_space<vmem>>) semaphore(%arg15 : memref<!tpu.dma_semaphore, #tpu.memory_space<semaphore_mem>>)
      %dma_start3A_842 = arith.constant 0 : i32
      %dma_start3A_843 = arith.constant 64 : i32
      %dma_start3A_844 = arith.constant 0 : i32
      %dma_start3A_845 = tpu.memref_slice %arg8[%dma_start3A_843, %dma_start3A_844] : memref<128x128xf32, #tpu.memory_space<vmem>> -> memref<64x128xf32, #tpu.memory_space<vmem>>
      %dma_start3A_846 = arith.constant 64 : i32
      %dma_start3A_847 = tpu.memref_slice %arg5[%dma_start3A_842, %dma_start3A_846] : memref<2x128xi32, #tpu.memory_space<vmem>> -> memref<1x64xi32, #tpu.memory_space<vmem>>
      %dma_start3A_848 = tpu.memref_squeeze %dma_start3A_847 : memref<1x64xi32, #tpu.memory_space<vmem>> -> memref<64xi32, #tpu.memory_space<vmem>>
      %dma_start3A_849 = arith.constant 0 : i32
      %dma_start3A_850 = arith.constant 0 : i32
      %dma_start3A_851 = tpu.memref_slice %arg2[%dma_start3A_849, %dma_start3A_850] : memref<10000x128xf32, #tpu.memory_space<hbm>> -> memref<10000x128xf32, #tpu.memory_space<hbm>>
      tpu.enqueue_indirect_dma source(%dma_start3A_851 : memref<10000x128xf32, #tpu.memory_space<hbm>>) target(%dma_start3A_845 : memref<64x128xf32, #tpu.memory_space<vmem>>) offsets(%dma_start3A_848 : memref<64xi32, #tpu.memory_space<vmem>>) semaphore(%arg15 : memref<!tpu.dma_semaphore, #tpu.memory_space<semaphore_mem>>)
      %dma_wait3A_852 = arith.constant 0 : i32
      %dma_wait3A_853 = arith.constant 0 : i32
      %dma_wait3A_854 = arith.constant 0 : i32
      %dma_wait3A_855 = tpu.memref_slice %arg10[%dma_wait3A_853, %dma_wait3A_854] : memref<128x128xf32, #tpu.memory_space<vmem>> -> memref<64x128xf32, #tpu.memory_space<vmem>>
      %dma_wait3A_856 = arith.constant 0 : i32
      %dma_wait3A_857 = tpu.memref_slice %arg7[%dma_wait3A_852, %dma_wait3A_856] : memref<2x128xi32, #tpu.memory_space<vmem>> -> memref<1x64xi32, #tpu.memory_space<vmem>>
      %dma_wait3A_858 = tpu.memref_squeeze %dma_wait3A_857 : memref<1x64xi32, #tpu.memory_space<vmem>> -> memref<64xi32, #tpu.memory_space<vmem>>
      %dma_wait3A_859 = arith.constant 0 : i32
      %dma_wait3A_860 = arith.constant 0 : i32
      %dma_wait3A_861 = tpu.memref_slice %arg2[%dma_wait3A_859, %dma_wait3A_860] : memref<10000x128xf32, #tpu.memory_space<hbm>> -> memref<10000x128xf32, #tpu.memory_space<hbm>>
      tpu.wait_indirect_dma semaphore(%arg17 : memref<!tpu.dma_semaphore, #tpu.memory_space<semaphore_mem>>) src(%dma_wait3A_861 : memref<10000x128xf32, #tpu.memory_space<hbm>>) dst(%dma_wait3A_855 : memref<64x128xf32, #tpu.memory_space<vmem>>)
      %dma_wait3A_862 = arith.constant 0 : i32
      %dma_wait3A_863 = arith.constant 64 : i32
      %dma_wait3A_864 = arith.constant 0 : i32
      %dma_wait3A_865 = tpu.memref_slice %arg10[%dma_wait3A_863, %dma_wait3A_864] : memref<128x128xf32, #tpu.memory_space<vmem>> -> memref<64x128xf32, #tpu.memory_space<vmem>>
      %dma_wait3A_866 = arith.constant 64 : i32
      %dma_wait3A_867 = tpu.memref_slice %arg7[%dma_wait3A_862, %dma_wait3A_866] : memref<2x128xi32, #tpu.memory_space<vmem>> -> memref<1x64xi32, #tpu.memory_space<vmem>>
      %dma_wait3A_868 = tpu.memref_squeeze %dma_wait3A_867 : memref<1x64xi32, #tpu.memory_space<vmem>> -> memref<64xi32, #tpu.memory_space<vmem>>
      %dma_wait3A_869 = arith.constant 0 : i32
      %dma_wait3A_870 = arith.constant 0 : i32
      %dma_wait3A_871 = tpu.memref_slice %arg2[%dma_wait3A_869, %dma_wait3A_870] : memref<10000x128xf32, #tpu.memory_space<hbm>> -> memref<10000x128xf32, #tpu.memory_space<hbm>>
      tpu.wait_indirect_dma semaphore(%arg17 : memref<!tpu.dma_semaphore, #tpu.memory_space<semaphore_mem>>) src(%dma_wait3A_871 : memref<10000x128xf32, #tpu.memory_space<hbm>>) dst(%dma_wait3A_865 : memref<64x128xf32, #tpu.memory_space<vmem>>)
      %dma_start3A_872 = arith.constant 1 : i32
      %dma_start3A_873 = arith.constant 0 : i32
      %dma_start3A_874 = tpu.memref_slice %arg7[%dma_start3A_872, %dma_start3A_873] : memref<2x128xi32, #tpu.memory_space<vmem>> -> memref<1x128xi32, #tpu.memory_space<vmem>>
      %dma_start3A_875 = tpu.memref_squeeze %dma_start3A_874 : memref<1x128xi32, #tpu.memory_space<vmem>> -> memref<128xi32, #tpu.memory_space<vmem>>
      %dma_start3A_876 = arith.constant 0 : i32
      %dma_start3A_877 = arith.constant 0 : i32
      %dma_start3A_878 = tpu.memref_slice %arg11[%dma_start3A_876, %dma_start3A_877] : memref<10112x128xf32, #tpu.memory_space<vmem_shared>> -> memref<10112x128xf32, #tpu.memory_space<vmem_shared>>
      tpu.enqueue_indirect_dma source(%arg10 : memref<128x128xf32, #tpu.memory_space<vmem>>) target(%dma_start3A_878 : memref<10112x128xf32, #tpu.memory_space<vmem_shared>>) offsets(%dma_start3A_875 : memref<128xi32, #tpu.memory_space<vmem>>) semaphore(%arg20 : memref<!tpu.dma_semaphore, #tpu.memory_space<semaphore_mem>>) {add = true}
      %dma_wait3A_879 = arith.constant 1 : i32
      %dma_wait3A_880 = arith.constant 0 : i32
      %dma_wait3A_881 = tpu.memref_slice %arg6[%dma_wait3A_879, %dma_wait3A_880] : memref<2x128xi32, #tpu.memory_space<vmem>> -> memref<1x128xi32, #tpu.memory_space<vmem>>
      %dma_wait3A_882 = tpu.memref_squeeze %dma_wait3A_881 : memref<1x128xi32, #tpu.memory_space<vmem>> -> memref<128xi32, #tpu.memory_space<vmem>>
      %dma_wait3A_883 = arith.constant 0 : i32
      %dma_wait3A_884 = arith.constant 0 : i32
      %dma_wait3A_885 = tpu.memref_slice %arg11[%dma_wait3A_883, %dma_wait3A_884] : memref<10112x128xf32, #tpu.memory_space<vmem_shared>> -> memref<10112x128xf32, #tpu.memory_space<vmem_shared>>
      tpu.wait_indirect_dma semaphore(%arg19 : memref<!tpu.dma_semaphore, #tpu.memory_space<semaphore_mem>>) src(%arg9 : memref<128x128xf32, #tpu.memory_space<vmem>>) dst(%dma_wait3A_885 : memref<10112x128xf32, #tpu.memory_space<vmem_shared>>)
      %add3A_886 = arith.constant 512 : i32
      %add3A_887 = arith.addi %mul3A_15, %add3A_886 : i32
      %dma_start3A_888 = arith.constant 0 : i32
      %dma_start3A_889 = tpu.memref_slice %arg3[%dma_start3A_888, %add3A_887] : memref<2x320000xi32, #tpu.memory_space<hbm>> -> memref<2x128xi32, #tpu.memory_space<hbm>>
      %dma_start3A_890 = arith.constant 0 : i32
      %dma_start3A_891 = tpu.memref_slice %arg3[%dma_start3A_890, %add3A_887] : memref<2x320000xi32, #tpu.memory_space<hbm>> -> memref<2x128xi32, #tpu.memory_space<hbm>>
      tpu.enqueue_dma source(%dma_start3A_891 : memref<2x128xi32, #tpu.memory_space<hbm>>) target(%arg6 : memref<2x128xi32, #tpu.memory_space<vmem>>) target_semaphore(%arg13 : memref<!tpu.dma_semaphore, #tpu.memory_space<semaphore_mem>>)
      %scan3A_892 = arith.constant 0 : i32
      %scan3A_893 = arith.constant 24 : i32
      %scan3A_894 = arith.addi %scan3A_892, %scan3A_893 : i32
      %scan3A_895 = arith.constant 1 : i32
      scf.for %scan3A_1608 = %scan3A_892 to %scan3A_894 step %scan3A_895  : i32 {
        %mul3A_1609 = arith.constant 3 : i32
        %mul3A_1610 = arith.muli %scan3A_1608, %mul3A_1609 : i32
        %add3A_1611 = arith.constant 3 : i32
        %add3A_1612 = arith.addi %add3A_1611, %mul3A_1610 : i32
        %dma_wait3A_1613 = arith.constant 0 : i32
        %dma_wait3A_1614 = arith.constant 0 : i32
        %dma_wait3A_1615 = tpu.memref_slice %arg3[%dma_wait3A_1613, %dma_wait3A_1614] : memref<2x320000xi32, #tpu.memory_space<hbm>> -> memref<2x128xi32, #tpu.memory_space<hbm>>
        %dma_wait3A_1616 = arith.constant 0 : i32
        %dma_wait3A_1617 = arith.constant 0 : i32
        %dma_wait3A_1618 = tpu.memref_slice %arg3[%dma_wait3A_1616, %dma_wait3A_1617] : memref<2x320000xi32, #tpu.memory_space<hbm>> -> memref<2x128xi32, #tpu.memory_space<hbm>>
        tpu.wait_dma2 semaphore(%arg13 : memref<!tpu.dma_semaphore, #tpu.memory_space<semaphore_mem>>) src(%dma_wait3A_1618 : memref<2x128xi32, #tpu.memory_space<hbm>>) dst(%arg6 : memref<2x128xi32, #tpu.memory_space<vmem>>)
        %get3A_1619 = arith.constant 0 : i32
        %get3A_1620 = arith.index_cast %get3A_1619 : i32 to index
        %get3A_1621 = arith.constant 0 : index
        %get3A_1622 = tpu.vector_load %arg6[%get3A_1620, %get3A_1621] {strides = array<i32>} : memref<2x128xi32, #tpu.memory_space<vmem>>, vector<1x16xi32>,
        %get3A_1623 = vector.shape_cast %get3A_1622 : vector<1x16xi32> to vector<16xi32>
        %get3A_1624 = arith.constant 1 : i32
        %get3A_1625 = arith.index_cast %get3A_1624 : i32 to index
        %get3A_1626 = arith.constant 0 : index
        %get3A_1627 = tpu.vector_load %arg6[%get3A_1625, %get3A_1626] {strides = array<i32>} : memref<2x128xi32, #tpu.memory_space<vmem>>, vector<1x16xi32>,
        %get3A_1628 = vector.shape_cast %get3A_1627 : vector<1x16xi32> to vector<16xi32>
        %eq3A_1629 = arith.cmpi eq, %get3A_1623, %get3A_1628 : vector<16xi32>
        %broadcast_in_dim3A_1630 = arith.constant 10000 : i32
        %broadcast_in_dim3A_1631 = vector.broadcast %broadcast_in_dim3A_1630 : i32 to vector<16xi32>
        %select_n3A_1632 = arith.select %eq3A_1629, %broadcast_in_dim3A_1631, %get3A_1628 : vector<16xi1>, vector<16xi32>
        %swap3A_1633 = arith.constant 1 : i32
        %swap3A_1634 = arith.index_cast %swap3A_1633 : i32 to index
        %swap3A_1635 = arith.constant 0 : index
        %swap3A_1636 = tpu.vector_load %arg6[%swap3A_1634, %swap3A_1635] {strides = array<i32>} : memref<2x128xi32, #tpu.memory_space<vmem>>, vector<1x16xi32>,
        %swap3A_1637 = vector.shape_cast %swap3A_1636 : vector<1x16xi32> to vector<16xi32>
        %swap3A_1638 = vector.shape_cast %select_n3A_1632 : vector<16xi32> to vector<1x16xi32>
        tpu.vector_store %arg6[%swap3A_1634, %swap3A_1635], %swap3A_1638 {strides = array<i32>} : memref<2x128xi32, #tpu.memory_space<vmem>>, vector<1x16xi32>,
        %get3A_1639 = arith.constant 0 : i32
        %get3A_1640 = arith.index_cast %get3A_1639 : i32 to index
        %get3A_1641 = arith.constant 16 : index
        %get3A_1642 = tpu.vector_load %arg6[%get3A_1640, %get3A_1641] {strides = array<i32>} : memref<2x128xi32, #tpu.memory_space<vmem>>, vector<1x16xi32>,
        %get3A_1643 = vector.shape_cast %get3A_1642 : vector<1x16xi32> to vector<16xi32>
        %get3A_1644 = arith.constant 1 : i32
        %get3A_1645 = arith.index_cast %get3A_1644 : i32 to index
        %get3A_1646 = arith.constant 16 : index
        %get3A_1647 = tpu.vector_load %arg6[%get3A_1645, %get3A_1646] {strides = array<i32>} : memref<2x128xi32, #tpu.memory_space<vmem>>, vector<1x16xi32>,
        %get3A_1648 = vector.shape_cast %get3A_1647 : vector<1x16xi32> to vector<16xi32>
        %eq3A_1649 = arith.cmpi eq, %get3A_1643, %get3A_1648 : vector<16xi32>
        %broadcast_in_dim3A_1650 = arith.constant 10000 : i32
        %broadcast_in_dim3A_1651 = vector.broadcast %broadcast_in_dim3A_1650 : i32 to vector<16xi32>
        %select_n3A_1652 = arith.select %eq3A_1649, %broadcast_in_dim3A_1651, %get3A_1648 : vector<16xi1>, vector<16xi32>
        %swap3A_1653 = arith.constant 1 : i32
        %swap3A_1654 = arith.index_cast %swap3A_1653 : i32 to index
        %swap3A_1655 = arith.constant 16 : index
        %swap3A_1656 = tpu.vector_load %arg6[%swap3A_1654, %swap3A_1655] {strides = array<i32>} : memref<2x128xi32, #tpu.memory_space<vmem>>, vector<1x16xi32>,
        %swap3A_1657 = vector.shape_cast %swap3A_1656 : vector<1x16xi32> to vector<16xi32>
        %swap3A_1658 = vector.shape_cast %select_n3A_1652 : vector<16xi32> to vector<1x16xi32>
        tpu.vector_store %arg6[%swap3A_1654, %swap3A_1655], %swap3A_1658 {strides = array<i32>} : memref<2x128xi32, #tpu.memory_space<vmem>>, vector<1x16xi32>,
        %get3A_1659 = arith.constant 0 : i32
        %get3A_1660 = arith.index_cast %get3A_1659 : i32 to index
        %get3A_1661 = arith.constant 32 : index
        %get3A_1662 = tpu.vector_load %arg6[%get3A_1660, %get3A_1661] {strides = array<i32>} : memref<2x128xi32, #tpu.memory_space<vmem>>, vector<1x16xi32>,
        %get3A_1663 = vector.shape_cast %get3A_1662 : vector<1x16xi32> to vector<16xi32>
        %get3A_1664 = arith.constant 1 : i32
        %get3A_1665 = arith.index_cast %get3A_1664 : i32 to index
        %get3A_1666 = arith.constant 32 : index
        %get3A_1667 = tpu.vector_load %arg6[%get3A_1665, %get3A_1666] {strides = array<i32>} : memref<2x128xi32, #tpu.memory_space<vmem>>, vector<1x16xi32>,
        %get3A_1668 = vector.shape_cast %get3A_1667 : vector<1x16xi32> to vector<16xi32>
        %eq3A_1669 = arith.cmpi eq, %get3A_1663, %get3A_1668 : vector<16xi32>
        %broadcast_in_dim3A_1670 = arith.constant 10000 : i32
        %broadcast_in_dim3A_1671 = vector.broadcast %broadcast_in_dim3A_1670 : i32 to vector<16xi32>
        %select_n3A_1672 = arith.select %eq3A_1669, %broadcast_in_dim3A_1671, %get3A_1668 : vector<16xi1>, vector<16xi32>
        %swap3A_1673 = arith.constant 1 : i32
        %swap3A_1674 = arith.index_cast %swap3A_1673 : i32 to index
        %swap3A_1675 = arith.constant 32 : index
        %swap3A_1676 = tpu.vector_load %arg6[%swap3A_1674, %swap3A_1675] {strides = array<i32>} : memref<2x128xi32, #tpu.memory_space<vmem>>, vector<1x16xi32>,
        %swap3A_1677 = vector.shape_cast %swap3A_1676 : vector<1x16xi32> to vector<16xi32>
        %swap3A_1678 = vector.shape_cast %select_n3A_1672 : vector<16xi32> to vector<1x16xi32>
        tpu.vector_store %arg6[%swap3A_1674, %swap3A_1675], %swap3A_1678 {strides = array<i32>} : memref<2x128xi32, #tpu.memory_space<vmem>>, vector<1x16xi32>,
        %get3A_1679 = arith.constant 0 : i32
        %get3A_1680 = arith.index_cast %get3A_1679 : i32 to index
        %get3A_1681 = arith.constant 48 : index
        %get3A_1682 = tpu.vector_load %arg6[%get3A_1680, %get3A_1681] {strides = array<i32>} : memref<2x128xi32, #tpu.memory_space<vmem>>, vector<1x16xi32>,
        %get3A_1683 = vector.shape_cast %get3A_1682 : vector<1x16xi32> to vector<16xi32>
        %get3A_1684 = arith.constant 1 : i32
        %get3A_1685 = arith.index_cast %get3A_1684 : i32 to index
        %get3A_1686 = arith.constant 48 : index
        %get3A_1687 = tpu.vector_load %arg6[%get3A_1685, %get3A_1686] {strides = array<i32>} : memref<2x128xi32, #tpu.memory_space<vmem>>, vector<1x16xi32>,
        %get3A_1688 = vector.shape_cast %get3A_1687 : vector<1x16xi32> to vector<16xi32>
        %eq3A_1689 = arith.cmpi eq, %get3A_1683, %get3A_1688 : vector<16xi32>
        %broadcast_in_dim3A_1690 = arith.constant 10000 : i32
        %broadcast_in_dim3A_1691 = vector.broadcast %broadcast_in_dim3A_1690 : i32 to vector<16xi32>
        %select_n3A_1692 = arith.select %eq3A_1689, %broadcast_in_dim3A_1691, %get3A_1688 : vector<16xi1>, vector<16xi32>
        %swap3A_1693 = arith.constant 1 : i32
        %swap3A_1694 = arith.index_cast %swap3A_1693 : i32 to index
        %swap3A_1695 = arith.constant 48 : index
        %swap3A_1696 = tpu.vector_load %arg6[%swap3A_1694, %swap3A_1695] {strides = array<i32>} : memref<2x128xi32, #tpu.memory_space<vmem>>, vector<1x16xi32>,
        %swap3A_1697 = vector.shape_cast %swap3A_1696 : vector<1x16xi32> to vector<16xi32>
        %swap3A_1698 = vector.shape_cast %select_n3A_1692 : vector<16xi32> to vector<1x16xi32>
        tpu.vector_store %arg6[%swap3A_1694, %swap3A_1695], %swap3A_1698 {strides = array<i32>} : memref<2x128xi32, #tpu.memory_space<vmem>>, vector<1x16xi32>,
        %get3A_1699 = arith.constant 0 : i32
        %get3A_1700 = arith.index_cast %get3A_1699 : i32 to index
        %get3A_1701 = arith.constant 64 : index
        %get3A_1702 = tpu.vector_load %arg6[%get3A_1700, %get3A_1701] {strides = array<i32>} : memref<2x128xi32, #tpu.memory_space<vmem>>, vector<1x16xi32>,
        %get3A_1703 = vector.shape_cast %get3A_1702 : vector<1x16xi32> to vector<16xi32>
        %get3A_1704 = arith.constant 1 : i32
        %get3A_1705 = arith.index_cast %get3A_1704 : i32 to index
        %get3A_1706 = arith.constant 64 : index
        %get3A_1707 = tpu.vector_load %arg6[%get3A_1705, %get3A_1706] {strides = array<i32>} : memref<2x128xi32, #tpu.memory_space<vmem>>, vector<1x16xi32>,
        %get3A_1708 = vector.shape_cast %get3A_1707 : vector<1x16xi32> to vector<16xi32>
        %eq3A_1709 = arith.cmpi eq, %get3A_1703, %get3A_1708 : vector<16xi32>
        %broadcast_in_dim3A_1710 = arith.constant 10000 : i32
        %broadcast_in_dim3A_1711 = vector.broadcast %broadcast_in_dim3A_1710 : i32 to vector<16xi32>
        %select_n3A_1712 = arith.select %eq3A_1709, %broadcast_in_dim3A_1711, %get3A_1708 : vector<16xi1>, vector<16xi32>
        %swap3A_1713 = arith.constant 1 : i32
        %swap3A_1714 = arith.index_cast %swap3A_1713 : i32 to index
        %swap3A_1715 = arith.constant 64 : index
        %swap3A_1716 = tpu.vector_load %arg6[%swap3A_1714, %swap3A_1715] {strides = array<i32>} : memref<2x128xi32, #tpu.memory_space<vmem>>, vector<1x16xi32>,
        %swap3A_1717 = vector.shape_cast %swap3A_1716 : vector<1x16xi32> to vector<16xi32>
        %swap3A_1718 = vector.shape_cast %select_n3A_1712 : vector<16xi32> to vector<1x16xi32>
        tpu.vector_store %arg6[%swap3A_1714, %swap3A_1715], %swap3A_1718 {strides = array<i32>} : memref<2x128xi32, #tpu.memory_space<vmem>>, vector<1x16xi32>,
        %get3A_1719 = arith.constant 0 : i32
        %get3A_1720 = arith.index_cast %get3A_1719 : i32 to index
        %get3A_1721 = arith.constant 80 : index
        %get3A_1722 = tpu.vector_load %arg6[%get3A_1720, %get3A_1721] {strides = array<i32>} : memref<2x128xi32, #tpu.memory_space<vmem>>, vector<1x16xi32>,
        %get3A_1723 = vector.shape_cast %get3A_1722 : vector<1x16xi32> to vector<16xi32>
        %get3A_1724 = arith.constant 1 : i32
        %get3A_1725 = arith.index_cast %get3A_1724 : i32 to index
        %get3A_1726 = arith.constant 80 : index
        %get3A_1727 = tpu.vector_load %arg6[%get3A_1725, %get3A_1726] {strides = array<i32>} : memref<2x128xi32, #tpu.memory_space<vmem>>, vector<1x16xi32>,
        %get3A_1728 = vector.shape_cast %get3A_1727 : vector<1x16xi32> to vector<16xi32>
        %eq3A_1729 = arith.cmpi eq, %get3A_1723, %get3A_1728 : vector<16xi32>
        %broadcast_in_dim3A_1730 = arith.constant 10000 : i32
        %broadcast_in_dim3A_1731 = vector.broadcast %broadcast_in_dim3A_1730 : i32 to vector<16xi32>
        %select_n3A_1732 = arith.select %eq3A_1729, %broadcast_in_dim3A_1731, %get3A_1728 : vector<16xi1>, vector<16xi32>
        %swap3A_1733 = arith.constant 1 : i32
        %swap3A_1734 = arith.index_cast %swap3A_1733 : i32 to index
        %swap3A_1735 = arith.constant 80 : index
        %swap3A_1736 = tpu.vector_load %arg6[%swap3A_1734, %swap3A_1735] {strides = array<i32>} : memref<2x128xi32, #tpu.memory_space<vmem>>, vector<1x16xi32>,
        %swap3A_1737 = vector.shape_cast %swap3A_1736 : vector<1x16xi32> to vector<16xi32>
        %swap3A_1738 = vector.shape_cast %select_n3A_1732 : vector<16xi32> to vector<1x16xi32>
        tpu.vector_store %arg6[%swap3A_1734, %swap3A_1735], %swap3A_1738 {strides = array<i32>} : memref<2x128xi32, #tpu.memory_space<vmem>>, vector<1x16xi32>,
        %get3A_1739 = arith.constant 0 : i32
        %get3A_1740 = arith.index_cast %get3A_1739 : i32 to index
        %get3A_1741 = arith.constant 96 : index
        %get3A_1742 = tpu.vector_load %arg6[%get3A_1740, %get3A_1741] {strides = array<i32>} : memref<2x128xi32, #tpu.memory_space<vmem>>, vector<1x16xi32>,
        %get3A_1743 = vector.shape_cast %get3A_1742 : vector<1x16xi32> to vector<16xi32>
        %get3A_1744 = arith.constant 1 : i32
        %get3A_1745 = arith.index_cast %get3A_1744 : i32 to index
        %get3A_1746 = arith.constant 96 : index
        %get3A_1747 = tpu.vector_load %arg6[%get3A_1745, %get3A_1746] {strides = array<i32>} : memref<2x128xi32, #tpu.memory_space<vmem>>, vector<1x16xi32>,
        %get3A_1748 = vector.shape_cast %get3A_1747 : vector<1x16xi32> to vector<16xi32>
        %eq3A_1749 = arith.cmpi eq, %get3A_1743, %get3A_1748 : vector<16xi32>
        %broadcast_in_dim3A_1750 = arith.constant 10000 : i32
        %broadcast_in_dim3A_1751 = vector.broadcast %broadcast_in_dim3A_1750 : i32 to vector<16xi32>
        %select_n3A_1752 = arith.select %eq3A_1749, %broadcast_in_dim3A_1751, %get3A_1748 : vector<16xi1>, vector<16xi32>
        %swap3A_1753 = arith.constant 1 : i32
        %swap3A_1754 = arith.index_cast %swap3A_1753 : i32 to index
        %swap3A_1755 = arith.constant 96 : index
        %swap3A_1756 = tpu.vector_load %arg6[%swap3A_1754, %swap3A_1755] {strides = array<i32>} : memref<2x128xi32, #tpu.memory_space<vmem>>, vector<1x16xi32>,
        %swap3A_1757 = vector.shape_cast %swap3A_1756 : vector<1x16xi32> to vector<16xi32>
        %swap3A_1758 = vector.shape_cast %select_n3A_1752 : vector<16xi32> to vector<1x16xi32>
        tpu.vector_store %arg6[%swap3A_1754, %swap3A_1755], %swap3A_1758 {strides = array<i32>} : memref<2x128xi32, #tpu.memory_space<vmem>>, vector<1x16xi32>,
        %get3A_1759 = arith.constant 0 : i32
        %get3A_1760 = arith.index_cast %get3A_1759 : i32 to index
        %get3A_1761 = arith.constant 112 : index
        %get3A_1762 = tpu.vector_load %arg6[%get3A_1760, %get3A_1761] {strides = array<i32>} : memref<2x128xi32, #tpu.memory_space<vmem>>, vector<1x16xi32>,
        %get3A_1763 = vector.shape_cast %get3A_1762 : vector<1x16xi32> to vector<16xi32>
        %get3A_1764 = arith.constant 1 : i32
        %get3A_1765 = arith.index_cast %get3A_1764 : i32 to index
        %get3A_1766 = arith.constant 112 : index
        %get3A_1767 = tpu.vector_load %arg6[%get3A_1765, %get3A_1766] {strides = array<i32>} : memref<2x128xi32, #tpu.memory_space<vmem>>, vector<1x16xi32>,
        %get3A_1768 = vector.shape_cast %get3A_1767 : vector<1x16xi32> to vector<16xi32>
        %eq3A_1769 = arith.cmpi eq, %get3A_1763, %get3A_1768 : vector<16xi32>
        %broadcast_in_dim3A_1770 = arith.constant 10000 : i32
        %broadcast_in_dim3A_1771 = vector.broadcast %broadcast_in_dim3A_1770 : i32 to vector<16xi32>
        %select_n3A_1772 = arith.select %eq3A_1769, %broadcast_in_dim3A_1771, %get3A_1768 : vector<16xi1>, vector<16xi32>
        %swap3A_1773 = arith.constant 1 : i32
        %swap3A_1774 = arith.index_cast %swap3A_1773 : i32 to index
        %swap3A_1775 = arith.constant 112 : index
        %swap3A_1776 = tpu.vector_load %arg6[%swap3A_1774, %swap3A_1775] {strides = array<i32>} : memref<2x128xi32, #tpu.memory_space<vmem>>, vector<1x16xi32>,
        %swap3A_1777 = vector.shape_cast %swap3A_1776 : vector<1x16xi32> to vector<16xi32>
        %swap3A_1778 = vector.shape_cast %select_n3A_1772 : vector<16xi32> to vector<1x16xi32>
        tpu.vector_store %arg6[%swap3A_1774, %swap3A_1775], %swap3A_1778 {strides = array<i32>} : memref<2x128xi32, #tpu.memory_space<vmem>>, vector<1x16xi32>,
        %dma_start3A_1779 = arith.constant 0 : i32
        %dma_start3A_1780 = arith.constant 0 : i32
        %dma_start3A_1781 = arith.constant 0 : i32
        %dma_start3A_1782 = tpu.memref_slice %arg9[%dma_start3A_1780, %dma_start3A_1781] : memref<128x128xf32, #tpu.memory_space<vmem>> -> memref<64x128xf32, #tpu.memory_space<vmem>>
        %dma_start3A_1783 = arith.constant 0 : i32
        %dma_start3A_1784 = tpu.memref_slice %arg6[%dma_start3A_1779, %dma_start3A_1783] : memref<2x128xi32, #tpu.memory_space<vmem>> -> memref<1x64xi32, #tpu.memory_space<vmem>>
        %dma_start3A_1785 = tpu.memref_squeeze %dma_start3A_1784 : memref<1x64xi32, #tpu.memory_space<vmem>> -> memref<64xi32, #tpu.memory_space<vmem>>
        %dma_start3A_1786 = arith.constant 0 : i32
        %dma_start3A_1787 = arith.constant 0 : i32
        %dma_start3A_1788 = tpu.memref_slice %arg2[%dma_start3A_1786, %dma_start3A_1787] : memref<10000x128xf32, #tpu.memory_space<hbm>> -> memref<10000x128xf32, #tpu.memory_space<hbm>>
        tpu.enqueue_indirect_dma source(%dma_start3A_1788 : memref<10000x128xf32, #tpu.memory_space<hbm>>) target(%dma_start3A_1782 : memref<64x128xf32, #tpu.memory_space<vmem>>) offsets(%dma_start3A_1785 : memref<64xi32, #tpu.memory_space<vmem>>) semaphore(%arg16 : memref<!tpu.dma_semaphore, #tpu.memory_space<semaphore_mem>>)
        %dma_start3A_1789 = arith.constant 0 : i32
        %dma_start3A_1790 = arith.constant 64 : i32
        %dma_start3A_1791 = arith.constant 0 : i32
        %dma_start3A_1792 = tpu.memref_slice %arg9[%dma_start3A_1790, %dma_start3A_1791] : memref<128x128xf32, #tpu.memory_space<vmem>> -> memref<64x128xf32, #tpu.memory_space<vmem>>
        %dma_start3A_1793 = arith.constant 64 : i32
        %dma_start3A_1794 = tpu.memref_slice %arg6[%dma_start3A_1789, %dma_start3A_1793] : memref<2x128xi32, #tpu.memory_space<vmem>> -> memref<1x64xi32, #tpu.memory_space<vmem>>
        %dma_start3A_1795 = tpu.memref_squeeze %dma_start3A_1794 : memref<1x64xi32, #tpu.memory_space<vmem>> -> memref<64xi32, #tpu.memory_space<vmem>>
        %dma_start3A_1796 = arith.constant 0 : i32
        %dma_start3A_1797 = arith.constant 0 : i32
        %dma_start3A_1798 = tpu.memref_slice %arg2[%dma_start3A_1796, %dma_start3A_1797] : memref<10000x128xf32, #tpu.memory_space<hbm>> -> memref<10000x128xf32, #tpu.memory_space<hbm>>
        tpu.enqueue_indirect_dma source(%dma_start3A_1798 : memref<10000x128xf32, #tpu.memory_space<hbm>>) target(%dma_start3A_1792 : memref<64x128xf32, #tpu.memory_space<vmem>>) offsets(%dma_start3A_1795 : memref<64xi32, #tpu.memory_space<vmem>>) semaphore(%arg16 : memref<!tpu.dma_semaphore, #tpu.memory_space<semaphore_mem>>)
        %dma_wait3A_1799 = arith.constant 0 : i32
        %dma_wait3A_1800 = arith.constant 0 : i32
        %dma_wait3A_1801 = arith.constant 0 : i32
        %dma_wait3A_1802 = tpu.memref_slice %arg8[%dma_wait3A_1800, %dma_wait3A_1801] : memref<128x128xf32, #tpu.memory_space<vmem>> -> memref<64x128xf32, #tpu.memory_space<vmem>>
        %dma_wait3A_1803 = arith.constant 0 : i32
        %dma_wait3A_1804 = tpu.memref_slice %arg5[%dma_wait3A_1799, %dma_wait3A_1803] : memref<2x128xi32, #tpu.memory_space<vmem>> -> memref<1x64xi32, #tpu.memory_space<vmem>>
        %dma_wait3A_1805 = tpu.memref_squeeze %dma_wait3A_1804 : memref<1x64xi32, #tpu.memory_space<vmem>> -> memref<64xi32, #tpu.memory_space<vmem>>
        %dma_wait3A_1806 = arith.constant 0 : i32
        %dma_wait3A_1807 = arith.constant 0 : i32
        %dma_wait3A_1808 = tpu.memref_slice %arg2[%dma_wait3A_1806, %dma_wait3A_1807] : memref<10000x128xf32, #tpu.memory_space<hbm>> -> memref<10000x128xf32, #tpu.memory_space<hbm>>
        tpu.wait_indirect_dma semaphore(%arg15 : memref<!tpu.dma_semaphore, #tpu.memory_space<semaphore_mem>>) src(%dma_wait3A_1808 : memref<10000x128xf32, #tpu.memory_space<hbm>>) dst(%dma_wait3A_1802 : memref<64x128xf32, #tpu.memory_space<vmem>>)
        %dma_wait3A_1809 = arith.constant 0 : i32
        %dma_wait3A_1810 = arith.constant 64 : i32
        %dma_wait3A_1811 = arith.constant 0 : i32
        %dma_wait3A_1812 = tpu.memref_slice %arg8[%dma_wait3A_1810, %dma_wait3A_1811] : memref<128x128xf32, #tpu.memory_space<vmem>> -> memref<64x128xf32, #tpu.memory_space<vmem>>
        %dma_wait3A_1813 = arith.constant 64 : i32
        %dma_wait3A_1814 = tpu.memref_slice %arg5[%dma_wait3A_1809, %dma_wait3A_1813] : memref<2x128xi32, #tpu.memory_space<vmem>> -> memref<1x64xi32, #tpu.memory_space<vmem>>
        %dma_wait3A_1815 = tpu.memref_squeeze %dma_wait3A_1814 : memref<1x64xi32, #tpu.memory_space<vmem>> -> memref<64xi32, #tpu.memory_space<vmem>>
        %dma_wait3A_1816 = arith.constant 0 : i32
        %dma_wait3A_1817 = arith.constant 0 : i32
        %dma_wait3A_1818 = tpu.memref_slice %arg2[%dma_wait3A_1816, %dma_wait3A_1817] : memref<10000x128xf32, #tpu.memory_space<hbm>> -> memref<10000x128xf32, #tpu.memory_space<hbm>>
        tpu.wait_indirect_dma semaphore(%arg15 : memref<!tpu.dma_semaphore, #tpu.memory_space<semaphore_mem>>) src(%dma_wait3A_1818 : memref<10000x128xf32, #tpu.memory_space<hbm>>) dst(%dma_wait3A_1812 : memref<64x128xf32, #tpu.memory_space<vmem>>)
        %dma_start3A_1819 = arith.constant 1 : i32
        %dma_start3A_1820 = arith.constant 0 : i32
        %dma_start3A_1821 = tpu.memref_slice %arg5[%dma_start3A_1819, %dma_start3A_1820] : memref<2x128xi32, #tpu.memory_space<vmem>> -> memref<1x128xi32, #tpu.memory_space<vmem>>
        %dma_start3A_1822 = tpu.memref_squeeze %dma_start3A_1821 : memref<1x128xi32, #tpu.memory_space<vmem>> -> memref<128xi32, #tpu.memory_space<vmem>>
        %dma_start3A_1823 = arith.constant 0 : i32
        %dma_start3A_1824 = arith.constant 0 : i32
        %dma_start3A_1825 = tpu.memref_slice %arg11[%dma_start3A_1823, %dma_start3A_1824] : memref<10112x128xf32, #tpu.memory_space<vmem_shared>> -> memref<10112x128xf32, #tpu.memory_space<vmem_shared>>
        tpu.enqueue_indirect_dma source(%arg8 : memref<128x128xf32, #tpu.memory_space<vmem>>) target(%dma_start3A_1825 : memref<10112x128xf32, #tpu.memory_space<vmem_shared>>) offsets(%dma_start3A_1822 : memref<128xi32, #tpu.memory_space<vmem>>) semaphore(%arg18 : memref<!tpu.dma_semaphore, #tpu.memory_space<semaphore_mem>>) {add = true}
        %dma_wait3A_1826 = arith.constant 1 : i32
        %dma_wait3A_1827 = arith.constant 0 : i32
        %dma_wait3A_1828 = tpu.memref_slice %arg7[%dma_wait3A_1826, %dma_wait3A_1827] : memref<2x128xi32, #tpu.memory_space<vmem>> -> memref<1x128xi32, #tpu.memory_space<vmem>>
        %dma_wait3A_1829 = tpu.memref_squeeze %dma_wait3A_1828 : memref<1x128xi32, #tpu.memory_space<vmem>> -> memref<128xi32, #tpu.memory_space<vmem>>
        %dma_wait3A_1830 = arith.constant 0 : i32
        %dma_wait3A_1831 = arith.constant 0 : i32
        %dma_wait3A_1832 = tpu.memref_slice %arg11[%dma_wait3A_1830, %dma_wait3A_1831] : memref<10112x128xf32, #tpu.memory_space<vmem_shared>> -> memref<10112x128xf32, #tpu.memory_space<vmem_shared>>
        tpu.wait_indirect_dma semaphore(%arg20 : memref<!tpu.dma_semaphore, #tpu.memory_space<semaphore_mem>>) src(%arg10 : memref<128x128xf32, #tpu.memory_space<vmem>>) dst(%dma_wait3A_1832 : memref<10112x128xf32, #tpu.memory_space<vmem_shared>>)
        %add3A_1833 = arith.constant 2 : i32
        %add3A_1834 = arith.addi %add3A_1612, %add3A_1833 : i32
        %mul3A_1835 = arith.constant 128 : i32
        %mul3A_1836 = arith.muli %add3A_1834, %mul3A_1835 : i32
        %add3A_1837 = arith.addi %mul3A_15, %mul3A_1836 : i32
        %dma_start3A_1838 = arith.constant 0 : i32
        %dma_start3A_1839 = tpu.memref_slice %arg3[%dma_start3A_1838, %add3A_1837] : memref<2x320000xi32, #tpu.memory_space<hbm>> -> memref<2x128xi32, #tpu.memory_space<hbm>>
        %dma_start3A_1840 = arith.constant 0 : i32
        %dma_start3A_1841 = tpu.memref_slice %arg3[%dma_start3A_1840, %add3A_1837] : memref<2x320000xi32, #tpu.memory_space<hbm>> -> memref<2x128xi32, #tpu.memory_space<hbm>>
        tpu.enqueue_dma source(%dma_start3A_1841 : memref<2x128xi32, #tpu.memory_space<hbm>>) target(%arg7 : memref<2x128xi32, #tpu.memory_space<vmem>>) target_semaphore(%arg14 : memref<!tpu.dma_semaphore, #tpu.memory_space<semaphore_mem>>)
        %add3A_1842 = arith.constant 1 : i32
        %add3A_1843 = arith.addi %add3A_1612, %add3A_1842 : i32
        %dma_wait3A_1844 = arith.constant 0 : i32
        %dma_wait3A_1845 = arith.constant 0 : i32
        %dma_wait3A_1846 = tpu.memref_slice %arg3[%dma_wait3A_1844, %dma_wait3A_1845] : memref<2x320000xi32, #tpu.memory_space<hbm>> -> memref<2x128xi32, #tpu.memory_space<hbm>>
        %dma_wait3A_1847 = arith.constant 0 : i32
        %dma_wait3A_1848 = arith.constant 0 : i32
        %dma_wait3A_1849 = tpu.memref_slice %arg3[%dma_wait3A_1847, %dma_wait3A_1848] : memref<2x320000xi32, #tpu.memory_space<hbm>> -> memref<2x128xi32, #tpu.memory_space<hbm>>
        tpu.wait_dma2 semaphore(%arg14 : memref<!tpu.dma_semaphore, #tpu.memory_space<semaphore_mem>>) src(%dma_wait3A_1849 : memref<2x128xi32, #tpu.memory_space<hbm>>) dst(%arg7 : memref<2x128xi32, #tpu.memory_space<vmem>>)
        %get3A_1850 = arith.constant 0 : i32
        %get3A_1851 = arith.index_cast %get3A_1850 : i32 to index
        %get3A_1852 = arith.constant 0 : index
        %get3A_1853 = tpu.vector_load %arg7[%get3A_1851, %get3A_1852] {strides = array<i32>} : memref<2x128xi32, #tpu.memory_space<vmem>>, vector<1x16xi32>,
        %get3A_1854 = vector.shape_cast %get3A_1853 : vector<1x16xi32> to vector<16xi32>
        %get3A_1855 = arith.constant 1 : i32
        %get3A_1856 = arith.index_cast %get3A_1855 : i32 to index
        %get3A_1857 = arith.constant 0 : index
        %get3A_1858 = tpu.vector_load %arg7[%get3A_1856, %get3A_1857] {strides = array<i32>} : memref<2x128xi32, #tpu.memory_space<vmem>>, vector<1x16xi32>,
        %get3A_1859 = vector.shape_cast %get3A_1858 : vector<1x16xi32> to vector<16xi32>
        %eq3A_1860 = arith.cmpi eq, %get3A_1854, %get3A_1859 : vector<16xi32>
        %broadcast_in_dim3A_1861 = arith.constant 10000 : i32
        %broadcast_in_dim3A_1862 = vector.broadcast %broadcast_in_dim3A_1861 : i32 to vector<16xi32>
        %select_n3A_1863 = arith.select %eq3A_1860, %broadcast_in_dim3A_1862, %get3A_1859 : vector<16xi1>, vector<16xi32>
        %swap3A_1864 = arith.constant 1 : i32
        %swap3A_1865 = arith.index_cast %swap3A_1864 : i32 to index
        %swap3A_1866 = arith.constant 0 : index
        %swap3A_1867 = tpu.vector_load %arg7[%swap3A_1865, %swap3A_1866] {strides = array<i32>} : memref<2x128xi32, #tpu.memory_space<vmem>>, vector<1x16xi32>,
        %swap3A_1868 = vector.shape_cast %swap3A_1867 : vector<1x16xi32> to vector<16xi32>
        %swap3A_1869 = vector.shape_cast %select_n3A_1863 : vector<16xi32> to vector<1x16xi32>
        tpu.vector_store %arg7[%swap3A_1865, %swap3A_1866], %swap3A_1869 {strides = array<i32>} : memref<2x128xi32, #tpu.memory_space<vmem>>, vector<1x16xi32>,
        %get3A_1870 = arith.constant 0 : i32
        %get3A_1871 = arith.index_cast %get3A_1870 : i32 to index
        %get3A_1872 = arith.constant 16 : index
        %get3A_1873 = tpu.vector_load %arg7[%get3A_1871, %get3A_1872] {strides = array<i32>} : memref<2x128xi32, #tpu.memory_space<vmem>>, vector<1x16xi32>,
        %get3A_1874 = vector.shape_cast %get3A_1873 : vector<1x16xi32> to vector<16xi32>
        %get3A_1875 = arith.constant 1 : i32
        %get3A_1876 = arith.index_cast %get3A_1875 : i32 to index
        %get3A_1877 = arith.constant 16 : index
        %get3A_1878 = tpu.vector_load %arg7[%get3A_1876, %get3A_1877] {strides = array<i32>} : memref<2x128xi32, #tpu.memory_space<vmem>>, vector<1x16xi32>,
        %get3A_1879 = vector.shape_cast %get3A_1878 : vector<1x16xi32> to vector<16xi32>
        %eq3A_1880 = arith.cmpi eq, %get3A_1874, %get3A_1879 : vector<16xi32>
        %broadcast_in_dim3A_1881 = arith.constant 10000 : i32
        %broadcast_in_dim3A_1882 = vector.broadcast %broadcast_in_dim3A_1881 : i32 to vector<16xi32>
        %select_n3A_1883 = arith.select %eq3A_1880, %broadcast_in_dim3A_1882, %get3A_1879 : vector<16xi1>, vector<16xi32>
        %swap3A_1884 = arith.constant 1 : i32
        %swap3A_1885 = arith.index_cast %swap3A_1884 : i32 to index
        %swap3A_1886 = arith.constant 16 : index
        %swap3A_1887 = tpu.vector_load %arg7[%swap3A_1885, %swap3A_1886] {strides = array<i32>} : memref<2x128xi32, #tpu.memory_space<vmem>>, vector<1x16xi32>,
        %swap3A_1888 = vector.shape_cast %swap3A_1887 : vector<1x16xi32> to vector<16xi32>
        %swap3A_1889 = vector.shape_cast %select_n3A_1883 : vector<16xi32> to vector<1x16xi32>
        tpu.vector_store %arg7[%swap3A_1885, %swap3A_1886], %swap3A_1889 {strides = array<i32>} : memref<2x128xi32, #tpu.memory_space<vmem>>, vector<1x16xi32>,
        %get3A_1890 = arith.constant 0 : i32
        %get3A_1891 = arith.index_cast %get3A_1890 : i32 to index
        %get3A_1892 = arith.constant 32 : index
        %get3A_1893 = tpu.vector_load %arg7[%get3A_1891, %get3A_1892] {strides = array<i32>} : memref<2x128xi32, #tpu.memory_space<vmem>>, vector<1x16xi32>,
        %get3A_1894 = vector.shape_cast %get3A_1893 : vector<1x16xi32> to vector<16xi32>
        %get3A_1895 = arith.constant 1 : i32
        %get3A_1896 = arith.index_cast %get3A_1895 : i32 to index
        %get3A_1897 = arith.constant 32 : index
        %get3A_1898 = tpu.vector_load %arg7[%get3A_1896, %get3A_1897] {strides = array<i32>} : memref<2x128xi32, #tpu.memory_space<vmem>>, vector<1x16xi32>,
        %get3A_1899 = vector.shape_cast %get3A_1898 : vector<1x16xi32> to vector<16xi32>
        %eq3A_1900 = arith.cmpi eq, %get3A_1894, %get3A_1899 : vector<16xi32>
        %broadcast_in_dim3A_1901 = arith.constant 10000 : i32
        %broadcast_in_dim3A_1902 = vector.broadcast %broadcast_in_dim3A_1901 : i32 to vector<16xi32>
        %select_n3A_1903 = arith.select %eq3A_1900, %broadcast_in_dim3A_1902, %get3A_1899 : vector<16xi1>, vector<16xi32>
        %swap3A_1904 = arith.constant 1 : i32
        %swap3A_1905 = arith.index_cast %swap3A_1904 : i32 to index
        %swap3A_1906 = arith.constant 32 : index
        %swap3A_1907 = tpu.vector_load %arg7[%swap3A_1905, %swap3A_1906] {strides = array<i32>} : memref<2x128xi32, #tpu.memory_space<vmem>>, vector<1x16xi32>,
        %swap3A_1908 = vector.shape_cast %swap3A_1907 : vector<1x16xi32> to vector<16xi32>
        %swap3A_1909 = vector.shape_cast %select_n3A_1903 : vector<16xi32> to vector<1x16xi32>
        tpu.vector_store %arg7[%swap3A_1905, %swap3A_1906], %swap3A_1909 {strides = array<i32>} : memref<2x128xi32, #tpu.memory_space<vmem>>, vector<1x16xi32>,
        %get3A_1910 = arith.constant 0 : i32
        %get3A_1911 = arith.index_cast %get3A_1910 : i32 to index
        %get3A_1912 = arith.constant 48 : index
        %get3A_1913 = tpu.vector_load %arg7[%get3A_1911, %get3A_1912] {strides = array<i32>} : memref<2x128xi32, #tpu.memory_space<vmem>>, vector<1x16xi32>,
        %get3A_1914 = vector.shape_cast %get3A_1913 : vector<1x16xi32> to vector<16xi32>
        %get3A_1915 = arith.constant 1 : i32
        %get3A_1916 = arith.index_cast %get3A_1915 : i32 to index
        %get3A_1917 = arith.constant 48 : index
        %get3A_1918 = tpu.vector_load %arg7[%get3A_1916, %get3A_1917] {strides = array<i32>} : memref<2x128xi32, #tpu.memory_space<vmem>>, vector<1x16xi32>,
        %get3A_1919 = vector.shape_cast %get3A_1918 : vector<1x16xi32> to vector<16xi32>
        %eq3A_1920 = arith.cmpi eq, %get3A_1914, %get3A_1919 : vector<16xi32>
        %broadcast_in_dim3A_1921 = arith.constant 10000 : i32
        %broadcast_in_dim3A_1922 = vector.broadcast %broadcast_in_dim3A_1921 : i32 to vector<16xi32>
        %select_n3A_1923 = arith.select %eq3A_1920, %broadcast_in_dim3A_1922, %get3A_1919 : vector<16xi1>, vector<16xi32>
        %swap3A_1924 = arith.constant 1 : i32
        %swap3A_1925 = arith.index_cast %swap3A_1924 : i32 to index
        %swap3A_1926 = arith.constant 48 : index
        %swap3A_1927 = tpu.vector_load %arg7[%swap3A_1925, %swap3A_1926] {strides = array<i32>} : memref<2x128xi32, #tpu.memory_space<vmem>>, vector<1x16xi32>,
        %swap3A_1928 = vector.shape_cast %swap3A_1927 : vector<1x16xi32> to vector<16xi32>
        %swap3A_1929 = vector.shape_cast %select_n3A_1923 : vector<16xi32> to vector<1x16xi32>
        tpu.vector_store %arg7[%swap3A_1925, %swap3A_1926], %swap3A_1929 {strides = array<i32>} : memref<2x128xi32, #tpu.memory_space<vmem>>, vector<1x16xi32>,
        %get3A_1930 = arith.constant 0 : i32
        %get3A_1931 = arith.index_cast %get3A_1930 : i32 to index
        %get3A_1932 = arith.constant 64 : index
        %get3A_1933 = tpu.vector_load %arg7[%get3A_1931, %get3A_1932] {strides = array<i32>} : memref<2x128xi32, #tpu.memory_space<vmem>>, vector<1x16xi32>,
        %get3A_1934 = vector.shape_cast %get3A_1933 : vector<1x16xi32> to vector<16xi32>
        %get3A_1935 = arith.constant 1 : i32
        %get3A_1936 = arith.index_cast %get3A_1935 : i32 to index
        %get3A_1937 = arith.constant 64 : index
        %get3A_1938 = tpu.vector_load %arg7[%get3A_1936, %get3A_1937] {strides = array<i32>} : memref<2x128xi32, #tpu.memory_space<vmem>>, vector<1x16xi32>,
        %get3A_1939 = vector.shape_cast %get3A_1938 : vector<1x16xi32> to vector<16xi32>
        %eq3A_1940 = arith.cmpi eq, %get3A_1934, %get3A_1939 : vector<16xi32>
        %broadcast_in_dim3A_1941 = arith.constant 10000 : i32
        %broadcast_in_dim3A_1942 = vector.broadcast %broadcast_in_dim3A_1941 : i32 to vector<16xi32>
        %select_n3A_1943 = arith.select %eq3A_1940, %broadcast_in_dim3A_1942, %get3A_1939 : vector<16xi1>, vector<16xi32>
        %swap3A_1944 = arith.constant 1 : i32
        %swap3A_1945 = arith.index_cast %swap3A_1944 : i32 to index
        %swap3A_1946 = arith.constant 64 : index
        %swap3A_1947 = tpu.vector_load %arg7[%swap3A_1945, %swap3A_1946] {strides = array<i32>} : memref<2x128xi32, #tpu.memory_space<vmem>>, vector<1x16xi32>,
        %swap3A_1948 = vector.shape_cast %swap3A_1947 : vector<1x16xi32> to vector<16xi32>
        %swap3A_1949 = vector.shape_cast %select_n3A_1943 : vector<16xi32> to vector<1x16xi32>
        tpu.vector_store %arg7[%swap3A_1945, %swap3A_1946], %swap3A_1949 {strides = array<i32>} : memref<2x128xi32, #tpu.memory_space<vmem>>, vector<1x16xi32>,
        %get3A_1950 = arith.constant 0 : i32
        %get3A_1951 = arith.index_cast %get3A_1950 : i32 to index
        %get3A_1952 = arith.constant 80 : index
        %get3A_1953 = tpu.vector_load %arg7[%get3A_1951, %get3A_1952] {strides = array<i32>} : memref<2x128xi32, #tpu.memory_space<vmem>>, vector<1x16xi32>,
        %get3A_1954 = vector.shape_cast %get3A_1953 : vector<1x16xi32> to vector<16xi32>
        %get3A_1955 = arith.constant 1 : i32
        %get3A_1956 = arith.index_cast %get3A_1955 : i32 to index
        %get3A_1957 = arith.constant 80 : index
        %get3A_1958 = tpu.vector_load %arg7[%get3A_1956, %get3A_1957] {strides = array<i32>} : memref<2x128xi32, #tpu.memory_space<vmem>>, vector<1x16xi32>,
        %get3A_1959 = vector.shape_cast %get3A_1958 : vector<1x16xi32> to vector<16xi32>
        %eq3A_1960 = arith.cmpi eq, %get3A_1954, %get3A_1959 : vector<16xi32>
        %broadcast_in_dim3A_1961 = arith.constant 10000 : i32
        %broadcast_in_dim3A_1962 = vector.broadcast %broadcast_in_dim3A_1961 : i32 to vector<16xi32>
        %select_n3A_1963 = arith.select %eq3A_1960, %broadcast_in_dim3A_1962, %get3A_1959 : vector<16xi1>, vector<16xi32>
        %swap3A_1964 = arith.constant 1 : i32
        %swap3A_1965 = arith.index_cast %swap3A_1964 : i32 to index
        %swap3A_1966 = arith.constant 80 : index
        %swap3A_1967 = tpu.vector_load %arg7[%swap3A_1965, %swap3A_1966] {strides = array<i32>} : memref<2x128xi32, #tpu.memory_space<vmem>>, vector<1x16xi32>,
        %swap3A_1968 = vector.shape_cast %swap3A_1967 : vector<1x16xi32> to vector<16xi32>
        %swap3A_1969 = vector.shape_cast %select_n3A_1963 : vector<16xi32> to vector<1x16xi32>
        tpu.vector_store %arg7[%swap3A_1965, %swap3A_1966], %swap3A_1969 {strides = array<i32>} : memref<2x128xi32, #tpu.memory_space<vmem>>, vector<1x16xi32>,
        %get3A_1970 = arith.constant 0 : i32
        %get3A_1971 = arith.index_cast %get3A_1970 : i32 to index
        %get3A_1972 = arith.constant 96 : index
        %get3A_1973 = tpu.vector_load %arg7[%get3A_1971, %get3A_1972] {strides = array<i32>} : memref<2x128xi32, #tpu.memory_space<vmem>>, vector<1x16xi32>,
        %get3A_1974 = vector.shape_cast %get3A_1973 : vector<1x16xi32> to vector<16xi32>
        %get3A_1975 = arith.constant 1 : i32
        %get3A_1976 = arith.index_cast %get3A_1975 : i32 to index
        %get3A_1977 = arith.constant 96 : index
        %get3A_1978 = tpu.vector_load %arg7[%get3A_1976, %get3A_1977] {strides = array<i32>} : memref<2x128xi32, #tpu.memory_space<vmem>>, vector<1x16xi32>,
        %get3A_1979 = vector.shape_cast %get3A_1978 : vector<1x16xi32> to vector<16xi32>
        %eq3A_1980 = arith.cmpi eq, %get3A_1974, %get3A_1979 : vector<16xi32>
        %broadcast_in_dim3A_1981 = arith.constant 10000 : i32
        %broadcast_in_dim3A_1982 = vector.broadcast %broadcast_in_dim3A_1981 : i32 to vector<16xi32>
        %select_n3A_1983 = arith.select %eq3A_1980, %broadcast_in_dim3A_1982, %get3A_1979 : vector<16xi1>, vector<16xi32>
        %swap3A_1984 = arith.constant 1 : i32
        %swap3A_1985 = arith.index_cast %swap3A_1984 : i32 to index
        %swap3A_1986 = arith.constant 96 : index
        %swap3A_1987 = tpu.vector_load %arg7[%swap3A_1985, %swap3A_1986] {strides = array<i32>} : memref<2x128xi32, #tpu.memory_space<vmem>>, vector<1x16xi32>,
        %swap3A_1988 = vector.shape_cast %swap3A_1987 : vector<1x16xi32> to vector<16xi32>
        %swap3A_1989 = vector.shape_cast %select_n3A_1983 : vector<16xi32> to vector<1x16xi32>
        tpu.vector_store %arg7[%swap3A_1985, %swap3A_1986], %swap3A_1989 {strides = array<i32>} : memref<2x128xi32, #tpu.memory_space<vmem>>, vector<1x16xi32>,
        %get3A_1990 = arith.constant 0 : i32
        %get3A_1991 = arith.index_cast %get3A_1990 : i32 to index
        %get3A_1992 = arith.constant 112 : index
        %get3A_1993 = tpu.vector_load %arg7[%get3A_1991, %get3A_1992] {strides = array<i32>} : memref<2x128xi32, #tpu.memory_space<vmem>>, vector<1x16xi32>,
        %get3A_1994 = vector.shape_cast %get3A_1993 : vector<1x16xi32> to vector<16xi32>
        %get3A_1995 = arith.constant 1 : i32
        %get3A_1996 = arith.index_cast %get3A_1995 : i32 to index
        %get3A_1997 = arith.constant 112 : index
        %get3A_1998 = tpu.vector_load %arg7[%get3A_1996, %get3A_1997] {strides = array<i32>} : memref<2x128xi32, #tpu.memory_space<vmem>>, vector<1x16xi32>,
        %get3A_1999 = vector.shape_cast %get3A_1998 : vector<1x16xi32> to vector<16xi32>
        %eq3A_2000 = arith.cmpi eq, %get3A_1994, %get3A_1999 : vector<16xi32>
        %broadcast_in_dim3A_2001 = arith.constant 10000 : i32
        %broadcast_in_dim3A_2002 = vector.broadcast %broadcast_in_dim3A_2001 : i32 to vector<16xi32>
        %select_n3A_2003 = arith.select %eq3A_2000, %broadcast_in_dim3A_2002, %get3A_1999 : vector<16xi1>, vector<16xi32>
        %swap3A_2004 = arith.constant 1 : i32
        %swap3A_2005 = arith.index_cast %swap3A_2004 : i32 to index
        %swap3A_2006 = arith.constant 112 : index
        %swap3A_2007 = tpu.vector_load %arg7[%swap3A_2005, %swap3A_2006] {strides = array<i32>} : memref<2x128xi32, #tpu.memory_space<vmem>>, vector<1x16xi32>,
        %swap3A_2008 = vector.shape_cast %swap3A_2007 : vector<1x16xi32> to vector<16xi32>
        %swap3A_2009 = vector.shape_cast %select_n3A_2003 : vector<16xi32> to vector<1x16xi32>
        tpu.vector_store %arg7[%swap3A_2005, %swap3A_2006], %swap3A_2009 {strides = array<i32>} : memref<2x128xi32, #tpu.memory_space<vmem>>, vector<1x16xi32>,
        %dma_start3A_2010 = arith.constant 0 : i32
        %dma_start3A_2011 = arith.constant 0 : i32
        %dma_start3A_2012 = arith.constant 0 : i32
        %dma_start3A_2013 = tpu.memref_slice %arg10[%dma_start3A_2011, %dma_start3A_2012] : memref<128x128xf32, #tpu.memory_space<vmem>> -> memref<64x128xf32, #tpu.memory_space<vmem>>
        %dma_start3A_2014 = arith.constant 0 : i32
        %dma_start3A_2015 = tpu.memref_slice %arg7[%dma_start3A_2010, %dma_start3A_2014] : memref<2x128xi32, #tpu.memory_space<vmem>> -> memref<1x64xi32, #tpu.memory_space<vmem>>
        %dma_start3A_2016 = tpu.memref_squeeze %dma_start3A_2015 : memref<1x64xi32, #tpu.memory_space<vmem>> -> memref<64xi32, #tpu.memory_space<vmem>>
        %dma_start3A_2017 = arith.constant 0 : i32
        %dma_start3A_2018 = arith.constant 0 : i32
        %dma_start3A_2019 = tpu.memref_slice %arg2[%dma_start3A_2017, %dma_start3A_2018] : memref<10000x128xf32, #tpu.memory_space<hbm>> -> memref<10000x128xf32, #tpu.memory_space<hbm>>
        tpu.enqueue_indirect_dma source(%dma_start3A_2019 : memref<10000x128xf32, #tpu.memory_space<hbm>>) target(%dma_start3A_2013 : memref<64x128xf32, #tpu.memory_space<vmem>>) offsets(%dma_start3A_2016 : memref<64xi32, #tpu.memory_space<vmem>>) semaphore(%arg17 : memref<!tpu.dma_semaphore, #tpu.memory_space<semaphore_mem>>)
        %dma_start3A_2020 = arith.constant 0 : i32
        %dma_start3A_2021 = arith.constant 64 : i32
        %dma_start3A_2022 = arith.constant 0 : i32
        %dma_start3A_2023 = tpu.memref_slice %arg10[%dma_start3A_2021, %dma_start3A_2022] : memref<128x128xf32, #tpu.memory_space<vmem>> -> memref<64x128xf32, #tpu.memory_space<vmem>>
        %dma_start3A_2024 = arith.constant 64 : i32
        %dma_start3A_2025 = tpu.memref_slice %arg7[%dma_start3A_2020, %dma_start3A_2024] : memref<2x128xi32, #tpu.memory_space<vmem>> -> memref<1x64xi32, #tpu.memory_space<vmem>>
        %dma_start3A_2026 = tpu.memref_squeeze %dma_start3A_2025 : memref<1x64xi32, #tpu.memory_space<vmem>> -> memref<64xi32, #tpu.memory_space<vmem>>
        %dma_start3A_2027 = arith.constant 0 : i32
        %dma_start3A_2028 = arith.constant 0 : i32
        %dma_start3A_2029 = tpu.memref_slice %arg2[%dma_start3A_2027, %dma_start3A_2028] : memref<10000x128xf32, #tpu.memory_space<hbm>> -> memref<10000x128xf32, #tpu.memory_space<hbm>>
        tpu.enqueue_indirect_dma source(%dma_start3A_2029 : memref<10000x128xf32, #tpu.memory_space<hbm>>) target(%dma_start3A_2023 : memref<64x128xf32, #tpu.memory_space<vmem>>) offsets(%dma_start3A_2026 : memref<64xi32, #tpu.memory_space<vmem>>) semaphore(%arg17 : memref<!tpu.dma_semaphore, #tpu.memory_space<semaphore_mem>>)
        %dma_wait3A_2030 = arith.constant 0 : i32
        %dma_wait3A_2031 = arith.constant 0 : i32
        %dma_wait3A_2032 = arith.constant 0 : i32
        %dma_wait3A_2033 = tpu.memref_slice %arg9[%dma_wait3A_2031, %dma_wait3A_2032] : memref<128x128xf32, #tpu.memory_space<vmem>> -> memref<64x128xf32, #tpu.memory_space<vmem>>
        %dma_wait3A_2034 = arith.constant 0 : i32
        %dma_wait3A_2035 = tpu.memref_slice %arg6[%dma_wait3A_2030, %dma_wait3A_2034] : memref<2x128xi32, #tpu.memory_space<vmem>> -> memref<1x64xi32, #tpu.memory_space<vmem>>
        %dma_wait3A_2036 = tpu.memref_squeeze %dma_wait3A_2035 : memref<1x64xi32, #tpu.memory_space<vmem>> -> memref<64xi32, #tpu.memory_space<vmem>>
        %dma_wait3A_2037 = arith.constant 0 : i32
        %dma_wait3A_2038 = arith.constant 0 : i32
        %dma_wait3A_2039 = tpu.memref_slice %arg2[%dma_wait3A_2037, %dma_wait3A_2038] : memref<10000x128xf32, #tpu.memory_space<hbm>> -> memref<10000x128xf32, #tpu.memory_space<hbm>>
        tpu.wait_indirect_dma semaphore(%arg16 : memref<!tpu.dma_semaphore, #tpu.memory_space<semaphore_mem>>) src(%dma_wait3A_2039 : memref<10000x128xf32, #tpu.memory_space<hbm>>) dst(%dma_wait3A_2033 : memref<64x128xf32, #tpu.memory_space<vmem>>)
        %dma_wait3A_2040 = arith.constant 0 : i32
        %dma_wait3A_2041 = arith.constant 64 : i32
        %dma_wait3A_2042 = arith.constant 0 : i32
        %dma_wait3A_2043 = tpu.memref_slice %arg9[%dma_wait3A_2041, %dma_wait3A_2042] : memref<128x128xf32, #tpu.memory_space<vmem>> -> memref<64x128xf32, #tpu.memory_space<vmem>>
        %dma_wait3A_2044 = arith.constant 64 : i32
        %dma_wait3A_2045 = tpu.memref_slice %arg6[%dma_wait3A_2040, %dma_wait3A_2044] : memref<2x128xi32, #tpu.memory_space<vmem>> -> memref<1x64xi32, #tpu.memory_space<vmem>>
        %dma_wait3A_2046 = tpu.memref_squeeze %dma_wait3A_2045 : memref<1x64xi32, #tpu.memory_space<vmem>> -> memref<64xi32, #tpu.memory_space<vmem>>
        %dma_wait3A_2047 = arith.constant 0 : i32
        %dma_wait3A_2048 = arith.constant 0 : i32
        %dma_wait3A_2049 = tpu.memref_slice %arg2[%dma_wait3A_2047, %dma_wait3A_2048] : memref<10000x128xf32, #tpu.memory_space<hbm>> -> memref<10000x128xf32, #tpu.memory_space<hbm>>
        tpu.wait_indirect_dma semaphore(%arg16 : memref<!tpu.dma_semaphore, #tpu.memory_space<semaphore_mem>>) src(%dma_wait3A_2049 : memref<10000x128xf32, #tpu.memory_space<hbm>>) dst(%dma_wait3A_2043 : memref<64x128xf32, #tpu.memory_space<vmem>>)
        %dma_start3A_2050 = arith.constant 1 : i32
        %dma_start3A_2051 = arith.constant 0 : i32
        %dma_start3A_2052 = tpu.memref_slice %arg6[%dma_start3A_2050, %dma_start3A_2051] : memref<2x128xi32, #tpu.memory_space<vmem>> -> memref<1x128xi32, #tpu.memory_space<vmem>>
        %dma_start3A_2053 = tpu.memref_squeeze %dma_start3A_2052 : memref<1x128xi32, #tpu.memory_space<vmem>> -> memref<128xi32, #tpu.memory_space<vmem>>
        %dma_start3A_2054 = arith.constant 0 : i32
        %dma_start3A_2055 = arith.constant 0 : i32
        %dma_start3A_2056 = tpu.memref_slice %arg11[%dma_start3A_2054, %dma_start3A_2055] : memref<10112x128xf32, #tpu.memory_space<vmem_shared>> -> memref<10112x128xf32, #tpu.memory_space<vmem_shared>>
        tpu.enqueue_indirect_dma source(%arg9 : memref<128x128xf32, #tpu.memory_space<vmem>>) target(%dma_start3A_2056 : memref<10112x128xf32, #tpu.memory_space<vmem_shared>>) offsets(%dma_start3A_2053 : memref<128xi32, #tpu.memory_space<vmem>>) semaphore(%arg19 : memref<!tpu.dma_semaphore, #tpu.memory_space<semaphore_mem>>) {add = true}
        %dma_wait3A_2057 = arith.constant 1 : i32
        %dma_wait3A_2058 = arith.constant 0 : i32
        %dma_wait3A_2059 = tpu.memref_slice %arg5[%dma_wait3A_2057, %dma_wait3A_2058] : memref<2x128xi32, #tpu.memory_space<vmem>> -> memref<1x128xi32, #tpu.memory_space<vmem>>
        %dma_wait3A_2060 = tpu.memref_squeeze %dma_wait3A_2059 : memref<1x128xi32, #tpu.memory_space<vmem>> -> memref<128xi32, #tpu.memory_space<vmem>>
        %dma_wait3A_2061 = arith.constant 0 : i32
        %dma_wait3A_2062 = arith.constant 0 : i32
        %dma_wait3A_2063 = tpu.memref_slice %arg11[%dma_wait3A_2061, %dma_wait3A_2062] : memref<10112x128xf32, #tpu.memory_space<vmem_shared>> -> memref<10112x128xf32, #tpu.memory_space<vmem_shared>>
        tpu.wait_indirect_dma semaphore(%arg18 : memref<!tpu.dma_semaphore, #tpu.memory_space<semaphore_mem>>) src(%arg8 : memref<128x128xf32, #tpu.memory_space<vmem>>) dst(%dma_wait3A_2063 : memref<10112x128xf32, #tpu.memory_space<vmem_shared>>)
        %add3A_2064 = arith.constant 2 : i32
        %add3A_2065 = arith.addi %add3A_1843, %add3A_2064 : i32
        %mul3A_2066 = arith.constant 128 : i32
        %mul3A_2067 = arith.muli %add3A_2065, %mul3A_2066 : i32
        %add3A_2068 = arith.addi %mul3A_15, %mul3A_2067 : i32
        %dma_start3A_2069 = arith.constant 0 : i32
        %dma_start3A_2070 = tpu.memref_slice %arg3[%dma_start3A_2069, %add3A_2068] : memref<2x320000xi32, #tpu.memory_space<hbm>> -> memref<2x128xi32, #tpu.memory_space<hbm>>
        %dma_start3A_2071 = arith.constant 0 : i32
        %dma_start3A_2072 = tpu.memref_slice %arg3[%dma_start3A_2071, %add3A_2068] : memref<2x320000xi32, #tpu.memory_space<hbm>> -> memref<2x128xi32, #tpu.memory_space<hbm>>
        tpu.enqueue_dma source(%dma_start3A_2072 : memref<2x128xi32, #tpu.memory_space<hbm>>) target(%arg5 : memref<2x128xi32, #tpu.memory_space<vmem>>) target_semaphore(%arg12 : memref<!tpu.dma_semaphore, #tpu.memory_space<semaphore_mem>>)
        %add3A_2073 = arith.constant 2 : i32
        %add3A_2074 = arith.addi %add3A_1612, %add3A_2073 : i32
        %dma_wait3A_2075 = arith.constant 0 : i32
        %dma_wait3A_2076 = arith.constant 0 : i32
        %dma_wait3A_2077 = tpu.memref_slice %arg3[%dma_wait3A_2075, %dma_wait3A_2076] : memref<2x320000xi32, #tpu.memory_space<hbm>> -> memref<2x128xi32, #tpu.memory_space<hbm>>
        %dma_wait3A_2078 = arith.constant 0 : i32
        %dma_wait3A_2079 = arith.constant 0 : i32
        %dma_wait3A_2080 = tpu.memref_slice %arg3[%dma_wait3A_2078, %dma_wait3A_2079] : memref<2x320000xi32, #tpu.memory_space<hbm>> -> memref<2x128xi32, #tpu.memory_space<hbm>>
        tpu.wait_dma2 semaphore(%arg12 : memref<!tpu.dma_semaphore, #tpu.memory_space<semaphore_mem>>) src(%dma_wait3A_2080 : memref<2x128xi32, #tpu.memory_space<hbm>>) dst(%arg5 : memref<2x128xi32, #tpu.memory_space<vmem>>)
        %get3A_2081 = arith.constant 0 : i32
        %get3A_2082 = arith.index_cast %get3A_2081 : i32 to index
        %get3A_2083 = arith.constant 0 : index
        %get3A_2084 = tpu.vector_load %arg5[%get3A_2082, %get3A_2083] {strides = array<i32>} : memref<2x128xi32, #tpu.memory_space<vmem>>, vector<1x16xi32>,
        %get3A_2085 = vector.shape_cast %get3A_2084 : vector<1x16xi32> to vector<16xi32>
        %get3A_2086 = arith.constant 1 : i32
        %get3A_2087 = arith.index_cast %get3A_2086 : i32 to index
        %get3A_2088 = arith.constant 0 : index
        %get3A_2089 = tpu.vector_load %arg5[%get3A_2087, %get3A_2088] {strides = array<i32>} : memref<2x128xi32, #tpu.memory_space<vmem>>, vector<1x16xi32>,
        %get3A_2090 = vector.shape_cast %get3A_2089 : vector<1x16xi32> to vector<16xi32>
        %eq3A_2091 = arith.cmpi eq, %get3A_2085, %get3A_2090 : vector<16xi32>
        %broadcast_in_dim3A_2092 = arith.constant 10000 : i32
        %broadcast_in_dim3A_2093 = vector.broadcast %broadcast_in_dim3A_2092 : i32 to vector<16xi32>
        %select_n3A_2094 = arith.select %eq3A_2091, %broadcast_in_dim3A_2093, %get3A_2090 : vector<16xi1>, vector<16xi32>
        %swap3A_2095 = arith.constant 1 : i32
        %swap3A_2096 = arith.index_cast %swap3A_2095 : i32 to index
        %swap3A_2097 = arith.constant 0 : index
        %swap3A_2098 = tpu.vector_load %arg5[%swap3A_2096, %swap3A_2097] {strides = array<i32>} : memref<2x128xi32, #tpu.memory_space<vmem>>, vector<1x16xi32>,
        %swap3A_2099 = vector.shape_cast %swap3A_2098 : vector<1x16xi32> to vector<16xi32>
        %swap3A_2100 = vector.shape_cast %select_n3A_2094 : vector<16xi32> to vector<1x16xi32>
        tpu.vector_store %arg5[%swap3A_2096, %swap3A_2097], %swap3A_2100 {strides = array<i32>} : memref<2x128xi32, #tpu.memory_space<vmem>>, vector<1x16xi32>,
        %get3A_2101 = arith.constant 0 : i32
        %get3A_2102 = arith.index_cast %get3A_2101 : i32 to index
        %get3A_2103 = arith.constant 16 : index
        %get3A_2104 = tpu.vector_load %arg5[%get3A_2102, %get3A_2103] {strides = array<i32>} : memref<2x128xi32, #tpu.memory_space<vmem>>, vector<1x16xi32>,
        %get3A_2105 = vector.shape_cast %get3A_2104 : vector<1x16xi32> to vector<16xi32>
        %get3A_2106 = arith.constant 1 : i32
        %get3A_2107 = arith.index_cast %get3A_2106 : i32 to index
        %get3A_2108 = arith.constant 16 : index
        %get3A_2109 = tpu.vector_load %arg5[%get3A_2107, %get3A_2108] {strides = array<i32>} : memref<2x128xi32, #tpu.memory_space<vmem>>, vector<1x16xi32>,
        %get3A_2110 = vector.shape_cast %get3A_2109 : vector<1x16xi32> to vector<16xi32>
        %eq3A_2111 = arith.cmpi eq, %get3A_2105, %get3A_2110 : vector<16xi32>
        %broadcast_in_dim3A_2112 = arith.constant 10000 : i32
        %broadcast_in_dim3A_2113 = vector.broadcast %broadcast_in_dim3A_2112 : i32 to vector<16xi32>
        %select_n3A_2114 = arith.select %eq3A_2111, %broadcast_in_dim3A_2113, %get3A_2110 : vector<16xi1>, vector<16xi32>
        %swap3A_2115 = arith.constant 1 : i32
        %swap3A_2116 = arith.index_cast %swap3A_2115 : i32 to index
        %swap3A_2117 = arith.constant 16 : index
        %swap3A_2118 = tpu.vector_load %arg5[%swap3A_2116, %swap3A_2117] {strides = array<i32>} : memref<2x128xi32, #tpu.memory_space<vmem>>, vector<1x16xi32>,
        %swap3A_2119 = vector.shape_cast %swap3A_2118 : vector<1x16xi32> to vector<16xi32>
        %swap3A_2120 = vector.shape_cast %select_n3A_2114 : vector<16xi32> to vector<1x16xi32>
        tpu.vector_store %arg5[%swap3A_2116, %swap3A_2117], %swap3A_2120 {strides = array<i32>} : memref<2x128xi32, #tpu.memory_space<vmem>>, vector<1x16xi32>,
        %get3A_2121 = arith.constant 0 : i32
        %get3A_2122 = arith.index_cast %get3A_2121 : i32 to index
        %get3A_2123 = arith.constant 32 : index
        %get3A_2124 = tpu.vector_load %arg5[%get3A_2122, %get3A_2123] {strides = array<i32>} : memref<2x128xi32, #tpu.memory_space<vmem>>, vector<1x16xi32>,
        %get3A_2125 = vector.shape_cast %get3A_2124 : vector<1x16xi32> to vector<16xi32>
        %get3A_2126 = arith.constant 1 : i32
        %get3A_2127 = arith.index_cast %get3A_2126 : i32 to index
        %get3A_2128 = arith.constant 32 : index
        %get3A_2129 = tpu.vector_load %arg5[%get3A_2127, %get3A_2128] {strides = array<i32>} : memref<2x128xi32, #tpu.memory_space<vmem>>, vector<1x16xi32>,
        %get3A_2130 = vector.shape_cast %get3A_2129 : vector<1x16xi32> to vector<16xi32>
        %eq3A_2131 = arith.cmpi eq, %get3A_2125, %get3A_2130 : vector<16xi32>
        %broadcast_in_dim3A_2132 = arith.constant 10000 : i32
        %broadcast_in_dim3A_2133 = vector.broadcast %broadcast_in_dim3A_2132 : i32 to vector<16xi32>
        %select_n3A_2134 = arith.select %eq3A_2131, %broadcast_in_dim3A_2133, %get3A_2130 : vector<16xi1>, vector<16xi32>
        %swap3A_2135 = arith.constant 1 : i32
        %swap3A_2136 = arith.index_cast %swap3A_2135 : i32 to index
        %swap3A_2137 = arith.constant 32 : index
        %swap3A_2138 = tpu.vector_load %arg5[%swap3A_2136, %swap3A_2137] {strides = array<i32>} : memref<2x128xi32, #tpu.memory_space<vmem>>, vector<1x16xi32>,
        %swap3A_2139 = vector.shape_cast %swap3A_2138 : vector<1x16xi32> to vector<16xi32>
        %swap3A_2140 = vector.shape_cast %select_n3A_2134 : vector<16xi32> to vector<1x16xi32>
        tpu.vector_store %arg5[%swap3A_2136, %swap3A_2137], %swap3A_2140 {strides = array<i32>} : memref<2x128xi32, #tpu.memory_space<vmem>>, vector<1x16xi32>,
        %get3A_2141 = arith.constant 0 : i32
        %get3A_2142 = arith.index_cast %get3A_2141 : i32 to index
        %get3A_2143 = arith.constant 48 : index
        %get3A_2144 = tpu.vector_load %arg5[%get3A_2142, %get3A_2143] {strides = array<i32>} : memref<2x128xi32, #tpu.memory_space<vmem>>, vector<1x16xi32>,
        %get3A_2145 = vector.shape_cast %get3A_2144 : vector<1x16xi32> to vector<16xi32>
        %get3A_2146 = arith.constant 1 : i32
        %get3A_2147 = arith.index_cast %get3A_2146 : i32 to index
        %get3A_2148 = arith.constant 48 : index
        %get3A_2149 = tpu.vector_load %arg5[%get3A_2147, %get3A_2148] {strides = array<i32>} : memref<2x128xi32, #tpu.memory_space<vmem>>, vector<1x16xi32>,
        %get3A_2150 = vector.shape_cast %get3A_2149 : vector<1x16xi32> to vector<16xi32>
        %eq3A_2151 = arith.cmpi eq, %get3A_2145, %get3A_2150 : vector<16xi32>
        %broadcast_in_dim3A_2152 = arith.constant 10000 : i32
        %broadcast_in_dim3A_2153 = vector.broadcast %broadcast_in_dim3A_2152 : i32 to vector<16xi32>
        %select_n3A_2154 = arith.select %eq3A_2151, %broadcast_in_dim3A_2153, %get3A_2150 : vector<16xi1>, vector<16xi32>
        %swap3A_2155 = arith.constant 1 : i32
        %swap3A_2156 = arith.index_cast %swap3A_2155 : i32 to index
        %swap3A_2157 = arith.constant 48 : index
        %swap3A_2158 = tpu.vector_load %arg5[%swap3A_2156, %swap3A_2157] {strides = array<i32>} : memref<2x128xi32, #tpu.memory_space<vmem>>, vector<1x16xi32>,
        %swap3A_2159 = vector.shape_cast %swap3A_2158 : vector<1x16xi32> to vector<16xi32>
        %swap3A_2160 = vector.shape_cast %select_n3A_2154 : vector<16xi32> to vector<1x16xi32>
        tpu.vector_store %arg5[%swap3A_2156, %swap3A_2157], %swap3A_2160 {strides = array<i32>} : memref<2x128xi32, #tpu.memory_space<vmem>>, vector<1x16xi32>,
        %get3A_2161 = arith.constant 0 : i32
        %get3A_2162 = arith.index_cast %get3A_2161 : i32 to index
        %get3A_2163 = arith.constant 64 : index
        %get3A_2164 = tpu.vector_load %arg5[%get3A_2162, %get3A_2163] {strides = array<i32>} : memref<2x128xi32, #tpu.memory_space<vmem>>, vector<1x16xi32>,
        %get3A_2165 = vector.shape_cast %get3A_2164 : vector<1x16xi32> to vector<16xi32>
        %get3A_2166 = arith.constant 1 : i32
        %get3A_2167 = arith.index_cast %get3A_2166 : i32 to index
        %get3A_2168 = arith.constant 64 : index
        %get3A_2169 = tpu.vector_load %arg5[%get3A_2167, %get3A_2168] {strides = array<i32>} : memref<2x128xi32, #tpu.memory_space<vmem>>, vector<1x16xi32>,
        %get3A_2170 = vector.shape_cast %get3A_2169 : vector<1x16xi32> to vector<16xi32>
        %eq3A_2171 = arith.cmpi eq, %get3A_2165, %get3A_2170 : vector<16xi32>
        %broadcast_in_dim3A_2172 = arith.constant 10000 : i32
        %broadcast_in_dim3A_2173 = vector.broadcast %broadcast_in_dim3A_2172 : i32 to vector<16xi32>
        %select_n3A_2174 = arith.select %eq3A_2171, %broadcast_in_dim3A_2173, %get3A_2170 : vector<16xi1>, vector<16xi32>
        %swap3A_2175 = arith.constant 1 : i32
        %swap3A_2176 = arith.index_cast %swap3A_2175 : i32 to index
        %swap3A_2177 = arith.constant 64 : index
        %swap3A_2178 = tpu.vector_load %arg5[%swap3A_2176, %swap3A_2177] {strides = array<i32>} : memref<2x128xi32, #tpu.memory_space<vmem>>, vector<1x16xi32>,
        %swap3A_2179 = vector.shape_cast %swap3A_2178 : vector<1x16xi32> to vector<16xi32>
        %swap3A_2180 = vector.shape_cast %select_n3A_2174 : vector<16xi32> to vector<1x16xi32>
        tpu.vector_store %arg5[%swap3A_2176, %swap3A_2177], %swap3A_2180 {strides = array<i32>} : memref<2x128xi32, #tpu.memory_space<vmem>>, vector<1x16xi32>,
        %get3A_2181 = arith.constant 0 : i32
        %get3A_2182 = arith.index_cast %get3A_2181 : i32 to index
        %get3A_2183 = arith.constant 80 : index
        %get3A_2184 = tpu.vector_load %arg5[%get3A_2182, %get3A_2183] {strides = array<i32>} : memref<2x128xi32, #tpu.memory_space<vmem>>, vector<1x16xi32>,
        %get3A_2185 = vector.shape_cast %get3A_2184 : vector<1x16xi32> to vector<16xi32>
        %get3A_2186 = arith.constant 1 : i32
        %get3A_2187 = arith.index_cast %get3A_2186 : i32 to index
        %get3A_2188 = arith.constant 80 : index
        %get3A_2189 = tpu.vector_load %arg5[%get3A_2187, %get3A_2188] {strides = array<i32>} : memref<2x128xi32, #tpu.memory_space<vmem>>, vector<1x16xi32>,
        %get3A_2190 = vector.shape_cast %get3A_2189 : vector<1x16xi32> to vector<16xi32>
        %eq3A_2191 = arith.cmpi eq, %get3A_2185, %get3A_2190 : vector<16xi32>
        %broadcast_in_dim3A_2192 = arith.constant 10000 : i32
        %broadcast_in_dim3A_2193 = vector.broadcast %broadcast_in_dim3A_2192 : i32 to vector<16xi32>
        %select_n3A_2194 = arith.select %eq3A_2191, %broadcast_in_dim3A_2193, %get3A_2190 : vector<16xi1>, vector<16xi32>
        %swap3A_2195 = arith.constant 1 : i32
        %swap3A_2196 = arith.index_cast %swap3A_2195 : i32 to index
        %swap3A_2197 = arith.constant 80 : index
        %swap3A_2198 = tpu.vector_load %arg5[%swap3A_2196, %swap3A_2197] {strides = array<i32>} : memref<2x128xi32, #tpu.memory_space<vmem>>, vector<1x16xi32>,
        %swap3A_2199 = vector.shape_cast %swap3A_2198 : vector<1x16xi32> to vector<16xi32>
        %swap3A_2200 = vector.shape_cast %select_n3A_2194 : vector<16xi32> to vector<1x16xi32>
        tpu.vector_store %arg5[%swap3A_2196, %swap3A_2197], %swap3A_2200 {strides = array<i32>} : memref<2x128xi32, #tpu.memory_space<vmem>>, vector<1x16xi32>,
        %get3A_2201 = arith.constant 0 : i32
        %get3A_2202 = arith.index_cast %get3A_2201 : i32 to index
        %get3A_2203 = arith.constant 96 : index
        %get3A_2204 = tpu.vector_load %arg5[%get3A_2202, %get3A_2203] {strides = array<i32>} : memref<2x128xi32, #tpu.memory_space<vmem>>, vector<1x16xi32>,
        %get3A_2205 = vector.shape_cast %get3A_2204 : vector<1x16xi32> to vector<16xi32>
        %get3A_2206 = arith.constant 1 : i32
        %get3A_2207 = arith.index_cast %get3A_2206 : i32 to index
        %get3A_2208 = arith.constant 96 : index
        %get3A_2209 = tpu.vector_load %arg5[%get3A_2207, %get3A_2208] {strides = array<i32>} : memref<2x128xi32, #tpu.memory_space<vmem>>, vector<1x16xi32>,
        %get3A_2210 = vector.shape_cast %get3A_2209 : vector<1x16xi32> to vector<16xi32>
        %eq3A_2211 = arith.cmpi eq, %get3A_2205, %get3A_2210 : vector<16xi32>
        %broadcast_in_dim3A_2212 = arith.constant 10000 : i32
        %broadcast_in_dim3A_2213 = vector.broadcast %broadcast_in_dim3A_2212 : i32 to vector<16xi32>
        %select_n3A_2214 = arith.select %eq3A_2211, %broadcast_in_dim3A_2213, %get3A_2210 : vector<16xi1>, vector<16xi32>
        %swap3A_2215 = arith.constant 1 : i32
        %swap3A_2216 = arith.index_cast %swap3A_2215 : i32 to index
        %swap3A_2217 = arith.constant 96 : index
        %swap3A_2218 = tpu.vector_load %arg5[%swap3A_2216, %swap3A_2217] {strides = array<i32>} : memref<2x128xi32, #tpu.memory_space<vmem>>, vector<1x16xi32>,
        %swap3A_2219 = vector.shape_cast %swap3A_2218 : vector<1x16xi32> to vector<16xi32>
        %swap3A_2220 = vector.shape_cast %select_n3A_2214 : vector<16xi32> to vector<1x16xi32>
        tpu.vector_store %arg5[%swap3A_2216, %swap3A_2217], %swap3A_2220 {strides = array<i32>} : memref<2x128xi32, #tpu.memory_space<vmem>>, vector<1x16xi32>,
        %get3A_2221 = arith.constant 0 : i32
        %get3A_2222 = arith.index_cast %get3A_2221 : i32 to index
        %get3A_2223 = arith.constant 112 : index
        %get3A_2224 = tpu.vector_load %arg5[%get3A_2222, %get3A_2223] {strides = array<i32>} : memref<2x128xi32, #tpu.memory_space<vmem>>, vector<1x16xi32>,
        %get3A_2225 = vector.shape_cast %get3A_2224 : vector<1x16xi32> to vector<16xi32>
        %get3A_2226 = arith.constant 1 : i32
        %get3A_2227 = arith.index_cast %get3A_2226 : i32 to index
        %get3A_2228 = arith.constant 112 : index
        %get3A_2229 = tpu.vector_load %arg5[%get3A_2227, %get3A_2228] {strides = array<i32>} : memref<2x128xi32, #tpu.memory_space<vmem>>, vector<1x16xi32>,
        %get3A_2230 = vector.shape_cast %get3A_2229 : vector<1x16xi32> to vector<16xi32>
        %eq3A_2231 = arith.cmpi eq, %get3A_2225, %get3A_2230 : vector<16xi32>
        %broadcast_in_dim3A_2232 = arith.constant 10000 : i32
        %broadcast_in_dim3A_2233 = vector.broadcast %broadcast_in_dim3A_2232 : i32 to vector<16xi32>
        %select_n3A_2234 = arith.select %eq3A_2231, %broadcast_in_dim3A_2233, %get3A_2230 : vector<16xi1>, vector<16xi32>
        %swap3A_2235 = arith.constant 1 : i32
        %swap3A_2236 = arith.index_cast %swap3A_2235 : i32 to index
        %swap3A_2237 = arith.constant 112 : index
        %swap3A_2238 = tpu.vector_load %arg5[%swap3A_2236, %swap3A_2237] {strides = array<i32>} : memref<2x128xi32, #tpu.memory_space<vmem>>, vector<1x16xi32>,
        %swap3A_2239 = vector.shape_cast %swap3A_2238 : vector<1x16xi32> to vector<16xi32>
        %swap3A_2240 = vector.shape_cast %select_n3A_2234 : vector<16xi32> to vector<1x16xi32>
        tpu.vector_store %arg5[%swap3A_2236, %swap3A_2237], %swap3A_2240 {strides = array<i32>} : memref<2x128xi32, #tpu.memory_space<vmem>>, vector<1x16xi32>,
        %dma_start3A_2241 = arith.constant 0 : i32
        %dma_start3A_2242 = arith.constant 0 : i32
        %dma_start3A_2243 = arith.constant 0 : i32
        %dma_start3A_2244 = tpu.memref_slice %arg8[%dma_start3A_2242, %dma_start3A_2243] : memref<128x128xf32, #tpu.memory_space<vmem>> -> memref<64x128xf32, #tpu.memory_space<vmem>>
        %dma_start3A_2245 = arith.constant 0 : i32
        %dma_start3A_2246 = tpu.memref_slice %arg5[%dma_start3A_2241, %dma_start3A_2245] : memref<2x128xi32, #tpu.memory_space<vmem>> -> memref<1x64xi32, #tpu.memory_space<vmem>>
        %dma_start3A_2247 = tpu.memref_squeeze %dma_start3A_2246 : memref<1x64xi32, #tpu.memory_space<vmem>> -> memref<64xi32, #tpu.memory_space<vmem>>
        %dma_start3A_2248 = arith.constant 0 : i32
        %dma_start3A_2249 = arith.constant 0 : i32
        %dma_start3A_2250 = tpu.memref_slice %arg2[%dma_start3A_2248, %dma_start3A_2249] : memref<10000x128xf32, #tpu.memory_space<hbm>> -> memref<10000x128xf32, #tpu.memory_space<hbm>>
        tpu.enqueue_indirect_dma source(%dma_start3A_2250 : memref<10000x128xf32, #tpu.memory_space<hbm>>) target(%dma_start3A_2244 : memref<64x128xf32, #tpu.memory_space<vmem>>) offsets(%dma_start3A_2247 : memref<64xi32, #tpu.memory_space<vmem>>) semaphore(%arg15 : memref<!tpu.dma_semaphore, #tpu.memory_space<semaphore_mem>>)
        %dma_start3A_2251 = arith.constant 0 : i32
        %dma_start3A_2252 = arith.constant 64 : i32
        %dma_start3A_2253 = arith.constant 0 : i32
        %dma_start3A_2254 = tpu.memref_slice %arg8[%dma_start3A_2252, %dma_start3A_2253] : memref<128x128xf32, #tpu.memory_space<vmem>> -> memref<64x128xf32, #tpu.memory_space<vmem>>
        %dma_start3A_2255 = arith.constant 64 : i32
        %dma_start3A_2256 = tpu.memref_slice %arg5[%dma_start3A_2251, %dma_start3A_2255] : memref<2x128xi32, #tpu.memory_space<vmem>> -> memref<1x64xi32, #tpu.memory_space<vmem>>
        %dma_start3A_2257 = tpu.memref_squeeze %dma_start3A_2256 : memref<1x64xi32, #tpu.memory_space<vmem>> -> memref<64xi32, #tpu.memory_space<vmem>>
        %dma_start3A_2258 = arith.constant 0 : i32
        %dma_start3A_2259 = arith.constant 0 : i32
        %dma_start3A_2260 = tpu.memref_slice %arg2[%dma_start3A_2258, %dma_start3A_2259] : memref<10000x128xf32, #tpu.memory_space<hbm>> -> memref<10000x128xf32, #tpu.memory_space<hbm>>
        tpu.enqueue_indirect_dma source(%dma_start3A_2260 : memref<10000x128xf32, #tpu.memory_space<hbm>>) target(%dma_start3A_2254 : memref<64x128xf32, #tpu.memory_space<vmem>>) offsets(%dma_start3A_2257 : memref<64xi32, #tpu.memory_space<vmem>>) semaphore(%arg15 : memref<!tpu.dma_semaphore, #tpu.memory_space<semaphore_mem>>)
        %dma_wait3A_2261 = arith.constant 0 : i32
        %dma_wait3A_2262 = arith.constant 0 : i32
        %dma_wait3A_2263 = arith.constant 0 : i32
        %dma_wait3A_2264 = tpu.memref_slice %arg10[%dma_wait3A_2262, %dma_wait3A_2263] : memref<128x128xf32, #tpu.memory_space<vmem>> -> memref<64x128xf32, #tpu.memory_space<vmem>>
        %dma_wait3A_2265 = arith.constant 0 : i32
        %dma_wait3A_2266 = tpu.memref_slice %arg7[%dma_wait3A_2261, %dma_wait3A_2265] : memref<2x128xi32, #tpu.memory_space<vmem>> -> memref<1x64xi32, #tpu.memory_space<vmem>>
        %dma_wait3A_2267 = tpu.memref_squeeze %dma_wait3A_2266 : memref<1x64xi32, #tpu.memory_space<vmem>> -> memref<64xi32, #tpu.memory_space<vmem>>
        %dma_wait3A_2268 = arith.constant 0 : i32
        %dma_wait3A_2269 = arith.constant 0 : i32
        %dma_wait3A_2270 = tpu.memref_slice %arg2[%dma_wait3A_2268, %dma_wait3A_2269] : memref<10000x128xf32, #tpu.memory_space<hbm>> -> memref<10000x128xf32, #tpu.memory_space<hbm>>
        tpu.wait_indirect_dma semaphore(%arg17 : memref<!tpu.dma_semaphore, #tpu.memory_space<semaphore_mem>>) src(%dma_wait3A_2270 : memref<10000x128xf32, #tpu.memory_space<hbm>>) dst(%dma_wait3A_2264 : memref<64x128xf32, #tpu.memory_space<vmem>>)
        %dma_wait3A_2271 = arith.constant 0 : i32
        %dma_wait3A_2272 = arith.constant 64 : i32
        %dma_wait3A_2273 = arith.constant 0 : i32
        %dma_wait3A_2274 = tpu.memref_slice %arg10[%dma_wait3A_2272, %dma_wait3A_2273] : memref<128x128xf32, #tpu.memory_space<vmem>> -> memref<64x128xf32, #tpu.memory_space<vmem>>
        %dma_wait3A_2275 = arith.constant 64 : i32
        %dma_wait3A_2276 = tpu.memref_slice %arg7[%dma_wait3A_2271, %dma_wait3A_2275] : memref<2x128xi32, #tpu.memory_space<vmem>> -> memref<1x64xi32, #tpu.memory_space<vmem>>
        %dma_wait3A_2277 = tpu.memref_squeeze %dma_wait3A_2276 : memref<1x64xi32, #tpu.memory_space<vmem>> -> memref<64xi32, #tpu.memory_space<vmem>>
        %dma_wait3A_2278 = arith.constant 0 : i32
        %dma_wait3A_2279 = arith.constant 0 : i32
        %dma_wait3A_2280 = tpu.memref_slice %arg2[%dma_wait3A_2278, %dma_wait3A_2279] : memref<10000x128xf32, #tpu.memory_space<hbm>> -> memref<10000x128xf32, #tpu.memory_space<hbm>>
        tpu.wait_indirect_dma semaphore(%arg17 : memref<!tpu.dma_semaphore, #tpu.memory_space<semaphore_mem>>) src(%dma_wait3A_2280 : memref<10000x128xf32, #tpu.memory_space<hbm>>) dst(%dma_wait3A_2274 : memref<64x128xf32, #tpu.memory_space<vmem>>)
        %dma_start3A_2281 = arith.constant 1 : i32
        %dma_start3A_2282 = arith.constant 0 : i32
        %dma_start3A_2283 = tpu.memref_slice %arg7[%dma_start3A_2281, %dma_start3A_2282] : memref<2x128xi32, #tpu.memory_space<vmem>> -> memref<1x128xi32, #tpu.memory_space<vmem>>
        %dma_start3A_2284 = tpu.memref_squeeze %dma_start3A_2283 : memref<1x128xi32, #tpu.memory_space<vmem>> -> memref<128xi32, #tpu.memory_space<vmem>>
        %dma_start3A_2285 = arith.constant 0 : i32
        %dma_start3A_2286 = arith.constant 0 : i32
        %dma_start3A_2287 = tpu.memref_slice %arg11[%dma_start3A_2285, %dma_start3A_2286] : memref<10112x128xf32, #tpu.memory_space<vmem_shared>> -> memref<10112x128xf32, #tpu.memory_space<vmem_shared>>
        tpu.enqueue_indirect_dma source(%arg10 : memref<128x128xf32, #tpu.memory_space<vmem>>) target(%dma_start3A_2287 : memref<10112x128xf32, #tpu.memory_space<vmem_shared>>) offsets(%dma_start3A_2284 : memref<128xi32, #tpu.memory_space<vmem>>) semaphore(%arg20 : memref<!tpu.dma_semaphore, #tpu.memory_space<semaphore_mem>>) {add = true}
        %dma_wait3A_2288 = arith.constant 1 : i32
        %dma_wait3A_2289 = arith.constant 0 : i32
        %dma_wait3A_2290 = tpu.memref_slice %arg6[%dma_wait3A_2288, %dma_wait3A_2289] : memref<2x128xi32, #tpu.memory_space<vmem>> -> memref<1x128xi32, #tpu.memory_space<vmem>>
        %dma_wait3A_2291 = tpu.memref_squeeze %dma_wait3A_2290 : memref<1x128xi32, #tpu.memory_space<vmem>> -> memref<128xi32, #tpu.memory_space<vmem>>
        %dma_wait3A_2292 = arith.constant 0 : i32
        %dma_wait3A_2293 = arith.constant 0 : i32
        %dma_wait3A_2294 = tpu.memref_slice %arg11[%dma_wait3A_2292, %dma_wait3A_2293] : memref<10112x128xf32, #tpu.memory_space<vmem_shared>> -> memref<10112x128xf32, #tpu.memory_space<vmem_shared>>
        tpu.wait_indirect_dma semaphore(%arg19 : memref<!tpu.dma_semaphore, #tpu.memory_space<semaphore_mem>>) src(%arg9 : memref<128x128xf32, #tpu.memory_space<vmem>>) dst(%dma_wait3A_2294 : memref<10112x128xf32, #tpu.memory_space<vmem_shared>>)
        %add3A_2295 = arith.constant 2 : i32
        %add3A_2296 = arith.addi %add3A_2074, %add3A_2295 : i32
        %mul3A_2297 = arith.constant 128 : i32
        %mul3A_2298 = arith.muli %add3A_2296, %mul3A_2297 : i32
        %add3A_2299 = arith.addi %mul3A_15, %mul3A_2298 : i32
        %dma_start3A_2300 = arith.constant 0 : i32
        %dma_start3A_2301 = tpu.memref_slice %arg3[%dma_start3A_2300, %add3A_2299] : memref<2x320000xi32, #tpu.memory_space<hbm>> -> memref<2x128xi32, #tpu.memory_space<hbm>>
        %dma_start3A_2302 = arith.constant 0 : i32
        %dma_start3A_2303 = tpu.memref_slice %arg3[%dma_start3A_2302, %add3A_2299] : memref<2x320000xi32, #tpu.memory_space<hbm>> -> memref<2x128xi32, #tpu.memory_space<hbm>>
        tpu.enqueue_dma source(%dma_start3A_2303 : memref<2x128xi32, #tpu.memory_space<hbm>>) target(%arg6 : memref<2x128xi32, #tpu.memory_space<vmem>>) target_semaphore(%arg13 : memref<!tpu.dma_semaphore, #tpu.memory_space<semaphore_mem>>)
      }
      %scan3A_896 = arith.constant 24 : i32
      %dma_wait3A_897 = arith.constant 0 : i32
      %dma_wait3A_898 = arith.constant 0 : i32
      %dma_wait3A_899 = tpu.memref_slice %arg3[%dma_wait3A_897, %dma_wait3A_898] : memref<2x320000xi32, #tpu.memory_space<hbm>> -> memref<2x128xi32, #tpu.memory_space<hbm>>
      %dma_wait3A_900 = arith.constant 0 : i32
      %dma_wait3A_901 = arith.constant 0 : i32
      %dma_wait3A_902 = tpu.memref_slice %arg3[%dma_wait3A_900, %dma_wait3A_901] : memref<2x320000xi32, #tpu.memory_space<hbm>> -> memref<2x128xi32, #tpu.memory_space<hbm>>
      tpu.wait_dma2 semaphore(%arg13 : memref<!tpu.dma_semaphore, #tpu.memory_space<semaphore_mem>>) src(%dma_wait3A_902 : memref<2x128xi32, #tpu.memory_space<hbm>>) dst(%arg6 : memref<2x128xi32, #tpu.memory_space<vmem>>)
      %get3A_903 = arith.constant 0 : i32
      %get3A_904 = arith.index_cast %get3A_903 : i32 to index
      %get3A_905 = arith.constant 0 : index
      %get3A_906 = tpu.vector_load %arg6[%get3A_904, %get3A_905] {strides = array<i32>} : memref<2x128xi32, #tpu.memory_space<vmem>>, vector<1x16xi32>,
      %get3A_907 = vector.shape_cast %get3A_906 : vector<1x16xi32> to vector<16xi32>
      %get3A_908 = arith.constant 1 : i32
      %get3A_909 = arith.index_cast %get3A_908 : i32 to index
      %get3A_910 = arith.constant 0 : index
      %get3A_911 = tpu.vector_load %arg6[%get3A_909, %get3A_910] {strides = array<i32>} : memref<2x128xi32, #tpu.memory_space<vmem>>, vector<1x16xi32>,
      %get3A_912 = vector.shape_cast %get3A_911 : vector<1x16xi32> to vector<16xi32>
      %eq3A_913 = arith.cmpi eq, %get3A_907, %get3A_912 : vector<16xi32>
      %broadcast_in_dim3A_914 = arith.constant 10000 : i32
      %broadcast_in_dim3A_915 = vector.broadcast %broadcast_in_dim3A_914 : i32 to vector<16xi32>
      %select_n3A_916 = arith.select %eq3A_913, %broadcast_in_dim3A_915, %get3A_912 : vector<16xi1>, vector<16xi32>
      %swap3A_917 = arith.constant 1 : i32
      %swap3A_918 = arith.index_cast %swap3A_917 : i32 to index
      %swap3A_919 = arith.constant 0 : index
      %swap3A_920 = tpu.vector_load %arg6[%swap3A_918, %swap3A_919] {strides = array<i32>} : memref<2x128xi32, #tpu.memory_space<vmem>>, vector<1x16xi32>,
      %swap3A_921 = vector.shape_cast %swap3A_920 : vector<1x16xi32> to vector<16xi32>
      %swap3A_922 = vector.shape_cast %select_n3A_916 : vector<16xi32> to vector<1x16xi32>
      tpu.vector_store %arg6[%swap3A_918, %swap3A_919], %swap3A_922 {strides = array<i32>} : memref<2x128xi32, #tpu.memory_space<vmem>>, vector<1x16xi32>,
      %get3A_923 = arith.constant 0 : i32
      %get3A_924 = arith.index_cast %get3A_923 : i32 to index
      %get3A_925 = arith.constant 16 : index
      %get3A_926 = tpu.vector_load %arg6[%get3A_924, %get3A_925] {strides = array<i32>} : memref<2x128xi32, #tpu.memory_space<vmem>>, vector<1x16xi32>,
      %get3A_927 = vector.shape_cast %get3A_926 : vector<1x16xi32> to vector<16xi32>
      %get3A_928 = arith.constant 1 : i32
      %get3A_929 = arith.index_cast %get3A_928 : i32 to index
      %get3A_930 = arith.constant 16 : index
      %get3A_931 = tpu.vector_load %arg6[%get3A_929, %get3A_930] {strides = array<i32>} : memref<2x128xi32, #tpu.memory_space<vmem>>, vector<1x16xi32>,
      %get3A_932 = vector.shape_cast %get3A_931 : vector<1x16xi32> to vector<16xi32>
      %eq3A_933 = arith.cmpi eq, %get3A_927, %get3A_932 : vector<16xi32>
      %broadcast_in_dim3A_934 = arith.constant 10000 : i32
      %broadcast_in_dim3A_935 = vector.broadcast %broadcast_in_dim3A_934 : i32 to vector<16xi32>
      %select_n3A_936 = arith.select %eq3A_933, %broadcast_in_dim3A_935, %get3A_932 : vector<16xi1>, vector<16xi32>
      %swap3A_937 = arith.constant 1 : i32
      %swap3A_938 = arith.index_cast %swap3A_937 : i32 to index
      %swap3A_939 = arith.constant 16 : index
      %swap3A_940 = tpu.vector_load %arg6[%swap3A_938, %swap3A_939] {strides = array<i32>} : memref<2x128xi32, #tpu.memory_space<vmem>>, vector<1x16xi32>,
      %swap3A_941 = vector.shape_cast %swap3A_940 : vector<1x16xi32> to vector<16xi32>
      %swap3A_942 = vector.shape_cast %select_n3A_936 : vector<16xi32> to vector<1x16xi32>
      tpu.vector_store %arg6[%swap3A_938, %swap3A_939], %swap3A_942 {strides = array<i32>} : memref<2x128xi32, #tpu.memory_space<vmem>>, vector<1x16xi32>,
      %get3A_943 = arith.constant 0 : i32
      %get3A_944 = arith.index_cast %get3A_943 : i32 to index
      %get3A_945 = arith.constant 32 : index
      %get3A_946 = tpu.vector_load %arg6[%get3A_944, %get3A_945] {strides = array<i32>} : memref<2x128xi32, #tpu.memory_space<vmem>>, vector<1x16xi32>,
      %get3A_947 = vector.shape_cast %get3A_946 : vector<1x16xi32> to vector<16xi32>
      %get3A_948 = arith.constant 1 : i32
      %get3A_949 = arith.index_cast %get3A_948 : i32 to index
      %get3A_950 = arith.constant 32 : index
      %get3A_951 = tpu.vector_load %arg6[%get3A_949, %get3A_950] {strides = array<i32>} : memref<2x128xi32, #tpu.memory_space<vmem>>, vector<1x16xi32>,
      %get3A_952 = vector.shape_cast %get3A_951 : vector<1x16xi32> to vector<16xi32>
      %eq3A_953 = arith.cmpi eq, %get3A_947, %get3A_952 : vector<16xi32>
      %broadcast_in_dim3A_954 = arith.constant 10000 : i32
      %broadcast_in_dim3A_955 = vector.broadcast %broadcast_in_dim3A_954 : i32 to vector<16xi32>
      %select_n3A_956 = arith.select %eq3A_953, %broadcast_in_dim3A_955, %get3A_952 : vector<16xi1>, vector<16xi32>
      %swap3A_957 = arith.constant 1 : i32
      %swap3A_958 = arith.index_cast %swap3A_957 : i32 to index
      %swap3A_959 = arith.constant 32 : index
      %swap3A_960 = tpu.vector_load %arg6[%swap3A_958, %swap3A_959] {strides = array<i32>} : memref<2x128xi32, #tpu.memory_space<vmem>>, vector<1x16xi32>,
      %swap3A_961 = vector.shape_cast %swap3A_960 : vector<1x16xi32> to vector<16xi32>
      %swap3A_962 = vector.shape_cast %select_n3A_956 : vector<16xi32> to vector<1x16xi32>
      tpu.vector_store %arg6[%swap3A_958, %swap3A_959], %swap3A_962 {strides = array<i32>} : memref<2x128xi32, #tpu.memory_space<vmem>>, vector<1x16xi32>,
      %get3A_963 = arith.constant 0 : i32
      %get3A_964 = arith.index_cast %get3A_963 : i32 to index
      %get3A_965 = arith.constant 48 : index
      %get3A_966 = tpu.vector_load %arg6[%get3A_964, %get3A_965] {strides = array<i32>} : memref<2x128xi32, #tpu.memory_space<vmem>>, vector<1x16xi32>,
      %get3A_967 = vector.shape_cast %get3A_966 : vector<1x16xi32> to vector<16xi32>
      %get3A_968 = arith.constant 1 : i32
      %get3A_969 = arith.index_cast %get3A_968 : i32 to index
      %get3A_970 = arith.constant 48 : index
      %get3A_971 = tpu.vector_load %arg6[%get3A_969, %get3A_970] {strides = array<i32>} : memref<2x128xi32, #tpu.memory_space<vmem>>, vector<1x16xi32>,
      %get3A_972 = vector.shape_cast %get3A_971 : vector<1x16xi32> to vector<16xi32>
      %eq3A_973 = arith.cmpi eq, %get3A_967, %get3A_972 : vector<16xi32>
      %broadcast_in_dim3A_974 = arith.constant 10000 : i32
      %broadcast_in_dim3A_975 = vector.broadcast %broadcast_in_dim3A_974 : i32 to vector<16xi32>
      %select_n3A_976 = arith.select %eq3A_973, %broadcast_in_dim3A_975, %get3A_972 : vector<16xi1>, vector<16xi32>
      %swap3A_977 = arith.constant 1 : i32
      %swap3A_978 = arith.index_cast %swap3A_977 : i32 to index
      %swap3A_979 = arith.constant 48 : index
      %swap3A_980 = tpu.vector_load %arg6[%swap3A_978, %swap3A_979] {strides = array<i32>} : memref<2x128xi32, #tpu.memory_space<vmem>>, vector<1x16xi32>,
      %swap3A_981 = vector.shape_cast %swap3A_980 : vector<1x16xi32> to vector<16xi32>
      %swap3A_982 = vector.shape_cast %select_n3A_976 : vector<16xi32> to vector<1x16xi32>
      tpu.vector_store %arg6[%swap3A_978, %swap3A_979], %swap3A_982 {strides = array<i32>} : memref<2x128xi32, #tpu.memory_space<vmem>>, vector<1x16xi32>,
      %get3A_983 = arith.constant 0 : i32
      %get3A_984 = arith.index_cast %get3A_983 : i32 to index
      %get3A_985 = arith.constant 64 : index
      %get3A_986 = tpu.vector_load %arg6[%get3A_984, %get3A_985] {strides = array<i32>} : memref<2x128xi32, #tpu.memory_space<vmem>>, vector<1x16xi32>,
      %get3A_987 = vector.shape_cast %get3A_986 : vector<1x16xi32> to vector<16xi32>
      %get3A_988 = arith.constant 1 : i32
      %get3A_989 = arith.index_cast %get3A_988 : i32 to index
      %get3A_990 = arith.constant 64 : index
      %get3A_991 = tpu.vector_load %arg6[%get3A_989, %get3A_990] {strides = array<i32>} : memref<2x128xi32, #tpu.memory_space<vmem>>, vector<1x16xi32>,
      %get3A_992 = vector.shape_cast %get3A_991 : vector<1x16xi32> to vector<16xi32>
      %eq3A_993 = arith.cmpi eq, %get3A_987, %get3A_992 : vector<16xi32>
      %broadcast_in_dim3A_994 = arith.constant 10000 : i32
      %broadcast_in_dim3A_995 = vector.broadcast %broadcast_in_dim3A_994 : i32 to vector<16xi32>
      %select_n3A_996 = arith.select %eq3A_993, %broadcast_in_dim3A_995, %get3A_992 : vector<16xi1>, vector<16xi32>
      %swap3A_997 = arith.constant 1 : i32
      %swap3A_998 = arith.index_cast %swap3A_997 : i32 to index
      %swap3A_999 = arith.constant 64 : index
      %swap3A_1000 = tpu.vector_load %arg6[%swap3A_998, %swap3A_999] {strides = array<i32>} : memref<2x128xi32, #tpu.memory_space<vmem>>, vector<1x16xi32>,
      %swap3A_1001 = vector.shape_cast %swap3A_1000 : vector<1x16xi32> to vector<16xi32>
      %swap3A_1002 = vector.shape_cast %select_n3A_996 : vector<16xi32> to vector<1x16xi32>
      tpu.vector_store %arg6[%swap3A_998, %swap3A_999], %swap3A_1002 {strides = array<i32>} : memref<2x128xi32, #tpu.memory_space<vmem>>, vector<1x16xi32>,
      %get3A_1003 = arith.constant 0 : i32
      %get3A_1004 = arith.index_cast %get3A_1003 : i32 to index
      %get3A_1005 = arith.constant 80 : index
      %get3A_1006 = tpu.vector_load %arg6[%get3A_1004, %get3A_1005] {strides = array<i32>} : memref<2x128xi32, #tpu.memory_space<vmem>>, vector<1x16xi32>,
      %get3A_1007 = vector.shape_cast %get3A_1006 : vector<1x16xi32> to vector<16xi32>
      %get3A_1008 = arith.constant 1 : i32
      %get3A_1009 = arith.index_cast %get3A_1008 : i32 to index
      %get3A_1010 = arith.constant 80 : index
      %get3A_1011 = tpu.vector_load %arg6[%get3A_1009, %get3A_1010] {strides = array<i32>} : memref<2x128xi32, #tpu.memory_space<vmem>>, vector<1x16xi32>,
      %get3A_1012 = vector.shape_cast %get3A_1011 : vector<1x16xi32> to vector<16xi32>
      %eq3A_1013 = arith.cmpi eq, %get3A_1007, %get3A_1012 : vector<16xi32>
      %broadcast_in_dim3A_1014 = arith.constant 10000 : i32
      %broadcast_in_dim3A_1015 = vector.broadcast %broadcast_in_dim3A_1014 : i32 to vector<16xi32>
      %select_n3A_1016 = arith.select %eq3A_1013, %broadcast_in_dim3A_1015, %get3A_1012 : vector<16xi1>, vector<16xi32>
      %swap3A_1017 = arith.constant 1 : i32
      %swap3A_1018 = arith.index_cast %swap3A_1017 : i32 to index
      %swap3A_1019 = arith.constant 80 : index
      %swap3A_1020 = tpu.vector_load %arg6[%swap3A_1018, %swap3A_1019] {strides = array<i32>} : memref<2x128xi32, #tpu.memory_space<vmem>>, vector<1x16xi32>,
      %swap3A_1021 = vector.shape_cast %swap3A_1020 : vector<1x16xi32> to vector<16xi32>
      %swap3A_1022 = vector.shape_cast %select_n3A_1016 : vector<16xi32> to vector<1x16xi32>
      tpu.vector_store %arg6[%swap3A_1018, %swap3A_1019], %swap3A_1022 {strides = array<i32>} : memref<2x128xi32, #tpu.memory_space<vmem>>, vector<1x16xi32>,
      %get3A_1023 = arith.constant 0 : i32
      %get3A_1024 = arith.index_cast %get3A_1023 : i32 to index
      %get3A_1025 = arith.constant 96 : index
      %get3A_1026 = tpu.vector_load %arg6[%get3A_1024, %get3A_1025] {strides = array<i32>} : memref<2x128xi32, #tpu.memory_space<vmem>>, vector<1x16xi32>,
      %get3A_1027 = vector.shape_cast %get3A_1026 : vector<1x16xi32> to vector<16xi32>
      %get3A_1028 = arith.constant 1 : i32
      %get3A_1029 = arith.index_cast %get3A_1028 : i32 to index
      %get3A_1030 = arith.constant 96 : index
      %get3A_1031 = tpu.vector_load %arg6[%get3A_1029, %get3A_1030] {strides = array<i32>} : memref<2x128xi32, #tpu.memory_space<vmem>>, vector<1x16xi32>,
      %get3A_1032 = vector.shape_cast %get3A_1031 : vector<1x16xi32> to vector<16xi32>
      %eq3A_1033 = arith.cmpi eq, %get3A_1027, %get3A_1032 : vector<16xi32>
      %broadcast_in_dim3A_1034 = arith.constant 10000 : i32
      %broadcast_in_dim3A_1035 = vector.broadcast %broadcast_in_dim3A_1034 : i32 to vector<16xi32>
      %select_n3A_1036 = arith.select %eq3A_1033, %broadcast_in_dim3A_1035, %get3A_1032 : vector<16xi1>, vector<16xi32>
      %swap3A_1037 = arith.constant 1 : i32
      %swap3A_1038 = arith.index_cast %swap3A_1037 : i32 to index
      %swap3A_1039 = arith.constant 96 : index
      %swap3A_1040 = tpu.vector_load %arg6[%swap3A_1038, %swap3A_1039] {strides = array<i32>} : memref<2x128xi32, #tpu.memory_space<vmem>>, vector<1x16xi32>,
      %swap3A_1041 = vector.shape_cast %swap3A_1040 : vector<1x16xi32> to vector<16xi32>
      %swap3A_1042 = vector.shape_cast %select_n3A_1036 : vector<16xi32> to vector<1x16xi32>
      tpu.vector_store %arg6[%swap3A_1038, %swap3A_1039], %swap3A_1042 {strides = array<i32>} : memref<2x128xi32, #tpu.memory_space<vmem>>, vector<1x16xi32>,
      %get3A_1043 = arith.constant 0 : i32
      %get3A_1044 = arith.index_cast %get3A_1043 : i32 to index
      %get3A_1045 = arith.constant 112 : index
      %get3A_1046 = tpu.vector_load %arg6[%get3A_1044, %get3A_1045] {strides = array<i32>} : memref<2x128xi32, #tpu.memory_space<vmem>>, vector<1x16xi32>,
      %get3A_1047 = vector.shape_cast %get3A_1046 : vector<1x16xi32> to vector<16xi32>
      %get3A_1048 = arith.constant 1 : i32
      %get3A_1049 = arith.index_cast %get3A_1048 : i32 to index
      %get3A_1050 = arith.constant 112 : index
      %get3A_1051 = tpu.vector_load %arg6[%get3A_1049, %get3A_1050] {strides = array<i32>} : memref<2x128xi32, #tpu.memory_space<vmem>>, vector<1x16xi32>,
      %get3A_1052 = vector.shape_cast %get3A_1051 : vector<1x16xi32> to vector<16xi32>
      %eq3A_1053 = arith.cmpi eq, %get3A_1047, %get3A_1052 : vector<16xi32>
      %broadcast_in_dim3A_1054 = arith.constant 10000 : i32
      %broadcast_in_dim3A_1055 = vector.broadcast %broadcast_in_dim3A_1054 : i32 to vector<16xi32>
      %select_n3A_1056 = arith.select %eq3A_1053, %broadcast_in_dim3A_1055, %get3A_1052 : vector<16xi1>, vector<16xi32>
      %swap3A_1057 = arith.constant 1 : i32
      %swap3A_1058 = arith.index_cast %swap3A_1057 : i32 to index
      %swap3A_1059 = arith.constant 112 : index
      %swap3A_1060 = tpu.vector_load %arg6[%swap3A_1058, %swap3A_1059] {strides = array<i32>} : memref<2x128xi32, #tpu.memory_space<vmem>>, vector<1x16xi32>,
      %swap3A_1061 = vector.shape_cast %swap3A_1060 : vector<1x16xi32> to vector<16xi32>
      %swap3A_1062 = vector.shape_cast %select_n3A_1056 : vector<16xi32> to vector<1x16xi32>
      tpu.vector_store %arg6[%swap3A_1058, %swap3A_1059], %swap3A_1062 {strides = array<i32>} : memref<2x128xi32, #tpu.memory_space<vmem>>, vector<1x16xi32>,
      %dma_start3A_1063 = arith.constant 0 : i32
      %dma_start3A_1064 = arith.constant 0 : i32
      %dma_start3A_1065 = arith.constant 0 : i32
      %dma_start3A_1066 = tpu.memref_slice %arg9[%dma_start3A_1064, %dma_start3A_1065] : memref<128x128xf32, #tpu.memory_space<vmem>> -> memref<64x128xf32, #tpu.memory_space<vmem>>
      %dma_start3A_1067 = arith.constant 0 : i32
      %dma_start3A_1068 = tpu.memref_slice %arg6[%dma_start3A_1063, %dma_start3A_1067] : memref<2x128xi32, #tpu.memory_space<vmem>> -> memref<1x64xi32, #tpu.memory_space<vmem>>
      %dma_start3A_1069 = tpu.memref_squeeze %dma_start3A_1068 : memref<1x64xi32, #tpu.memory_space<vmem>> -> memref<64xi32, #tpu.memory_space<vmem>>
      %dma_start3A_1070 = arith.constant 0 : i32
      %dma_start3A_1071 = arith.constant 0 : i32
      %dma_start3A_1072 = tpu.memref_slice %arg2[%dma_start3A_1070, %dma_start3A_1071] : memref<10000x128xf32, #tpu.memory_space<hbm>> -> memref<10000x128xf32, #tpu.memory_space<hbm>>
      tpu.enqueue_indirect_dma source(%dma_start3A_1072 : memref<10000x128xf32, #tpu.memory_space<hbm>>) target(%dma_start3A_1066 : memref<64x128xf32, #tpu.memory_space<vmem>>) offsets(%dma_start3A_1069 : memref<64xi32, #tpu.memory_space<vmem>>) semaphore(%arg16 : memref<!tpu.dma_semaphore, #tpu.memory_space<semaphore_mem>>)
      %dma_start3A_1073 = arith.constant 0 : i32
      %dma_start3A_1074 = arith.constant 64 : i32
      %dma_start3A_1075 = arith.constant 0 : i32
      %dma_start3A_1076 = tpu.memref_slice %arg9[%dma_start3A_1074, %dma_start3A_1075] : memref<128x128xf32, #tpu.memory_space<vmem>> -> memref<64x128xf32, #tpu.memory_space<vmem>>
      %dma_start3A_1077 = arith.constant 64 : i32
      %dma_start3A_1078 = tpu.memref_slice %arg6[%dma_start3A_1073, %dma_start3A_1077] : memref<2x128xi32, #tpu.memory_space<vmem>> -> memref<1x64xi32, #tpu.memory_space<vmem>>
      %dma_start3A_1079 = tpu.memref_squeeze %dma_start3A_1078 : memref<1x64xi32, #tpu.memory_space<vmem>> -> memref<64xi32, #tpu.memory_space<vmem>>
      %dma_start3A_1080 = arith.constant 0 : i32
      %dma_start3A_1081 = arith.constant 0 : i32
      %dma_start3A_1082 = tpu.memref_slice %arg2[%dma_start3A_1080, %dma_start3A_1081] : memref<10000x128xf32, #tpu.memory_space<hbm>> -> memref<10000x128xf32, #tpu.memory_space<hbm>>
      tpu.enqueue_indirect_dma source(%dma_start3A_1082 : memref<10000x128xf32, #tpu.memory_space<hbm>>) target(%dma_start3A_1076 : memref<64x128xf32, #tpu.memory_space<vmem>>) offsets(%dma_start3A_1079 : memref<64xi32, #tpu.memory_space<vmem>>) semaphore(%arg16 : memref<!tpu.dma_semaphore, #tpu.memory_space<semaphore_mem>>)
      %dma_wait3A_1083 = arith.constant 0 : i32
      %dma_wait3A_1084 = arith.constant 0 : i32
      %dma_wait3A_1085 = arith.constant 0 : i32
      %dma_wait3A_1086 = tpu.memref_slice %arg8[%dma_wait3A_1084, %dma_wait3A_1085] : memref<128x128xf32, #tpu.memory_space<vmem>> -> memref<64x128xf32, #tpu.memory_space<vmem>>
      %dma_wait3A_1087 = arith.constant 0 : i32
      %dma_wait3A_1088 = tpu.memref_slice %arg5[%dma_wait3A_1083, %dma_wait3A_1087] : memref<2x128xi32, #tpu.memory_space<vmem>> -> memref<1x64xi32, #tpu.memory_space<vmem>>
      %dma_wait3A_1089 = tpu.memref_squeeze %dma_wait3A_1088 : memref<1x64xi32, #tpu.memory_space<vmem>> -> memref<64xi32, #tpu.memory_space<vmem>>
      %dma_wait3A_1090 = arith.constant 0 : i32
      %dma_wait3A_1091 = arith.constant 0 : i32
      %dma_wait3A_1092 = tpu.memref_slice %arg2[%dma_wait3A_1090, %dma_wait3A_1091] : memref<10000x128xf32, #tpu.memory_space<hbm>> -> memref<10000x128xf32, #tpu.memory_space<hbm>>
      tpu.wait_indirect_dma semaphore(%arg15 : memref<!tpu.dma_semaphore, #tpu.memory_space<semaphore_mem>>) src(%dma_wait3A_1092 : memref<10000x128xf32, #tpu.memory_space<hbm>>) dst(%dma_wait3A_1086 : memref<64x128xf32, #tpu.memory_space<vmem>>)
      %dma_wait3A_1093 = arith.constant 0 : i32
      %dma_wait3A_1094 = arith.constant 64 : i32
      %dma_wait3A_1095 = arith.constant 0 : i32
      %dma_wait3A_1096 = tpu.memref_slice %arg8[%dma_wait3A_1094, %dma_wait3A_1095] : memref<128x128xf32, #tpu.memory_space<vmem>> -> memref<64x128xf32, #tpu.memory_space<vmem>>
      %dma_wait3A_1097 = arith.constant 64 : i32
      %dma_wait3A_1098 = tpu.memref_slice %arg5[%dma_wait3A_1093, %dma_wait3A_1097] : memref<2x128xi32, #tpu.memory_space<vmem>> -> memref<1x64xi32, #tpu.memory_space<vmem>>
      %dma_wait3A_1099 = tpu.memref_squeeze %dma_wait3A_1098 : memref<1x64xi32, #tpu.memory_space<vmem>> -> memref<64xi32, #tpu.memory_space<vmem>>
      %dma_wait3A_1100 = arith.constant 0 : i32
      %dma_wait3A_1101 = arith.constant 0 : i32
      %dma_wait3A_1102 = tpu.memref_slice %arg2[%dma_wait3A_1100, %dma_wait3A_1101] : memref<10000x128xf32, #tpu.memory_space<hbm>> -> memref<10000x128xf32, #tpu.memory_space<hbm>>
      tpu.wait_indirect_dma semaphore(%arg15 : memref<!tpu.dma_semaphore, #tpu.memory_space<semaphore_mem>>) src(%dma_wait3A_1102 : memref<10000x128xf32, #tpu.memory_space<hbm>>) dst(%dma_wait3A_1096 : memref<64x128xf32, #tpu.memory_space<vmem>>)
      %dma_start3A_1103 = arith.constant 1 : i32
      %dma_start3A_1104 = arith.constant 0 : i32
      %dma_start3A_1105 = tpu.memref_slice %arg5[%dma_start3A_1103, %dma_start3A_1104] : memref<2x128xi32, #tpu.memory_space<vmem>> -> memref<1x128xi32, #tpu.memory_space<vmem>>
      %dma_start3A_1106 = tpu.memref_squeeze %dma_start3A_1105 : memref<1x128xi32, #tpu.memory_space<vmem>> -> memref<128xi32, #tpu.memory_space<vmem>>
      %dma_start3A_1107 = arith.constant 0 : i32
      %dma_start3A_1108 = arith.constant 0 : i32
      %dma_start3A_1109 = tpu.memref_slice %arg11[%dma_start3A_1107, %dma_start3A_1108] : memref<10112x128xf32, #tpu.memory_space<vmem_shared>> -> memref<10112x128xf32, #tpu.memory_space<vmem_shared>>
      tpu.enqueue_indirect_dma source(%arg8 : memref<128x128xf32, #tpu.memory_space<vmem>>) target(%dma_start3A_1109 : memref<10112x128xf32, #tpu.memory_space<vmem_shared>>) offsets(%dma_start3A_1106 : memref<128xi32, #tpu.memory_space<vmem>>) semaphore(%arg18 : memref<!tpu.dma_semaphore, #tpu.memory_space<semaphore_mem>>) {add = true}
      %dma_wait3A_1110 = arith.constant 1 : i32
      %dma_wait3A_1111 = arith.constant 0 : i32
      %dma_wait3A_1112 = tpu.memref_slice %arg7[%dma_wait3A_1110, %dma_wait3A_1111] : memref<2x128xi32, #tpu.memory_space<vmem>> -> memref<1x128xi32, #tpu.memory_space<vmem>>
      %dma_wait3A_1113 = tpu.memref_squeeze %dma_wait3A_1112 : memref<1x128xi32, #tpu.memory_space<vmem>> -> memref<128xi32, #tpu.memory_space<vmem>>
      %dma_wait3A_1114 = arith.constant 0 : i32
      %dma_wait3A_1115 = arith.constant 0 : i32
      %dma_wait3A_1116 = tpu.memref_slice %arg11[%dma_wait3A_1114, %dma_wait3A_1115] : memref<10112x128xf32, #tpu.memory_space<vmem_shared>> -> memref<10112x128xf32, #tpu.memory_space<vmem_shared>>
      tpu.wait_indirect_dma semaphore(%arg20 : memref<!tpu.dma_semaphore, #tpu.memory_space<semaphore_mem>>) src(%arg10 : memref<128x128xf32, #tpu.memory_space<vmem>>) dst(%dma_wait3A_1116 : memref<10112x128xf32, #tpu.memory_space<vmem_shared>>)
      %add3A_1117 = arith.constant 9856 : i32
      %add3A_1118 = arith.addi %mul3A_15, %add3A_1117 : i32
      %dma_start3A_1119 = arith.constant 0 : i32
      %dma_start3A_1120 = tpu.memref_slice %arg3[%dma_start3A_1119, %add3A_1118] : memref<2x320000xi32, #tpu.memory_space<hbm>> -> memref<2x128xi32, #tpu.memory_space<hbm>>
      %dma_start3A_1121 = arith.constant 0 : i32
      %dma_start3A_1122 = tpu.memref_slice %arg3[%dma_start3A_1121, %add3A_1118] : memref<2x320000xi32, #tpu.memory_space<hbm>> -> memref<2x128xi32, #tpu.memory_space<hbm>>
      tpu.enqueue_dma source(%dma_start3A_1122 : memref<2x128xi32, #tpu.memory_space<hbm>>) target(%arg7 : memref<2x128xi32, #tpu.memory_space<vmem>>) target_semaphore(%arg14 : memref<!tpu.dma_semaphore, #tpu.memory_space<semaphore_mem>>)
      %dma_wait3A_1123 = arith.constant 0 : i32
      %dma_wait3A_1124 = arith.constant 0 : i32
      %dma_wait3A_1125 = tpu.memref_slice %arg3[%dma_wait3A_1123, %dma_wait3A_1124] : memref<2x320000xi32, #tpu.memory_space<hbm>> -> memref<2x128xi32, #tpu.memory_space<hbm>>
      %dma_wait3A_1126 = arith.constant 0 : i32
      %dma_wait3A_1127 = arith.constant 0 : i32
      %dma_wait3A_1128 = tpu.memref_slice %arg3[%dma_wait3A_1126, %dma_wait3A_1127] : memref<2x320000xi32, #tpu.memory_space<hbm>> -> memref<2x128xi32, #tpu.memory_space<hbm>>
      tpu.wait_dma2 semaphore(%arg14 : memref<!tpu.dma_semaphore, #tpu.memory_space<semaphore_mem>>) src(%dma_wait3A_1128 : memref<2x128xi32, #tpu.memory_space<hbm>>) dst(%arg7 : memref<2x128xi32, #tpu.memory_space<vmem>>)
      %get3A_1129 = arith.constant 0 : i32
      %get3A_1130 = arith.index_cast %get3A_1129 : i32 to index
      %get3A_1131 = arith.constant 0 : index
      %get3A_1132 = tpu.vector_load %arg7[%get3A_1130, %get3A_1131] {strides = array<i32>} : memref<2x128xi32, #tpu.memory_space<vmem>>, vector<1x16xi32>,
      %get3A_1133 = vector.shape_cast %get3A_1132 : vector<1x16xi32> to vector<16xi32>
      %get3A_1134 = arith.constant 1 : i32
      %get3A_1135 = arith.index_cast %get3A_1134 : i32 to index
      %get3A_1136 = arith.constant 0 : index
      %get3A_1137 = tpu.vector_load %arg7[%get3A_1135, %get3A_1136] {strides = array<i32>} : memref<2x128xi32, #tpu.memory_space<vmem>>, vector<1x16xi32>,
      %get3A_1138 = vector.shape_cast %get3A_1137 : vector<1x16xi32> to vector<16xi32>
      %eq3A_1139 = arith.cmpi eq, %get3A_1133, %get3A_1138 : vector<16xi32>
      %broadcast_in_dim3A_1140 = arith.constant 10000 : i32
      %broadcast_in_dim3A_1141 = vector.broadcast %broadcast_in_dim3A_1140 : i32 to vector<16xi32>
      %select_n3A_1142 = arith.select %eq3A_1139, %broadcast_in_dim3A_1141, %get3A_1138 : vector<16xi1>, vector<16xi32>
      %swap3A_1143 = arith.constant 1 : i32
      %swap3A_1144 = arith.index_cast %swap3A_1143 : i32 to index
      %swap3A_1145 = arith.constant 0 : index
      %swap3A_1146 = tpu.vector_load %arg7[%swap3A_1144, %swap3A_1145] {strides = array<i32>} : memref<2x128xi32, #tpu.memory_space<vmem>>, vector<1x16xi32>,
      %swap3A_1147 = vector.shape_cast %swap3A_1146 : vector<1x16xi32> to vector<16xi32>
      %swap3A_1148 = vector.shape_cast %select_n3A_1142 : vector<16xi32> to vector<1x16xi32>
      tpu.vector_store %arg7[%swap3A_1144, %swap3A_1145], %swap3A_1148 {strides = array<i32>} : memref<2x128xi32, #tpu.memory_space<vmem>>, vector<1x16xi32>,
      %get3A_1149 = arith.constant 0 : i32
      %get3A_1150 = arith.index_cast %get3A_1149 : i32 to index
      %get3A_1151 = arith.constant 16 : index
      %get3A_1152 = tpu.vector_load %arg7[%get3A_1150, %get3A_1151] {strides = array<i32>} : memref<2x128xi32, #tpu.memory_space<vmem>>, vector<1x16xi32>,
      %get3A_1153 = vector.shape_cast %get3A_1152 : vector<1x16xi32> to vector<16xi32>
      %get3A_1154 = arith.constant 1 : i32
      %get3A_1155 = arith.index_cast %get3A_1154 : i32 to index
      %get3A_1156 = arith.constant 16 : index
      %get3A_1157 = tpu.vector_load %arg7[%get3A_1155, %get3A_1156] {strides = array<i32>} : memref<2x128xi32, #tpu.memory_space<vmem>>, vector<1x16xi32>,
      %get3A_1158 = vector.shape_cast %get3A_1157 : vector<1x16xi32> to vector<16xi32>
      %eq3A_1159 = arith.cmpi eq, %get3A_1153, %get3A_1158 : vector<16xi32>
      %broadcast_in_dim3A_1160 = arith.constant 10000 : i32
      %broadcast_in_dim3A_1161 = vector.broadcast %broadcast_in_dim3A_1160 : i32 to vector<16xi32>
      %select_n3A_1162 = arith.select %eq3A_1159, %broadcast_in_dim3A_1161, %get3A_1158 : vector<16xi1>, vector<16xi32>
      %swap3A_1163 = arith.constant 1 : i32
      %swap3A_1164 = arith.index_cast %swap3A_1163 : i32 to index
      %swap3A_1165 = arith.constant 16 : index
      %swap3A_1166 = tpu.vector_load %arg7[%swap3A_1164, %swap3A_1165] {strides = array<i32>} : memref<2x128xi32, #tpu.memory_space<vmem>>, vector<1x16xi32>,
      %swap3A_1167 = vector.shape_cast %swap3A_1166 : vector<1x16xi32> to vector<16xi32>
      %swap3A_1168 = vector.shape_cast %select_n3A_1162 : vector<16xi32> to vector<1x16xi32>
      tpu.vector_store %arg7[%swap3A_1164, %swap3A_1165], %swap3A_1168 {strides = array<i32>} : memref<2x128xi32, #tpu.memory_space<vmem>>, vector<1x16xi32>,
      %get3A_1169 = arith.constant 0 : i32
      %get3A_1170 = arith.index_cast %get3A_1169 : i32 to index
      %get3A_1171 = arith.constant 32 : index
      %get3A_1172 = tpu.vector_load %arg7[%get3A_1170, %get3A_1171] {strides = array<i32>} : memref<2x128xi32, #tpu.memory_space<vmem>>, vector<1x16xi32>,
      %get3A_1173 = vector.shape_cast %get3A_1172 : vector<1x16xi32> to vector<16xi32>
      %get3A_1174 = arith.constant 1 : i32
      %get3A_1175 = arith.index_cast %get3A_1174 : i32 to index
      %get3A_1176 = arith.constant 32 : index
      %get3A_1177 = tpu.vector_load %arg7[%get3A_1175, %get3A_1176] {strides = array<i32>} : memref<2x128xi32, #tpu.memory_space<vmem>>, vector<1x16xi32>,
      %get3A_1178 = vector.shape_cast %get3A_1177 : vector<1x16xi32> to vector<16xi32>
      %eq3A_1179 = arith.cmpi eq, %get3A_1173, %get3A_1178 : vector<16xi32>
      %broadcast_in_dim3A_1180 = arith.constant 10000 : i32
      %broadcast_in_dim3A_1181 = vector.broadcast %broadcast_in_dim3A_1180 : i32 to vector<16xi32>
      %select_n3A_1182 = arith.select %eq3A_1179, %broadcast_in_dim3A_1181, %get3A_1178 : vector<16xi1>, vector<16xi32>
      %swap3A_1183 = arith.constant 1 : i32
      %swap3A_1184 = arith.index_cast %swap3A_1183 : i32 to index
      %swap3A_1185 = arith.constant 32 : index
      %swap3A_1186 = tpu.vector_load %arg7[%swap3A_1184, %swap3A_1185] {strides = array<i32>} : memref<2x128xi32, #tpu.memory_space<vmem>>, vector<1x16xi32>,
      %swap3A_1187 = vector.shape_cast %swap3A_1186 : vector<1x16xi32> to vector<16xi32>
      %swap3A_1188 = vector.shape_cast %select_n3A_1182 : vector<16xi32> to vector<1x16xi32>
      tpu.vector_store %arg7[%swap3A_1184, %swap3A_1185], %swap3A_1188 {strides = array<i32>} : memref<2x128xi32, #tpu.memory_space<vmem>>, vector<1x16xi32>,
      %get3A_1189 = arith.constant 0 : i32
      %get3A_1190 = arith.index_cast %get3A_1189 : i32 to index
      %get3A_1191 = arith.constant 48 : index
      %get3A_1192 = tpu.vector_load %arg7[%get3A_1190, %get3A_1191] {strides = array<i32>} : memref<2x128xi32, #tpu.memory_space<vmem>>, vector<1x16xi32>,
      %get3A_1193 = vector.shape_cast %get3A_1192 : vector<1x16xi32> to vector<16xi32>
      %get3A_1194 = arith.constant 1 : i32
      %get3A_1195 = arith.index_cast %get3A_1194 : i32 to index
      %get3A_1196 = arith.constant 48 : index
      %get3A_1197 = tpu.vector_load %arg7[%get3A_1195, %get3A_1196] {strides = array<i32>} : memref<2x128xi32, #tpu.memory_space<vmem>>, vector<1x16xi32>,
      %get3A_1198 = vector.shape_cast %get3A_1197 : vector<1x16xi32> to vector<16xi32>
      %eq3A_1199 = arith.cmpi eq, %get3A_1193, %get3A_1198 : vector<16xi32>
      %broadcast_in_dim3A_1200 = arith.constant 10000 : i32
      %broadcast_in_dim3A_1201 = vector.broadcast %broadcast_in_dim3A_1200 : i32 to vector<16xi32>
      %select_n3A_1202 = arith.select %eq3A_1199, %broadcast_in_dim3A_1201, %get3A_1198 : vector<16xi1>, vector<16xi32>
      %swap3A_1203 = arith.constant 1 : i32
      %swap3A_1204 = arith.index_cast %swap3A_1203 : i32 to index
      %swap3A_1205 = arith.constant 48 : index
      %swap3A_1206 = tpu.vector_load %arg7[%swap3A_1204, %swap3A_1205] {strides = array<i32>} : memref<2x128xi32, #tpu.memory_space<vmem>>, vector<1x16xi32>,
      %swap3A_1207 = vector.shape_cast %swap3A_1206 : vector<1x16xi32> to vector<16xi32>
      %swap3A_1208 = vector.shape_cast %select_n3A_1202 : vector<16xi32> to vector<1x16xi32>
      tpu.vector_store %arg7[%swap3A_1204, %swap3A_1205], %swap3A_1208 {strides = array<i32>} : memref<2x128xi32, #tpu.memory_space<vmem>>, vector<1x16xi32>,
      %get3A_1209 = arith.constant 0 : i32
      %get3A_1210 = arith.index_cast %get3A_1209 : i32 to index
      %get3A_1211 = arith.constant 64 : index
      %get3A_1212 = tpu.vector_load %arg7[%get3A_1210, %get3A_1211] {strides = array<i32>} : memref<2x128xi32, #tpu.memory_space<vmem>>, vector<1x16xi32>,
      %get3A_1213 = vector.shape_cast %get3A_1212 : vector<1x16xi32> to vector<16xi32>
      %get3A_1214 = arith.constant 1 : i32
      %get3A_1215 = arith.index_cast %get3A_1214 : i32 to index
      %get3A_1216 = arith.constant 64 : index
      %get3A_1217 = tpu.vector_load %arg7[%get3A_1215, %get3A_1216] {strides = array<i32>} : memref<2x128xi32, #tpu.memory_space<vmem>>, vector<1x16xi32>,
      %get3A_1218 = vector.shape_cast %get3A_1217 : vector<1x16xi32> to vector<16xi32>
      %eq3A_1219 = arith.cmpi eq, %get3A_1213, %get3A_1218 : vector<16xi32>
      %broadcast_in_dim3A_1220 = arith.constant 10000 : i32
      %broadcast_in_dim3A_1221 = vector.broadcast %broadcast_in_dim3A_1220 : i32 to vector<16xi32>
      %select_n3A_1222 = arith.select %eq3A_1219, %broadcast_in_dim3A_1221, %get3A_1218 : vector<16xi1>, vector<16xi32>
      %swap3A_1223 = arith.constant 1 : i32
      %swap3A_1224 = arith.index_cast %swap3A_1223 : i32 to index
      %swap3A_1225 = arith.constant 64 : index
      %swap3A_1226 = tpu.vector_load %arg7[%swap3A_1224, %swap3A_1225] {strides = array<i32>} : memref<2x128xi32, #tpu.memory_space<vmem>>, vector<1x16xi32>,
      %swap3A_1227 = vector.shape_cast %swap3A_1226 : vector<1x16xi32> to vector<16xi32>
      %swap3A_1228 = vector.shape_cast %select_n3A_1222 : vector<16xi32> to vector<1x16xi32>
      tpu.vector_store %arg7[%swap3A_1224, %swap3A_1225], %swap3A_1228 {strides = array<i32>} : memref<2x128xi32, #tpu.memory_space<vmem>>, vector<1x16xi32>,
      %get3A_1229 = arith.constant 0 : i32
      %get3A_1230 = arith.index_cast %get3A_1229 : i32 to index
      %get3A_1231 = arith.constant 80 : index
      %get3A_1232 = tpu.vector_load %arg7[%get3A_1230, %get3A_1231] {strides = array<i32>} : memref<2x128xi32, #tpu.memory_space<vmem>>, vector<1x16xi32>,
      %get3A_1233 = vector.shape_cast %get3A_1232 : vector<1x16xi32> to vector<16xi32>
      %get3A_1234 = arith.constant 1 : i32
      %get3A_1235 = arith.index_cast %get3A_1234 : i32 to index
      %get3A_1236 = arith.constant 80 : index
      %get3A_1237 = tpu.vector_load %arg7[%get3A_1235, %get3A_1236] {strides = array<i32>} : memref<2x128xi32, #tpu.memory_space<vmem>>, vector<1x16xi32>,
      %get3A_1238 = vector.shape_cast %get3A_1237 : vector<1x16xi32> to vector<16xi32>
      %eq3A_1239 = arith.cmpi eq, %get3A_1233, %get3A_1238 : vector<16xi32>
      %broadcast_in_dim3A_1240 = arith.constant 10000 : i32
      %broadcast_in_dim3A_1241 = vector.broadcast %broadcast_in_dim3A_1240 : i32 to vector<16xi32>
      %select_n3A_1242 = arith.select %eq3A_1239, %broadcast_in_dim3A_1241, %get3A_1238 : vector<16xi1>, vector<16xi32>
      %swap3A_1243 = arith.constant 1 : i32
      %swap3A_1244 = arith.index_cast %swap3A_1243 : i32 to index
      %swap3A_1245 = arith.constant 80 : index
      %swap3A_1246 = tpu.vector_load %arg7[%swap3A_1244, %swap3A_1245] {strides = array<i32>} : memref<2x128xi32, #tpu.memory_space<vmem>>, vector<1x16xi32>,
      %swap3A_1247 = vector.shape_cast %swap3A_1246 : vector<1x16xi32> to vector<16xi32>
      %swap3A_1248 = vector.shape_cast %select_n3A_1242 : vector<16xi32> to vector<1x16xi32>
      tpu.vector_store %arg7[%swap3A_1244, %swap3A_1245], %swap3A_1248 {strides = array<i32>} : memref<2x128xi32, #tpu.memory_space<vmem>>, vector<1x16xi32>,
      %get3A_1249 = arith.constant 0 : i32
      %get3A_1250 = arith.index_cast %get3A_1249 : i32 to index
      %get3A_1251 = arith.constant 96 : index
      %get3A_1252 = tpu.vector_load %arg7[%get3A_1250, %get3A_1251] {strides = array<i32>} : memref<2x128xi32, #tpu.memory_space<vmem>>, vector<1x16xi32>,
      %get3A_1253 = vector.shape_cast %get3A_1252 : vector<1x16xi32> to vector<16xi32>
      %get3A_1254 = arith.constant 1 : i32
      %get3A_1255 = arith.index_cast %get3A_1254 : i32 to index
      %get3A_1256 = arith.constant 96 : index
      %get3A_1257 = tpu.vector_load %arg7[%get3A_1255, %get3A_1256] {strides = array<i32>} : memref<2x128xi32, #tpu.memory_space<vmem>>, vector<1x16xi32>,
      %get3A_1258 = vector.shape_cast %get3A_1257 : vector<1x16xi32> to vector<16xi32>
      %eq3A_1259 = arith.cmpi eq, %get3A_1253, %get3A_1258 : vector<16xi32>
      %broadcast_in_dim3A_1260 = arith.constant 10000 : i32
      %broadcast_in_dim3A_1261 = vector.broadcast %broadcast_in_dim3A_1260 : i32 to vector<16xi32>
      %select_n3A_1262 = arith.select %eq3A_1259, %broadcast_in_dim3A_1261, %get3A_1258 : vector<16xi1>, vector<16xi32>
      %swap3A_1263 = arith.constant 1 : i32
      %swap3A_1264 = arith.index_cast %swap3A_1263 : i32 to index
      %swap3A_1265 = arith.constant 96 : index
      %swap3A_1266 = tpu.vector_load %arg7[%swap3A_1264, %swap3A_1265] {strides = array<i32>} : memref<2x128xi32, #tpu.memory_space<vmem>>, vector<1x16xi32>,
      %swap3A_1267 = vector.shape_cast %swap3A_1266 : vector<1x16xi32> to vector<16xi32>
      %swap3A_1268 = vector.shape_cast %select_n3A_1262 : vector<16xi32> to vector<1x16xi32>
      tpu.vector_store %arg7[%swap3A_1264, %swap3A_1265], %swap3A_1268 {strides = array<i32>} : memref<2x128xi32, #tpu.memory_space<vmem>>, vector<1x16xi32>,
      %get3A_1269 = arith.constant 0 : i32
      %get3A_1270 = arith.index_cast %get3A_1269 : i32 to index
      %get3A_1271 = arith.constant 112 : index
      %get3A_1272 = tpu.vector_load %arg7[%get3A_1270, %get3A_1271] {strides = array<i32>} : memref<2x128xi32, #tpu.memory_space<vmem>>, vector<1x16xi32>,
      %get3A_1273 = vector.shape_cast %get3A_1272 : vector<1x16xi32> to vector<16xi32>
      %get3A_1274 = arith.constant 1 : i32
      %get3A_1275 = arith.index_cast %get3A_1274 : i32 to index
      %get3A_1276 = arith.constant 112 : index
      %get3A_1277 = tpu.vector_load %arg7[%get3A_1275, %get3A_1276] {strides = array<i32>} : memref<2x128xi32, #tpu.memory_space<vmem>>, vector<1x16xi32>,
      %get3A_1278 = vector.shape_cast %get3A_1277 : vector<1x16xi32> to vector<16xi32>
      %eq3A_1279 = arith.cmpi eq, %get3A_1273, %get3A_1278 : vector<16xi32>
      %broadcast_in_dim3A_1280 = arith.constant 10000 : i32
      %broadcast_in_dim3A_1281 = vector.broadcast %broadcast_in_dim3A_1280 : i32 to vector<16xi32>
      %select_n3A_1282 = arith.select %eq3A_1279, %broadcast_in_dim3A_1281, %get3A_1278 : vector<16xi1>, vector<16xi32>
      %swap3A_1283 = arith.constant 1 : i32
      %swap3A_1284 = arith.index_cast %swap3A_1283 : i32 to index
      %swap3A_1285 = arith.constant 112 : index
      %swap3A_1286 = tpu.vector_load %arg7[%swap3A_1284, %swap3A_1285] {strides = array<i32>} : memref<2x128xi32, #tpu.memory_space<vmem>>, vector<1x16xi32>,
      %swap3A_1287 = vector.shape_cast %swap3A_1286 : vector<1x16xi32> to vector<16xi32>
      %swap3A_1288 = vector.shape_cast %select_n3A_1282 : vector<16xi32> to vector<1x16xi32>
      tpu.vector_store %arg7[%swap3A_1284, %swap3A_1285], %swap3A_1288 {strides = array<i32>} : memref<2x128xi32, #tpu.memory_space<vmem>>, vector<1x16xi32>,
      %dma_start3A_1289 = arith.constant 0 : i32
      %dma_start3A_1290 = arith.constant 0 : i32
      %dma_start3A_1291 = arith.constant 0 : i32
      %dma_start3A_1292 = tpu.memref_slice %arg10[%dma_start3A_1290, %dma_start3A_1291] : memref<128x128xf32, #tpu.memory_space<vmem>> -> memref<64x128xf32, #tpu.memory_space<vmem>>
      %dma_start3A_1293 = arith.constant 0 : i32
      %dma_start3A_1294 = tpu.memref_slice %arg7[%dma_start3A_1289, %dma_start3A_1293] : memref<2x128xi32, #tpu.memory_space<vmem>> -> memref<1x64xi32, #tpu.memory_space<vmem>>
      %dma_start3A_1295 = tpu.memref_squeeze %dma_start3A_1294 : memref<1x64xi32, #tpu.memory_space<vmem>> -> memref<64xi32, #tpu.memory_space<vmem>>
      %dma_start3A_1296 = arith.constant 0 : i32
      %dma_start3A_1297 = arith.constant 0 : i32
      %dma_start3A_1298 = tpu.memref_slice %arg2[%dma_start3A_1296, %dma_start3A_1297] : memref<10000x128xf32, #tpu.memory_space<hbm>> -> memref<10000x128xf32, #tpu.memory_space<hbm>>
      tpu.enqueue_indirect_dma source(%dma_start3A_1298 : memref<10000x128xf32, #tpu.memory_space<hbm>>) target(%dma_start3A_1292 : memref<64x128xf32, #tpu.memory_space<vmem>>) offsets(%dma_start3A_1295 : memref<64xi32, #tpu.memory_space<vmem>>) semaphore(%arg17 : memref<!tpu.dma_semaphore, #tpu.memory_space<semaphore_mem>>)
      %dma_start3A_1299 = arith.constant 0 : i32
      %dma_start3A_1300 = arith.constant 64 : i32
      %dma_start3A_1301 = arith.constant 0 : i32
      %dma_start3A_1302 = tpu.memref_slice %arg10[%dma_start3A_1300, %dma_start3A_1301] : memref<128x128xf32, #tpu.memory_space<vmem>> -> memref<64x128xf32, #tpu.memory_space<vmem>>
      %dma_start3A_1303 = arith.constant 64 : i32
      %dma_start3A_1304 = tpu.memref_slice %arg7[%dma_start3A_1299, %dma_start3A_1303] : memref<2x128xi32, #tpu.memory_space<vmem>> -> memref<1x64xi32, #tpu.memory_space<vmem>>
      %dma_start3A_1305 = tpu.memref_squeeze %dma_start3A_1304 : memref<1x64xi32, #tpu.memory_space<vmem>> -> memref<64xi32, #tpu.memory_space<vmem>>
      %dma_start3A_1306 = arith.constant 0 : i32
      %dma_start3A_1307 = arith.constant 0 : i32
      %dma_start3A_1308 = tpu.memref_slice %arg2[%dma_start3A_1306, %dma_start3A_1307] : memref<10000x128xf32, #tpu.memory_space<hbm>> -> memref<10000x128xf32, #tpu.memory_space<hbm>>
      tpu.enqueue_indirect_dma source(%dma_start3A_1308 : memref<10000x128xf32, #tpu.memory_space<hbm>>) target(%dma_start3A_1302 : memref<64x128xf32, #tpu.memory_space<vmem>>) offsets(%dma_start3A_1305 : memref<64xi32, #tpu.memory_space<vmem>>) semaphore(%arg17 : memref<!tpu.dma_semaphore, #tpu.memory_space<semaphore_mem>>)
      %dma_wait3A_1309 = arith.constant 0 : i32
      %dma_wait3A_1310 = arith.constant 0 : i32
      %dma_wait3A_1311 = arith.constant 0 : i32
      %dma_wait3A_1312 = tpu.memref_slice %arg9[%dma_wait3A_1310, %dma_wait3A_1311] : memref<128x128xf32, #tpu.memory_space<vmem>> -> memref<64x128xf32, #tpu.memory_space<vmem>>
      %dma_wait3A_1313 = arith.constant 0 : i32
      %dma_wait3A_1314 = tpu.memref_slice %arg6[%dma_wait3A_1309, %dma_wait3A_1313] : memref<2x128xi32, #tpu.memory_space<vmem>> -> memref<1x64xi32, #tpu.memory_space<vmem>>
      %dma_wait3A_1315 = tpu.memref_squeeze %dma_wait3A_1314 : memref<1x64xi32, #tpu.memory_space<vmem>> -> memref<64xi32, #tpu.memory_space<vmem>>
      %dma_wait3A_1316 = arith.constant 0 : i32
      %dma_wait3A_1317 = arith.constant 0 : i32
      %dma_wait3A_1318 = tpu.memref_slice %arg2[%dma_wait3A_1316, %dma_wait3A_1317] : memref<10000x128xf32, #tpu.memory_space<hbm>> -> memref<10000x128xf32, #tpu.memory_space<hbm>>
      tpu.wait_indirect_dma semaphore(%arg16 : memref<!tpu.dma_semaphore, #tpu.memory_space<semaphore_mem>>) src(%dma_wait3A_1318 : memref<10000x128xf32, #tpu.memory_space<hbm>>) dst(%dma_wait3A_1312 : memref<64x128xf32, #tpu.memory_space<vmem>>)
      %dma_wait3A_1319 = arith.constant 0 : i32
      %dma_wait3A_1320 = arith.constant 64 : i32
      %dma_wait3A_1321 = arith.constant 0 : i32
      %dma_wait3A_1322 = tpu.memref_slice %arg9[%dma_wait3A_1320, %dma_wait3A_1321] : memref<128x128xf32, #tpu.memory_space<vmem>> -> memref<64x128xf32, #tpu.memory_space<vmem>>
      %dma_wait3A_1323 = arith.constant 64 : i32
      %dma_wait3A_1324 = tpu.memref_slice %arg6[%dma_wait3A_1319, %dma_wait3A_1323] : memref<2x128xi32, #tpu.memory_space<vmem>> -> memref<1x64xi32, #tpu.memory_space<vmem>>
      %dma_wait3A_1325 = tpu.memref_squeeze %dma_wait3A_1324 : memref<1x64xi32, #tpu.memory_space<vmem>> -> memref<64xi32, #tpu.memory_space<vmem>>
      %dma_wait3A_1326 = arith.constant 0 : i32
      %dma_wait3A_1327 = arith.constant 0 : i32
      %dma_wait3A_1328 = tpu.memref_slice %arg2[%dma_wait3A_1326, %dma_wait3A_1327] : memref<10000x128xf32, #tpu.memory_space<hbm>> -> memref<10000x128xf32, #tpu.memory_space<hbm>>
      tpu.wait_indirect_dma semaphore(%arg16 : memref<!tpu.dma_semaphore, #tpu.memory_space<semaphore_mem>>) src(%dma_wait3A_1328 : memref<10000x128xf32, #tpu.memory_space<hbm>>) dst(%dma_wait3A_1322 : memref<64x128xf32, #tpu.memory_space<vmem>>)
      %dma_start3A_1329 = arith.constant 1 : i32
      %dma_start3A_1330 = arith.constant 0 : i32
      %dma_start3A_1331 = tpu.memref_slice %arg6[%dma_start3A_1329, %dma_start3A_1330] : memref<2x128xi32, #tpu.memory_space<vmem>> -> memref<1x128xi32, #tpu.memory_space<vmem>>
      %dma_start3A_1332 = tpu.memref_squeeze %dma_start3A_1331 : memref<1x128xi32, #tpu.memory_space<vmem>> -> memref<128xi32, #tpu.memory_space<vmem>>
      %dma_start3A_1333 = arith.constant 0 : i32
      %dma_start3A_1334 = arith.constant 0 : i32
      %dma_start3A_1335 = tpu.memref_slice %arg11[%dma_start3A_1333, %dma_start3A_1334] : memref<10112x128xf32, #tpu.memory_space<vmem_shared>> -> memref<10112x128xf32, #tpu.memory_space<vmem_shared>>
      tpu.enqueue_indirect_dma source(%arg9 : memref<128x128xf32, #tpu.memory_space<vmem>>) target(%dma_start3A_1335 : memref<10112x128xf32, #tpu.memory_space<vmem_shared>>) offsets(%dma_start3A_1332 : memref<128xi32, #tpu.memory_space<vmem>>) semaphore(%arg19 : memref<!tpu.dma_semaphore, #tpu.memory_space<semaphore_mem>>) {add = true}
      %dma_wait3A_1336 = arith.constant 1 : i32
      %dma_wait3A_1337 = arith.constant 0 : i32
      %dma_wait3A_1338 = tpu.memref_slice %arg5[%dma_wait3A_1336, %dma_wait3A_1337] : memref<2x128xi32, #tpu.memory_space<vmem>> -> memref<1x128xi32, #tpu.memory_space<vmem>>
      %dma_wait3A_1339 = tpu.memref_squeeze %dma_wait3A_1338 : memref<1x128xi32, #tpu.memory_space<vmem>> -> memref<128xi32, #tpu.memory_space<vmem>>
      %dma_wait3A_1340 = arith.constant 0 : i32
      %dma_wait3A_1341 = arith.constant 0 : i32
      %dma_wait3A_1342 = tpu.memref_slice %arg11[%dma_wait3A_1340, %dma_wait3A_1341] : memref<10112x128xf32, #tpu.memory_space<vmem_shared>> -> memref<10112x128xf32, #tpu.memory_space<vmem_shared>>
      tpu.wait_indirect_dma semaphore(%arg18 : memref<!tpu.dma_semaphore, #tpu.memory_space<semaphore_mem>>) src(%arg8 : memref<128x128xf32, #tpu.memory_space<vmem>>) dst(%dma_wait3A_1342 : memref<10112x128xf32, #tpu.memory_space<vmem_shared>>)
      %dma_start3A_1343 = arith.constant 0 : i32
      %dma_start3A_1344 = tpu.memref_slice %arg3[%dma_start3A_1343, %mul3A_22] : memref<2x320000xi32, #tpu.memory_space<hbm>> -> memref<2x128xi32, #tpu.memory_space<hbm>>
      %dma_start3A_1345 = arith.constant 0 : i32
      %dma_start3A_1346 = tpu.memref_slice %arg3[%dma_start3A_1345, %mul3A_22] : memref<2x320000xi32, #tpu.memory_space<hbm>> -> memref<2x128xi32, #tpu.memory_space<hbm>>
      tpu.enqueue_dma source(%dma_start3A_1346 : memref<2x128xi32, #tpu.memory_space<hbm>>) target(%arg5 : memref<2x128xi32, #tpu.memory_space<vmem>>) target_semaphore(%arg12 : memref<!tpu.dma_semaphore, #tpu.memory_space<semaphore_mem>>)
      %dma_wait3A_1347 = arith.constant 0 : i32
      %dma_wait3A_1348 = arith.constant 0 : i32
      %dma_wait3A_1349 = tpu.memref_slice %arg3[%dma_wait3A_1347, %dma_wait3A_1348] : memref<2x320000xi32, #tpu.memory_space<hbm>> -> memref<2x128xi32, #tpu.memory_space<hbm>>
      %dma_wait3A_1350 = arith.constant 0 : i32
      %dma_wait3A_1351 = arith.constant 0 : i32
      %dma_wait3A_1352 = tpu.memref_slice %arg3[%dma_wait3A_1350, %dma_wait3A_1351] : memref<2x320000xi32, #tpu.memory_space<hbm>> -> memref<2x128xi32, #tpu.memory_space<hbm>>
      tpu.wait_dma2 semaphore(%arg12 : memref<!tpu.dma_semaphore, #tpu.memory_space<semaphore_mem>>) src(%dma_wait3A_1352 : memref<2x128xi32, #tpu.memory_space<hbm>>) dst(%arg5 : memref<2x128xi32, #tpu.memory_space<vmem>>)
      %get3A_1353 = arith.constant 0 : i32
      %get3A_1354 = arith.index_cast %get3A_1353 : i32 to index
      %get3A_1355 = arith.constant 0 : index
      %get3A_1356 = tpu.vector_load %arg5[%get3A_1354, %get3A_1355] {strides = array<i32>} : memref<2x128xi32, #tpu.memory_space<vmem>>, vector<1x16xi32>,
      %get3A_1357 = vector.shape_cast %get3A_1356 : vector<1x16xi32> to vector<16xi32>
      %get3A_1358 = arith.constant 1 : i32
      %get3A_1359 = arith.index_cast %get3A_1358 : i32 to index
      %get3A_1360 = arith.constant 0 : index
      %get3A_1361 = tpu.vector_load %arg5[%get3A_1359, %get3A_1360] {strides = array<i32>} : memref<2x128xi32, #tpu.memory_space<vmem>>, vector<1x16xi32>,
      %get3A_1362 = vector.shape_cast %get3A_1361 : vector<1x16xi32> to vector<16xi32>
      %eq3A_1363 = arith.cmpi eq, %get3A_1357, %get3A_1362 : vector<16xi32>
      %broadcast_in_dim3A_1364 = arith.constant 10000 : i32
      %broadcast_in_dim3A_1365 = vector.broadcast %broadcast_in_dim3A_1364 : i32 to vector<16xi32>
      %select_n3A_1366 = arith.select %eq3A_1363, %broadcast_in_dim3A_1365, %get3A_1362 : vector<16xi1>, vector<16xi32>
      %swap3A_1367 = arith.constant 1 : i32
      %swap3A_1368 = arith.index_cast %swap3A_1367 : i32 to index
      %swap3A_1369 = arith.constant 0 : index
      %swap3A_1370 = tpu.vector_load %arg5[%swap3A_1368, %swap3A_1369] {strides = array<i32>} : memref<2x128xi32, #tpu.memory_space<vmem>>, vector<1x16xi32>,
      %swap3A_1371 = vector.shape_cast %swap3A_1370 : vector<1x16xi32> to vector<16xi32>
      %swap3A_1372 = vector.shape_cast %select_n3A_1366 : vector<16xi32> to vector<1x16xi32>
      tpu.vector_store %arg5[%swap3A_1368, %swap3A_1369], %swap3A_1372 {strides = array<i32>} : memref<2x128xi32, #tpu.memory_space<vmem>>, vector<1x16xi32>,
      %get3A_1373 = arith.constant 0 : i32
      %get3A_1374 = arith.index_cast %get3A_1373 : i32 to index
      %get3A_1375 = arith.constant 16 : index
      %get3A_1376 = tpu.vector_load %arg5[%get3A_1374, %get3A_1375] {strides = array<i32>} : memref<2x128xi32, #tpu.memory_space<vmem>>, vector<1x16xi32>,
      %get3A_1377 = vector.shape_cast %get3A_1376 : vector<1x16xi32> to vector<16xi32>
      %get3A_1378 = arith.constant 1 : i32
      %get3A_1379 = arith.index_cast %get3A_1378 : i32 to index
      %get3A_1380 = arith.constant 16 : index
      %get3A_1381 = tpu.vector_load %arg5[%get3A_1379, %get3A_1380] {strides = array<i32>} : memref<2x128xi32, #tpu.memory_space<vmem>>, vector<1x16xi32>,
      %get3A_1382 = vector.shape_cast %get3A_1381 : vector<1x16xi32> to vector<16xi32>
      %eq3A_1383 = arith.cmpi eq, %get3A_1377, %get3A_1382 : vector<16xi32>
      %broadcast_in_dim3A_1384 = arith.constant 10000 : i32
      %broadcast_in_dim3A_1385 = vector.broadcast %broadcast_in_dim3A_1384 : i32 to vector<16xi32>
      %select_n3A_1386 = arith.select %eq3A_1383, %broadcast_in_dim3A_1385, %get3A_1382 : vector<16xi1>, vector<16xi32>
      %swap3A_1387 = arith.constant 1 : i32
      %swap3A_1388 = arith.index_cast %swap3A_1387 : i32 to index
      %swap3A_1389 = arith.constant 16 : index
      %swap3A_1390 = tpu.vector_load %arg5[%swap3A_1388, %swap3A_1389] {strides = array<i32>} : memref<2x128xi32, #tpu.memory_space<vmem>>, vector<1x16xi32>,
      %swap3A_1391 = vector.shape_cast %swap3A_1390 : vector<1x16xi32> to vector<16xi32>
      %swap3A_1392 = vector.shape_cast %select_n3A_1386 : vector<16xi32> to vector<1x16xi32>
      tpu.vector_store %arg5[%swap3A_1388, %swap3A_1389], %swap3A_1392 {strides = array<i32>} : memref<2x128xi32, #tpu.memory_space<vmem>>, vector<1x16xi32>,
      %get3A_1393 = arith.constant 0 : i32
      %get3A_1394 = arith.index_cast %get3A_1393 : i32 to index
      %get3A_1395 = arith.constant 32 : index
      %get3A_1396 = tpu.vector_load %arg5[%get3A_1394, %get3A_1395] {strides = array<i32>} : memref<2x128xi32, #tpu.memory_space<vmem>>, vector<1x16xi32>,
      %get3A_1397 = vector.shape_cast %get3A_1396 : vector<1x16xi32> to vector<16xi32>
      %get3A_1398 = arith.constant 1 : i32
      %get3A_1399 = arith.index_cast %get3A_1398 : i32 to index
      %get3A_1400 = arith.constant 32 : index
      %get3A_1401 = tpu.vector_load %arg5[%get3A_1399, %get3A_1400] {strides = array<i32>} : memref<2x128xi32, #tpu.memory_space<vmem>>, vector<1x16xi32>,
      %get3A_1402 = vector.shape_cast %get3A_1401 : vector<1x16xi32> to vector<16xi32>
      %eq3A_1403 = arith.cmpi eq, %get3A_1397, %get3A_1402 : vector<16xi32>
      %broadcast_in_dim3A_1404 = arith.constant 10000 : i32
      %broadcast_in_dim3A_1405 = vector.broadcast %broadcast_in_dim3A_1404 : i32 to vector<16xi32>
      %select_n3A_1406 = arith.select %eq3A_1403, %broadcast_in_dim3A_1405, %get3A_1402 : vector<16xi1>, vector<16xi32>
      %swap3A_1407 = arith.constant 1 : i32
      %swap3A_1408 = arith.index_cast %swap3A_1407 : i32 to index
      %swap3A_1409 = arith.constant 32 : index
      %swap3A_1410 = tpu.vector_load %arg5[%swap3A_1408, %swap3A_1409] {strides = array<i32>} : memref<2x128xi32, #tpu.memory_space<vmem>>, vector<1x16xi32>,
      %swap3A_1411 = vector.shape_cast %swap3A_1410 : vector<1x16xi32> to vector<16xi32>
      %swap3A_1412 = vector.shape_cast %select_n3A_1406 : vector<16xi32> to vector<1x16xi32>
      tpu.vector_store %arg5[%swap3A_1408, %swap3A_1409], %swap3A_1412 {strides = array<i32>} : memref<2x128xi32, #tpu.memory_space<vmem>>, vector<1x16xi32>,
      %get3A_1413 = arith.constant 0 : i32
      %get3A_1414 = arith.index_cast %get3A_1413 : i32 to index
      %get3A_1415 = arith.constant 48 : index
      %get3A_1416 = tpu.vector_load %arg5[%get3A_1414, %get3A_1415] {strides = array<i32>} : memref<2x128xi32, #tpu.memory_space<vmem>>, vector<1x16xi32>,
      %get3A_1417 = vector.shape_cast %get3A_1416 : vector<1x16xi32> to vector<16xi32>
      %get3A_1418 = arith.constant 1 : i32
      %get3A_1419 = arith.index_cast %get3A_1418 : i32 to index
      %get3A_1420 = arith.constant 48 : index
      %get3A_1421 = tpu.vector_load %arg5[%get3A_1419, %get3A_1420] {strides = array<i32>} : memref<2x128xi32, #tpu.memory_space<vmem>>, vector<1x16xi32>,
      %get3A_1422 = vector.shape_cast %get3A_1421 : vector<1x16xi32> to vector<16xi32>
      %eq3A_1423 = arith.cmpi eq, %get3A_1417, %get3A_1422 : vector<16xi32>
      %broadcast_in_dim3A_1424 = arith.constant 10000 : i32
      %broadcast_in_dim3A_1425 = vector.broadcast %broadcast_in_dim3A_1424 : i32 to vector<16xi32>
      %select_n3A_1426 = arith.select %eq3A_1423, %broadcast_in_dim3A_1425, %get3A_1422 : vector<16xi1>, vector<16xi32>
      %swap3A_1427 = arith.constant 1 : i32
      %swap3A_1428 = arith.index_cast %swap3A_1427 : i32 to index
      %swap3A_1429 = arith.constant 48 : index
      %swap3A_1430 = tpu.vector_load %arg5[%swap3A_1428, %swap3A_1429] {strides = array<i32>} : memref<2x128xi32, #tpu.memory_space<vmem>>, vector<1x16xi32>,
      %swap3A_1431 = vector.shape_cast %swap3A_1430 : vector<1x16xi32> to vector<16xi32>
      %swap3A_1432 = vector.shape_cast %select_n3A_1426 : vector<16xi32> to vector<1x16xi32>
      tpu.vector_store %arg5[%swap3A_1428, %swap3A_1429], %swap3A_1432 {strides = array<i32>} : memref<2x128xi32, #tpu.memory_space<vmem>>, vector<1x16xi32>,
      %get3A_1433 = arith.constant 0 : i32
      %get3A_1434 = arith.index_cast %get3A_1433 : i32 to index
      %get3A_1435 = arith.constant 64 : index
      %get3A_1436 = tpu.vector_load %arg5[%get3A_1434, %get3A_1435] {strides = array<i32>} : memref<2x128xi32, #tpu.memory_space<vmem>>, vector<1x16xi32>,
      %get3A_1437 = vector.shape_cast %get3A_1436 : vector<1x16xi32> to vector<16xi32>
      %get3A_1438 = arith.constant 1 : i32
      %get3A_1439 = arith.index_cast %get3A_1438 : i32 to index
      %get3A_1440 = arith.constant 64 : index
      %get3A_1441 = tpu.vector_load %arg5[%get3A_1439, %get3A_1440] {strides = array<i32>} : memref<2x128xi32, #tpu.memory_space<vmem>>, vector<1x16xi32>,
      %get3A_1442 = vector.shape_cast %get3A_1441 : vector<1x16xi32> to vector<16xi32>
      %eq3A_1443 = arith.cmpi eq, %get3A_1437, %get3A_1442 : vector<16xi32>
      %broadcast_in_dim3A_1444 = arith.constant 10000 : i32
      %broadcast_in_dim3A_1445 = vector.broadcast %broadcast_in_dim3A_1444 : i32 to vector<16xi32>
      %select_n3A_1446 = arith.select %eq3A_1443, %broadcast_in_dim3A_1445, %get3A_1442 : vector<16xi1>, vector<16xi32>
      %swap3A_1447 = arith.constant 1 : i32
      %swap3A_1448 = arith.index_cast %swap3A_1447 : i32 to index
      %swap3A_1449 = arith.constant 64 : index
      %swap3A_1450 = tpu.vector_load %arg5[%swap3A_1448, %swap3A_1449] {strides = array<i32>} : memref<2x128xi32, #tpu.memory_space<vmem>>, vector<1x16xi32>,
      %swap3A_1451 = vector.shape_cast %swap3A_1450 : vector<1x16xi32> to vector<16xi32>
      %swap3A_1452 = vector.shape_cast %select_n3A_1446 : vector<16xi32> to vector<1x16xi32>
      tpu.vector_store %arg5[%swap3A_1448, %swap3A_1449], %swap3A_1452 {strides = array<i32>} : memref<2x128xi32, #tpu.memory_space<vmem>>, vector<1x16xi32>,
      %get3A_1453 = arith.constant 0 : i32
      %get3A_1454 = arith.index_cast %get3A_1453 : i32 to index
      %get3A_1455 = arith.constant 80 : index
      %get3A_1456 = tpu.vector_load %arg5[%get3A_1454, %get3A_1455] {strides = array<i32>} : memref<2x128xi32, #tpu.memory_space<vmem>>, vector<1x16xi32>,
      %get3A_1457 = vector.shape_cast %get3A_1456 : vector<1x16xi32> to vector<16xi32>
      %get3A_1458 = arith.constant 1 : i32
      %get3A_1459 = arith.index_cast %get3A_1458 : i32 to index
      %get3A_1460 = arith.constant 80 : index
      %get3A_1461 = tpu.vector_load %arg5[%get3A_1459, %get3A_1460] {strides = array<i32>} : memref<2x128xi32, #tpu.memory_space<vmem>>, vector<1x16xi32>,
      %get3A_1462 = vector.shape_cast %get3A_1461 : vector<1x16xi32> to vector<16xi32>
      %eq3A_1463 = arith.cmpi eq, %get3A_1457, %get3A_1462 : vector<16xi32>
      %broadcast_in_dim3A_1464 = arith.constant 10000 : i32
      %broadcast_in_dim3A_1465 = vector.broadcast %broadcast_in_dim3A_1464 : i32 to vector<16xi32>
      %select_n3A_1466 = arith.select %eq3A_1463, %broadcast_in_dim3A_1465, %get3A_1462 : vector<16xi1>, vector<16xi32>
      %swap3A_1467 = arith.constant 1 : i32
      %swap3A_1468 = arith.index_cast %swap3A_1467 : i32 to index
      %swap3A_1469 = arith.constant 80 : index
      %swap3A_1470 = tpu.vector_load %arg5[%swap3A_1468, %swap3A_1469] {strides = array<i32>} : memref<2x128xi32, #tpu.memory_space<vmem>>, vector<1x16xi32>,
      %swap3A_1471 = vector.shape_cast %swap3A_1470 : vector<1x16xi32> to vector<16xi32>
      %swap3A_1472 = vector.shape_cast %select_n3A_1466 : vector<16xi32> to vector<1x16xi32>
      tpu.vector_store %arg5[%swap3A_1468, %swap3A_1469], %swap3A_1472 {strides = array<i32>} : memref<2x128xi32, #tpu.memory_space<vmem>>, vector<1x16xi32>,
      %get3A_1473 = arith.constant 0 : i32
      %get3A_1474 = arith.index_cast %get3A_1473 : i32 to index
      %get3A_1475 = arith.constant 96 : index
      %get3A_1476 = tpu.vector_load %arg5[%get3A_1474, %get3A_1475] {strides = array<i32>} : memref<2x128xi32, #tpu.memory_space<vmem>>, vector<1x16xi32>,
      %get3A_1477 = vector.shape_cast %get3A_1476 : vector<1x16xi32> to vector<16xi32>
      %get3A_1478 = arith.constant 1 : i32
      %get3A_1479 = arith.index_cast %get3A_1478 : i32 to index
      %get3A_1480 = arith.constant 96 : index
      %get3A_1481 = tpu.vector_load %arg5[%get3A_1479, %get3A_1480] {strides = array<i32>} : memref<2x128xi32, #tpu.memory_space<vmem>>, vector<1x16xi32>,
      %get3A_1482 = vector.shape_cast %get3A_1481 : vector<1x16xi32> to vector<16xi32>
      %eq3A_1483 = arith.cmpi eq, %get3A_1477, %get3A_1482 : vector<16xi32>
      %broadcast_in_dim3A_1484 = arith.constant 10000 : i32
      %broadcast_in_dim3A_1485 = vector.broadcast %broadcast_in_dim3A_1484 : i32 to vector<16xi32>
      %select_n3A_1486 = arith.select %eq3A_1483, %broadcast_in_dim3A_1485, %get3A_1482 : vector<16xi1>, vector<16xi32>
      %swap3A_1487 = arith.constant 1 : i32
      %swap3A_1488 = arith.index_cast %swap3A_1487 : i32 to index
      %swap3A_1489 = arith.constant 96 : index
      %swap3A_1490 = tpu.vector_load %arg5[%swap3A_1488, %swap3A_1489] {strides = array<i32>} : memref<2x128xi32, #tpu.memory_space<vmem>>, vector<1x16xi32>,
      %swap3A_1491 = vector.shape_cast %swap3A_1490 : vector<1x16xi32> to vector<16xi32>
      %swap3A_1492 = vector.shape_cast %select_n3A_1486 : vector<16xi32> to vector<1x16xi32>
      tpu.vector_store %arg5[%swap3A_1488, %swap3A_1489], %swap3A_1492 {strides = array<i32>} : memref<2x128xi32, #tpu.memory_space<vmem>>, vector<1x16xi32>,
      %get3A_1493 = arith.constant 0 : i32
      %get3A_1494 = arith.index_cast %get3A_1493 : i32 to index
      %get3A_1495 = arith.constant 112 : index
      %get3A_1496 = tpu.vector_load %arg5[%get3A_1494, %get3A_1495] {strides = array<i32>} : memref<2x128xi32, #tpu.memory_space<vmem>>, vector<1x16xi32>,
      %get3A_1497 = vector.shape_cast %get3A_1496 : vector<1x16xi32> to vector<16xi32>
      %get3A_1498 = arith.constant 1 : i32
      %get3A_1499 = arith.index_cast %get3A_1498 : i32 to index
      %get3A_1500 = arith.constant 112 : index
      %get3A_1501 = tpu.vector_load %arg5[%get3A_1499, %get3A_1500] {strides = array<i32>} : memref<2x128xi32, #tpu.memory_space<vmem>>, vector<1x16xi32>,
      %get3A_1502 = vector.shape_cast %get3A_1501 : vector<1x16xi32> to vector<16xi32>
      %eq3A_1503 = arith.cmpi eq, %get3A_1497, %get3A_1502 : vector<16xi32>
      %broadcast_in_dim3A_1504 = arith.constant 10000 : i32
      %broadcast_in_dim3A_1505 = vector.broadcast %broadcast_in_dim3A_1504 : i32 to vector<16xi32>
      %select_n3A_1506 = arith.select %eq3A_1503, %broadcast_in_dim3A_1505, %get3A_1502 : vector<16xi1>, vector<16xi32>
      %swap3A_1507 = arith.constant 1 : i32
      %swap3A_1508 = arith.index_cast %swap3A_1507 : i32 to index
      %swap3A_1509 = arith.constant 112 : index
      %swap3A_1510 = tpu.vector_load %arg5[%swap3A_1508, %swap3A_1509] {strides = array<i32>} : memref<2x128xi32, #tpu.memory_space<vmem>>, vector<1x16xi32>,
      %swap3A_1511 = vector.shape_cast %swap3A_1510 : vector<1x16xi32> to vector<16xi32>
      %swap3A_1512 = vector.shape_cast %select_n3A_1506 : vector<16xi32> to vector<1x16xi32>
      tpu.vector_store %arg5[%swap3A_1508, %swap3A_1509], %swap3A_1512 {strides = array<i32>} : memref<2x128xi32, #tpu.memory_space<vmem>>, vector<1x16xi32>,
      %dma_start3A_1513 = arith.constant 0 : i32
      %dma_start3A_1514 = arith.constant 0 : i32
      %dma_start3A_1515 = arith.constant 0 : i32
      %dma_start3A_1516 = tpu.memref_slice %arg8[%dma_start3A_1514, %dma_start3A_1515] : memref<128x128xf32, #tpu.memory_space<vmem>> -> memref<64x128xf32, #tpu.memory_space<vmem>>
      %dma_start3A_1517 = arith.constant 0 : i32
      %dma_start3A_1518 = tpu.memref_slice %arg5[%dma_start3A_1513, %dma_start3A_1517] : memref<2x128xi32, #tpu.memory_space<vmem>> -> memref<1x64xi32, #tpu.memory_space<vmem>>
      %dma_start3A_1519 = tpu.memref_squeeze %dma_start3A_1518 : memref<1x64xi32, #tpu.memory_space<vmem>> -> memref<64xi32, #tpu.memory_space<vmem>>
      %dma_start3A_1520 = arith.constant 0 : i32
      %dma_start3A_1521 = arith.constant 0 : i32
      %dma_start3A_1522 = tpu.memref_slice %arg2[%dma_start3A_1520, %dma_start3A_1521] : memref<10000x128xf32, #tpu.memory_space<hbm>> -> memref<10000x128xf32, #tpu.memory_space<hbm>>
      tpu.enqueue_indirect_dma source(%dma_start3A_1522 : memref<10000x128xf32, #tpu.memory_space<hbm>>) target(%dma_start3A_1516 : memref<64x128xf32, #tpu.memory_space<vmem>>) offsets(%dma_start3A_1519 : memref<64xi32, #tpu.memory_space<vmem>>) semaphore(%arg15 : memref<!tpu.dma_semaphore, #tpu.memory_space<semaphore_mem>>)
      %dma_start3A_1523 = arith.constant 0 : i32
      %dma_start3A_1524 = arith.constant 64 : i32
      %dma_start3A_1525 = arith.constant 0 : i32
      %dma_start3A_1526 = tpu.memref_slice %arg8[%dma_start3A_1524, %dma_start3A_1525] : memref<128x128xf32, #tpu.memory_space<vmem>> -> memref<64x128xf32, #tpu.memory_space<vmem>>
      %dma_start3A_1527 = arith.constant 64 : i32
      %dma_start3A_1528 = tpu.memref_slice %arg5[%dma_start3A_1523, %dma_start3A_1527] : memref<2x128xi32, #tpu.memory_space<vmem>> -> memref<1x64xi32, #tpu.memory_space<vmem>>
      %dma_start3A_1529 = tpu.memref_squeeze %dma_start3A_1528 : memref<1x64xi32, #tpu.memory_space<vmem>> -> memref<64xi32, #tpu.memory_space<vmem>>
      %dma_start3A_1530 = arith.constant 0 : i32
      %dma_start3A_1531 = arith.constant 0 : i32
      %dma_start3A_1532 = tpu.memref_slice %arg2[%dma_start3A_1530, %dma_start3A_1531] : memref<10000x128xf32, #tpu.memory_space<hbm>> -> memref<10000x128xf32, #tpu.memory_space<hbm>>
      tpu.enqueue_indirect_dma source(%dma_start3A_1532 : memref<10000x128xf32, #tpu.memory_space<hbm>>) target(%dma_start3A_1526 : memref<64x128xf32, #tpu.memory_space<vmem>>) offsets(%dma_start3A_1529 : memref<64xi32, #tpu.memory_space<vmem>>) semaphore(%arg15 : memref<!tpu.dma_semaphore, #tpu.memory_space<semaphore_mem>>)
      %dma_wait3A_1533 = arith.constant 0 : i32
      %dma_wait3A_1534 = arith.constant 0 : i32
      %dma_wait3A_1535 = arith.constant 0 : i32
      %dma_wait3A_1536 = tpu.memref_slice %arg10[%dma_wait3A_1534, %dma_wait3A_1535] : memref<128x128xf32, #tpu.memory_space<vmem>> -> memref<64x128xf32, #tpu.memory_space<vmem>>
      %dma_wait3A_1537 = arith.constant 0 : i32
      %dma_wait3A_1538 = tpu.memref_slice %arg7[%dma_wait3A_1533, %dma_wait3A_1537] : memref<2x128xi32, #tpu.memory_space<vmem>> -> memref<1x64xi32, #tpu.memory_space<vmem>>
      %dma_wait3A_1539 = tpu.memref_squeeze %dma_wait3A_1538 : memref<1x64xi32, #tpu.memory_space<vmem>> -> memref<64xi32, #tpu.memory_space<vmem>>
      %dma_wait3A_1540 = arith.constant 0 : i32
      %dma_wait3A_1541 = arith.constant 0 : i32
      %dma_wait3A_1542 = tpu.memref_slice %arg2[%dma_wait3A_1540, %dma_wait3A_1541] : memref<10000x128xf32, #tpu.memory_space<hbm>> -> memref<10000x128xf32, #tpu.memory_space<hbm>>
      tpu.wait_indirect_dma semaphore(%arg17 : memref<!tpu.dma_semaphore, #tpu.memory_space<semaphore_mem>>) src(%dma_wait3A_1542 : memref<10000x128xf32, #tpu.memory_space<hbm>>) dst(%dma_wait3A_1536 : memref<64x128xf32, #tpu.memory_space<vmem>>)
      %dma_wait3A_1543 = arith.constant 0 : i32
      %dma_wait3A_1544 = arith.constant 64 : i32
      %dma_wait3A_1545 = arith.constant 0 : i32
      %dma_wait3A_1546 = tpu.memref_slice %arg10[%dma_wait3A_1544, %dma_wait3A_1545] : memref<128x128xf32, #tpu.memory_space<vmem>> -> memref<64x128xf32, #tpu.memory_space<vmem>>
      %dma_wait3A_1547 = arith.constant 64 : i32
      %dma_wait3A_1548 = tpu.memref_slice %arg7[%dma_wait3A_1543, %dma_wait3A_1547] : memref<2x128xi32, #tpu.memory_space<vmem>> -> memref<1x64xi32, #tpu.memory_space<vmem>>
      %dma_wait3A_1549 = tpu.memref_squeeze %dma_wait3A_1548 : memref<1x64xi32, #tpu.memory_space<vmem>> -> memref<64xi32, #tpu.memory_space<vmem>>
      %dma_wait3A_1550 = arith.constant 0 : i32
      %dma_wait3A_1551 = arith.constant 0 : i32
      %dma_wait3A_1552 = tpu.memref_slice %arg2[%dma_wait3A_1550, %dma_wait3A_1551] : memref<10000x128xf32, #tpu.memory_space<hbm>> -> memref<10000x128xf32, #tpu.memory_space<hbm>>
      tpu.wait_indirect_dma semaphore(%arg17 : memref<!tpu.dma_semaphore, #tpu.memory_space<semaphore_mem>>) src(%dma_wait3A_1552 : memref<10000x128xf32, #tpu.memory_space<hbm>>) dst(%dma_wait3A_1546 : memref<64x128xf32, #tpu.memory_space<vmem>>)
      %dma_start3A_1553 = arith.constant 1 : i32
      %dma_start3A_1554 = arith.constant 0 : i32
      %dma_start3A_1555 = tpu.memref_slice %arg7[%dma_start3A_1553, %dma_start3A_1554] : memref<2x128xi32, #tpu.memory_space<vmem>> -> memref<1x128xi32, #tpu.memory_space<vmem>>
      %dma_start3A_1556 = tpu.memref_squeeze %dma_start3A_1555 : memref<1x128xi32, #tpu.memory_space<vmem>> -> memref<128xi32, #tpu.memory_space<vmem>>
      %dma_start3A_1557 = arith.constant 0 : i32
      %dma_start3A_1558 = arith.constant 0 : i32
      %dma_start3A_1559 = tpu.memref_slice %arg11[%dma_start3A_1557, %dma_start3A_1558] : memref<10112x128xf32, #tpu.memory_space<vmem_shared>> -> memref<10112x128xf32, #tpu.memory_space<vmem_shared>>
      tpu.enqueue_indirect_dma source(%arg10 : memref<128x128xf32, #tpu.memory_space<vmem>>) target(%dma_start3A_1559 : memref<10112x128xf32, #tpu.memory_space<vmem_shared>>) offsets(%dma_start3A_1556 : memref<128xi32, #tpu.memory_space<vmem>>) semaphore(%arg20 : memref<!tpu.dma_semaphore, #tpu.memory_space<semaphore_mem>>) {add = true}
      %dma_wait3A_1560 = arith.constant 1 : i32
      %dma_wait3A_1561 = arith.constant 0 : i32
      %dma_wait3A_1562 = tpu.memref_slice %arg6[%dma_wait3A_1560, %dma_wait3A_1561] : memref<2x128xi32, #tpu.memory_space<vmem>> -> memref<1x128xi32, #tpu.memory_space<vmem>>
      %dma_wait3A_1563 = tpu.memref_squeeze %dma_wait3A_1562 : memref<1x128xi32, #tpu.memory_space<vmem>> -> memref<128xi32, #tpu.memory_space<vmem>>
      %dma_wait3A_1564 = arith.constant 0 : i32
      %dma_wait3A_1565 = arith.constant 0 : i32
      %dma_wait3A_1566 = tpu.memref_slice %arg11[%dma_wait3A_1564, %dma_wait3A_1565] : memref<10112x128xf32, #tpu.memory_space<vmem_shared>> -> memref<10112x128xf32, #tpu.memory_space<vmem_shared>>
      tpu.wait_indirect_dma semaphore(%arg19 : memref<!tpu.dma_semaphore, #tpu.memory_space<semaphore_mem>>) src(%arg9 : memref<128x128xf32, #tpu.memory_space<vmem>>) dst(%dma_wait3A_1566 : memref<10112x128xf32, #tpu.memory_space<vmem_shared>>)
      %dma_wait3A_1567 = arith.constant 0 : i32
      %dma_wait3A_1568 = arith.constant 0 : i32
      %dma_wait3A_1569 = arith.constant 0 : i32
      %dma_wait3A_1570 = tpu.memref_slice %arg8[%dma_wait3A_1568, %dma_wait3A_1569] : memref<128x128xf32, #tpu.memory_space<vmem>> -> memref<64x128xf32, #tpu.memory_space<vmem>>
      %dma_wait3A_1571 = arith.constant 0 : i32
      %dma_wait3A_1572 = tpu.memref_slice %arg5[%dma_wait3A_1567, %dma_wait3A_1571] : memref<2x128xi32, #tpu.memory_space<vmem>> -> memref<1x64xi32, #tpu.memory_space<vmem>>
      %dma_wait3A_1573 = tpu.memref_squeeze %dma_wait3A_1572 : memref<1x64xi32, #tpu.memory_space<vmem>> -> memref<64xi32, #tpu.memory_space<vmem>>
      %dma_wait3A_1574 = arith.constant 0 : i32
      %dma_wait3A_1575 = arith.constant 0 : i32
      %dma_wait3A_1576 = tpu.memref_slice %arg2[%dma_wait3A_1574, %dma_wait3A_1575] : memref<10000x128xf32, #tpu.memory_space<hbm>> -> memref<10000x128xf32, #tpu.memory_space<hbm>>
      tpu.wait_indirect_dma semaphore(%arg15 : memref<!tpu.dma_semaphore, #tpu.memory_space<semaphore_mem>>) src(%dma_wait3A_1576 : memref<10000x128xf32, #tpu.memory_space<hbm>>) dst(%dma_wait3A_1570 : memref<64x128xf32, #tpu.memory_space<vmem>>)
      %dma_wait3A_1577 = arith.constant 0 : i32
      %dma_wait3A_1578 = arith.constant 64 : i32
      %dma_wait3A_1579 = arith.constant 0 : i32
      %dma_wait3A_1580 = tpu.memref_slice %arg8[%dma_wait3A_1578, %dma_wait3A_1579] : memref<128x128xf32, #tpu.memory_space<vmem>> -> memref<64x128xf32, #tpu.memory_space<vmem>>
      %dma_wait3A_1581 = arith.constant 64 : i32
      %dma_wait3A_1582 = tpu.memref_slice %arg5[%dma_wait3A_1577, %dma_wait3A_1581] : memref<2x128xi32, #tpu.memory_space<vmem>> -> memref<1x64xi32, #tpu.memory_space<vmem>>
      %dma_wait3A_1583 = tpu.memref_squeeze %dma_wait3A_1582 : memref<1x64xi32, #tpu.memory_space<vmem>> -> memref<64xi32, #tpu.memory_space<vmem>>
      %dma_wait3A_1584 = arith.constant 0 : i32
      %dma_wait3A_1585 = arith.constant 0 : i32
      %dma_wait3A_1586 = tpu.memref_slice %arg2[%dma_wait3A_1584, %dma_wait3A_1585] : memref<10000x128xf32, #tpu.memory_space<hbm>> -> memref<10000x128xf32, #tpu.memory_space<hbm>>
      tpu.wait_indirect_dma semaphore(%arg15 : memref<!tpu.dma_semaphore, #tpu.memory_space<semaphore_mem>>) src(%dma_wait3A_1586 : memref<10000x128xf32, #tpu.memory_space<hbm>>) dst(%dma_wait3A_1580 : memref<64x128xf32, #tpu.memory_space<vmem>>)
      %dma_start3A_1587 = arith.constant 1 : i32
      %dma_start3A_1588 = arith.constant 0 : i32
      %dma_start3A_1589 = tpu.memref_slice %arg5[%dma_start3A_1587, %dma_start3A_1588] : memref<2x128xi32, #tpu.memory_space<vmem>> -> memref<1x128xi32, #tpu.memory_space<vmem>>
      %dma_start3A_1590 = tpu.memref_squeeze %dma_start3A_1589 : memref<1x128xi32, #tpu.memory_space<vmem>> -> memref<128xi32, #tpu.memory_space<vmem>>
      %dma_start3A_1591 = arith.constant 0 : i32
      %dma_start3A_1592 = arith.constant 0 : i32
      %dma_start3A_1593 = tpu.memref_slice %arg11[%dma_start3A_1591, %dma_start3A_1592] : memref<10112x128xf32, #tpu.memory_space<vmem_shared>> -> memref<10112x128xf32, #tpu.memory_space<vmem_shared>>
      tpu.enqueue_indirect_dma source(%arg8 : memref<128x128xf32, #tpu.memory_space<vmem>>) target(%dma_start3A_1593 : memref<10112x128xf32, #tpu.memory_space<vmem_shared>>) offsets(%dma_start3A_1590 : memref<128xi32, #tpu.memory_space<vmem>>) semaphore(%arg18 : memref<!tpu.dma_semaphore, #tpu.memory_space<semaphore_mem>>) {add = true}
      %dma_wait3A_1594 = arith.constant 1 : i32
      %dma_wait3A_1595 = arith.constant 0 : i32
      %dma_wait3A_1596 = tpu.memref_slice %arg7[%dma_wait3A_1594, %dma_wait3A_1595] : memref<2x128xi32, #tpu.memory_space<vmem>> -> memref<1x128xi32, #tpu.memory_space<vmem>>
      %dma_wait3A_1597 = tpu.memref_squeeze %dma_wait3A_1596 : memref<1x128xi32, #tpu.memory_space<vmem>> -> memref<128xi32, #tpu.memory_space<vmem>>
      %dma_wait3A_1598 = arith.constant 0 : i32
      %dma_wait3A_1599 = arith.constant 0 : i32
      %dma_wait3A_1600 = tpu.memref_slice %arg11[%dma_wait3A_1598, %dma_wait3A_1599] : memref<10112x128xf32, #tpu.memory_space<vmem_shared>> -> memref<10112x128xf32, #tpu.memory_space<vmem_shared>>
      tpu.wait_indirect_dma semaphore(%arg20 : memref<!tpu.dma_semaphore, #tpu.memory_space<semaphore_mem>>) src(%arg10 : memref<128x128xf32, #tpu.memory_space<vmem>>) dst(%dma_wait3A_1600 : memref<10112x128xf32, #tpu.memory_space<vmem_shared>>)
      %dma_wait3A_1601 = arith.constant 1 : i32
      %dma_wait3A_1602 = arith.constant 0 : i32
      %dma_wait3A_1603 = tpu.memref_slice %arg5[%dma_wait3A_1601, %dma_wait3A_1602] : memref<2x128xi32, #tpu.memory_space<vmem>> -> memref<1x128xi32, #tpu.memory_space<vmem>>
      %dma_wait3A_1604 = tpu.memref_squeeze %dma_wait3A_1603 : memref<1x128xi32, #tpu.memory_space<vmem>> -> memref<128xi32, #tpu.memory_space<vmem>>
      %dma_wait3A_1605 = arith.constant 0 : i32
      %dma_wait3A_1606 = arith.constant 0 : i32
      %dma_wait3A_1607 = tpu.memref_slice %arg11[%dma_wait3A_1605, %dma_wait3A_1606] : memref<10112x128xf32, #tpu.memory_space<vmem_shared>> -> memref<10112x128xf32, #tpu.memory_space<vmem_shared>>
      tpu.wait_indirect_dma semaphore(%arg18 : memref<!tpu.dma_semaphore, #tpu.memory_space<semaphore_mem>>) src(%arg8 : memref<128x128xf32, #tpu.memory_space<vmem>>) dst(%dma_wait3A_1607 : memref<10112x128xf32, #tpu.memory_space<vmem_shared>>)
    } else {
    }
    %ge3A = arith.constant 2 : i32
    %ge3A_25 = arith.cmpi sge, %arg1, %ge3A : i32
    %convert_element_type3A_26 = arith.extui %ge3A_25 : i1 to i32
    %cond3A_27 = arith.constant 0 : i32
    %cond3A_28 = arith.cmpi ne, %convert_element_type3A_26, %cond3A_27 : i32
    scf.if %cond3A_28 {
      %add3A_30 = arith.constant 0 : i32
      %add3A_31 = arith.addi %mul3A_15, %add3A_30 : i32
      %dma_start3A = arith.constant 0 : i32
      %dma_start3A_32 = tpu.memref_slice %arg3[%dma_start3A, %add3A_31] : memref<2x320000xi32, #tpu.memory_space<hbm>> -> memref<2x128xi32, #tpu.memory_space<hbm>>
      %dma_start3A_33 = arith.constant 0 : i32
      %dma_start3A_34 = tpu.memref_slice %arg3[%dma_start3A_33, %add3A_31] : memref<2x320000xi32, #tpu.memory_space<hbm>> -> memref<2x128xi32, #tpu.memory_space<hbm>>
      tpu.enqueue_dma source(%dma_start3A_34 : memref<2x128xi32, #tpu.memory_space<hbm>>) target(%arg5 : memref<2x128xi32, #tpu.memory_space<vmem>>) target_semaphore(%arg12 : memref<!tpu.dma_semaphore, #tpu.memory_space<semaphore_mem>>)
      %add3A_35 = arith.constant 128 : i32
      %add3A_36 = arith.addi %mul3A_15, %add3A_35 : i32
      %dma_start3A_37 = arith.constant 0 : i32
      %dma_start3A_38 = tpu.memref_slice %arg3[%dma_start3A_37, %add3A_36] : memref<2x320000xi32, #tpu.memory_space<hbm>> -> memref<2x128xi32, #tpu.memory_space<hbm>>
      %dma_start3A_39 = arith.constant 0 : i32
      %dma_start3A_40 = tpu.memref_slice %arg3[%dma_start3A_39, %add3A_36] : memref<2x320000xi32, #tpu.memory_space<hbm>> -> memref<2x128xi32, #tpu.memory_space<hbm>>
      tpu.enqueue_dma source(%dma_start3A_40 : memref<2x128xi32, #tpu.memory_space<hbm>>) target(%arg6 : memref<2x128xi32, #tpu.memory_space<vmem>>) target_semaphore(%arg13 : memref<!tpu.dma_semaphore, #tpu.memory_space<semaphore_mem>>)
      %dma_wait3A = arith.constant 0 : i32
      %dma_wait3A_41 = arith.constant 0 : i32
      %dma_wait3A_42 = tpu.memref_slice %arg3[%dma_wait3A, %dma_wait3A_41] : memref<2x320000xi32, #tpu.memory_space<hbm>> -> memref<2x128xi32, #tpu.memory_space<hbm>>
      %dma_wait3A_43 = arith.constant 0 : i32
      %dma_wait3A_44 = arith.constant 0 : i32
      %dma_wait3A_45 = tpu.memref_slice %arg3[%dma_wait3A_43, %dma_wait3A_44] : memref<2x320000xi32, #tpu.memory_space<hbm>> -> memref<2x128xi32, #tpu.memory_space<hbm>>
      tpu.wait_dma2 semaphore(%arg12 : memref<!tpu.dma_semaphore, #tpu.memory_space<semaphore_mem>>) src(%dma_wait3A_45 : memref<2x128xi32, #tpu.memory_space<hbm>>) dst(%arg5 : memref<2x128xi32, #tpu.memory_space<vmem>>)
      %get3A = arith.constant 0 : i32
      %get3A_46 = arith.index_cast %get3A : i32 to index
      %get3A_47 = arith.constant 0 : index
      %get3A_48 = tpu.vector_load %arg5[%get3A_46, %get3A_47] {strides = array<i32>} : memref<2x128xi32, #tpu.memory_space<vmem>>, vector<1x16xi32>,
      %get3A_49 = vector.shape_cast %get3A_48 : vector<1x16xi32> to vector<16xi32>
      %get3A_50 = arith.constant 1 : i32
      %get3A_51 = arith.index_cast %get3A_50 : i32 to index
      %get3A_52 = arith.constant 0 : index
      %get3A_53 = tpu.vector_load %arg5[%get3A_51, %get3A_52] {strides = array<i32>} : memref<2x128xi32, #tpu.memory_space<vmem>>, vector<1x16xi32>,
      %get3A_54 = vector.shape_cast %get3A_53 : vector<1x16xi32> to vector<16xi32>
      %eq3A = arith.cmpi eq, %get3A_49, %get3A_54 : vector<16xi32>
      %broadcast_in_dim3A = arith.constant 10000 : i32
      %broadcast_in_dim3A_55 = vector.broadcast %broadcast_in_dim3A : i32 to vector<16xi32>
      %select_n3A = arith.select %eq3A, %broadcast_in_dim3A_55, %get3A_54 : vector<16xi1>, vector<16xi32>
      %swap3A = arith.constant 1 : i32
      %swap3A_56 = arith.index_cast %swap3A : i32 to index
      %swap3A_57 = arith.constant 0 : index
      %swap3A_58 = tpu.vector_load %arg5[%swap3A_56, %swap3A_57] {strides = array<i32>} : memref<2x128xi32, #tpu.memory_space<vmem>>, vector<1x16xi32>,
      %swap3A_59 = vector.shape_cast %swap3A_58 : vector<1x16xi32> to vector<16xi32>
      %swap3A_60 = vector.shape_cast %select_n3A : vector<16xi32> to vector<1x16xi32>
      tpu.vector_store %arg5[%swap3A_56, %swap3A_57], %swap3A_60 {strides = array<i32>} : memref<2x128xi32, #tpu.memory_space<vmem>>, vector<1x16xi32>,
      %get3A_61 = arith.constant 0 : i32
      %get3A_62 = arith.index_cast %get3A_61 : i32 to index
      %get3A_63 = arith.constant 16 : index
      %get3A_64 = tpu.vector_load %arg5[%get3A_62, %get3A_63] {strides = array<i32>} : memref<2x128xi32, #tpu.memory_space<vmem>>, vector<1x16xi32>,
      %get3A_65 = vector.shape_cast %get3A_64 : vector<1x16xi32> to vector<16xi32>
      %get3A_66 = arith.constant 1 : i32
      %get3A_67 = arith.index_cast %get3A_66 : i32 to index
      %get3A_68 = arith.constant 16 : index
      %get3A_69 = tpu.vector_load %arg5[%get3A_67, %get3A_68] {strides = array<i32>} : memref<2x128xi32, #tpu.memory_space<vmem>>, vector<1x16xi32>,
      %get3A_70 = vector.shape_cast %get3A_69 : vector<1x16xi32> to vector<16xi32>
      %eq3A_71 = arith.cmpi eq, %get3A_65, %get3A_70 : vector<16xi32>
      %broadcast_in_dim3A_72 = arith.constant 10000 : i32
      %broadcast_in_dim3A_73 = vector.broadcast %broadcast_in_dim3A_72 : i32 to vector<16xi32>
      %select_n3A_74 = arith.select %eq3A_71, %broadcast_in_dim3A_73, %get3A_70 : vector<16xi1>, vector<16xi32>
      %swap3A_75 = arith.constant 1 : i32
      %swap3A_76 = arith.index_cast %swap3A_75 : i32 to index
      %swap3A_77 = arith.constant 16 : index
      %swap3A_78 = tpu.vector_load %arg5[%swap3A_76, %swap3A_77] {strides = array<i32>} : memref<2x128xi32, #tpu.memory_space<vmem>>, vector<1x16xi32>,
      %swap3A_79 = vector.shape_cast %swap3A_78 : vector<1x16xi32> to vector<16xi32>
      %swap3A_80 = vector.shape_cast %select_n3A_74 : vector<16xi32> to vector<1x16xi32>
      tpu.vector_store %arg5[%swap3A_76, %swap3A_77], %swap3A_80 {strides = array<i32>} : memref<2x128xi32, #tpu.memory_space<vmem>>, vector<1x16xi32>,
      %get3A_81 = arith.constant 0 : i32
      %get3A_82 = arith.index_cast %get3A_81 : i32 to index
      %get3A_83 = arith.constant 32 : index
      %get3A_84 = tpu.vector_load %arg5[%get3A_82, %get3A_83] {strides = array<i32>} : memref<2x128xi32, #tpu.memory_space<vmem>>, vector<1x16xi32>,
      %get3A_85 = vector.shape_cast %get3A_84 : vector<1x16xi32> to vector<16xi32>
      %get3A_86 = arith.constant 1 : i32
      %get3A_87 = arith.index_cast %get3A_86 : i32 to index
      %get3A_88 = arith.constant 32 : index
      %get3A_89 = tpu.vector_load %arg5[%get3A_87, %get3A_88] {strides = array<i32>} : memref<2x128xi32, #tpu.memory_space<vmem>>, vector<1x16xi32>,
      %get3A_90 = vector.shape_cast %get3A_89 : vector<1x16xi32> to vector<16xi32>
      %eq3A_91 = arith.cmpi eq, %get3A_85, %get3A_90 : vector<16xi32>
      %broadcast_in_dim3A_92 = arith.constant 10000 : i32
      %broadcast_in_dim3A_93 = vector.broadcast %broadcast_in_dim3A_92 : i32 to vector<16xi32>
      %select_n3A_94 = arith.select %eq3A_91, %broadcast_in_dim3A_93, %get3A_90 : vector<16xi1>, vector<16xi32>
      %swap3A_95 = arith.constant 1 : i32
      %swap3A_96 = arith.index_cast %swap3A_95 : i32 to index
      %swap3A_97 = arith.constant 32 : index
      %swap3A_98 = tpu.vector_load %arg5[%swap3A_96, %swap3A_97] {strides = array<i32>} : memref<2x128xi32, #tpu.memory_space<vmem>>, vector<1x16xi32>,
      %swap3A_99 = vector.shape_cast %swap3A_98 : vector<1x16xi32> to vector<16xi32>
      %swap3A_100 = vector.shape_cast %select_n3A_94 : vector<16xi32> to vector<1x16xi32>
      tpu.vector_store %arg5[%swap3A_96, %swap3A_97], %swap3A_100 {strides = array<i32>} : memref<2x128xi32, #tpu.memory_space<vmem>>, vector<1x16xi32>,
      %get3A_101 = arith.constant 0 : i32
      %get3A_102 = arith.index_cast %get3A_101 : i32 to index
      %get3A_103 = arith.constant 48 : index
      %get3A_104 = tpu.vector_load %arg5[%get3A_102, %get3A_103] {strides = array<i32>} : memref<2x128xi32, #tpu.memory_space<vmem>>, vector<1x16xi32>,
      %get3A_105 = vector.shape_cast %get3A_104 : vector<1x16xi32> to vector<16xi32>
      %get3A_106 = arith.constant 1 : i32
      %get3A_107 = arith.index_cast %get3A_106 : i32 to index
      %get3A_108 = arith.constant 48 : index
      %get3A_109 = tpu.vector_load %arg5[%get3A_107, %get3A_108] {strides = array<i32>} : memref<2x128xi32, #tpu.memory_space<vmem>>, vector<1x16xi32>,
      %get3A_110 = vector.shape_cast %get3A_109 : vector<1x16xi32> to vector<16xi32>
      %eq3A_111 = arith.cmpi eq, %get3A_105, %get3A_110 : vector<16xi32>
      %broadcast_in_dim3A_112 = arith.constant 10000 : i32
      %broadcast_in_dim3A_113 = vector.broadcast %broadcast_in_dim3A_112 : i32 to vector<16xi32>
      %select_n3A_114 = arith.select %eq3A_111, %broadcast_in_dim3A_113, %get3A_110 : vector<16xi1>, vector<16xi32>
      %swap3A_115 = arith.constant 1 : i32
      %swap3A_116 = arith.index_cast %swap3A_115 : i32 to index
      %swap3A_117 = arith.constant 48 : index
      %swap3A_118 = tpu.vector_load %arg5[%swap3A_116, %swap3A_117] {strides = array<i32>} : memref<2x128xi32, #tpu.memory_space<vmem>>, vector<1x16xi32>,
      %swap3A_119 = vector.shape_cast %swap3A_118 : vector<1x16xi32> to vector<16xi32>
      %swap3A_120 = vector.shape_cast %select_n3A_114 : vector<16xi32> to vector<1x16xi32>
      tpu.vector_store %arg5[%swap3A_116, %swap3A_117], %swap3A_120 {strides = array<i32>} : memref<2x128xi32, #tpu.memory_space<vmem>>, vector<1x16xi32>,
      %get3A_121 = arith.constant 0 : i32
      %get3A_122 = arith.index_cast %get3A_121 : i32 to index
      %get3A_123 = arith.constant 64 : index
      %get3A_124 = tpu.vector_load %arg5[%get3A_122, %get3A_123] {strides = array<i32>} : memref<2x128xi32, #tpu.memory_space<vmem>>, vector<1x16xi32>,
      %get3A_125 = vector.shape_cast %get3A_124 : vector<1x16xi32> to vector<16xi32>
      %get3A_126 = arith.constant 1 : i32
      %get3A_127 = arith.index_cast %get3A_126 : i32 to index
      %get3A_128 = arith.constant 64 : index
      %get3A_129 = tpu.vector_load %arg5[%get3A_127, %get3A_128] {strides = array<i32>} : memref<2x128xi32, #tpu.memory_space<vmem>>, vector<1x16xi32>,
      %get3A_130 = vector.shape_cast %get3A_129 : vector<1x16xi32> to vector<16xi32>
      %eq3A_131 = arith.cmpi eq, %get3A_125, %get3A_130 : vector<16xi32>
      %broadcast_in_dim3A_132 = arith.constant 10000 : i32
      %broadcast_in_dim3A_133 = vector.broadcast %broadcast_in_dim3A_132 : i32 to vector<16xi32>
      %select_n3A_134 = arith.select %eq3A_131, %broadcast_in_dim3A_133, %get3A_130 : vector<16xi1>, vector<16xi32>
      %swap3A_135 = arith.constant 1 : i32
      %swap3A_136 = arith.index_cast %swap3A_135 : i32 to index
      %swap3A_137 = arith.constant 64 : index
      %swap3A_138 = tpu.vector_load %arg5[%swap3A_136, %swap3A_137] {strides = array<i32>} : memref<2x128xi32, #tpu.memory_space<vmem>>, vector<1x16xi32>,
      %swap3A_139 = vector.shape_cast %swap3A_138 : vector<1x16xi32> to vector<16xi32>
      %swap3A_140 = vector.shape_cast %select_n3A_134 : vector<16xi32> to vector<1x16xi32>
      tpu.vector_store %arg5[%swap3A_136, %swap3A_137], %swap3A_140 {strides = array<i32>} : memref<2x128xi32, #tpu.memory_space<vmem>>, vector<1x16xi32>,
      %get3A_141 = arith.constant 0 : i32
      %get3A_142 = arith.index_cast %get3A_141 : i32 to index
      %get3A_143 = arith.constant 80 : index
      %get3A_144 = tpu.vector_load %arg5[%get3A_142, %get3A_143] {strides = array<i32>} : memref<2x128xi32, #tpu.memory_space<vmem>>, vector<1x16xi32>,
      %get3A_145 = vector.shape_cast %get3A_144 : vector<1x16xi32> to vector<16xi32>
      %get3A_146 = arith.constant 1 : i32
      %get3A_147 = arith.index_cast %get3A_146 : i32 to index
      %get3A_148 = arith.constant 80 : index
      %get3A_149 = tpu.vector_load %arg5[%get3A_147, %get3A_148] {strides = array<i32>} : memref<2x128xi32, #tpu.memory_space<vmem>>, vector<1x16xi32>,
      %get3A_150 = vector.shape_cast %get3A_149 : vector<1x16xi32> to vector<16xi32>
      %eq3A_151 = arith.cmpi eq, %get3A_145, %get3A_150 : vector<16xi32>
      %broadcast_in_dim3A_152 = arith.constant 10000 : i32
      %broadcast_in_dim3A_153 = vector.broadcast %broadcast_in_dim3A_152 : i32 to vector<16xi32>
      %select_n3A_154 = arith.select %eq3A_151, %broadcast_in_dim3A_153, %get3A_150 : vector<16xi1>, vector<16xi32>
      %swap3A_155 = arith.constant 1 : i32
      %swap3A_156 = arith.index_cast %swap3A_155 : i32 to index
      %swap3A_157 = arith.constant 80 : index
      %swap3A_158 = tpu.vector_load %arg5[%swap3A_156, %swap3A_157] {strides = array<i32>} : memref<2x128xi32, #tpu.memory_space<vmem>>, vector<1x16xi32>,
      %swap3A_159 = vector.shape_cast %swap3A_158 : vector<1x16xi32> to vector<16xi32>
      %swap3A_160 = vector.shape_cast %select_n3A_154 : vector<16xi32> to vector<1x16xi32>
      tpu.vector_store %arg5[%swap3A_156, %swap3A_157], %swap3A_160 {strides = array<i32>} : memref<2x128xi32, #tpu.memory_space<vmem>>, vector<1x16xi32>,
      %get3A_161 = arith.constant 0 : i32
      %get3A_162 = arith.index_cast %get3A_161 : i32 to index
      %get3A_163 = arith.constant 96 : index
      %get3A_164 = tpu.vector_load %arg5[%get3A_162, %get3A_163] {strides = array<i32>} : memref<2x128xi32, #tpu.memory_space<vmem>>, vector<1x16xi32>,
      %get3A_165 = vector.shape_cast %get3A_164 : vector<1x16xi32> to vector<16xi32>
      %get3A_166 = arith.constant 1 : i32
      %get3A_167 = arith.index_cast %get3A_166 : i32 to index
      %get3A_168 = arith.constant 96 : index
      %get3A_169 = tpu.vector_load %arg5[%get3A_167, %get3A_168] {strides = array<i32>} : memref<2x128xi32, #tpu.memory_space<vmem>>, vector<1x16xi32>,
      %get3A_170 = vector.shape_cast %get3A_169 : vector<1x16xi32> to vector<16xi32>
      %eq3A_171 = arith.cmpi eq, %get3A_165, %get3A_170 : vector<16xi32>
      %broadcast_in_dim3A_172 = arith.constant 10000 : i32
      %broadcast_in_dim3A_173 = vector.broadcast %broadcast_in_dim3A_172 : i32 to vector<16xi32>
      %select_n3A_174 = arith.select %eq3A_171, %broadcast_in_dim3A_173, %get3A_170 : vector<16xi1>, vector<16xi32>
      %swap3A_175 = arith.constant 1 : i32
      %swap3A_176 = arith.index_cast %swap3A_175 : i32 to index
      %swap3A_177 = arith.constant 96 : index
      %swap3A_178 = tpu.vector_load %arg5[%swap3A_176, %swap3A_177] {strides = array<i32>} : memref<2x128xi32, #tpu.memory_space<vmem>>, vector<1x16xi32>,
      %swap3A_179 = vector.shape_cast %swap3A_178 : vector<1x16xi32> to vector<16xi32>
      %swap3A_180 = vector.shape_cast %select_n3A_174 : vector<16xi32> to vector<1x16xi32>
      tpu.vector_store %arg5[%swap3A_176, %swap3A_177], %swap3A_180 {strides = array<i32>} : memref<2x128xi32, #tpu.memory_space<vmem>>, vector<1x16xi32>,
      %get3A_181 = arith.constant 0 : i32
      %get3A_182 = arith.index_cast %get3A_181 : i32 to index
      %get3A_183 = arith.constant 112 : index
      %get3A_184 = tpu.vector_load %arg5[%get3A_182, %get3A_183] {strides = array<i32>} : memref<2x128xi32, #tpu.memory_space<vmem>>, vector<1x16xi32>,
      %get3A_185 = vector.shape_cast %get3A_184 : vector<1x16xi32> to vector<16xi32>
      %get3A_186 = arith.constant 1 : i32
      %get3A_187 = arith.index_cast %get3A_186 : i32 to index
      %get3A_188 = arith.constant 112 : index
      %get3A_189 = tpu.vector_load %arg5[%get3A_187, %get3A_188] {strides = array<i32>} : memref<2x128xi32, #tpu.memory_space<vmem>>, vector<1x16xi32>,
      %get3A_190 = vector.shape_cast %get3A_189 : vector<1x16xi32> to vector<16xi32>
      %eq3A_191 = arith.cmpi eq, %get3A_185, %get3A_190 : vector<16xi32>
      %broadcast_in_dim3A_192 = arith.constant 10000 : i32
      %broadcast_in_dim3A_193 = vector.broadcast %broadcast_in_dim3A_192 : i32 to vector<16xi32>
      %select_n3A_194 = arith.select %eq3A_191, %broadcast_in_dim3A_193, %get3A_190 : vector<16xi1>, vector<16xi32>
      %swap3A_195 = arith.constant 1 : i32
      %swap3A_196 = arith.index_cast %swap3A_195 : i32 to index
      %swap3A_197 = arith.constant 112 : index
      %swap3A_198 = tpu.vector_load %arg5[%swap3A_196, %swap3A_197] {strides = array<i32>} : memref<2x128xi32, #tpu.memory_space<vmem>>, vector<1x16xi32>,
      %swap3A_199 = vector.shape_cast %swap3A_198 : vector<1x16xi32> to vector<16xi32>
      %swap3A_200 = vector.shape_cast %select_n3A_194 : vector<16xi32> to vector<1x16xi32>
      tpu.vector_store %arg5[%swap3A_196, %swap3A_197], %swap3A_200 {strides = array<i32>} : memref<2x128xi32, #tpu.memory_space<vmem>>, vector<1x16xi32>,
      %dma_start3A_201 = arith.constant 0 : i32
      %dma_start3A_202 = arith.constant 0 : i32
      %dma_start3A_203 = arith.constant 0 : i32
      %dma_start3A_204 = tpu.memref_slice %arg8[%dma_start3A_202, %dma_start3A_203] : memref<128x128xf32, #tpu.memory_space<vmem>> -> memref<64x128xf32, #tpu.memory_space<vmem>>
      %dma_start3A_205 = arith.constant 0 : i32
      %dma_start3A_206 = tpu.memref_slice %arg5[%dma_start3A_201, %dma_start3A_205] : memref<2x128xi32, #tpu.memory_space<vmem>> -> memref<1x64xi32, #tpu.memory_space<vmem>>
      %dma_start3A_207 = tpu.memref_squeeze %dma_start3A_206 : memref<1x64xi32, #tpu.memory_space<vmem>> -> memref<64xi32, #tpu.memory_space<vmem>>
      %dma_start3A_208 = arith.constant 0 : i32
      %dma_start3A_209 = arith.constant 0 : i32
      %dma_start3A_210 = tpu.memref_slice %arg2[%dma_start3A_208, %dma_start3A_209] : memref<10000x128xf32, #tpu.memory_space<hbm>> -> memref<10000x128xf32, #tpu.memory_space<hbm>>
      tpu.enqueue_indirect_dma source(%dma_start3A_210 : memref<10000x128xf32, #tpu.memory_space<hbm>>) target(%dma_start3A_204 : memref<64x128xf32, #tpu.memory_space<vmem>>) offsets(%dma_start3A_207 : memref<64xi32, #tpu.memory_space<vmem>>) semaphore(%arg15 : memref<!tpu.dma_semaphore, #tpu.memory_space<semaphore_mem>>)
      %dma_start3A_211 = arith.constant 0 : i32
      %dma_start3A_212 = arith.constant 64 : i32
      %dma_start3A_213 = arith.constant 0 : i32
      %dma_start3A_214 = tpu.memref_slice %arg8[%dma_start3A_212, %dma_start3A_213] : memref<128x128xf32, #tpu.memory_space<vmem>> -> memref<64x128xf32, #tpu.memory_space<vmem>>
      %dma_start3A_215 = arith.constant 64 : i32
      %dma_start3A_216 = tpu.memref_slice %arg5[%dma_start3A_211, %dma_start3A_215] : memref<2x128xi32, #tpu.memory_space<vmem>> -> memref<1x64xi32, #tpu.memory_space<vmem>>
      %dma_start3A_217 = tpu.memref_squeeze %dma_start3A_216 : memref<1x64xi32, #tpu.memory_space<vmem>> -> memref<64xi32, #tpu.memory_space<vmem>>
      %dma_start3A_218 = arith.constant 0 : i32
      %dma_start3A_219 = arith.constant 0 : i32
      %dma_start3A_220 = tpu.memref_slice %arg2[%dma_start3A_218, %dma_start3A_219] : memref<10000x128xf32, #tpu.memory_space<hbm>> -> memref<10000x128xf32, #tpu.memory_space<hbm>>
      tpu.enqueue_indirect_dma source(%dma_start3A_220 : memref<10000x128xf32, #tpu.memory_space<hbm>>) target(%dma_start3A_214 : memref<64x128xf32, #tpu.memory_space<vmem>>) offsets(%dma_start3A_217 : memref<64xi32, #tpu.memory_space<vmem>>) semaphore(%arg15 : memref<!tpu.dma_semaphore, #tpu.memory_space<semaphore_mem>>)
      %dma_wait3A_221 = arith.constant 0 : i32
      %dma_wait3A_222 = arith.constant 0 : i32
      %dma_wait3A_223 = tpu.memref_slice %arg3[%dma_wait3A_221, %dma_wait3A_222] : memref<2x320000xi32, #tpu.memory_space<hbm>> -> memref<2x128xi32, #tpu.memory_space<hbm>>
      %dma_wait3A_224 = arith.constant 0 : i32
      %dma_wait3A_225 = arith.constant 0 : i32
      %dma_wait3A_226 = tpu.memref_slice %arg3[%dma_wait3A_224, %dma_wait3A_225] : memref<2x320000xi32, #tpu.memory_space<hbm>> -> memref<2x128xi32, #tpu.memory_space<hbm>>
      tpu.wait_dma2 semaphore(%arg13 : memref<!tpu.dma_semaphore, #tpu.memory_space<semaphore_mem>>) src(%dma_wait3A_226 : memref<2x128xi32, #tpu.memory_space<hbm>>) dst(%arg6 : memref<2x128xi32, #tpu.memory_space<vmem>>)
      %get3A_227 = arith.constant 0 : i32
      %get3A_228 = arith.index_cast %get3A_227 : i32 to index
      %get3A_229 = arith.constant 0 : index
      %get3A_230 = tpu.vector_load %arg6[%get3A_228, %get3A_229] {strides = array<i32>} : memref<2x128xi32, #tpu.memory_space<vmem>>, vector<1x16xi32>,
      %get3A_231 = vector.shape_cast %get3A_230 : vector<1x16xi32> to vector<16xi32>
      %get3A_232 = arith.constant 1 : i32
      %get3A_233 = arith.index_cast %get3A_232 : i32 to index
      %get3A_234 = arith.constant 0 : index
      %get3A_235 = tpu.vector_load %arg6[%get3A_233, %get3A_234] {strides = array<i32>} : memref<2x128xi32, #tpu.memory_space<vmem>>, vector<1x16xi32>,
      %get3A_236 = vector.shape_cast %get3A_235 : vector<1x16xi32> to vector<16xi32>
      %eq3A_237 = arith.cmpi eq, %get3A_231, %get3A_236 : vector<16xi32>
      %broadcast_in_dim3A_238 = arith.constant 10000 : i32
      %broadcast_in_dim3A_239 = vector.broadcast %broadcast_in_dim3A_238 : i32 to vector<16xi32>
      %select_n3A_240 = arith.select %eq3A_237, %broadcast_in_dim3A_239, %get3A_236 : vector<16xi1>, vector<16xi32>
      %swap3A_241 = arith.constant 1 : i32
      %swap3A_242 = arith.index_cast %swap3A_241 : i32 to index
      %swap3A_243 = arith.constant 0 : index
      %swap3A_244 = tpu.vector_load %arg6[%swap3A_242, %swap3A_243] {strides = array<i32>} : memref<2x128xi32, #tpu.memory_space<vmem>>, vector<1x16xi32>,
      %swap3A_245 = vector.shape_cast %swap3A_244 : vector<1x16xi32> to vector<16xi32>
      %swap3A_246 = vector.shape_cast %select_n3A_240 : vector<16xi32> to vector<1x16xi32>
      tpu.vector_store %arg6[%swap3A_242, %swap3A_243], %swap3A_246 {strides = array<i32>} : memref<2x128xi32, #tpu.memory_space<vmem>>, vector<1x16xi32>,
      %get3A_247 = arith.constant 0 : i32
      %get3A_248 = arith.index_cast %get3A_247 : i32 to index
      %get3A_249 = arith.constant 16 : index
      %get3A_250 = tpu.vector_load %arg6[%get3A_248, %get3A_249] {strides = array<i32>} : memref<2x128xi32, #tpu.memory_space<vmem>>, vector<1x16xi32>,
      %get3A_251 = vector.shape_cast %get3A_250 : vector<1x16xi32> to vector<16xi32>
      %get3A_252 = arith.constant 1 : i32
      %get3A_253 = arith.index_cast %get3A_252 : i32 to index
      %get3A_254 = arith.constant 16 : index
      %get3A_255 = tpu.vector_load %arg6[%get3A_253, %get3A_254] {strides = array<i32>} : memref<2x128xi32, #tpu.memory_space<vmem>>, vector<1x16xi32>,
      %get3A_256 = vector.shape_cast %get3A_255 : vector<1x16xi32> to vector<16xi32>
      %eq3A_257 = arith.cmpi eq, %get3A_251, %get3A_256 : vector<16xi32>
      %broadcast_in_dim3A_258 = arith.constant 10000 : i32
      %broadcast_in_dim3A_259 = vector.broadcast %broadcast_in_dim3A_258 : i32 to vector<16xi32>
      %select_n3A_260 = arith.select %eq3A_257, %broadcast_in_dim3A_259, %get3A_256 : vector<16xi1>, vector<16xi32>
      %swap3A_261 = arith.constant 1 : i32
      %swap3A_262 = arith.index_cast %swap3A_261 : i32 to index
      %swap3A_263 = arith.constant 16 : index
      %swap3A_264 = tpu.vector_load %arg6[%swap3A_262, %swap3A_263] {strides = array<i32>} : memref<2x128xi32, #tpu.memory_space<vmem>>, vector<1x16xi32>,
      %swap3A_265 = vector.shape_cast %swap3A_264 : vector<1x16xi32> to vector<16xi32>
      %swap3A_266 = vector.shape_cast %select_n3A_260 : vector<16xi32> to vector<1x16xi32>
      tpu.vector_store %arg6[%swap3A_262, %swap3A_263], %swap3A_266 {strides = array<i32>} : memref<2x128xi32, #tpu.memory_space<vmem>>, vector<1x16xi32>,
      %get3A_267 = arith.constant 0 : i32
      %get3A_268 = arith.index_cast %get3A_267 : i32 to index
      %get3A_269 = arith.constant 32 : index
      %get3A_270 = tpu.vector_load %arg6[%get3A_268, %get3A_269] {strides = array<i32>} : memref<2x128xi32, #tpu.memory_space<vmem>>, vector<1x16xi32>,
      %get3A_271 = vector.shape_cast %get3A_270 : vector<1x16xi32> to vector<16xi32>
      %get3A_272 = arith.constant 1 : i32
      %get3A_273 = arith.index_cast %get3A_272 : i32 to index
      %get3A_274 = arith.constant 32 : index
      %get3A_275 = tpu.vector_load %arg6[%get3A_273, %get3A_274] {strides = array<i32>} : memref<2x128xi32, #tpu.memory_space<vmem>>, vector<1x16xi32>,
      %get3A_276 = vector.shape_cast %get3A_275 : vector<1x16xi32> to vector<16xi32>
      %eq3A_277 = arith.cmpi eq, %get3A_271, %get3A_276 : vector<16xi32>
      %broadcast_in_dim3A_278 = arith.constant 10000 : i32
      %broadcast_in_dim3A_279 = vector.broadcast %broadcast_in_dim3A_278 : i32 to vector<16xi32>
      %select_n3A_280 = arith.select %eq3A_277, %broadcast_in_dim3A_279, %get3A_276 : vector<16xi1>, vector<16xi32>
      %swap3A_281 = arith.constant 1 : i32
      %swap3A_282 = arith.index_cast %swap3A_281 : i32 to index
      %swap3A_283 = arith.constant 32 : index
      %swap3A_284 = tpu.vector_load %arg6[%swap3A_282, %swap3A_283] {strides = array<i32>} : memref<2x128xi32, #tpu.memory_space<vmem>>, vector<1x16xi32>,
      %swap3A_285 = vector.shape_cast %swap3A_284 : vector<1x16xi32> to vector<16xi32>
      %swap3A_286 = vector.shape_cast %select_n3A_280 : vector<16xi32> to vector<1x16xi32>
      tpu.vector_store %arg6[%swap3A_282, %swap3A_283], %swap3A_286 {strides = array<i32>} : memref<2x128xi32, #tpu.memory_space<vmem>>, vector<1x16xi32>,
      %get3A_287 = arith.constant 0 : i32
      %get3A_288 = arith.index_cast %get3A_287 : i32 to index
      %get3A_289 = arith.constant 48 : index
      %get3A_290 = tpu.vector_load %arg6[%get3A_288, %get3A_289] {strides = array<i32>} : memref<2x128xi32, #tpu.memory_space<vmem>>, vector<1x16xi32>,
      %get3A_291 = vector.shape_cast %get3A_290 : vector<1x16xi32> to vector<16xi32>
      %get3A_292 = arith.constant 1 : i32
      %get3A_293 = arith.index_cast %get3A_292 : i32 to index
      %get3A_294 = arith.constant 48 : index
      %get3A_295 = tpu.vector_load %arg6[%get3A_293, %get3A_294] {strides = array<i32>} : memref<2x128xi32, #tpu.memory_space<vmem>>, vector<1x16xi32>,
      %get3A_296 = vector.shape_cast %get3A_295 : vector<1x16xi32> to vector<16xi32>
      %eq3A_297 = arith.cmpi eq, %get3A_291, %get3A_296 : vector<16xi32>
      %broadcast_in_dim3A_298 = arith.constant 10000 : i32
      %broadcast_in_dim3A_299 = vector.broadcast %broadcast_in_dim3A_298 : i32 to vector<16xi32>
      %select_n3A_300 = arith.select %eq3A_297, %broadcast_in_dim3A_299, %get3A_296 : vector<16xi1>, vector<16xi32>
      %swap3A_301 = arith.constant 1 : i32
      %swap3A_302 = arith.index_cast %swap3A_301 : i32 to index
      %swap3A_303 = arith.constant 48 : index
      %swap3A_304 = tpu.vector_load %arg6[%swap3A_302, %swap3A_303] {strides = array<i32>} : memref<2x128xi32, #tpu.memory_space<vmem>>, vector<1x16xi32>,
      %swap3A_305 = vector.shape_cast %swap3A_304 : vector<1x16xi32> to vector<16xi32>
      %swap3A_306 = vector.shape_cast %select_n3A_300 : vector<16xi32> to vector<1x16xi32>
      tpu.vector_store %arg6[%swap3A_302, %swap3A_303], %swap3A_306 {strides = array<i32>} : memref<2x128xi32, #tpu.memory_space<vmem>>, vector<1x16xi32>,
      %get3A_307 = arith.constant 0 : i32
      %get3A_308 = arith.index_cast %get3A_307 : i32 to index
      %get3A_309 = arith.constant 64 : index
      %get3A_310 = tpu.vector_load %arg6[%get3A_308, %get3A_309] {strides = array<i32>} : memref<2x128xi32, #tpu.memory_space<vmem>>, vector<1x16xi32>,
      %get3A_311 = vector.shape_cast %get3A_310 : vector<1x16xi32> to vector<16xi32>
      %get3A_312 = arith.constant 1 : i32
      %get3A_313 = arith.index_cast %get3A_312 : i32 to index
      %get3A_314 = arith.constant 64 : index
      %get3A_315 = tpu.vector_load %arg6[%get3A_313, %get3A_314] {strides = array<i32>} : memref<2x128xi32, #tpu.memory_space<vmem>>, vector<1x16xi32>,
      %get3A_316 = vector.shape_cast %get3A_315 : vector<1x16xi32> to vector<16xi32>
      %eq3A_317 = arith.cmpi eq, %get3A_311, %get3A_316 : vector<16xi32>
      %broadcast_in_dim3A_318 = arith.constant 10000 : i32
      %broadcast_in_dim3A_319 = vector.broadcast %broadcast_in_dim3A_318 : i32 to vector<16xi32>
      %select_n3A_320 = arith.select %eq3A_317, %broadcast_in_dim3A_319, %get3A_316 : vector<16xi1>, vector<16xi32>
      %swap3A_321 = arith.constant 1 : i32
      %swap3A_322 = arith.index_cast %swap3A_321 : i32 to index
      %swap3A_323 = arith.constant 64 : index
      %swap3A_324 = tpu.vector_load %arg6[%swap3A_322, %swap3A_323] {strides = array<i32>} : memref<2x128xi32, #tpu.memory_space<vmem>>, vector<1x16xi32>,
      %swap3A_325 = vector.shape_cast %swap3A_324 : vector<1x16xi32> to vector<16xi32>
      %swap3A_326 = vector.shape_cast %select_n3A_320 : vector<16xi32> to vector<1x16xi32>
      tpu.vector_store %arg6[%swap3A_322, %swap3A_323], %swap3A_326 {strides = array<i32>} : memref<2x128xi32, #tpu.memory_space<vmem>>, vector<1x16xi32>,
      %get3A_327 = arith.constant 0 : i32
      %get3A_328 = arith.index_cast %get3A_327 : i32 to index
      %get3A_329 = arith.constant 80 : index
      %get3A_330 = tpu.vector_load %arg6[%get3A_328, %get3A_329] {strides = array<i32>} : memref<2x128xi32, #tpu.memory_space<vmem>>, vector<1x16xi32>,
      %get3A_331 = vector.shape_cast %get3A_330 : vector<1x16xi32> to vector<16xi32>
      %get3A_332 = arith.constant 1 : i32
      %get3A_333 = arith.index_cast %get3A_332 : i32 to index
      %get3A_334 = arith.constant 80 : index
      %get3A_335 = tpu.vector_load %arg6[%get3A_333, %get3A_334] {strides = array<i32>} : memref<2x128xi32, #tpu.memory_space<vmem>>, vector<1x16xi32>,
      %get3A_336 = vector.shape_cast %get3A_335 : vector<1x16xi32> to vector<16xi32>
      %eq3A_337 = arith.cmpi eq, %get3A_331, %get3A_336 : vector<16xi32>
      %broadcast_in_dim3A_338 = arith.constant 10000 : i32
      %broadcast_in_dim3A_339 = vector.broadcast %broadcast_in_dim3A_338 : i32 to vector<16xi32>
      %select_n3A_340 = arith.select %eq3A_337, %broadcast_in_dim3A_339, %get3A_336 : vector<16xi1>, vector<16xi32>
      %swap3A_341 = arith.constant 1 : i32
      %swap3A_342 = arith.index_cast %swap3A_341 : i32 to index
      %swap3A_343 = arith.constant 80 : index
      %swap3A_344 = tpu.vector_load %arg6[%swap3A_342, %swap3A_343] {strides = array<i32>} : memref<2x128xi32, #tpu.memory_space<vmem>>, vector<1x16xi32>,
      %swap3A_345 = vector.shape_cast %swap3A_344 : vector<1x16xi32> to vector<16xi32>
      %swap3A_346 = vector.shape_cast %select_n3A_340 : vector<16xi32> to vector<1x16xi32>
      tpu.vector_store %arg6[%swap3A_342, %swap3A_343], %swap3A_346 {strides = array<i32>} : memref<2x128xi32, #tpu.memory_space<vmem>>, vector<1x16xi32>,
      %get3A_347 = arith.constant 0 : i32
      %get3A_348 = arith.index_cast %get3A_347 : i32 to index
      %get3A_349 = arith.constant 96 : index
      %get3A_350 = tpu.vector_load %arg6[%get3A_348, %get3A_349] {strides = array<i32>} : memref<2x128xi32, #tpu.memory_space<vmem>>, vector<1x16xi32>,
      %get3A_351 = vector.shape_cast %get3A_350 : vector<1x16xi32> to vector<16xi32>
      %get3A_352 = arith.constant 1 : i32
      %get3A_353 = arith.index_cast %get3A_352 : i32 to index
      %get3A_354 = arith.constant 96 : index
      %get3A_355 = tpu.vector_load %arg6[%get3A_353, %get3A_354] {strides = array<i32>} : memref<2x128xi32, #tpu.memory_space<vmem>>, vector<1x16xi32>,
      %get3A_356 = vector.shape_cast %get3A_355 : vector<1x16xi32> to vector<16xi32>
      %eq3A_357 = arith.cmpi eq, %get3A_351, %get3A_356 : vector<16xi32>
      %broadcast_in_dim3A_358 = arith.constant 10000 : i32
      %broadcast_in_dim3A_359 = vector.broadcast %broadcast_in_dim3A_358 : i32 to vector<16xi32>
      %select_n3A_360 = arith.select %eq3A_357, %broadcast_in_dim3A_359, %get3A_356 : vector<16xi1>, vector<16xi32>
      %swap3A_361 = arith.constant 1 : i32
      %swap3A_362 = arith.index_cast %swap3A_361 : i32 to index
      %swap3A_363 = arith.constant 96 : index
      %swap3A_364 = tpu.vector_load %arg6[%swap3A_362, %swap3A_363] {strides = array<i32>} : memref<2x128xi32, #tpu.memory_space<vmem>>, vector<1x16xi32>,
      %swap3A_365 = vector.shape_cast %swap3A_364 : vector<1x16xi32> to vector<16xi32>
      %swap3A_366 = vector.shape_cast %select_n3A_360 : vector<16xi32> to vector<1x16xi32>
      tpu.vector_store %arg6[%swap3A_362, %swap3A_363], %swap3A_366 {strides = array<i32>} : memref<2x128xi32, #tpu.memory_space<vmem>>, vector<1x16xi32>,
      %get3A_367 = arith.constant 0 : i32
      %get3A_368 = arith.index_cast %get3A_367 : i32 to index
      %get3A_369 = arith.constant 112 : index
      %get3A_370 = tpu.vector_load %arg6[%get3A_368, %get3A_369] {strides = array<i32>} : memref<2x128xi32, #tpu.memory_space<vmem>>, vector<1x16xi32>,
      %get3A_371 = vector.shape_cast %get3A_370 : vector<1x16xi32> to vector<16xi32>
      %get3A_372 = arith.constant 1 : i32
      %get3A_373 = arith.index_cast %get3A_372 : i32 to index
      %get3A_374 = arith.constant 112 : index
      %get3A_375 = tpu.vector_load %arg6[%get3A_373, %get3A_374] {strides = array<i32>} : memref<2x128xi32, #tpu.memory_space<vmem>>, vector<1x16xi32>,
      %get3A_376 = vector.shape_cast %get3A_375 : vector<1x16xi32> to vector<16xi32>
      %eq3A_377 = arith.cmpi eq, %get3A_371, %get3A_376 : vector<16xi32>
      %broadcast_in_dim3A_378 = arith.constant 10000 : i32
      %broadcast_in_dim3A_379 = vector.broadcast %broadcast_in_dim3A_378 : i32 to vector<16xi32>
      %select_n3A_380 = arith.select %eq3A_377, %broadcast_in_dim3A_379, %get3A_376 : vector<16xi1>, vector<16xi32>
      %swap3A_381 = arith.constant 1 : i32
      %swap3A_382 = arith.index_cast %swap3A_381 : i32 to index
      %swap3A_383 = arith.constant 112 : index
      %swap3A_384 = tpu.vector_load %arg6[%swap3A_382, %swap3A_383] {strides = array<i32>} : memref<2x128xi32, #tpu.memory_space<vmem>>, vector<1x16xi32>,
      %swap3A_385 = vector.shape_cast %swap3A_384 : vector<1x16xi32> to vector<16xi32>
      %swap3A_386 = vector.shape_cast %select_n3A_380 : vector<16xi32> to vector<1x16xi32>
      tpu.vector_store %arg6[%swap3A_382, %swap3A_383], %swap3A_386 {strides = array<i32>} : memref<2x128xi32, #tpu.memory_space<vmem>>, vector<1x16xi32>,
      %dma_start3A_387 = arith.constant 0 : i32
      %dma_start3A_388 = arith.constant 0 : i32
      %dma_start3A_389 = arith.constant 0 : i32
      %dma_start3A_390 = tpu.memref_slice %arg9[%dma_start3A_388, %dma_start3A_389] : memref<128x128xf32, #tpu.memory_space<vmem>> -> memref<64x128xf32, #tpu.memory_space<vmem>>
      %dma_start3A_391 = arith.constant 0 : i32
      %dma_start3A_392 = tpu.memref_slice %arg6[%dma_start3A_387, %dma_start3A_391] : memref<2x128xi32, #tpu.memory_space<vmem>> -> memref<1x64xi32, #tpu.memory_space<vmem>>
      %dma_start3A_393 = tpu.memref_squeeze %dma_start3A_392 : memref<1x64xi32, #tpu.memory_space<vmem>> -> memref<64xi32, #tpu.memory_space<vmem>>
      %dma_start3A_394 = arith.constant 0 : i32
      %dma_start3A_395 = arith.constant 0 : i32
      %dma_start3A_396 = tpu.memref_slice %arg2[%dma_start3A_394, %dma_start3A_395] : memref<10000x128xf32, #tpu.memory_space<hbm>> -> memref<10000x128xf32, #tpu.memory_space<hbm>>
      tpu.enqueue_indirect_dma source(%dma_start3A_396 : memref<10000x128xf32, #tpu.memory_space<hbm>>) target(%dma_start3A_390 : memref<64x128xf32, #tpu.memory_space<vmem>>) offsets(%dma_start3A_393 : memref<64xi32, #tpu.memory_space<vmem>>) semaphore(%arg16 : memref<!tpu.dma_semaphore, #tpu.memory_space<semaphore_mem>>)
      %dma_start3A_397 = arith.constant 0 : i32
      %dma_start3A_398 = arith.constant 64 : i32
      %dma_start3A_399 = arith.constant 0 : i32
      %dma_start3A_400 = tpu.memref_slice %arg9[%dma_start3A_398, %dma_start3A_399] : memref<128x128xf32, #tpu.memory_space<vmem>> -> memref<64x128xf32, #tpu.memory_space<vmem>>
      %dma_start3A_401 = arith.constant 64 : i32
      %dma_start3A_402 = tpu.memref_slice %arg6[%dma_start3A_397, %dma_start3A_401] : memref<2x128xi32, #tpu.memory_space<vmem>> -> memref<1x64xi32, #tpu.memory_space<vmem>>
      %dma_start3A_403 = tpu.memref_squeeze %dma_start3A_402 : memref<1x64xi32, #tpu.memory_space<vmem>> -> memref<64xi32, #tpu.memory_space<vmem>>
      %dma_start3A_404 = arith.constant 0 : i32
      %dma_start3A_405 = arith.constant 0 : i32
      %dma_start3A_406 = tpu.memref_slice %arg2[%dma_start3A_404, %dma_start3A_405] : memref<10000x128xf32, #tpu.memory_space<hbm>> -> memref<10000x128xf32, #tpu.memory_space<hbm>>
      tpu.enqueue_indirect_dma source(%dma_start3A_406 : memref<10000x128xf32, #tpu.memory_space<hbm>>) target(%dma_start3A_400 : memref<64x128xf32, #tpu.memory_space<vmem>>) offsets(%dma_start3A_403 : memref<64xi32, #tpu.memory_space<vmem>>) semaphore(%arg16 : memref<!tpu.dma_semaphore, #tpu.memory_space<semaphore_mem>>)
      %dma_wait3A_407 = arith.constant 0 : i32
      %dma_wait3A_408 = arith.constant 0 : i32
      %dma_wait3A_409 = arith.constant 0 : i32
      %dma_wait3A_410 = tpu.memref_slice %arg8[%dma_wait3A_408, %dma_wait3A_409] : memref<128x128xf32, #tpu.memory_space<vmem>> -> memref<64x128xf32, #tpu.memory_space<vmem>>
      %dma_wait3A_411 = arith.constant 0 : i32
      %dma_wait3A_412 = tpu.memref_slice %arg5[%dma_wait3A_407, %dma_wait3A_411] : memref<2x128xi32, #tpu.memory_space<vmem>> -> memref<1x64xi32, #tpu.memory_space<vmem>>
      %dma_wait3A_413 = tpu.memref_squeeze %dma_wait3A_412 : memref<1x64xi32, #tpu.memory_space<vmem>> -> memref<64xi32, #tpu.memory_space<vmem>>
      %dma_wait3A_414 = arith.constant 0 : i32
      %dma_wait3A_415 = arith.constant 0 : i32
      %dma_wait3A_416 = tpu.memref_slice %arg2[%dma_wait3A_414, %dma_wait3A_415] : memref<10000x128xf32, #tpu.memory_space<hbm>> -> memref<10000x128xf32, #tpu.memory_space<hbm>>
      tpu.wait_indirect_dma semaphore(%arg15 : memref<!tpu.dma_semaphore, #tpu.memory_space<semaphore_mem>>) src(%dma_wait3A_416 : memref<10000x128xf32, #tpu.memory_space<hbm>>) dst(%dma_wait3A_410 : memref<64x128xf32, #tpu.memory_space<vmem>>)
      %dma_wait3A_417 = arith.constant 0 : i32
      %dma_wait3A_418 = arith.constant 64 : i32
      %dma_wait3A_419 = arith.constant 0 : i32
      %dma_wait3A_420 = tpu.memref_slice %arg8[%dma_wait3A_418, %dma_wait3A_419] : memref<128x128xf32, #tpu.memory_space<vmem>> -> memref<64x128xf32, #tpu.memory_space<vmem>>
      %dma_wait3A_421 = arith.constant 64 : i32
      %dma_wait3A_422 = tpu.memref_slice %arg5[%dma_wait3A_417, %dma_wait3A_421] : memref<2x128xi32, #tpu.memory_space<vmem>> -> memref<1x64xi32, #tpu.memory_space<vmem>>
      %dma_wait3A_423 = tpu.memref_squeeze %dma_wait3A_422 : memref<1x64xi32, #tpu.memory_space<vmem>> -> memref<64xi32, #tpu.memory_space<vmem>>
      %dma_wait3A_424 = arith.constant 0 : i32
      %dma_wait3A_425 = arith.constant 0 : i32
      %dma_wait3A_426 = tpu.memref_slice %arg2[%dma_wait3A_424, %dma_wait3A_425] : memref<10000x128xf32, #tpu.memory_space<hbm>> -> memref<10000x128xf32, #tpu.memory_space<hbm>>
      tpu.wait_indirect_dma semaphore(%arg15 : memref<!tpu.dma_semaphore, #tpu.memory_space<semaphore_mem>>) src(%dma_wait3A_426 : memref<10000x128xf32, #tpu.memory_space<hbm>>) dst(%dma_wait3A_420 : memref<64x128xf32, #tpu.memory_space<vmem>>)
      %dma_start3A_427 = arith.constant 1 : i32
      %dma_start3A_428 = arith.constant 0 : i32
      %dma_start3A_429 = tpu.memref_slice %arg5[%dma_start3A_427, %dma_start3A_428] : memref<2x128xi32, #tpu.memory_space<vmem>> -> memref<1x128xi32, #tpu.memory_space<vmem>>
      %dma_start3A_430 = tpu.memref_squeeze %dma_start3A_429 : memref<1x128xi32, #tpu.memory_space<vmem>> -> memref<128xi32, #tpu.memory_space<vmem>>
      %dma_start3A_431 = arith.constant 0 : i32
      %dma_start3A_432 = arith.constant 0 : i32
      %dma_start3A_433 = tpu.memref_slice %arg11[%dma_start3A_431, %dma_start3A_432] : memref<10112x128xf32, #tpu.memory_space<vmem_shared>> -> memref<10112x128xf32, #tpu.memory_space<vmem_shared>>
      tpu.enqueue_indirect_dma source(%arg8 : memref<128x128xf32, #tpu.memory_space<vmem>>) target(%dma_start3A_433 : memref<10112x128xf32, #tpu.memory_space<vmem_shared>>) offsets(%dma_start3A_430 : memref<128xi32, #tpu.memory_space<vmem>>) semaphore(%arg18 : memref<!tpu.dma_semaphore, #tpu.memory_space<semaphore_mem>>) {add = true}
      %add3A_434 = arith.constant 256 : i32
      %add3A_435 = arith.addi %mul3A_15, %add3A_434 : i32
      %dma_start3A_436 = arith.constant 0 : i32
      %dma_start3A_437 = tpu.memref_slice %arg3[%dma_start3A_436, %add3A_435] : memref<2x320000xi32, #tpu.memory_space<hbm>> -> memref<2x128xi32, #tpu.memory_space<hbm>>
      %dma_start3A_438 = arith.constant 0 : i32
      %dma_start3A_439 = tpu.memref_slice %arg3[%dma_start3A_438, %add3A_435] : memref<2x320000xi32, #tpu.memory_space<hbm>> -> memref<2x128xi32, #tpu.memory_space<hbm>>
      tpu.enqueue_dma source(%dma_start3A_439 : memref<2x128xi32, #tpu.memory_space<hbm>>) target(%arg7 : memref<2x128xi32, #tpu.memory_space<vmem>>) target_semaphore(%arg14 : memref<!tpu.dma_semaphore, #tpu.memory_space<semaphore_mem>>)
      %dma_wait3A_440 = arith.constant 0 : i32
      %dma_wait3A_441 = arith.constant 0 : i32
      %dma_wait3A_442 = tpu.memref_slice %arg3[%dma_wait3A_440, %dma_wait3A_441] : memref<2x320000xi32, #tpu.memory_space<hbm>> -> memref<2x128xi32, #tpu.memory_space<hbm>>
      %dma_wait3A_443 = arith.constant 0 : i32
      %dma_wait3A_444 = arith.constant 0 : i32
      %dma_wait3A_445 = tpu.memref_slice %arg3[%dma_wait3A_443, %dma_wait3A_444] : memref<2x320000xi32, #tpu.memory_space<hbm>> -> memref<2x128xi32, #tpu.memory_space<hbm>>
      tpu.wait_dma2 semaphore(%arg14 : memref<!tpu.dma_semaphore, #tpu.memory_space<semaphore_mem>>) src(%dma_wait3A_445 : memref<2x128xi32, #tpu.memory_space<hbm>>) dst(%arg7 : memref<2x128xi32, #tpu.memory_space<vmem>>)
      %get3A_446 = arith.constant 0 : i32
      %get3A_447 = arith.index_cast %get3A_446 : i32 to index
      %get3A_448 = arith.constant 0 : index
      %get3A_449 = tpu.vector_load %arg7[%get3A_447, %get3A_448] {strides = array<i32>} : memref<2x128xi32, #tpu.memory_space<vmem>>, vector<1x16xi32>,
      %get3A_450 = vector.shape_cast %get3A_449 : vector<1x16xi32> to vector<16xi32>
      %get3A_451 = arith.constant 1 : i32
      %get3A_452 = arith.index_cast %get3A_451 : i32 to index
      %get3A_453 = arith.constant 0 : index
      %get3A_454 = tpu.vector_load %arg7[%get3A_452, %get3A_453] {strides = array<i32>} : memref<2x128xi32, #tpu.memory_space<vmem>>, vector<1x16xi32>,
      %get3A_455 = vector.shape_cast %get3A_454 : vector<1x16xi32> to vector<16xi32>
      %eq3A_456 = arith.cmpi eq, %get3A_450, %get3A_455 : vector<16xi32>
      %broadcast_in_dim3A_457 = arith.constant 10000 : i32
      %broadcast_in_dim3A_458 = vector.broadcast %broadcast_in_dim3A_457 : i32 to vector<16xi32>
      %select_n3A_459 = arith.select %eq3A_456, %broadcast_in_dim3A_458, %get3A_455 : vector<16xi1>, vector<16xi32>
      %swap3A_460 = arith.constant 1 : i32
      %swap3A_461 = arith.index_cast %swap3A_460 : i32 to index
      %swap3A_462 = arith.constant 0 : index
      %swap3A_463 = tpu.vector_load %arg7[%swap3A_461, %swap3A_462] {strides = array<i32>} : memref<2x128xi32, #tpu.memory_space<vmem>>, vector<1x16xi32>,
      %swap3A_464 = vector.shape_cast %swap3A_463 : vector<1x16xi32> to vector<16xi32>
      %swap3A_465 = vector.shape_cast %select_n3A_459 : vector<16xi32> to vector<1x16xi32>
      tpu.vector_store %arg7[%swap3A_461, %swap3A_462], %swap3A_465 {strides = array<i32>} : memref<2x128xi32, #tpu.memory_space<vmem>>, vector<1x16xi32>,
      %get3A_466 = arith.constant 0 : i32
      %get3A_467 = arith.index_cast %get3A_466 : i32 to index
      %get3A_468 = arith.constant 16 : index
      %get3A_469 = tpu.vector_load %arg7[%get3A_467, %get3A_468] {strides = array<i32>} : memref<2x128xi32, #tpu.memory_space<vmem>>, vector<1x16xi32>,
      %get3A_470 = vector.shape_cast %get3A_469 : vector<1x16xi32> to vector<16xi32>
      %get3A_471 = arith.constant 1 : i32
      %get3A_472 = arith.index_cast %get3A_471 : i32 to index
      %get3A_473 = arith.constant 16 : index
      %get3A_474 = tpu.vector_load %arg7[%get3A_472, %get3A_473] {strides = array<i32>} : memref<2x128xi32, #tpu.memory_space<vmem>>, vector<1x16xi32>,
      %get3A_475 = vector.shape_cast %get3A_474 : vector<1x16xi32> to vector<16xi32>
      %eq3A_476 = arith.cmpi eq, %get3A_470, %get3A_475 : vector<16xi32>
      %broadcast_in_dim3A_477 = arith.constant 10000 : i32
      %broadcast_in_dim3A_478 = vector.broadcast %broadcast_in_dim3A_477 : i32 to vector<16xi32>
      %select_n3A_479 = arith.select %eq3A_476, %broadcast_in_dim3A_478, %get3A_475 : vector<16xi1>, vector<16xi32>
      %swap3A_480 = arith.constant 1 : i32
      %swap3A_481 = arith.index_cast %swap3A_480 : i32 to index
      %swap3A_482 = arith.constant 16 : index
      %swap3A_483 = tpu.vector_load %arg7[%swap3A_481, %swap3A_482] {strides = array<i32>} : memref<2x128xi32, #tpu.memory_space<vmem>>, vector<1x16xi32>,
      %swap3A_484 = vector.shape_cast %swap3A_483 : vector<1x16xi32> to vector<16xi32>
      %swap3A_485 = vector.shape_cast %select_n3A_479 : vector<16xi32> to vector<1x16xi32>
      tpu.vector_store %arg7[%swap3A_481, %swap3A_482], %swap3A_485 {strides = array<i32>} : memref<2x128xi32, #tpu.memory_space<vmem>>, vector<1x16xi32>,
      %get3A_486 = arith.constant 0 : i32
      %get3A_487 = arith.index_cast %get3A_486 : i32 to index
      %get3A_488 = arith.constant 32 : index
      %get3A_489 = tpu.vector_load %arg7[%get3A_487, %get3A_488] {strides = array<i32>} : memref<2x128xi32, #tpu.memory_space<vmem>>, vector<1x16xi32>,
      %get3A_490 = vector.shape_cast %get3A_489 : vector<1x16xi32> to vector<16xi32>
      %get3A_491 = arith.constant 1 : i32
      %get3A_492 = arith.index_cast %get3A_491 : i32 to index
      %get3A_493 = arith.constant 32 : index
      %get3A_494 = tpu.vector_load %arg7[%get3A_492, %get3A_493] {strides = array<i32>} : memref<2x128xi32, #tpu.memory_space<vmem>>, vector<1x16xi32>,
      %get3A_495 = vector.shape_cast %get3A_494 : vector<1x16xi32> to vector<16xi32>
      %eq3A_496 = arith.cmpi eq, %get3A_490, %get3A_495 : vector<16xi32>
      %broadcast_in_dim3A_497 = arith.constant 10000 : i32
      %broadcast_in_dim3A_498 = vector.broadcast %broadcast_in_dim3A_497 : i32 to vector<16xi32>
      %select_n3A_499 = arith.select %eq3A_496, %broadcast_in_dim3A_498, %get3A_495 : vector<16xi1>, vector<16xi32>
      %swap3A_500 = arith.constant 1 : i32
      %swap3A_501 = arith.index_cast %swap3A_500 : i32 to index
      %swap3A_502 = arith.constant 32 : index
      %swap3A_503 = tpu.vector_load %arg7[%swap3A_501, %swap3A_502] {strides = array<i32>} : memref<2x128xi32, #tpu.memory_space<vmem>>, vector<1x16xi32>,
      %swap3A_504 = vector.shape_cast %swap3A_503 : vector<1x16xi32> to vector<16xi32>
      %swap3A_505 = vector.shape_cast %select_n3A_499 : vector<16xi32> to vector<1x16xi32>
      tpu.vector_store %arg7[%swap3A_501, %swap3A_502], %swap3A_505 {strides = array<i32>} : memref<2x128xi32, #tpu.memory_space<vmem>>, vector<1x16xi32>,
      %get3A_506 = arith.constant 0 : i32
      %get3A_507 = arith.index_cast %get3A_506 : i32 to index
      %get3A_508 = arith.constant 48 : index
      %get3A_509 = tpu.vector_load %arg7[%get3A_507, %get3A_508] {strides = array<i32>} : memref<2x128xi32, #tpu.memory_space<vmem>>, vector<1x16xi32>,
      %get3A_510 = vector.shape_cast %get3A_509 : vector<1x16xi32> to vector<16xi32>
      %get3A_511 = arith.constant 1 : i32
      %get3A_512 = arith.index_cast %get3A_511 : i32 to index
      %get3A_513 = arith.constant 48 : index
      %get3A_514 = tpu.vector_load %arg7[%get3A_512, %get3A_513] {strides = array<i32>} : memref<2x128xi32, #tpu.memory_space<vmem>>, vector<1x16xi32>,
      %get3A_515 = vector.shape_cast %get3A_514 : vector<1x16xi32> to vector<16xi32>
      %eq3A_516 = arith.cmpi eq, %get3A_510, %get3A_515 : vector<16xi32>
      %broadcast_in_dim3A_517 = arith.constant 10000 : i32
      %broadcast_in_dim3A_518 = vector.broadcast %broadcast_in_dim3A_517 : i32 to vector<16xi32>
      %select_n3A_519 = arith.select %eq3A_516, %broadcast_in_dim3A_518, %get3A_515 : vector<16xi1>, vector<16xi32>
      %swap3A_520 = arith.constant 1 : i32
      %swap3A_521 = arith.index_cast %swap3A_520 : i32 to index
      %swap3A_522 = arith.constant 48 : index
      %swap3A_523 = tpu.vector_load %arg7[%swap3A_521, %swap3A_522] {strides = array<i32>} : memref<2x128xi32, #tpu.memory_space<vmem>>, vector<1x16xi32>,
      %swap3A_524 = vector.shape_cast %swap3A_523 : vector<1x16xi32> to vector<16xi32>
      %swap3A_525 = vector.shape_cast %select_n3A_519 : vector<16xi32> to vector<1x16xi32>
      tpu.vector_store %arg7[%swap3A_521, %swap3A_522], %swap3A_525 {strides = array<i32>} : memref<2x128xi32, #tpu.memory_space<vmem>>, vector<1x16xi32>,
      %get3A_526 = arith.constant 0 : i32
      %get3A_527 = arith.index_cast %get3A_526 : i32 to index
      %get3A_528 = arith.constant 64 : index
      %get3A_529 = tpu.vector_load %arg7[%get3A_527, %get3A_528] {strides = array<i32>} : memref<2x128xi32, #tpu.memory_space<vmem>>, vector<1x16xi32>,
      %get3A_530 = vector.shape_cast %get3A_529 : vector<1x16xi32> to vector<16xi32>
      %get3A_531 = arith.constant 1 : i32
      %get3A_532 = arith.index_cast %get3A_531 : i32 to index
      %get3A_533 = arith.constant 64 : index
      %get3A_534 = tpu.vector_load %arg7[%get3A_532, %get3A_533] {strides = array<i32>} : memref<2x128xi32, #tpu.memory_space<vmem>>, vector<1x16xi32>,
      %get3A_535 = vector.shape_cast %get3A_534 : vector<1x16xi32> to vector<16xi32>
      %eq3A_536 = arith.cmpi eq, %get3A_530, %get3A_535 : vector<16xi32>
      %broadcast_in_dim3A_537 = arith.constant 10000 : i32
      %broadcast_in_dim3A_538 = vector.broadcast %broadcast_in_dim3A_537 : i32 to vector<16xi32>
      %select_n3A_539 = arith.select %eq3A_536, %broadcast_in_dim3A_538, %get3A_535 : vector<16xi1>, vector<16xi32>
      %swap3A_540 = arith.constant 1 : i32
      %swap3A_541 = arith.index_cast %swap3A_540 : i32 to index
      %swap3A_542 = arith.constant 64 : index
      %swap3A_543 = tpu.vector_load %arg7[%swap3A_541, %swap3A_542] {strides = array<i32>} : memref<2x128xi32, #tpu.memory_space<vmem>>, vector<1x16xi32>,
      %swap3A_544 = vector.shape_cast %swap3A_543 : vector<1x16xi32> to vector<16xi32>
      %swap3A_545 = vector.shape_cast %select_n3A_539 : vector<16xi32> to vector<1x16xi32>
      tpu.vector_store %arg7[%swap3A_541, %swap3A_542], %swap3A_545 {strides = array<i32>} : memref<2x128xi32, #tpu.memory_space<vmem>>, vector<1x16xi32>,
      %get3A_546 = arith.constant 0 : i32
      %get3A_547 = arith.index_cast %get3A_546 : i32 to index
      %get3A_548 = arith.constant 80 : index
      %get3A_549 = tpu.vector_load %arg7[%get3A_547, %get3A_548] {strides = array<i32>} : memref<2x128xi32, #tpu.memory_space<vmem>>, vector<1x16xi32>,
      %get3A_550 = vector.shape_cast %get3A_549 : vector<1x16xi32> to vector<16xi32>
      %get3A_551 = arith.constant 1 : i32
      %get3A_552 = arith.index_cast %get3A_551 : i32 to index
      %get3A_553 = arith.constant 80 : index
      %get3A_554 = tpu.vector_load %arg7[%get3A_552, %get3A_553] {strides = array<i32>} : memref<2x128xi32, #tpu.memory_space<vmem>>, vector<1x16xi32>,
      %get3A_555 = vector.shape_cast %get3A_554 : vector<1x16xi32> to vector<16xi32>
      %eq3A_556 = arith.cmpi eq, %get3A_550, %get3A_555 : vector<16xi32>
      %broadcast_in_dim3A_557 = arith.constant 10000 : i32
      %broadcast_in_dim3A_558 = vector.broadcast %broadcast_in_dim3A_557 : i32 to vector<16xi32>
      %select_n3A_559 = arith.select %eq3A_556, %broadcast_in_dim3A_558, %get3A_555 : vector<16xi1>, vector<16xi32>
      %swap3A_560 = arith.constant 1 : i32
      %swap3A_561 = arith.index_cast %swap3A_560 : i32 to index
      %swap3A_562 = arith.constant 80 : index
      %swap3A_563 = tpu.vector_load %arg7[%swap3A_561, %swap3A_562] {strides = array<i32>} : memref<2x128xi32, #tpu.memory_space<vmem>>, vector<1x16xi32>,
      %swap3A_564 = vector.shape_cast %swap3A_563 : vector<1x16xi32> to vector<16xi32>
      %swap3A_565 = vector.shape_cast %select_n3A_559 : vector<16xi32> to vector<1x16xi32>
      tpu.vector_store %arg7[%swap3A_561, %swap3A_562], %swap3A_565 {strides = array<i32>} : memref<2x128xi32, #tpu.memory_space<vmem>>, vector<1x16xi32>,
      %get3A_566 = arith.constant 0 : i32
      %get3A_567 = arith.index_cast %get3A_566 : i32 to index
      %get3A_568 = arith.constant 96 : index
      %get3A_569 = tpu.vector_load %arg7[%get3A_567, %get3A_568] {strides = array<i32>} : memref<2x128xi32, #tpu.memory_space<vmem>>, vector<1x16xi32>,
      %get3A_570 = vector.shape_cast %get3A_569 : vector<1x16xi32> to vector<16xi32>
      %get3A_571 = arith.constant 1 : i32
      %get3A_572 = arith.index_cast %get3A_571 : i32 to index
      %get3A_573 = arith.constant 96 : index
      %get3A_574 = tpu.vector_load %arg7[%get3A_572, %get3A_573] {strides = array<i32>} : memref<2x128xi32, #tpu.memory_space<vmem>>, vector<1x16xi32>,
      %get3A_575 = vector.shape_cast %get3A_574 : vector<1x16xi32> to vector<16xi32>
      %eq3A_576 = arith.cmpi eq, %get3A_570, %get3A_575 : vector<16xi32>
      %broadcast_in_dim3A_577 = arith.constant 10000 : i32
      %broadcast_in_dim3A_578 = vector.broadcast %broadcast_in_dim3A_577 : i32 to vector<16xi32>
      %select_n3A_579 = arith.select %eq3A_576, %broadcast_in_dim3A_578, %get3A_575 : vector<16xi1>, vector<16xi32>
      %swap3A_580 = arith.constant 1 : i32
      %swap3A_581 = arith.index_cast %swap3A_580 : i32 to index
      %swap3A_582 = arith.constant 96 : index
      %swap3A_583 = tpu.vector_load %arg7[%swap3A_581, %swap3A_582] {strides = array<i32>} : memref<2x128xi32, #tpu.memory_space<vmem>>, vector<1x16xi32>,
      %swap3A_584 = vector.shape_cast %swap3A_583 : vector<1x16xi32> to vector<16xi32>
      %swap3A_585 = vector.shape_cast %select_n3A_579 : vector<16xi32> to vector<1x16xi32>
      tpu.vector_store %arg7[%swap3A_581, %swap3A_582], %swap3A_585 {strides = array<i32>} : memref<2x128xi32, #tpu.memory_space<vmem>>, vector<1x16xi32>,
      %get3A_586 = arith.constant 0 : i32
      %get3A_587 = arith.index_cast %get3A_586 : i32 to index
      %get3A_588 = arith.constant 112 : index
      %get3A_589 = tpu.vector_load %arg7[%get3A_587, %get3A_588] {strides = array<i32>} : memref<2x128xi32, #tpu.memory_space<vmem>>, vector<1x16xi32>,
      %get3A_590 = vector.shape_cast %get3A_589 : vector<1x16xi32> to vector<16xi32>
      %get3A_591 = arith.constant 1 : i32
      %get3A_592 = arith.index_cast %get3A_591 : i32 to index
      %get3A_593 = arith.constant 112 : index
      %get3A_594 = tpu.vector_load %arg7[%get3A_592, %get3A_593] {strides = array<i32>} : memref<2x128xi32, #tpu.memory_space<vmem>>, vector<1x16xi32>,
      %get3A_595 = vector.shape_cast %get3A_594 : vector<1x16xi32> to vector<16xi32>
      %eq3A_596 = arith.cmpi eq, %get3A_590, %get3A_595 : vector<16xi32>
      %broadcast_in_dim3A_597 = arith.constant 10000 : i32
      %broadcast_in_dim3A_598 = vector.broadcast %broadcast_in_dim3A_597 : i32 to vector<16xi32>
      %select_n3A_599 = arith.select %eq3A_596, %broadcast_in_dim3A_598, %get3A_595 : vector<16xi1>, vector<16xi32>
      %swap3A_600 = arith.constant 1 : i32
      %swap3A_601 = arith.index_cast %swap3A_600 : i32 to index
      %swap3A_602 = arith.constant 112 : index
      %swap3A_603 = tpu.vector_load %arg7[%swap3A_601, %swap3A_602] {strides = array<i32>} : memref<2x128xi32, #tpu.memory_space<vmem>>, vector<1x16xi32>,
      %swap3A_604 = vector.shape_cast %swap3A_603 : vector<1x16xi32> to vector<16xi32>
      %swap3A_605 = vector.shape_cast %select_n3A_599 : vector<16xi32> to vector<1x16xi32>
      tpu.vector_store %arg7[%swap3A_601, %swap3A_602], %swap3A_605 {strides = array<i32>} : memref<2x128xi32, #tpu.memory_space<vmem>>, vector<1x16xi32>,
      %dma_start3A_606 = arith.constant 0 : i32
      %dma_start3A_607 = arith.constant 0 : i32
      %dma_start3A_608 = arith.constant 0 : i32
      %dma_start3A_609 = tpu.memref_slice %arg10[%dma_start3A_607, %dma_start3A_608] : memref<128x128xf32, #tpu.memory_space<vmem>> -> memref<64x128xf32, #tpu.memory_space<vmem>>
      %dma_start3A_610 = arith.constant 0 : i32
      %dma_start3A_611 = tpu.memref_slice %arg7[%dma_start3A_606, %dma_start3A_610] : memref<2x128xi32, #tpu.memory_space<vmem>> -> memref<1x64xi32, #tpu.memory_space<vmem>>
      %dma_start3A_612 = tpu.memref_squeeze %dma_start3A_611 : memref<1x64xi32, #tpu.memory_space<vmem>> -> memref<64xi32, #tpu.memory_space<vmem>>
      %dma_start3A_613 = arith.constant 0 : i32
      %dma_start3A_614 = arith.constant 0 : i32
      %dma_start3A_615 = tpu.memref_slice %arg2[%dma_start3A_613, %dma_start3A_614] : memref<10000x128xf32, #tpu.memory_space<hbm>> -> memref<10000x128xf32, #tpu.memory_space<hbm>>
      tpu.enqueue_indirect_dma source(%dma_start3A_615 : memref<10000x128xf32, #tpu.memory_space<hbm>>) target(%dma_start3A_609 : memref<64x128xf32, #tpu.memory_space<vmem>>) offsets(%dma_start3A_612 : memref<64xi32, #tpu.memory_space<vmem>>) semaphore(%arg17 : memref<!tpu.dma_semaphore, #tpu.memory_space<semaphore_mem>>)
      %dma_start3A_616 = arith.constant 0 : i32
      %dma_start3A_617 = arith.constant 64 : i32
      %dma_start3A_618 = arith.constant 0 : i32
      %dma_start3A_619 = tpu.memref_slice %arg10[%dma_start3A_617, %dma_start3A_618] : memref<128x128xf32, #tpu.memory_space<vmem>> -> memref<64x128xf32, #tpu.memory_space<vmem>>
      %dma_start3A_620 = arith.constant 64 : i32
      %dma_start3A_621 = tpu.memref_slice %arg7[%dma_start3A_616, %dma_start3A_620] : memref<2x128xi32, #tpu.memory_space<vmem>> -> memref<1x64xi32, #tpu.memory_space<vmem>>
      %dma_start3A_622 = tpu.memref_squeeze %dma_start3A_621 : memref<1x64xi32, #tpu.memory_space<vmem>> -> memref<64xi32, #tpu.memory_space<vmem>>
      %dma_start3A_623 = arith.constant 0 : i32
      %dma_start3A_624 = arith.constant 0 : i32
      %dma_start3A_625 = tpu.memref_slice %arg2[%dma_start3A_623, %dma_start3A_624] : memref<10000x128xf32, #tpu.memory_space<hbm>> -> memref<10000x128xf32, #tpu.memory_space<hbm>>
      tpu.enqueue_indirect_dma source(%dma_start3A_625 : memref<10000x128xf32, #tpu.memory_space<hbm>>) target(%dma_start3A_619 : memref<64x128xf32, #tpu.memory_space<vmem>>) offsets(%dma_start3A_622 : memref<64xi32, #tpu.memory_space<vmem>>) semaphore(%arg17 : memref<!tpu.dma_semaphore, #tpu.memory_space<semaphore_mem>>)
      %dma_wait3A_626 = arith.constant 0 : i32
      %dma_wait3A_627 = arith.constant 0 : i32
      %dma_wait3A_628 = arith.constant 0 : i32
      %dma_wait3A_629 = tpu.memref_slice %arg9[%dma_wait3A_627, %dma_wait3A_628] : memref<128x128xf32, #tpu.memory_space<vmem>> -> memref<64x128xf32, #tpu.memory_space<vmem>>
      %dma_wait3A_630 = arith.constant 0 : i32
      %dma_wait3A_631 = tpu.memref_slice %arg6[%dma_wait3A_626, %dma_wait3A_630] : memref<2x128xi32, #tpu.memory_space<vmem>> -> memref<1x64xi32, #tpu.memory_space<vmem>>
      %dma_wait3A_632 = tpu.memref_squeeze %dma_wait3A_631 : memref<1x64xi32, #tpu.memory_space<vmem>> -> memref<64xi32, #tpu.memory_space<vmem>>
      %dma_wait3A_633 = arith.constant 0 : i32
      %dma_wait3A_634 = arith.constant 0 : i32
      %dma_wait3A_635 = tpu.memref_slice %arg2[%dma_wait3A_633, %dma_wait3A_634] : memref<10000x128xf32, #tpu.memory_space<hbm>> -> memref<10000x128xf32, #tpu.memory_space<hbm>>
      tpu.wait_indirect_dma semaphore(%arg16 : memref<!tpu.dma_semaphore, #tpu.memory_space<semaphore_mem>>) src(%dma_wait3A_635 : memref<10000x128xf32, #tpu.memory_space<hbm>>) dst(%dma_wait3A_629 : memref<64x128xf32, #tpu.memory_space<vmem>>)
      %dma_wait3A_636 = arith.constant 0 : i32
      %dma_wait3A_637 = arith.constant 64 : i32
      %dma_wait3A_638 = arith.constant 0 : i32
      %dma_wait3A_639 = tpu.memref_slice %arg9[%dma_wait3A_637, %dma_wait3A_638] : memref<128x128xf32, #tpu.memory_space<vmem>> -> memref<64x128xf32, #tpu.memory_space<vmem>>
      %dma_wait3A_640 = arith.constant 64 : i32
      %dma_wait3A_641 = tpu.memref_slice %arg6[%dma_wait3A_636, %dma_wait3A_640] : memref<2x128xi32, #tpu.memory_space<vmem>> -> memref<1x64xi32, #tpu.memory_space<vmem>>
      %dma_wait3A_642 = tpu.memref_squeeze %dma_wait3A_641 : memref<1x64xi32, #tpu.memory_space<vmem>> -> memref<64xi32, #tpu.memory_space<vmem>>
      %dma_wait3A_643 = arith.constant 0 : i32
      %dma_wait3A_644 = arith.constant 0 : i32
      %dma_wait3A_645 = tpu.memref_slice %arg2[%dma_wait3A_643, %dma_wait3A_644] : memref<10000x128xf32, #tpu.memory_space<hbm>> -> memref<10000x128xf32, #tpu.memory_space<hbm>>
      tpu.wait_indirect_dma semaphore(%arg16 : memref<!tpu.dma_semaphore, #tpu.memory_space<semaphore_mem>>) src(%dma_wait3A_645 : memref<10000x128xf32, #tpu.memory_space<hbm>>) dst(%dma_wait3A_639 : memref<64x128xf32, #tpu.memory_space<vmem>>)
      %dma_start3A_646 = arith.constant 1 : i32
      %dma_start3A_647 = arith.constant 0 : i32
      %dma_start3A_648 = tpu.memref_slice %arg6[%dma_start3A_646, %dma_start3A_647] : memref<2x128xi32, #tpu.memory_space<vmem>> -> memref<1x128xi32, #tpu.memory_space<vmem>>
      %dma_start3A_649 = tpu.memref_squeeze %dma_start3A_648 : memref<1x128xi32, #tpu.memory_space<vmem>> -> memref<128xi32, #tpu.memory_space<vmem>>
      %dma_start3A_650 = arith.constant 0 : i32
      %dma_start3A_651 = arith.constant 0 : i32
      %dma_start3A_652 = tpu.memref_slice %arg11[%dma_start3A_650, %dma_start3A_651] : memref<10112x128xf32, #tpu.memory_space<vmem_shared>> -> memref<10112x128xf32, #tpu.memory_space<vmem_shared>>
      tpu.enqueue_indirect_dma source(%arg9 : memref<128x128xf32, #tpu.memory_space<vmem>>) target(%dma_start3A_652 : memref<10112x128xf32, #tpu.memory_space<vmem_shared>>) offsets(%dma_start3A_649 : memref<128xi32, #tpu.memory_space<vmem>>) semaphore(%arg19 : memref<!tpu.dma_semaphore, #tpu.memory_space<semaphore_mem>>) {add = true}
      %dma_wait3A_653 = arith.constant 1 : i32
      %dma_wait3A_654 = arith.constant 0 : i32
      %dma_wait3A_655 = tpu.memref_slice %arg5[%dma_wait3A_653, %dma_wait3A_654] : memref<2x128xi32, #tpu.memory_space<vmem>> -> memref<1x128xi32, #tpu.memory_space<vmem>>
      %dma_wait3A_656 = tpu.memref_squeeze %dma_wait3A_655 : memref<1x128xi32, #tpu.memory_space<vmem>> -> memref<128xi32, #tpu.memory_space<vmem>>
      %dma_wait3A_657 = arith.constant 0 : i32
      %dma_wait3A_658 = arith.constant 0 : i32
      %dma_wait3A_659 = tpu.memref_slice %arg11[%dma_wait3A_657, %dma_wait3A_658] : memref<10112x128xf32, #tpu.memory_space<vmem_shared>> -> memref<10112x128xf32, #tpu.memory_space<vmem_shared>>
      tpu.wait_indirect_dma semaphore(%arg18 : memref<!tpu.dma_semaphore, #tpu.memory_space<semaphore_mem>>) src(%arg8 : memref<128x128xf32, #tpu.memory_space<vmem>>) dst(%dma_wait3A_659 : memref<10112x128xf32, #tpu.memory_space<vmem_shared>>)
      %add3A_660 = arith.constant 384 : i32
      %add3A_661 = arith.addi %mul3A_15, %add3A_660 : i32
      %dma_start3A_662 = arith.constant 0 : i32
      %dma_start3A_663 = tpu.memref_slice %arg3[%dma_start3A_662, %add3A_661] : memref<2x320000xi32, #tpu.memory_space<hbm>> -> memref<2x128xi32, #tpu.memory_space<hbm>>
      %dma_start3A_664 = arith.constant 0 : i32
      %dma_start3A_665 = tpu.memref_slice %arg3[%dma_start3A_664, %add3A_661] : memref<2x320000xi32, #tpu.memory_space<hbm>> -> memref<2x128xi32, #tpu.memory_space<hbm>>
      tpu.enqueue_dma source(%dma_start3A_665 : memref<2x128xi32, #tpu.memory_space<hbm>>) target(%arg5 : memref<2x128xi32, #tpu.memory_space<vmem>>) target_semaphore(%arg12 : memref<!tpu.dma_semaphore, #tpu.memory_space<semaphore_mem>>)
      %dma_wait3A_666 = arith.constant 0 : i32
      %dma_wait3A_667 = arith.constant 0 : i32
      %dma_wait3A_668 = tpu.memref_slice %arg3[%dma_wait3A_666, %dma_wait3A_667] : memref<2x320000xi32, #tpu.memory_space<hbm>> -> memref<2x128xi32, #tpu.memory_space<hbm>>
      %dma_wait3A_669 = arith.constant 0 : i32
      %dma_wait3A_670 = arith.constant 0 : i32
      %dma_wait3A_671 = tpu.memref_slice %arg3[%dma_wait3A_669, %dma_wait3A_670] : memref<2x320000xi32, #tpu.memory_space<hbm>> -> memref<2x128xi32, #tpu.memory_space<hbm>>
      tpu.wait_dma2 semaphore(%arg12 : memref<!tpu.dma_semaphore, #tpu.memory_space<semaphore_mem>>) src(%dma_wait3A_671 : memref<2x128xi32, #tpu.memory_space<hbm>>) dst(%arg5 : memref<2x128xi32, #tpu.memory_space<vmem>>)
      %get3A_672 = arith.constant 0 : i32
      %get3A_673 = arith.index_cast %get3A_672 : i32 to index
      %get3A_674 = arith.constant 0 : index
      %get3A_675 = tpu.vector_load %arg5[%get3A_673, %get3A_674] {strides = array<i32>} : memref<2x128xi32, #tpu.memory_space<vmem>>, vector<1x16xi32>,
      %get3A_676 = vector.shape_cast %get3A_675 : vector<1x16xi32> to vector<16xi32>
      %get3A_677 = arith.constant 1 : i32
      %get3A_678 = arith.index_cast %get3A_677 : i32 to index
      %get3A_679 = arith.constant 0 : index
      %get3A_680 = tpu.vector_load %arg5[%get3A_678, %get3A_679] {strides = array<i32>} : memref<2x128xi32, #tpu.memory_space<vmem>>, vector<1x16xi32>,
      %get3A_681 = vector.shape_cast %get3A_680 : vector<1x16xi32> to vector<16xi32>
      %eq3A_682 = arith.cmpi eq, %get3A_676, %get3A_681 : vector<16xi32>
      %broadcast_in_dim3A_683 = arith.constant 10000 : i32
      %broadcast_in_dim3A_684 = vector.broadcast %broadcast_in_dim3A_683 : i32 to vector<16xi32>
      %select_n3A_685 = arith.select %eq3A_682, %broadcast_in_dim3A_684, %get3A_681 : vector<16xi1>, vector<16xi32>
      %swap3A_686 = arith.constant 1 : i32
      %swap3A_687 = arith.index_cast %swap3A_686 : i32 to index
      %swap3A_688 = arith.constant 0 : index
      %swap3A_689 = tpu.vector_load %arg5[%swap3A_687, %swap3A_688] {strides = array<i32>} : memref<2x128xi32, #tpu.memory_space<vmem>>, vector<1x16xi32>,
      %swap3A_690 = vector.shape_cast %swap3A_689 : vector<1x16xi32> to vector<16xi32>
      %swap3A_691 = vector.shape_cast %select_n3A_685 : vector<16xi32> to vector<1x16xi32>
      tpu.vector_store %arg5[%swap3A_687, %swap3A_688], %swap3A_691 {strides = array<i32>} : memref<2x128xi32, #tpu.memory_space<vmem>>, vector<1x16xi32>,
      %get3A_692 = arith.constant 0 : i32
      %get3A_693 = arith.index_cast %get3A_692 : i32 to index
      %get3A_694 = arith.constant 16 : index
      %get3A_695 = tpu.vector_load %arg5[%get3A_693, %get3A_694] {strides = array<i32>} : memref<2x128xi32, #tpu.memory_space<vmem>>, vector<1x16xi32>,
      %get3A_696 = vector.shape_cast %get3A_695 : vector<1x16xi32> to vector<16xi32>
      %get3A_697 = arith.constant 1 : i32
      %get3A_698 = arith.index_cast %get3A_697 : i32 to index
      %get3A_699 = arith.constant 16 : index
      %get3A_700 = tpu.vector_load %arg5[%get3A_698, %get3A_699] {strides = array<i32>} : memref<2x128xi32, #tpu.memory_space<vmem>>, vector<1x16xi32>,
      %get3A_701 = vector.shape_cast %get3A_700 : vector<1x16xi32> to vector<16xi32>
      %eq3A_702 = arith.cmpi eq, %get3A_696, %get3A_701 : vector<16xi32>
      %broadcast_in_dim3A_703 = arith.constant 10000 : i32
      %broadcast_in_dim3A_704 = vector.broadcast %broadcast_in_dim3A_703 : i32 to vector<16xi32>
      %select_n3A_705 = arith.select %eq3A_702, %broadcast_in_dim3A_704, %get3A_701 : vector<16xi1>, vector<16xi32>
      %swap3A_706 = arith.constant 1 : i32
      %swap3A_707 = arith.index_cast %swap3A_706 : i32 to index
      %swap3A_708 = arith.constant 16 : index
      %swap3A_709 = tpu.vector_load %arg5[%swap3A_707, %swap3A_708] {strides = array<i32>} : memref<2x128xi32, #tpu.memory_space<vmem>>, vector<1x16xi32>,
      %swap3A_710 = vector.shape_cast %swap3A_709 : vector<1x16xi32> to vector<16xi32>
      %swap3A_711 = vector.shape_cast %select_n3A_705 : vector<16xi32> to vector<1x16xi32>
      tpu.vector_store %arg5[%swap3A_707, %swap3A_708], %swap3A_711 {strides = array<i32>} : memref<2x128xi32, #tpu.memory_space<vmem>>, vector<1x16xi32>,
      %get3A_712 = arith.constant 0 : i32
      %get3A_713 = arith.index_cast %get3A_712 : i32 to index
      %get3A_714 = arith.constant 32 : index
      %get3A_715 = tpu.vector_load %arg5[%get3A_713, %get3A_714] {strides = array<i32>} : memref<2x128xi32, #tpu.memory_space<vmem>>, vector<1x16xi32>,
      %get3A_716 = vector.shape_cast %get3A_715 : vector<1x16xi32> to vector<16xi32>
      %get3A_717 = arith.constant 1 : i32
      %get3A_718 = arith.index_cast %get3A_717 : i32 to index
      %get3A_719 = arith.constant 32 : index
      %get3A_720 = tpu.vector_load %arg5[%get3A_718, %get3A_719] {strides = array<i32>} : memref<2x128xi32, #tpu.memory_space<vmem>>, vector<1x16xi32>,
      %get3A_721 = vector.shape_cast %get3A_720 : vector<1x16xi32> to vector<16xi32>
      %eq3A_722 = arith.cmpi eq, %get3A_716, %get3A_721 : vector<16xi32>
      %broadcast_in_dim3A_723 = arith.constant 10000 : i32
      %broadcast_in_dim3A_724 = vector.broadcast %broadcast_in_dim3A_723 : i32 to vector<16xi32>
      %select_n3A_725 = arith.select %eq3A_722, %broadcast_in_dim3A_724, %get3A_721 : vector<16xi1>, vector<16xi32>
      %swap3A_726 = arith.constant 1 : i32
      %swap3A_727 = arith.index_cast %swap3A_726 : i32 to index
      %swap3A_728 = arith.constant 32 : index
      %swap3A_729 = tpu.vector_load %arg5[%swap3A_727, %swap3A_728] {strides = array<i32>} : memref<2x128xi32, #tpu.memory_space<vmem>>, vector<1x16xi32>,
      %swap3A_730 = vector.shape_cast %swap3A_729 : vector<1x16xi32> to vector<16xi32>
      %swap3A_731 = vector.shape_cast %select_n3A_725 : vector<16xi32> to vector<1x16xi32>
      tpu.vector_store %arg5[%swap3A_727, %swap3A_728], %swap3A_731 {strides = array<i32>} : memref<2x128xi32, #tpu.memory_space<vmem>>, vector<1x16xi32>,
      %get3A_732 = arith.constant 0 : i32
      %get3A_733 = arith.index_cast %get3A_732 : i32 to index
      %get3A_734 = arith.constant 48 : index
      %get3A_735 = tpu.vector_load %arg5[%get3A_733, %get3A_734] {strides = array<i32>} : memref<2x128xi32, #tpu.memory_space<vmem>>, vector<1x16xi32>,
      %get3A_736 = vector.shape_cast %get3A_735 : vector<1x16xi32> to vector<16xi32>
      %get3A_737 = arith.constant 1 : i32
      %get3A_738 = arith.index_cast %get3A_737 : i32 to index
      %get3A_739 = arith.constant 48 : index
      %get3A_740 = tpu.vector_load %arg5[%get3A_738, %get3A_739] {strides = array<i32>} : memref<2x128xi32, #tpu.memory_space<vmem>>, vector<1x16xi32>,
      %get3A_741 = vector.shape_cast %get3A_740 : vector<1x16xi32> to vector<16xi32>
      %eq3A_742 = arith.cmpi eq, %get3A_736, %get3A_741 : vector<16xi32>
      %broadcast_in_dim3A_743 = arith.constant 10000 : i32
      %broadcast_in_dim3A_744 = vector.broadcast %broadcast_in_dim3A_743 : i32 to vector<16xi32>
      %select_n3A_745 = arith.select %eq3A_742, %broadcast_in_dim3A_744, %get3A_741 : vector<16xi1>, vector<16xi32>
      %swap3A_746 = arith.constant 1 : i32
      %swap3A_747 = arith.index_cast %swap3A_746 : i32 to index
      %swap3A_748 = arith.constant 48 : index
      %swap3A_749 = tpu.vector_load %arg5[%swap3A_747, %swap3A_748] {strides = array<i32>} : memref<2x128xi32, #tpu.memory_space<vmem>>, vector<1x16xi32>,
      %swap3A_750 = vector.shape_cast %swap3A_749 : vector<1x16xi32> to vector<16xi32>
      %swap3A_751 = vector.shape_cast %select_n3A_745 : vector<16xi32> to vector<1x16xi32>
      tpu.vector_store %arg5[%swap3A_747, %swap3A_748], %swap3A_751 {strides = array<i32>} : memref<2x128xi32, #tpu.memory_space<vmem>>, vector<1x16xi32>,
      %get3A_752 = arith.constant 0 : i32
      %get3A_753 = arith.index_cast %get3A_752 : i32 to index
      %get3A_754 = arith.constant 64 : index
      %get3A_755 = tpu.vector_load %arg5[%get3A_753, %get3A_754] {strides = array<i32>} : memref<2x128xi32, #tpu.memory_space<vmem>>, vector<1x16xi32>,
      %get3A_756 = vector.shape_cast %get3A_755 : vector<1x16xi32> to vector<16xi32>
      %get3A_757 = arith.constant 1 : i32
      %get3A_758 = arith.index_cast %get3A_757 : i32 to index
      %get3A_759 = arith.constant 64 : index
      %get3A_760 = tpu.vector_load %arg5[%get3A_758, %get3A_759] {strides = array<i32>} : memref<2x128xi32, #tpu.memory_space<vmem>>, vector<1x16xi32>,
      %get3A_761 = vector.shape_cast %get3A_760 : vector<1x16xi32> to vector<16xi32>
      %eq3A_762 = arith.cmpi eq, %get3A_756, %get3A_761 : vector<16xi32>
      %broadcast_in_dim3A_763 = arith.constant 10000 : i32
      %broadcast_in_dim3A_764 = vector.broadcast %broadcast_in_dim3A_763 : i32 to vector<16xi32>
      %select_n3A_765 = arith.select %eq3A_762, %broadcast_in_dim3A_764, %get3A_761 : vector<16xi1>, vector<16xi32>
      %swap3A_766 = arith.constant 1 : i32
      %swap3A_767 = arith.index_cast %swap3A_766 : i32 to index
      %swap3A_768 = arith.constant 64 : index
      %swap3A_769 = tpu.vector_load %arg5[%swap3A_767, %swap3A_768] {strides = array<i32>} : memref<2x128xi32, #tpu.memory_space<vmem>>, vector<1x16xi32>,
      %swap3A_770 = vector.shape_cast %swap3A_769 : vector<1x16xi32> to vector<16xi32>
      %swap3A_771 = vector.shape_cast %select_n3A_765 : vector<16xi32> to vector<1x16xi32>
      tpu.vector_store %arg5[%swap3A_767, %swap3A_768], %swap3A_771 {strides = array<i32>} : memref<2x128xi32, #tpu.memory_space<vmem>>, vector<1x16xi32>,
      %get3A_772 = arith.constant 0 : i32
      %get3A_773 = arith.index_cast %get3A_772 : i32 to index
      %get3A_774 = arith.constant 80 : index
      %get3A_775 = tpu.vector_load %arg5[%get3A_773, %get3A_774] {strides = array<i32>} : memref<2x128xi32, #tpu.memory_space<vmem>>, vector<1x16xi32>,
      %get3A_776 = vector.shape_cast %get3A_775 : vector<1x16xi32> to vector<16xi32>
      %get3A_777 = arith.constant 1 : i32
      %get3A_778 = arith.index_cast %get3A_777 : i32 to index
      %get3A_779 = arith.constant 80 : index
      %get3A_780 = tpu.vector_load %arg5[%get3A_778, %get3A_779] {strides = array<i32>} : memref<2x128xi32, #tpu.memory_space<vmem>>, vector<1x16xi32>,
      %get3A_781 = vector.shape_cast %get3A_780 : vector<1x16xi32> to vector<16xi32>
      %eq3A_782 = arith.cmpi eq, %get3A_776, %get3A_781 : vector<16xi32>
      %broadcast_in_dim3A_783 = arith.constant 10000 : i32
      %broadcast_in_dim3A_784 = vector.broadcast %broadcast_in_dim3A_783 : i32 to vector<16xi32>
      %select_n3A_785 = arith.select %eq3A_782, %broadcast_in_dim3A_784, %get3A_781 : vector<16xi1>, vector<16xi32>
      %swap3A_786 = arith.constant 1 : i32
      %swap3A_787 = arith.index_cast %swap3A_786 : i32 to index
      %swap3A_788 = arith.constant 80 : index
      %swap3A_789 = tpu.vector_load %arg5[%swap3A_787, %swap3A_788] {strides = array<i32>} : memref<2x128xi32, #tpu.memory_space<vmem>>, vector<1x16xi32>,
      %swap3A_790 = vector.shape_cast %swap3A_789 : vector<1x16xi32> to vector<16xi32>
      %swap3A_791 = vector.shape_cast %select_n3A_785 : vector<16xi32> to vector<1x16xi32>
      tpu.vector_store %arg5[%swap3A_787, %swap3A_788], %swap3A_791 {strides = array<i32>} : memref<2x128xi32, #tpu.memory_space<vmem>>, vector<1x16xi32>,
      %get3A_792 = arith.constant 0 : i32
      %get3A_793 = arith.index_cast %get3A_792 : i32 to index
      %get3A_794 = arith.constant 96 : index
      %get3A_795 = tpu.vector_load %arg5[%get3A_793, %get3A_794] {strides = array<i32>} : memref<2x128xi32, #tpu.memory_space<vmem>>, vector<1x16xi32>,
      %get3A_796 = vector.shape_cast %get3A_795 : vector<1x16xi32> to vector<16xi32>
      %get3A_797 = arith.constant 1 : i32
      %get3A_798 = arith.index_cast %get3A_797 : i32 to index
      %get3A_799 = arith.constant 96 : index
      %get3A_800 = tpu.vector_load %arg5[%get3A_798, %get3A_799] {strides = array<i32>} : memref<2x128xi32, #tpu.memory_space<vmem>>, vector<1x16xi32>,
      %get3A_801 = vector.shape_cast %get3A_800 : vector<1x16xi32> to vector<16xi32>
      %eq3A_802 = arith.cmpi eq, %get3A_796, %get3A_801 : vector<16xi32>
      %broadcast_in_dim3A_803 = arith.constant 10000 : i32
      %broadcast_in_dim3A_804 = vector.broadcast %broadcast_in_dim3A_803 : i32 to vector<16xi32>
      %select_n3A_805 = arith.select %eq3A_802, %broadcast_in_dim3A_804, %get3A_801 : vector<16xi1>, vector<16xi32>
      %swap3A_806 = arith.constant 1 : i32
      %swap3A_807 = arith.index_cast %swap3A_806 : i32 to index
      %swap3A_808 = arith.constant 96 : index
      %swap3A_809 = tpu.vector_load %arg5[%swap3A_807, %swap3A_808] {strides = array<i32>} : memref<2x128xi32, #tpu.memory_space<vmem>>, vector<1x16xi32>,
      %swap3A_810 = vector.shape_cast %swap3A_809 : vector<1x16xi32> to vector<16xi32>
      %swap3A_811 = vector.shape_cast %select_n3A_805 : vector<16xi32> to vector<1x16xi32>
      tpu.vector_store %arg5[%swap3A_807, %swap3A_808], %swap3A_811 {strides = array<i32>} : memref<2x128xi32, #tpu.memory_space<vmem>>, vector<1x16xi32>,
      %get3A_812 = arith.constant 0 : i32
      %get3A_813 = arith.index_cast %get3A_812 : i32 to index
      %get3A_814 = arith.constant 112 : index
      %get3A_815 = tpu.vector_load %arg5[%get3A_813, %get3A_814] {strides = array<i32>} : memref<2x128xi32, #tpu.memory_space<vmem>>, vector<1x16xi32>,
      %get3A_816 = vector.shape_cast %get3A_815 : vector<1x16xi32> to vector<16xi32>
      %get3A_817 = arith.constant 1 : i32
      %get3A_818 = arith.index_cast %get3A_817 : i32 to index
      %get3A_819 = arith.constant 112 : index
      %get3A_820 = tpu.vector_load %arg5[%get3A_818, %get3A_819] {strides = array<i32>} : memref<2x128xi32, #tpu.memory_space<vmem>>, vector<1x16xi32>,
      %get3A_821 = vector.shape_cast %get3A_820 : vector<1x16xi32> to vector<16xi32>
      %eq3A_822 = arith.cmpi eq, %get3A_816, %get3A_821 : vector<16xi32>
      %broadcast_in_dim3A_823 = arith.constant 10000 : i32
      %broadcast_in_dim3A_824 = vector.broadcast %broadcast_in_dim3A_823 : i32 to vector<16xi32>
      %select_n3A_825 = arith.select %eq3A_822, %broadcast_in_dim3A_824, %get3A_821 : vector<16xi1>, vector<16xi32>
      %swap3A_826 = arith.constant 1 : i32
      %swap3A_827 = arith.index_cast %swap3A_826 : i32 to index
      %swap3A_828 = arith.constant 112 : index
      %swap3A_829 = tpu.vector_load %arg5[%swap3A_827, %swap3A_828] {strides = array<i32>} : memref<2x128xi32, #tpu.memory_space<vmem>>, vector<1x16xi32>,
      %swap3A_830 = vector.shape_cast %swap3A_829 : vector<1x16xi32> to vector<16xi32>
      %swap3A_831 = vector.shape_cast %select_n3A_825 : vector<16xi32> to vector<1x16xi32>
      tpu.vector_store %arg5[%swap3A_827, %swap3A_828], %swap3A_831 {strides = array<i32>} : memref<2x128xi32, #tpu.memory_space<vmem>>, vector<1x16xi32>,
      %dma_start3A_832 = arith.constant 0 : i32
      %dma_start3A_833 = arith.constant 0 : i32
      %dma_start3A_834 = arith.constant 0 : i32
      %dma_start3A_835 = tpu.memref_slice %arg8[%dma_start3A_833, %dma_start3A_834] : memref<128x128xf32, #tpu.memory_space<vmem>> -> memref<64x128xf32, #tpu.memory_space<vmem>>
      %dma_start3A_836 = arith.constant 0 : i32
      %dma_start3A_837 = tpu.memref_slice %arg5[%dma_start3A_832, %dma_start3A_836] : memref<2x128xi32, #tpu.memory_space<vmem>> -> memref<1x64xi32, #tpu.memory_space<vmem>>
      %dma_start3A_838 = tpu.memref_squeeze %dma_start3A_837 : memref<1x64xi32, #tpu.memory_space<vmem>> -> memref<64xi32, #tpu.memory_space<vmem>>
      %dma_start3A_839 = arith.constant 0 : i32
      %dma_start3A_840 = arith.constant 0 : i32
      %dma_start3A_841 = tpu.memref_slice %arg2[%dma_start3A_839, %dma_start3A_840] : memref<10000x128xf32, #tpu.memory_space<hbm>> -> memref<10000x128xf32, #tpu.memory_space<hbm>>
      tpu.enqueue_indirect_dma source(%dma_start3A_841 : memref<10000x128xf32, #tpu.memory_space<hbm>>) target(%dma_start3A_835 : memref<64x128xf32, #tpu.memory_space<vmem>>) offsets(%dma_start3A_838 : memref<64xi32, #tpu.memory_space<vmem>>) semaphore(%arg15 : memref<!tpu.dma_semaphore, #tpu.memory_space<semaphore_mem>>)
      %dma_start3A_842 = arith.constant 0 : i32
      %dma_start3A_843 = arith.constant 64 : i32
      %dma_start3A_844 = arith.constant 0 : i32
      %dma_start3A_845 = tpu.memref_slice %arg8[%dma_start3A_843, %dma_start3A_844] : memref<128x128xf32, #tpu.memory_space<vmem>> -> memref<64x128xf32, #tpu.memory_space<vmem>>
      %dma_start3A_846 = arith.constant 64 : i32
      %dma_start3A_847 = tpu.memref_slice %arg5[%dma_start3A_842, %dma_start3A_846] : memref<2x128xi32, #tpu.memory_space<vmem>> -> memref<1x64xi32, #tpu.memory_space<vmem>>
      %dma_start3A_848 = tpu.memref_squeeze %dma_start3A_847 : memref<1x64xi32, #tpu.memory_space<vmem>> -> memref<64xi32, #tpu.memory_space<vmem>>
      %dma_start3A_849 = arith.constant 0 : i32
      %dma_start3A_850 = arith.constant 0 : i32
      %dma_start3A_851 = tpu.memref_slice %arg2[%dma_start3A_849, %dma_start3A_850] : memref<10000x128xf32, #tpu.memory_space<hbm>> -> memref<10000x128xf32, #tpu.memory_space<hbm>>
      tpu.enqueue_indirect_dma source(%dma_start3A_851 : memref<10000x128xf32, #tpu.memory_space<hbm>>) target(%dma_start3A_845 : memref<64x128xf32, #tpu.memory_space<vmem>>) offsets(%dma_start3A_848 : memref<64xi32, #tpu.memory_space<vmem>>) semaphore(%arg15 : memref<!tpu.dma_semaphore, #tpu.memory_space<semaphore_mem>>)
      %dma_wait3A_852 = arith.constant 0 : i32
      %dma_wait3A_853 = arith.constant 0 : i32
      %dma_wait3A_854 = arith.constant 0 : i32
      %dma_wait3A_855 = tpu.memref_slice %arg10[%dma_wait3A_853, %dma_wait3A_854] : memref<128x128xf32, #tpu.memory_space<vmem>> -> memref<64x128xf32, #tpu.memory_space<vmem>>
      %dma_wait3A_856 = arith.constant 0 : i32
      %dma_wait3A_857 = tpu.memref_slice %arg7[%dma_wait3A_852, %dma_wait3A_856] : memref<2x128xi32, #tpu.memory_space<vmem>> -> memref<1x64xi32, #tpu.memory_space<vmem>>
      %dma_wait3A_858 = tpu.memref_squeeze %dma_wait3A_857 : memref<1x64xi32, #tpu.memory_space<vmem>> -> memref<64xi32, #tpu.memory_space<vmem>>
      %dma_wait3A_859 = arith.constant 0 : i32
      %dma_wait3A_860 = arith.constant 0 : i32
      %dma_wait3A_861 = tpu.memref_slice %arg2[%dma_wait3A_859, %dma_wait3A_860] : memref<10000x128xf32, #tpu.memory_space<hbm>> -> memref<10000x128xf32, #tpu.memory_space<hbm>>
      tpu.wait_indirect_dma semaphore(%arg17 : memref<!tpu.dma_semaphore, #tpu.memory_space<semaphore_mem>>) src(%dma_wait3A_861 : memref<10000x128xf32, #tpu.memory_space<hbm>>) dst(%dma_wait3A_855 : memref<64x128xf32, #tpu.memory_space<vmem>>)
      %dma_wait3A_862 = arith.constant 0 : i32
      %dma_wait3A_863 = arith.constant 64 : i32
      %dma_wait3A_864 = arith.constant 0 : i32
      %dma_wait3A_865 = tpu.memref_slice %arg10[%dma_wait3A_863, %dma_wait3A_864] : memref<128x128xf32, #tpu.memory_space<vmem>> -> memref<64x128xf32, #tpu.memory_space<vmem>>
      %dma_wait3A_866 = arith.constant 64 : i32
      %dma_wait3A_867 = tpu.memref_slice %arg7[%dma_wait3A_862, %dma_wait3A_866] : memref<2x128xi32, #tpu.memory_space<vmem>> -> memref<1x64xi32, #tpu.memory_space<vmem>>
      %dma_wait3A_868 = tpu.memref_squeeze %dma_wait3A_867 : memref<1x64xi32, #tpu.memory_space<vmem>> -> memref<64xi32, #tpu.memory_space<vmem>>
      %dma_wait3A_869 = arith.constant 0 : i32
      %dma_wait3A_870 = arith.constant 0 : i32
      %dma_wait3A_871 = tpu.memref_slice %arg2[%dma_wait3A_869, %dma_wait3A_870] : memref<10000x128xf32, #tpu.memory_space<hbm>> -> memref<10000x128xf32, #tpu.memory_space<hbm>>
      tpu.wait_indirect_dma semaphore(%arg17 : memref<!tpu.dma_semaphore, #tpu.memory_space<semaphore_mem>>) src(%dma_wait3A_871 : memref<10000x128xf32, #tpu.memory_space<hbm>>) dst(%dma_wait3A_865 : memref<64x128xf32, #tpu.memory_space<vmem>>)
      %dma_start3A_872 = arith.constant 1 : i32
      %dma_start3A_873 = arith.constant 0 : i32
      %dma_start3A_874 = tpu.memref_slice %arg7[%dma_start3A_872, %dma_start3A_873] : memref<2x128xi32, #tpu.memory_space<vmem>> -> memref<1x128xi32, #tpu.memory_space<vmem>>
      %dma_start3A_875 = tpu.memref_squeeze %dma_start3A_874 : memref<1x128xi32, #tpu.memory_space<vmem>> -> memref<128xi32, #tpu.memory_space<vmem>>
      %dma_start3A_876 = arith.constant 0 : i32
      %dma_start3A_877 = arith.constant 0 : i32
      %dma_start3A_878 = tpu.memref_slice %arg11[%dma_start3A_876, %dma_start3A_877] : memref<10112x128xf32, #tpu.memory_space<vmem_shared>> -> memref<10112x128xf32, #tpu.memory_space<vmem_shared>>
      tpu.enqueue_indirect_dma source(%arg10 : memref<128x128xf32, #tpu.memory_space<vmem>>) target(%dma_start3A_878 : memref<10112x128xf32, #tpu.memory_space<vmem_shared>>) offsets(%dma_start3A_875 : memref<128xi32, #tpu.memory_space<vmem>>) semaphore(%arg20 : memref<!tpu.dma_semaphore, #tpu.memory_space<semaphore_mem>>) {add = true}
      %dma_wait3A_879 = arith.constant 1 : i32
      %dma_wait3A_880 = arith.constant 0 : i32
      %dma_wait3A_881 = tpu.memref_slice %arg6[%dma_wait3A_879, %dma_wait3A_880] : memref<2x128xi32, #tpu.memory_space<vmem>> -> memref<1x128xi32, #tpu.memory_space<vmem>>
      %dma_wait3A_882 = tpu.memref_squeeze %dma_wait3A_881 : memref<1x128xi32, #tpu.memory_space<vmem>> -> memref<128xi32, #tpu.memory_space<vmem>>
      %dma_wait3A_883 = arith.constant 0 : i32
      %dma_wait3A_884 = arith.constant 0 : i32
      %dma_wait3A_885 = tpu.memref_slice %arg11[%dma_wait3A_883, %dma_wait3A_884] : memref<10112x128xf32, #tpu.memory_space<vmem_shared>> -> memref<10112x128xf32, #tpu.memory_space<vmem_shared>>
      tpu.wait_indirect_dma semaphore(%arg19 : memref<!tpu.dma_semaphore, #tpu.memory_space<semaphore_mem>>) src(%arg9 : memref<128x128xf32, #tpu.memory_space<vmem>>) dst(%dma_wait3A_885 : memref<10112x128xf32, #tpu.memory_space<vmem_shared>>)
      %add3A_886 = arith.constant 512 : i32
      %add3A_887 = arith.addi %mul3A_15, %add3A_886 : i32
      %dma_start3A_888 = arith.constant 0 : i32
      %dma_start3A_889 = tpu.memref_slice %arg3[%dma_start3A_888, %add3A_887] : memref<2x320000xi32, #tpu.memory_space<hbm>> -> memref<2x128xi32, #tpu.memory_space<hbm>>
      %dma_start3A_890 = arith.constant 0 : i32
      %dma_start3A_891 = tpu.memref_slice %arg3[%dma_start3A_890, %add3A_887] : memref<2x320000xi32, #tpu.memory_space<hbm>> -> memref<2x128xi32, #tpu.memory_space<hbm>>
      tpu.enqueue_dma source(%dma_start3A_891 : memref<2x128xi32, #tpu.memory_space<hbm>>) target(%arg6 : memref<2x128xi32, #tpu.memory_space<vmem>>) target_semaphore(%arg13 : memref<!tpu.dma_semaphore, #tpu.memory_space<semaphore_mem>>)
      %scan3A_892 = arith.constant 0 : i32
      %scan3A_893 = arith.constant 24 : i32
      %scan3A_894 = arith.addi %scan3A_892, %scan3A_893 : i32
      %scan3A_895 = arith.constant 1 : i32
      scf.for %scan3A_1384 = %scan3A_892 to %scan3A_894 step %scan3A_895  : i32 {
        %mul3A_1385 = arith.constant 3 : i32
        %mul3A_1386 = arith.muli %scan3A_1384, %mul3A_1385 : i32
        %add3A_1387 = arith.constant 3 : i32
        %add3A_1388 = arith.addi %add3A_1387, %mul3A_1386 : i32
        %dma_wait3A_1389 = arith.constant 0 : i32
        %dma_wait3A_1390 = arith.constant 0 : i32
        %dma_wait3A_1391 = tpu.memref_slice %arg3[%dma_wait3A_1389, %dma_wait3A_1390] : memref<2x320000xi32, #tpu.memory_space<hbm>> -> memref<2x128xi32, #tpu.memory_space<hbm>>
        %dma_wait3A_1392 = arith.constant 0 : i32
        %dma_wait3A_1393 = arith.constant 0 : i32
        %dma_wait3A_1394 = tpu.memref_slice %arg3[%dma_wait3A_1392, %dma_wait3A_1393] : memref<2x320000xi32, #tpu.memory_space<hbm>> -> memref<2x128xi32, #tpu.memory_space<hbm>>
        tpu.wait_dma2 semaphore(%arg13 : memref<!tpu.dma_semaphore, #tpu.memory_space<semaphore_mem>>) src(%dma_wait3A_1394 : memref<2x128xi32, #tpu.memory_space<hbm>>) dst(%arg6 : memref<2x128xi32, #tpu.memory_space<vmem>>)
        %get3A_1395 = arith.constant 0 : i32
        %get3A_1396 = arith.index_cast %get3A_1395 : i32 to index
        %get3A_1397 = arith.constant 0 : index
        %get3A_1398 = tpu.vector_load %arg6[%get3A_1396, %get3A_1397] {strides = array<i32>} : memref<2x128xi32, #tpu.memory_space<vmem>>, vector<1x16xi32>,
        %get3A_1399 = vector.shape_cast %get3A_1398 : vector<1x16xi32> to vector<16xi32>
        %get3A_1400 = arith.constant 1 : i32
        %get3A_1401 = arith.index_cast %get3A_1400 : i32 to index
        %get3A_1402 = arith.constant 0 : index
        %get3A_1403 = tpu.vector_load %arg6[%get3A_1401, %get3A_1402] {strides = array<i32>} : memref<2x128xi32, #tpu.memory_space<vmem>>, vector<1x16xi32>,
        %get3A_1404 = vector.shape_cast %get3A_1403 : vector<1x16xi32> to vector<16xi32>
        %eq3A_1405 = arith.cmpi eq, %get3A_1399, %get3A_1404 : vector<16xi32>
        %broadcast_in_dim3A_1406 = arith.constant 10000 : i32
        %broadcast_in_dim3A_1407 = vector.broadcast %broadcast_in_dim3A_1406 : i32 to vector<16xi32>
        %select_n3A_1408 = arith.select %eq3A_1405, %broadcast_in_dim3A_1407, %get3A_1404 : vector<16xi1>, vector<16xi32>
        %swap3A_1409 = arith.constant 1 : i32
        %swap3A_1410 = arith.index_cast %swap3A_1409 : i32 to index
        %swap3A_1411 = arith.constant 0 : index
        %swap3A_1412 = tpu.vector_load %arg6[%swap3A_1410, %swap3A_1411] {strides = array<i32>} : memref<2x128xi32, #tpu.memory_space<vmem>>, vector<1x16xi32>,
        %swap3A_1413 = vector.shape_cast %swap3A_1412 : vector<1x16xi32> to vector<16xi32>
        %swap3A_1414 = vector.shape_cast %select_n3A_1408 : vector<16xi32> to vector<1x16xi32>
        tpu.vector_store %arg6[%swap3A_1410, %swap3A_1411], %swap3A_1414 {strides = array<i32>} : memref<2x128xi32, #tpu.memory_space<vmem>>, vector<1x16xi32>,
        %get3A_1415 = arith.constant 0 : i32
        %get3A_1416 = arith.index_cast %get3A_1415 : i32 to index
        %get3A_1417 = arith.constant 16 : index
        %get3A_1418 = tpu.vector_load %arg6[%get3A_1416, %get3A_1417] {strides = array<i32>} : memref<2x128xi32, #tpu.memory_space<vmem>>, vector<1x16xi32>,
        %get3A_1419 = vector.shape_cast %get3A_1418 : vector<1x16xi32> to vector<16xi32>
        %get3A_1420 = arith.constant 1 : i32
        %get3A_1421 = arith.index_cast %get3A_1420 : i32 to index
        %get3A_1422 = arith.constant 16 : index
        %get3A_1423 = tpu.vector_load %arg6[%get3A_1421, %get3A_1422] {strides = array<i32>} : memref<2x128xi32, #tpu.memory_space<vmem>>, vector<1x16xi32>,
        %get3A_1424 = vector.shape_cast %get3A_1423 : vector<1x16xi32> to vector<16xi32>
        %eq3A_1425 = arith.cmpi eq, %get3A_1419, %get3A_1424 : vector<16xi32>
        %broadcast_in_dim3A_1426 = arith.constant 10000 : i32
        %broadcast_in_dim3A_1427 = vector.broadcast %broadcast_in_dim3A_1426 : i32 to vector<16xi32>
        %select_n3A_1428 = arith.select %eq3A_1425, %broadcast_in_dim3A_1427, %get3A_1424 : vector<16xi1>, vector<16xi32>
        %swap3A_1429 = arith.constant 1 : i32
        %swap3A_1430 = arith.index_cast %swap3A_1429 : i32 to index
        %swap3A_1431 = arith.constant 16 : index
        %swap3A_1432 = tpu.vector_load %arg6[%swap3A_1430, %swap3A_1431] {strides = array<i32>} : memref<2x128xi32, #tpu.memory_space<vmem>>, vector<1x16xi32>,
        %swap3A_1433 = vector.shape_cast %swap3A_1432 : vector<1x16xi32> to vector<16xi32>
        %swap3A_1434 = vector.shape_cast %select_n3A_1428 : vector<16xi32> to vector<1x16xi32>
        tpu.vector_store %arg6[%swap3A_1430, %swap3A_1431], %swap3A_1434 {strides = array<i32>} : memref<2x128xi32, #tpu.memory_space<vmem>>, vector<1x16xi32>,
        %get3A_1435 = arith.constant 0 : i32
        %get3A_1436 = arith.index_cast %get3A_1435 : i32 to index
        %get3A_1437 = arith.constant 32 : index
        %get3A_1438 = tpu.vector_load %arg6[%get3A_1436, %get3A_1437] {strides = array<i32>} : memref<2x128xi32, #tpu.memory_space<vmem>>, vector<1x16xi32>,
        %get3A_1439 = vector.shape_cast %get3A_1438 : vector<1x16xi32> to vector<16xi32>
        %get3A_1440 = arith.constant 1 : i32
        %get3A_1441 = arith.index_cast %get3A_1440 : i32 to index
        %get3A_1442 = arith.constant 32 : index
        %get3A_1443 = tpu.vector_load %arg6[%get3A_1441, %get3A_1442] {strides = array<i32>} : memref<2x128xi32, #tpu.memory_space<vmem>>, vector<1x16xi32>,
        %get3A_1444 = vector.shape_cast %get3A_1443 : vector<1x16xi32> to vector<16xi32>
        %eq3A_1445 = arith.cmpi eq, %get3A_1439, %get3A_1444 : vector<16xi32>
        %broadcast_in_dim3A_1446 = arith.constant 10000 : i32
        %broadcast_in_dim3A_1447 = vector.broadcast %broadcast_in_dim3A_1446 : i32 to vector<16xi32>
        %select_n3A_1448 = arith.select %eq3A_1445, %broadcast_in_dim3A_1447, %get3A_1444 : vector<16xi1>, vector<16xi32>
        %swap3A_1449 = arith.constant 1 : i32
        %swap3A_1450 = arith.index_cast %swap3A_1449 : i32 to index
        %swap3A_1451 = arith.constant 32 : index
        %swap3A_1452 = tpu.vector_load %arg6[%swap3A_1450, %swap3A_1451] {strides = array<i32>} : memref<2x128xi32, #tpu.memory_space<vmem>>, vector<1x16xi32>,
        %swap3A_1453 = vector.shape_cast %swap3A_1452 : vector<1x16xi32> to vector<16xi32>
        %swap3A_1454 = vector.shape_cast %select_n3A_1448 : vector<16xi32> to vector<1x16xi32>
        tpu.vector_store %arg6[%swap3A_1450, %swap3A_1451], %swap3A_1454 {strides = array<i32>} : memref<2x128xi32, #tpu.memory_space<vmem>>, vector<1x16xi32>,
        %get3A_1455 = arith.constant 0 : i32
        %get3A_1456 = arith.index_cast %get3A_1455 : i32 to index
        %get3A_1457 = arith.constant 48 : index
        %get3A_1458 = tpu.vector_load %arg6[%get3A_1456, %get3A_1457] {strides = array<i32>} : memref<2x128xi32, #tpu.memory_space<vmem>>, vector<1x16xi32>,
        %get3A_1459 = vector.shape_cast %get3A_1458 : vector<1x16xi32> to vector<16xi32>
        %get3A_1460 = arith.constant 1 : i32
        %get3A_1461 = arith.index_cast %get3A_1460 : i32 to index
        %get3A_1462 = arith.constant 48 : index
        %get3A_1463 = tpu.vector_load %arg6[%get3A_1461, %get3A_1462] {strides = array<i32>} : memref<2x128xi32, #tpu.memory_space<vmem>>, vector<1x16xi32>,
        %get3A_1464 = vector.shape_cast %get3A_1463 : vector<1x16xi32> to vector<16xi32>
        %eq3A_1465 = arith.cmpi eq, %get3A_1459, %get3A_1464 : vector<16xi32>
        %broadcast_in_dim3A_1466 = arith.constant 10000 : i32
        %broadcast_in_dim3A_1467 = vector.broadcast %broadcast_in_dim3A_1466 : i32 to vector<16xi32>
        %select_n3A_1468 = arith.select %eq3A_1465, %broadcast_in_dim3A_1467, %get3A_1464 : vector<16xi1>, vector<16xi32>
        %swap3A_1469 = arith.constant 1 : i32
        %swap3A_1470 = arith.index_cast %swap3A_1469 : i32 to index
        %swap3A_1471 = arith.constant 48 : index
        %swap3A_1472 = tpu.vector_load %arg6[%swap3A_1470, %swap3A_1471] {strides = array<i32>} : memref<2x128xi32, #tpu.memory_space<vmem>>, vector<1x16xi32>,
        %swap3A_1473 = vector.shape_cast %swap3A_1472 : vector<1x16xi32> to vector<16xi32>
        %swap3A_1474 = vector.shape_cast %select_n3A_1468 : vector<16xi32> to vector<1x16xi32>
        tpu.vector_store %arg6[%swap3A_1470, %swap3A_1471], %swap3A_1474 {strides = array<i32>} : memref<2x128xi32, #tpu.memory_space<vmem>>, vector<1x16xi32>,
        %get3A_1475 = arith.constant 0 : i32
        %get3A_1476 = arith.index_cast %get3A_1475 : i32 to index
        %get3A_1477 = arith.constant 64 : index
        %get3A_1478 = tpu.vector_load %arg6[%get3A_1476, %get3A_1477] {strides = array<i32>} : memref<2x128xi32, #tpu.memory_space<vmem>>, vector<1x16xi32>,
        %get3A_1479 = vector.shape_cast %get3A_1478 : vector<1x16xi32> to vector<16xi32>
        %get3A_1480 = arith.constant 1 : i32
        %get3A_1481 = arith.index_cast %get3A_1480 : i32 to index
        %get3A_1482 = arith.constant 64 : index
        %get3A_1483 = tpu.vector_load %arg6[%get3A_1481, %get3A_1482] {strides = array<i32>} : memref<2x128xi32, #tpu.memory_space<vmem>>, vector<1x16xi32>,
        %get3A_1484 = vector.shape_cast %get3A_1483 : vector<1x16xi32> to vector<16xi32>
        %eq3A_1485 = arith.cmpi eq, %get3A_1479, %get3A_1484 : vector<16xi32>
        %broadcast_in_dim3A_1486 = arith.constant 10000 : i32
        %broadcast_in_dim3A_1487 = vector.broadcast %broadcast_in_dim3A_1486 : i32 to vector<16xi32>
        %select_n3A_1488 = arith.select %eq3A_1485, %broadcast_in_dim3A_1487, %get3A_1484 : vector<16xi1>, vector<16xi32>
        %swap3A_1489 = arith.constant 1 : i32
        %swap3A_1490 = arith.index_cast %swap3A_1489 : i32 to index
        %swap3A_1491 = arith.constant 64 : index
        %swap3A_1492 = tpu.vector_load %arg6[%swap3A_1490, %swap3A_1491] {strides = array<i32>} : memref<2x128xi32, #tpu.memory_space<vmem>>, vector<1x16xi32>,
        %swap3A_1493 = vector.shape_cast %swap3A_1492 : vector<1x16xi32> to vector<16xi32>
        %swap3A_1494 = vector.shape_cast %select_n3A_1488 : vector<16xi32> to vector<1x16xi32>
        tpu.vector_store %arg6[%swap3A_1490, %swap3A_1491], %swap3A_1494 {strides = array<i32>} : memref<2x128xi32, #tpu.memory_space<vmem>>, vector<1x16xi32>,
        %get3A_1495 = arith.constant 0 : i32
        %get3A_1496 = arith.index_cast %get3A_1495 : i32 to index
        %get3A_1497 = arith.constant 80 : index
        %get3A_1498 = tpu.vector_load %arg6[%get3A_1496, %get3A_1497] {strides = array<i32>} : memref<2x128xi32, #tpu.memory_space<vmem>>, vector<1x16xi32>,
        %get3A_1499 = vector.shape_cast %get3A_1498 : vector<1x16xi32> to vector<16xi32>
        %get3A_1500 = arith.constant 1 : i32
        %get3A_1501 = arith.index_cast %get3A_1500 : i32 to index
        %get3A_1502 = arith.constant 80 : index
        %get3A_1503 = tpu.vector_load %arg6[%get3A_1501, %get3A_1502] {strides = array<i32>} : memref<2x128xi32, #tpu.memory_space<vmem>>, vector<1x16xi32>,
        %get3A_1504 = vector.shape_cast %get3A_1503 : vector<1x16xi32> to vector<16xi32>
        %eq3A_1505 = arith.cmpi eq, %get3A_1499, %get3A_1504 : vector<16xi32>
        %broadcast_in_dim3A_1506 = arith.constant 10000 : i32
        %broadcast_in_dim3A_1507 = vector.broadcast %broadcast_in_dim3A_1506 : i32 to vector<16xi32>
        %select_n3A_1508 = arith.select %eq3A_1505, %broadcast_in_dim3A_1507, %get3A_1504 : vector<16xi1>, vector<16xi32>
        %swap3A_1509 = arith.constant 1 : i32
        %swap3A_1510 = arith.index_cast %swap3A_1509 : i32 to index
        %swap3A_1511 = arith.constant 80 : index
        %swap3A_1512 = tpu.vector_load %arg6[%swap3A_1510, %swap3A_1511] {strides = array<i32>} : memref<2x128xi32, #tpu.memory_space<vmem>>, vector<1x16xi32>,
        %swap3A_1513 = vector.shape_cast %swap3A_1512 : vector<1x16xi32> to vector<16xi32>
        %swap3A_1514 = vector.shape_cast %select_n3A_1508 : vector<16xi32> to vector<1x16xi32>
        tpu.vector_store %arg6[%swap3A_1510, %swap3A_1511], %swap3A_1514 {strides = array<i32>} : memref<2x128xi32, #tpu.memory_space<vmem>>, vector<1x16xi32>,
        %get3A_1515 = arith.constant 0 : i32
        %get3A_1516 = arith.index_cast %get3A_1515 : i32 to index
        %get3A_1517 = arith.constant 96 : index
        %get3A_1518 = tpu.vector_load %arg6[%get3A_1516, %get3A_1517] {strides = array<i32>} : memref<2x128xi32, #tpu.memory_space<vmem>>, vector<1x16xi32>,
        %get3A_1519 = vector.shape_cast %get3A_1518 : vector<1x16xi32> to vector<16xi32>
        %get3A_1520 = arith.constant 1 : i32
        %get3A_1521 = arith.index_cast %get3A_1520 : i32 to index
        %get3A_1522 = arith.constant 96 : index
        %get3A_1523 = tpu.vector_load %arg6[%get3A_1521, %get3A_1522] {strides = array<i32>} : memref<2x128xi32, #tpu.memory_space<vmem>>, vector<1x16xi32>,
        %get3A_1524 = vector.shape_cast %get3A_1523 : vector<1x16xi32> to vector<16xi32>
        %eq3A_1525 = arith.cmpi eq, %get3A_1519, %get3A_1524 : vector<16xi32>
        %broadcast_in_dim3A_1526 = arith.constant 10000 : i32
        %broadcast_in_dim3A_1527 = vector.broadcast %broadcast_in_dim3A_1526 : i32 to vector<16xi32>
        %select_n3A_1528 = arith.select %eq3A_1525, %broadcast_in_dim3A_1527, %get3A_1524 : vector<16xi1>, vector<16xi32>
        %swap3A_1529 = arith.constant 1 : i32
        %swap3A_1530 = arith.index_cast %swap3A_1529 : i32 to index
        %swap3A_1531 = arith.constant 96 : index
        %swap3A_1532 = tpu.vector_load %arg6[%swap3A_1530, %swap3A_1531] {strides = array<i32>} : memref<2x128xi32, #tpu.memory_space<vmem>>, vector<1x16xi32>,
        %swap3A_1533 = vector.shape_cast %swap3A_1532 : vector<1x16xi32> to vector<16xi32>
        %swap3A_1534 = vector.shape_cast %select_n3A_1528 : vector<16xi32> to vector<1x16xi32>
        tpu.vector_store %arg6[%swap3A_1530, %swap3A_1531], %swap3A_1534 {strides = array<i32>} : memref<2x128xi32, #tpu.memory_space<vmem>>, vector<1x16xi32>,
        %get3A_1535 = arith.constant 0 : i32
        %get3A_1536 = arith.index_cast %get3A_1535 : i32 to index
        %get3A_1537 = arith.constant 112 : index
        %get3A_1538 = tpu.vector_load %arg6[%get3A_1536, %get3A_1537] {strides = array<i32>} : memref<2x128xi32, #tpu.memory_space<vmem>>, vector<1x16xi32>,
        %get3A_1539 = vector.shape_cast %get3A_1538 : vector<1x16xi32> to vector<16xi32>
        %get3A_1540 = arith.constant 1 : i32
        %get3A_1541 = arith.index_cast %get3A_1540 : i32 to index
        %get3A_1542 = arith.constant 112 : index
        %get3A_1543 = tpu.vector_load %arg6[%get3A_1541, %get3A_1542] {strides = array<i32>} : memref<2x128xi32, #tpu.memory_space<vmem>>, vector<1x16xi32>,
        %get3A_1544 = vector.shape_cast %get3A_1543 : vector<1x16xi32> to vector<16xi32>
        %eq3A_1545 = arith.cmpi eq, %get3A_1539, %get3A_1544 : vector<16xi32>
        %broadcast_in_dim3A_1546 = arith.constant 10000 : i32
        %broadcast_in_dim3A_1547 = vector.broadcast %broadcast_in_dim3A_1546 : i32 to vector<16xi32>
        %select_n3A_1548 = arith.select %eq3A_1545, %broadcast_in_dim3A_1547, %get3A_1544 : vector<16xi1>, vector<16xi32>
        %swap3A_1549 = arith.constant 1 : i32
        %swap3A_1550 = arith.index_cast %swap3A_1549 : i32 to index
        %swap3A_1551 = arith.constant 112 : index
        %swap3A_1552 = tpu.vector_load %arg6[%swap3A_1550, %swap3A_1551] {strides = array<i32>} : memref<2x128xi32, #tpu.memory_space<vmem>>, vector<1x16xi32>,
        %swap3A_1553 = vector.shape_cast %swap3A_1552 : vector<1x16xi32> to vector<16xi32>
        %swap3A_1554 = vector.shape_cast %select_n3A_1548 : vector<16xi32> to vector<1x16xi32>
        tpu.vector_store %arg6[%swap3A_1550, %swap3A_1551], %swap3A_1554 {strides = array<i32>} : memref<2x128xi32, #tpu.memory_space<vmem>>, vector<1x16xi32>,
        %dma_start3A_1555 = arith.constant 0 : i32
        %dma_start3A_1556 = arith.constant 0 : i32
        %dma_start3A_1557 = arith.constant 0 : i32
        %dma_start3A_1558 = tpu.memref_slice %arg9[%dma_start3A_1556, %dma_start3A_1557] : memref<128x128xf32, #tpu.memory_space<vmem>> -> memref<64x128xf32, #tpu.memory_space<vmem>>
        %dma_start3A_1559 = arith.constant 0 : i32
        %dma_start3A_1560 = tpu.memref_slice %arg6[%dma_start3A_1555, %dma_start3A_1559] : memref<2x128xi32, #tpu.memory_space<vmem>> -> memref<1x64xi32, #tpu.memory_space<vmem>>
        %dma_start3A_1561 = tpu.memref_squeeze %dma_start3A_1560 : memref<1x64xi32, #tpu.memory_space<vmem>> -> memref<64xi32, #tpu.memory_space<vmem>>
        %dma_start3A_1562 = arith.constant 0 : i32
        %dma_start3A_1563 = arith.constant 0 : i32
        %dma_start3A_1564 = tpu.memref_slice %arg2[%dma_start3A_1562, %dma_start3A_1563] : memref<10000x128xf32, #tpu.memory_space<hbm>> -> memref<10000x128xf32, #tpu.memory_space<hbm>>
        tpu.enqueue_indirect_dma source(%dma_start3A_1564 : memref<10000x128xf32, #tpu.memory_space<hbm>>) target(%dma_start3A_1558 : memref<64x128xf32, #tpu.memory_space<vmem>>) offsets(%dma_start3A_1561 : memref<64xi32, #tpu.memory_space<vmem>>) semaphore(%arg16 : memref<!tpu.dma_semaphore, #tpu.memory_space<semaphore_mem>>)
        %dma_start3A_1565 = arith.constant 0 : i32
        %dma_start3A_1566 = arith.constant 64 : i32
        %dma_start3A_1567 = arith.constant 0 : i32
        %dma_start3A_1568 = tpu.memref_slice %arg9[%dma_start3A_1566, %dma_start3A_1567] : memref<128x128xf32, #tpu.memory_space<vmem>> -> memref<64x128xf32, #tpu.memory_space<vmem>>
        %dma_start3A_1569 = arith.constant 64 : i32
        %dma_start3A_1570 = tpu.memref_slice %arg6[%dma_start3A_1565, %dma_start3A_1569] : memref<2x128xi32, #tpu.memory_space<vmem>> -> memref<1x64xi32, #tpu.memory_space<vmem>>
        %dma_start3A_1571 = tpu.memref_squeeze %dma_start3A_1570 : memref<1x64xi32, #tpu.memory_space<vmem>> -> memref<64xi32, #tpu.memory_space<vmem>>
        %dma_start3A_1572 = arith.constant 0 : i32
        %dma_start3A_1573 = arith.constant 0 : i32
        %dma_start3A_1574 = tpu.memref_slice %arg2[%dma_start3A_1572, %dma_start3A_1573] : memref<10000x128xf32, #tpu.memory_space<hbm>> -> memref<10000x128xf32, #tpu.memory_space<hbm>>
        tpu.enqueue_indirect_dma source(%dma_start3A_1574 : memref<10000x128xf32, #tpu.memory_space<hbm>>) target(%dma_start3A_1568 : memref<64x128xf32, #tpu.memory_space<vmem>>) offsets(%dma_start3A_1571 : memref<64xi32, #tpu.memory_space<vmem>>) semaphore(%arg16 : memref<!tpu.dma_semaphore, #tpu.memory_space<semaphore_mem>>)
        %dma_wait3A_1575 = arith.constant 0 : i32
        %dma_wait3A_1576 = arith.constant 0 : i32
        %dma_wait3A_1577 = arith.constant 0 : i32
        %dma_wait3A_1578 = tpu.memref_slice %arg8[%dma_wait3A_1576, %dma_wait3A_1577] : memref<128x128xf32, #tpu.memory_space<vmem>> -> memref<64x128xf32, #tpu.memory_space<vmem>>
        %dma_wait3A_1579 = arith.constant 0 : i32
        %dma_wait3A_1580 = tpu.memref_slice %arg5[%dma_wait3A_1575, %dma_wait3A_1579] : memref<2x128xi32, #tpu.memory_space<vmem>> -> memref<1x64xi32, #tpu.memory_space<vmem>>
        %dma_wait3A_1581 = tpu.memref_squeeze %dma_wait3A_1580 : memref<1x64xi32, #tpu.memory_space<vmem>> -> memref<64xi32, #tpu.memory_space<vmem>>
        %dma_wait3A_1582 = arith.constant 0 : i32
        %dma_wait3A_1583 = arith.constant 0 : i32
        %dma_wait3A_1584 = tpu.memref_slice %arg2[%dma_wait3A_1582, %dma_wait3A_1583] : memref<10000x128xf32, #tpu.memory_space<hbm>> -> memref<10000x128xf32, #tpu.memory_space<hbm>>
        tpu.wait_indirect_dma semaphore(%arg15 : memref<!tpu.dma_semaphore, #tpu.memory_space<semaphore_mem>>) src(%dma_wait3A_1584 : memref<10000x128xf32, #tpu.memory_space<hbm>>) dst(%dma_wait3A_1578 : memref<64x128xf32, #tpu.memory_space<vmem>>)
        %dma_wait3A_1585 = arith.constant 0 : i32
        %dma_wait3A_1586 = arith.constant 64 : i32
        %dma_wait3A_1587 = arith.constant 0 : i32
        %dma_wait3A_1588 = tpu.memref_slice %arg8[%dma_wait3A_1586, %dma_wait3A_1587] : memref<128x128xf32, #tpu.memory_space<vmem>> -> memref<64x128xf32, #tpu.memory_space<vmem>>
        %dma_wait3A_1589 = arith.constant 64 : i32
        %dma_wait3A_1590 = tpu.memref_slice %arg5[%dma_wait3A_1585, %dma_wait3A_1589] : memref<2x128xi32, #tpu.memory_space<vmem>> -> memref<1x64xi32, #tpu.memory_space<vmem>>
        %dma_wait3A_1591 = tpu.memref_squeeze %dma_wait3A_1590 : memref<1x64xi32, #tpu.memory_space<vmem>> -> memref<64xi32, #tpu.memory_space<vmem>>
        %dma_wait3A_1592 = arith.constant 0 : i32
        %dma_wait3A_1593 = arith.constant 0 : i32
        %dma_wait3A_1594 = tpu.memref_slice %arg2[%dma_wait3A_1592, %dma_wait3A_1593] : memref<10000x128xf32, #tpu.memory_space<hbm>> -> memref<10000x128xf32, #tpu.memory_space<hbm>>
        tpu.wait_indirect_dma semaphore(%arg15 : memref<!tpu.dma_semaphore, #tpu.memory_space<semaphore_mem>>) src(%dma_wait3A_1594 : memref<10000x128xf32, #tpu.memory_space<hbm>>) dst(%dma_wait3A_1588 : memref<64x128xf32, #tpu.memory_space<vmem>>)
        %dma_start3A_1595 = arith.constant 1 : i32
        %dma_start3A_1596 = arith.constant 0 : i32
        %dma_start3A_1597 = tpu.memref_slice %arg5[%dma_start3A_1595, %dma_start3A_1596] : memref<2x128xi32, #tpu.memory_space<vmem>> -> memref<1x128xi32, #tpu.memory_space<vmem>>
        %dma_start3A_1598 = tpu.memref_squeeze %dma_start3A_1597 : memref<1x128xi32, #tpu.memory_space<vmem>> -> memref<128xi32, #tpu.memory_space<vmem>>
        %dma_start3A_1599 = arith.constant 0 : i32
        %dma_start3A_1600 = arith.constant 0 : i32
        %dma_start3A_1601 = tpu.memref_slice %arg11[%dma_start3A_1599, %dma_start3A_1600] : memref<10112x128xf32, #tpu.memory_space<vmem_shared>> -> memref<10112x128xf32, #tpu.memory_space<vmem_shared>>
        tpu.enqueue_indirect_dma source(%arg8 : memref<128x128xf32, #tpu.memory_space<vmem>>) target(%dma_start3A_1601 : memref<10112x128xf32, #tpu.memory_space<vmem_shared>>) offsets(%dma_start3A_1598 : memref<128xi32, #tpu.memory_space<vmem>>) semaphore(%arg18 : memref<!tpu.dma_semaphore, #tpu.memory_space<semaphore_mem>>) {add = true}
        %dma_wait3A_1602 = arith.constant 1 : i32
        %dma_wait3A_1603 = arith.constant 0 : i32
        %dma_wait3A_1604 = tpu.memref_slice %arg7[%dma_wait3A_1602, %dma_wait3A_1603] : memref<2x128xi32, #tpu.memory_space<vmem>> -> memref<1x128xi32, #tpu.memory_space<vmem>>
        %dma_wait3A_1605 = tpu.memref_squeeze %dma_wait3A_1604 : memref<1x128xi32, #tpu.memory_space<vmem>> -> memref<128xi32, #tpu.memory_space<vmem>>
        %dma_wait3A_1606 = arith.constant 0 : i32
        %dma_wait3A_1607 = arith.constant 0 : i32
        %dma_wait3A_1608 = tpu.memref_slice %arg11[%dma_wait3A_1606, %dma_wait3A_1607] : memref<10112x128xf32, #tpu.memory_space<vmem_shared>> -> memref<10112x128xf32, #tpu.memory_space<vmem_shared>>
        tpu.wait_indirect_dma semaphore(%arg20 : memref<!tpu.dma_semaphore, #tpu.memory_space<semaphore_mem>>) src(%arg10 : memref<128x128xf32, #tpu.memory_space<vmem>>) dst(%dma_wait3A_1608 : memref<10112x128xf32, #tpu.memory_space<vmem_shared>>)
        %add3A_1609 = arith.constant 2 : i32
        %add3A_1610 = arith.addi %add3A_1388, %add3A_1609 : i32
        %mul3A_1611 = arith.constant 128 : i32
        %mul3A_1612 = arith.muli %add3A_1610, %mul3A_1611 : i32
        %add3A_1613 = arith.addi %mul3A_15, %mul3A_1612 : i32
        %dma_start3A_1614 = arith.constant 0 : i32
        %dma_start3A_1615 = tpu.memref_slice %arg3[%dma_start3A_1614, %add3A_1613] : memref<2x320000xi32, #tpu.memory_space<hbm>> -> memref<2x128xi32, #tpu.memory_space<hbm>>
        %dma_start3A_1616 = arith.constant 0 : i32
        %dma_start3A_1617 = tpu.memref_slice %arg3[%dma_start3A_1616, %add3A_1613] : memref<2x320000xi32, #tpu.memory_space<hbm>> -> memref<2x128xi32, #tpu.memory_space<hbm>>
        tpu.enqueue_dma source(%dma_start3A_1617 : memref<2x128xi32, #tpu.memory_space<hbm>>) target(%arg7 : memref<2x128xi32, #tpu.memory_space<vmem>>) target_semaphore(%arg14 : memref<!tpu.dma_semaphore, #tpu.memory_space<semaphore_mem>>)
        %add3A_1618 = arith.constant 1 : i32
        %add3A_1619 = arith.addi %add3A_1388, %add3A_1618 : i32
        %dma_wait3A_1620 = arith.constant 0 : i32
        %dma_wait3A_1621 = arith.constant 0 : i32
        %dma_wait3A_1622 = tpu.memref_slice %arg3[%dma_wait3A_1620, %dma_wait3A_1621] : memref<2x320000xi32, #tpu.memory_space<hbm>> -> memref<2x128xi32, #tpu.memory_space<hbm>>
        %dma_wait3A_1623 = arith.constant 0 : i32
        %dma_wait3A_1624 = arith.constant 0 : i32
        %dma_wait3A_1625 = tpu.memref_slice %arg3[%dma_wait3A_1623, %dma_wait3A_1624] : memref<2x320000xi32, #tpu.memory_space<hbm>> -> memref<2x128xi32, #tpu.memory_space<hbm>>
        tpu.wait_dma2 semaphore(%arg14 : memref<!tpu.dma_semaphore, #tpu.memory_space<semaphore_mem>>) src(%dma_wait3A_1625 : memref<2x128xi32, #tpu.memory_space<hbm>>) dst(%arg7 : memref<2x128xi32, #tpu.memory_space<vmem>>)
        %get3A_1626 = arith.constant 0 : i32
        %get3A_1627 = arith.index_cast %get3A_1626 : i32 to index
        %get3A_1628 = arith.constant 0 : index
        %get3A_1629 = tpu.vector_load %arg7[%get3A_1627, %get3A_1628] {strides = array<i32>} : memref<2x128xi32, #tpu.memory_space<vmem>>, vector<1x16xi32>,
        %get3A_1630 = vector.shape_cast %get3A_1629 : vector<1x16xi32> to vector<16xi32>
        %get3A_1631 = arith.constant 1 : i32
        %get3A_1632 = arith.index_cast %get3A_1631 : i32 to index
        %get3A_1633 = arith.constant 0 : index
        %get3A_1634 = tpu.vector_load %arg7[%get3A_1632, %get3A_1633] {strides = array<i32>} : memref<2x128xi32, #tpu.memory_space<vmem>>, vector<1x16xi32>,
        %get3A_1635 = vector.shape_cast %get3A_1634 : vector<1x16xi32> to vector<16xi32>
        %eq3A_1636 = arith.cmpi eq, %get3A_1630, %get3A_1635 : vector<16xi32>
        %broadcast_in_dim3A_1637 = arith.constant 10000 : i32
        %broadcast_in_dim3A_1638 = vector.broadcast %broadcast_in_dim3A_1637 : i32 to vector<16xi32>
        %select_n3A_1639 = arith.select %eq3A_1636, %broadcast_in_dim3A_1638, %get3A_1635 : vector<16xi1>, vector<16xi32>
        %swap3A_1640 = arith.constant 1 : i32
        %swap3A_1641 = arith.index_cast %swap3A_1640 : i32 to index
        %swap3A_1642 = arith.constant 0 : index
        %swap3A_1643 = tpu.vector_load %arg7[%swap3A_1641, %swap3A_1642] {strides = array<i32>} : memref<2x128xi32, #tpu.memory_space<vmem>>, vector<1x16xi32>,
        %swap3A_1644 = vector.shape_cast %swap3A_1643 : vector<1x16xi32> to vector<16xi32>
        %swap3A_1645 = vector.shape_cast %select_n3A_1639 : vector<16xi32> to vector<1x16xi32>
        tpu.vector_store %arg7[%swap3A_1641, %swap3A_1642], %swap3A_1645 {strides = array<i32>} : memref<2x128xi32, #tpu.memory_space<vmem>>, vector<1x16xi32>,
        %get3A_1646 = arith.constant 0 : i32
        %get3A_1647 = arith.index_cast %get3A_1646 : i32 to index
        %get3A_1648 = arith.constant 16 : index
        %get3A_1649 = tpu.vector_load %arg7[%get3A_1647, %get3A_1648] {strides = array<i32>} : memref<2x128xi32, #tpu.memory_space<vmem>>, vector<1x16xi32>,
        %get3A_1650 = vector.shape_cast %get3A_1649 : vector<1x16xi32> to vector<16xi32>
        %get3A_1651 = arith.constant 1 : i32
        %get3A_1652 = arith.index_cast %get3A_1651 : i32 to index
        %get3A_1653 = arith.constant 16 : index
        %get3A_1654 = tpu.vector_load %arg7[%get3A_1652, %get3A_1653] {strides = array<i32>} : memref<2x128xi32, #tpu.memory_space<vmem>>, vector<1x16xi32>,
        %get3A_1655 = vector.shape_cast %get3A_1654 : vector<1x16xi32> to vector<16xi32>
        %eq3A_1656 = arith.cmpi eq, %get3A_1650, %get3A_1655 : vector<16xi32>
        %broadcast_in_dim3A_1657 = arith.constant 10000 : i32
        %broadcast_in_dim3A_1658 = vector.broadcast %broadcast_in_dim3A_1657 : i32 to vector<16xi32>
        %select_n3A_1659 = arith.select %eq3A_1656, %broadcast_in_dim3A_1658, %get3A_1655 : vector<16xi1>, vector<16xi32>
        %swap3A_1660 = arith.constant 1 : i32
        %swap3A_1661 = arith.index_cast %swap3A_1660 : i32 to index
        %swap3A_1662 = arith.constant 16 : index
        %swap3A_1663 = tpu.vector_load %arg7[%swap3A_1661, %swap3A_1662] {strides = array<i32>} : memref<2x128xi32, #tpu.memory_space<vmem>>, vector<1x16xi32>,
        %swap3A_1664 = vector.shape_cast %swap3A_1663 : vector<1x16xi32> to vector<16xi32>
        %swap3A_1665 = vector.shape_cast %select_n3A_1659 : vector<16xi32> to vector<1x16xi32>
        tpu.vector_store %arg7[%swap3A_1661, %swap3A_1662], %swap3A_1665 {strides = array<i32>} : memref<2x128xi32, #tpu.memory_space<vmem>>, vector<1x16xi32>,
        %get3A_1666 = arith.constant 0 : i32
        %get3A_1667 = arith.index_cast %get3A_1666 : i32 to index
        %get3A_1668 = arith.constant 32 : index
        %get3A_1669 = tpu.vector_load %arg7[%get3A_1667, %get3A_1668] {strides = array<i32>} : memref<2x128xi32, #tpu.memory_space<vmem>>, vector<1x16xi32>,
        %get3A_1670 = vector.shape_cast %get3A_1669 : vector<1x16xi32> to vector<16xi32>
        %get3A_1671 = arith.constant 1 : i32
        %get3A_1672 = arith.index_cast %get3A_1671 : i32 to index
        %get3A_1673 = arith.constant 32 : index
        %get3A_1674 = tpu.vector_load %arg7[%get3A_1672, %get3A_1673] {strides = array<i32>} : memref<2x128xi32, #tpu.memory_space<vmem>>, vector<1x16xi32>,
        %get3A_1675 = vector.shape_cast %get3A_1674 : vector<1x16xi32> to vector<16xi32>
        %eq3A_1676 = arith.cmpi eq, %get3A_1670, %get3A_1675 : vector<16xi32>
        %broadcast_in_dim3A_1677 = arith.constant 10000 : i32
        %broadcast_in_dim3A_1678 = vector.broadcast %broadcast_in_dim3A_1677 : i32 to vector<16xi32>
        %select_n3A_1679 = arith.select %eq3A_1676, %broadcast_in_dim3A_1678, %get3A_1675 : vector<16xi1>, vector<16xi32>
        %swap3A_1680 = arith.constant 1 : i32
        %swap3A_1681 = arith.index_cast %swap3A_1680 : i32 to index
        %swap3A_1682 = arith.constant 32 : index
        %swap3A_1683 = tpu.vector_load %arg7[%swap3A_1681, %swap3A_1682] {strides = array<i32>} : memref<2x128xi32, #tpu.memory_space<vmem>>, vector<1x16xi32>,
        %swap3A_1684 = vector.shape_cast %swap3A_1683 : vector<1x16xi32> to vector<16xi32>
        %swap3A_1685 = vector.shape_cast %select_n3A_1679 : vector<16xi32> to vector<1x16xi32>
        tpu.vector_store %arg7[%swap3A_1681, %swap3A_1682], %swap3A_1685 {strides = array<i32>} : memref<2x128xi32, #tpu.memory_space<vmem>>, vector<1x16xi32>,
        %get3A_1686 = arith.constant 0 : i32
        %get3A_1687 = arith.index_cast %get3A_1686 : i32 to index
        %get3A_1688 = arith.constant 48 : index
        %get3A_1689 = tpu.vector_load %arg7[%get3A_1687, %get3A_1688] {strides = array<i32>} : memref<2x128xi32, #tpu.memory_space<vmem>>, vector<1x16xi32>,
        %get3A_1690 = vector.shape_cast %get3A_1689 : vector<1x16xi32> to vector<16xi32>
        %get3A_1691 = arith.constant 1 : i32
        %get3A_1692 = arith.index_cast %get3A_1691 : i32 to index
        %get3A_1693 = arith.constant 48 : index
        %get3A_1694 = tpu.vector_load %arg7[%get3A_1692, %get3A_1693] {strides = array<i32>} : memref<2x128xi32, #tpu.memory_space<vmem>>, vector<1x16xi32>,
        %get3A_1695 = vector.shape_cast %get3A_1694 : vector<1x16xi32> to vector<16xi32>
        %eq3A_1696 = arith.cmpi eq, %get3A_1690, %get3A_1695 : vector<16xi32>
        %broadcast_in_dim3A_1697 = arith.constant 10000 : i32
        %broadcast_in_dim3A_1698 = vector.broadcast %broadcast_in_dim3A_1697 : i32 to vector<16xi32>
        %select_n3A_1699 = arith.select %eq3A_1696, %broadcast_in_dim3A_1698, %get3A_1695 : vector<16xi1>, vector<16xi32>
        %swap3A_1700 = arith.constant 1 : i32
        %swap3A_1701 = arith.index_cast %swap3A_1700 : i32 to index
        %swap3A_1702 = arith.constant 48 : index
        %swap3A_1703 = tpu.vector_load %arg7[%swap3A_1701, %swap3A_1702] {strides = array<i32>} : memref<2x128xi32, #tpu.memory_space<vmem>>, vector<1x16xi32>,
        %swap3A_1704 = vector.shape_cast %swap3A_1703 : vector<1x16xi32> to vector<16xi32>
        %swap3A_1705 = vector.shape_cast %select_n3A_1699 : vector<16xi32> to vector<1x16xi32>
        tpu.vector_store %arg7[%swap3A_1701, %swap3A_1702], %swap3A_1705 {strides = array<i32>} : memref<2x128xi32, #tpu.memory_space<vmem>>, vector<1x16xi32>,
        %get3A_1706 = arith.constant 0 : i32
        %get3A_1707 = arith.index_cast %get3A_1706 : i32 to index
        %get3A_1708 = arith.constant 64 : index
        %get3A_1709 = tpu.vector_load %arg7[%get3A_1707, %get3A_1708] {strides = array<i32>} : memref<2x128xi32, #tpu.memory_space<vmem>>, vector<1x16xi32>,
        %get3A_1710 = vector.shape_cast %get3A_1709 : vector<1x16xi32> to vector<16xi32>
        %get3A_1711 = arith.constant 1 : i32
        %get3A_1712 = arith.index_cast %get3A_1711 : i32 to index
        %get3A_1713 = arith.constant 64 : index
        %get3A_1714 = tpu.vector_load %arg7[%get3A_1712, %get3A_1713] {strides = array<i32>} : memref<2x128xi32, #tpu.memory_space<vmem>>, vector<1x16xi32>,
        %get3A_1715 = vector.shape_cast %get3A_1714 : vector<1x16xi32> to vector<16xi32>
        %eq3A_1716 = arith.cmpi eq, %get3A_1710, %get3A_1715 : vector<16xi32>
        %broadcast_in_dim3A_1717 = arith.constant 10000 : i32
        %broadcast_in_dim3A_1718 = vector.broadcast %broadcast_in_dim3A_1717 : i32 to vector<16xi32>
        %select_n3A_1719 = arith.select %eq3A_1716, %broadcast_in_dim3A_1718, %get3A_1715 : vector<16xi1>, vector<16xi32>
        %swap3A_1720 = arith.constant 1 : i32
        %swap3A_1721 = arith.index_cast %swap3A_1720 : i32 to index
        %swap3A_1722 = arith.constant 64 : index
        %swap3A_1723 = tpu.vector_load %arg7[%swap3A_1721, %swap3A_1722] {strides = array<i32>} : memref<2x128xi32, #tpu.memory_space<vmem>>, vector<1x16xi32>,
        %swap3A_1724 = vector.shape_cast %swap3A_1723 : vector<1x16xi32> to vector<16xi32>
        %swap3A_1725 = vector.shape_cast %select_n3A_1719 : vector<16xi32> to vector<1x16xi32>
        tpu.vector_store %arg7[%swap3A_1721, %swap3A_1722], %swap3A_1725 {strides = array<i32>} : memref<2x128xi32, #tpu.memory_space<vmem>>, vector<1x16xi32>,
        %get3A_1726 = arith.constant 0 : i32
        %get3A_1727 = arith.index_cast %get3A_1726 : i32 to index
        %get3A_1728 = arith.constant 80 : index
        %get3A_1729 = tpu.vector_load %arg7[%get3A_1727, %get3A_1728] {strides = array<i32>} : memref<2x128xi32, #tpu.memory_space<vmem>>, vector<1x16xi32>,
        %get3A_1730 = vector.shape_cast %get3A_1729 : vector<1x16xi32> to vector<16xi32>
        %get3A_1731 = arith.constant 1 : i32
        %get3A_1732 = arith.index_cast %get3A_1731 : i32 to index
        %get3A_1733 = arith.constant 80 : index
        %get3A_1734 = tpu.vector_load %arg7[%get3A_1732, %get3A_1733] {strides = array<i32>} : memref<2x128xi32, #tpu.memory_space<vmem>>, vector<1x16xi32>,
        %get3A_1735 = vector.shape_cast %get3A_1734 : vector<1x16xi32> to vector<16xi32>
        %eq3A_1736 = arith.cmpi eq, %get3A_1730, %get3A_1735 : vector<16xi32>
        %broadcast_in_dim3A_1737 = arith.constant 10000 : i32
        %broadcast_in_dim3A_1738 = vector.broadcast %broadcast_in_dim3A_1737 : i32 to vector<16xi32>
        %select_n3A_1739 = arith.select %eq3A_1736, %broadcast_in_dim3A_1738, %get3A_1735 : vector<16xi1>, vector<16xi32>
        %swap3A_1740 = arith.constant 1 : i32
        %swap3A_1741 = arith.index_cast %swap3A_1740 : i32 to index
        %swap3A_1742 = arith.constant 80 : index
        %swap3A_1743 = tpu.vector_load %arg7[%swap3A_1741, %swap3A_1742] {strides = array<i32>} : memref<2x128xi32, #tpu.memory_space<vmem>>, vector<1x16xi32>,
        %swap3A_1744 = vector.shape_cast %swap3A_1743 : vector<1x16xi32> to vector<16xi32>
        %swap3A_1745 = vector.shape_cast %select_n3A_1739 : vector<16xi32> to vector<1x16xi32>
        tpu.vector_store %arg7[%swap3A_1741, %swap3A_1742], %swap3A_1745 {strides = array<i32>} : memref<2x128xi32, #tpu.memory_space<vmem>>, vector<1x16xi32>,
        %get3A_1746 = arith.constant 0 : i32
        %get3A_1747 = arith.index_cast %get3A_1746 : i32 to index
        %get3A_1748 = arith.constant 96 : index
        %get3A_1749 = tpu.vector_load %arg7[%get3A_1747, %get3A_1748] {strides = array<i32>} : memref<2x128xi32, #tpu.memory_space<vmem>>, vector<1x16xi32>,
        %get3A_1750 = vector.shape_cast %get3A_1749 : vector<1x16xi32> to vector<16xi32>
        %get3A_1751 = arith.constant 1 : i32
        %get3A_1752 = arith.index_cast %get3A_1751 : i32 to index
        %get3A_1753 = arith.constant 96 : index
        %get3A_1754 = tpu.vector_load %arg7[%get3A_1752, %get3A_1753] {strides = array<i32>} : memref<2x128xi32, #tpu.memory_space<vmem>>, vector<1x16xi32>,
        %get3A_1755 = vector.shape_cast %get3A_1754 : vector<1x16xi32> to vector<16xi32>
        %eq3A_1756 = arith.cmpi eq, %get3A_1750, %get3A_1755 : vector<16xi32>
        %broadcast_in_dim3A_1757 = arith.constant 10000 : i32
        %broadcast_in_dim3A_1758 = vector.broadcast %broadcast_in_dim3A_1757 : i32 to vector<16xi32>
        %select_n3A_1759 = arith.select %eq3A_1756, %broadcast_in_dim3A_1758, %get3A_1755 : vector<16xi1>, vector<16xi32>
        %swap3A_1760 = arith.constant 1 : i32
        %swap3A_1761 = arith.index_cast %swap3A_1760 : i32 to index
        %swap3A_1762 = arith.constant 96 : index
        %swap3A_1763 = tpu.vector_load %arg7[%swap3A_1761, %swap3A_1762] {strides = array<i32>} : memref<2x128xi32, #tpu.memory_space<vmem>>, vector<1x16xi32>,
        %swap3A_1764 = vector.shape_cast %swap3A_1763 : vector<1x16xi32> to vector<16xi32>
        %swap3A_1765 = vector.shape_cast %select_n3A_1759 : vector<16xi32> to vector<1x16xi32>
        tpu.vector_store %arg7[%swap3A_1761, %swap3A_1762], %swap3A_1765 {strides = array<i32>} : memref<2x128xi32, #tpu.memory_space<vmem>>, vector<1x16xi32>,
        %get3A_1766 = arith.constant 0 : i32
        %get3A_1767 = arith.index_cast %get3A_1766 : i32 to index
        %get3A_1768 = arith.constant 112 : index
        %get3A_1769 = tpu.vector_load %arg7[%get3A_1767, %get3A_1768] {strides = array<i32>} : memref<2x128xi32, #tpu.memory_space<vmem>>, vector<1x16xi32>,
        %get3A_1770 = vector.shape_cast %get3A_1769 : vector<1x16xi32> to vector<16xi32>
        %get3A_1771 = arith.constant 1 : i32
        %get3A_1772 = arith.index_cast %get3A_1771 : i32 to index
        %get3A_1773 = arith.constant 112 : index
        %get3A_1774 = tpu.vector_load %arg7[%get3A_1772, %get3A_1773] {strides = array<i32>} : memref<2x128xi32, #tpu.memory_space<vmem>>, vector<1x16xi32>,
        %get3A_1775 = vector.shape_cast %get3A_1774 : vector<1x16xi32> to vector<16xi32>
        %eq3A_1776 = arith.cmpi eq, %get3A_1770, %get3A_1775 : vector<16xi32>
        %broadcast_in_dim3A_1777 = arith.constant 10000 : i32
        %broadcast_in_dim3A_1778 = vector.broadcast %broadcast_in_dim3A_1777 : i32 to vector<16xi32>
        %select_n3A_1779 = arith.select %eq3A_1776, %broadcast_in_dim3A_1778, %get3A_1775 : vector<16xi1>, vector<16xi32>
        %swap3A_1780 = arith.constant 1 : i32
        %swap3A_1781 = arith.index_cast %swap3A_1780 : i32 to index
        %swap3A_1782 = arith.constant 112 : index
        %swap3A_1783 = tpu.vector_load %arg7[%swap3A_1781, %swap3A_1782] {strides = array<i32>} : memref<2x128xi32, #tpu.memory_space<vmem>>, vector<1x16xi32>,
        %swap3A_1784 = vector.shape_cast %swap3A_1783 : vector<1x16xi32> to vector<16xi32>
        %swap3A_1785 = vector.shape_cast %select_n3A_1779 : vector<16xi32> to vector<1x16xi32>
        tpu.vector_store %arg7[%swap3A_1781, %swap3A_1782], %swap3A_1785 {strides = array<i32>} : memref<2x128xi32, #tpu.memory_space<vmem>>, vector<1x16xi32>,
        %dma_start3A_1786 = arith.constant 0 : i32
        %dma_start3A_1787 = arith.constant 0 : i32
        %dma_start3A_1788 = arith.constant 0 : i32
        %dma_start3A_1789 = tpu.memref_slice %arg10[%dma_start3A_1787, %dma_start3A_1788] : memref<128x128xf32, #tpu.memory_space<vmem>> -> memref<64x128xf32, #tpu.memory_space<vmem>>
        %dma_start3A_1790 = arith.constant 0 : i32
        %dma_start3A_1791 = tpu.memref_slice %arg7[%dma_start3A_1786, %dma_start3A_1790] : memref<2x128xi32, #tpu.memory_space<vmem>> -> memref<1x64xi32, #tpu.memory_space<vmem>>
        %dma_start3A_1792 = tpu.memref_squeeze %dma_start3A_1791 : memref<1x64xi32, #tpu.memory_space<vmem>> -> memref<64xi32, #tpu.memory_space<vmem>>
        %dma_start3A_1793 = arith.constant 0 : i32
        %dma_start3A_1794 = arith.constant 0 : i32
        %dma_start3A_1795 = tpu.memref_slice %arg2[%dma_start3A_1793, %dma_start3A_1794] : memref<10000x128xf32, #tpu.memory_space<hbm>> -> memref<10000x128xf32, #tpu.memory_space<hbm>>
        tpu.enqueue_indirect_dma source(%dma_start3A_1795 : memref<10000x128xf32, #tpu.memory_space<hbm>>) target(%dma_start3A_1789 : memref<64x128xf32, #tpu.memory_space<vmem>>) offsets(%dma_start3A_1792 : memref<64xi32, #tpu.memory_space<vmem>>) semaphore(%arg17 : memref<!tpu.dma_semaphore, #tpu.memory_space<semaphore_mem>>)
        %dma_start3A_1796 = arith.constant 0 : i32
        %dma_start3A_1797 = arith.constant 64 : i32
        %dma_start3A_1798 = arith.constant 0 : i32
        %dma_start3A_1799 = tpu.memref_slice %arg10[%dma_start3A_1797, %dma_start3A_1798] : memref<128x128xf32, #tpu.memory_space<vmem>> -> memref<64x128xf32, #tpu.memory_space<vmem>>
        %dma_start3A_1800 = arith.constant 64 : i32
        %dma_start3A_1801 = tpu.memref_slice %arg7[%dma_start3A_1796, %dma_start3A_1800] : memref<2x128xi32, #tpu.memory_space<vmem>> -> memref<1x64xi32, #tpu.memory_space<vmem>>
        %dma_start3A_1802 = tpu.memref_squeeze %dma_start3A_1801 : memref<1x64xi32, #tpu.memory_space<vmem>> -> memref<64xi32, #tpu.memory_space<vmem>>
        %dma_start3A_1803 = arith.constant 0 : i32
        %dma_start3A_1804 = arith.constant 0 : i32
        %dma_start3A_1805 = tpu.memref_slice %arg2[%dma_start3A_1803, %dma_start3A_1804] : memref<10000x128xf32, #tpu.memory_space<hbm>> -> memref<10000x128xf32, #tpu.memory_space<hbm>>
        tpu.enqueue_indirect_dma source(%dma_start3A_1805 : memref<10000x128xf32, #tpu.memory_space<hbm>>) target(%dma_start3A_1799 : memref<64x128xf32, #tpu.memory_space<vmem>>) offsets(%dma_start3A_1802 : memref<64xi32, #tpu.memory_space<vmem>>) semaphore(%arg17 : memref<!tpu.dma_semaphore, #tpu.memory_space<semaphore_mem>>)
        %dma_wait3A_1806 = arith.constant 0 : i32
        %dma_wait3A_1807 = arith.constant 0 : i32
        %dma_wait3A_1808 = arith.constant 0 : i32
        %dma_wait3A_1809 = tpu.memref_slice %arg9[%dma_wait3A_1807, %dma_wait3A_1808] : memref<128x128xf32, #tpu.memory_space<vmem>> -> memref<64x128xf32, #tpu.memory_space<vmem>>
        %dma_wait3A_1810 = arith.constant 0 : i32
        %dma_wait3A_1811 = tpu.memref_slice %arg6[%dma_wait3A_1806, %dma_wait3A_1810] : memref<2x128xi32, #tpu.memory_space<vmem>> -> memref<1x64xi32, #tpu.memory_space<vmem>>
        %dma_wait3A_1812 = tpu.memref_squeeze %dma_wait3A_1811 : memref<1x64xi32, #tpu.memory_space<vmem>> -> memref<64xi32, #tpu.memory_space<vmem>>
        %dma_wait3A_1813 = arith.constant 0 : i32
        %dma_wait3A_1814 = arith.constant 0 : i32
        %dma_wait3A_1815 = tpu.memref_slice %arg2[%dma_wait3A_1813, %dma_wait3A_1814] : memref<10000x128xf32, #tpu.memory_space<hbm>> -> memref<10000x128xf32, #tpu.memory_space<hbm>>
        tpu.wait_indirect_dma semaphore(%arg16 : memref<!tpu.dma_semaphore, #tpu.memory_space<semaphore_mem>>) src(%dma_wait3A_1815 : memref<10000x128xf32, #tpu.memory_space<hbm>>) dst(%dma_wait3A_1809 : memref<64x128xf32, #tpu.memory_space<vmem>>)
        %dma_wait3A_1816 = arith.constant 0 : i32
        %dma_wait3A_1817 = arith.constant 64 : i32
        %dma_wait3A_1818 = arith.constant 0 : i32
        %dma_wait3A_1819 = tpu.memref_slice %arg9[%dma_wait3A_1817, %dma_wait3A_1818] : memref<128x128xf32, #tpu.memory_space<vmem>> -> memref<64x128xf32, #tpu.memory_space<vmem>>
        %dma_wait3A_1820 = arith.constant 64 : i32
        %dma_wait3A_1821 = tpu.memref_slice %arg6[%dma_wait3A_1816, %dma_wait3A_1820] : memref<2x128xi32, #tpu.memory_space<vmem>> -> memref<1x64xi32, #tpu.memory_space<vmem>>
        %dma_wait3A_1822 = tpu.memref_squeeze %dma_wait3A_1821 : memref<1x64xi32, #tpu.memory_space<vmem>> -> memref<64xi32, #tpu.memory_space<vmem>>
        %dma_wait3A_1823 = arith.constant 0 : i32
        %dma_wait3A_1824 = arith.constant 0 : i32
        %dma_wait3A_1825 = tpu.memref_slice %arg2[%dma_wait3A_1823, %dma_wait3A_1824] : memref<10000x128xf32, #tpu.memory_space<hbm>> -> memref<10000x128xf32, #tpu.memory_space<hbm>>
        tpu.wait_indirect_dma semaphore(%arg16 : memref<!tpu.dma_semaphore, #tpu.memory_space<semaphore_mem>>) src(%dma_wait3A_1825 : memref<10000x128xf32, #tpu.memory_space<hbm>>) dst(%dma_wait3A_1819 : memref<64x128xf32, #tpu.memory_space<vmem>>)
        %dma_start3A_1826 = arith.constant 1 : i32
        %dma_start3A_1827 = arith.constant 0 : i32
        %dma_start3A_1828 = tpu.memref_slice %arg6[%dma_start3A_1826, %dma_start3A_1827] : memref<2x128xi32, #tpu.memory_space<vmem>> -> memref<1x128xi32, #tpu.memory_space<vmem>>
        %dma_start3A_1829 = tpu.memref_squeeze %dma_start3A_1828 : memref<1x128xi32, #tpu.memory_space<vmem>> -> memref<128xi32, #tpu.memory_space<vmem>>
        %dma_start3A_1830 = arith.constant 0 : i32
        %dma_start3A_1831 = arith.constant 0 : i32
        %dma_start3A_1832 = tpu.memref_slice %arg11[%dma_start3A_1830, %dma_start3A_1831] : memref<10112x128xf32, #tpu.memory_space<vmem_shared>> -> memref<10112x128xf32, #tpu.memory_space<vmem_shared>>
        tpu.enqueue_indirect_dma source(%arg9 : memref<128x128xf32, #tpu.memory_space<vmem>>) target(%dma_start3A_1832 : memref<10112x128xf32, #tpu.memory_space<vmem_shared>>) offsets(%dma_start3A_1829 : memref<128xi32, #tpu.memory_space<vmem>>) semaphore(%arg19 : memref<!tpu.dma_semaphore, #tpu.memory_space<semaphore_mem>>) {add = true}
        %dma_wait3A_1833 = arith.constant 1 : i32
        %dma_wait3A_1834 = arith.constant 0 : i32
        %dma_wait3A_1835 = tpu.memref_slice %arg5[%dma_wait3A_1833, %dma_wait3A_1834] : memref<2x128xi32, #tpu.memory_space<vmem>> -> memref<1x128xi32, #tpu.memory_space<vmem>>
        %dma_wait3A_1836 = tpu.memref_squeeze %dma_wait3A_1835 : memref<1x128xi32, #tpu.memory_space<vmem>> -> memref<128xi32, #tpu.memory_space<vmem>>
        %dma_wait3A_1837 = arith.constant 0 : i32
        %dma_wait3A_1838 = arith.constant 0 : i32
        %dma_wait3A_1839 = tpu.memref_slice %arg11[%dma_wait3A_1837, %dma_wait3A_1838] : memref<10112x128xf32, #tpu.memory_space<vmem_shared>> -> memref<10112x128xf32, #tpu.memory_space<vmem_shared>>
        tpu.wait_indirect_dma semaphore(%arg18 : memref<!tpu.dma_semaphore, #tpu.memory_space<semaphore_mem>>) src(%arg8 : memref<128x128xf32, #tpu.memory_space<vmem>>) dst(%dma_wait3A_1839 : memref<10112x128xf32, #tpu.memory_space<vmem_shared>>)
        %add3A_1840 = arith.constant 2 : i32
        %add3A_1841 = arith.addi %add3A_1619, %add3A_1840 : i32
        %mul3A_1842 = arith.constant 128 : i32
        %mul3A_1843 = arith.muli %add3A_1841, %mul3A_1842 : i32
        %add3A_1844 = arith.addi %mul3A_15, %mul3A_1843 : i32
        %dma_start3A_1845 = arith.constant 0 : i32
        %dma_start3A_1846 = tpu.memref_slice %arg3[%dma_start3A_1845, %add3A_1844] : memref<2x320000xi32, #tpu.memory_space<hbm>> -> memref<2x128xi32, #tpu.memory_space<hbm>>
        %dma_start3A_1847 = arith.constant 0 : i32
        %dma_start3A_1848 = tpu.memref_slice %arg3[%dma_start3A_1847, %add3A_1844] : memref<2x320000xi32, #tpu.memory_space<hbm>> -> memref<2x128xi32, #tpu.memory_space<hbm>>
        tpu.enqueue_dma source(%dma_start3A_1848 : memref<2x128xi32, #tpu.memory_space<hbm>>) target(%arg5 : memref<2x128xi32, #tpu.memory_space<vmem>>) target_semaphore(%arg12 : memref<!tpu.dma_semaphore, #tpu.memory_space<semaphore_mem>>)
        %add3A_1849 = arith.constant 2 : i32
        %add3A_1850 = arith.addi %add3A_1388, %add3A_1849 : i32
        %dma_wait3A_1851 = arith.constant 0 : i32
        %dma_wait3A_1852 = arith.constant 0 : i32
        %dma_wait3A_1853 = tpu.memref_slice %arg3[%dma_wait3A_1851, %dma_wait3A_1852] : memref<2x320000xi32, #tpu.memory_space<hbm>> -> memref<2x128xi32, #tpu.memory_space<hbm>>
        %dma_wait3A_1854 = arith.constant 0 : i32
        %dma_wait3A_1855 = arith.constant 0 : i32
        %dma_wait3A_1856 = tpu.memref_slice %arg3[%dma_wait3A_1854, %dma_wait3A_1855] : memref<2x320000xi32, #tpu.memory_space<hbm>> -> memref<2x128xi32, #tpu.memory_space<hbm>>
        tpu.wait_dma2 semaphore(%arg12 : memref<!tpu.dma_semaphore, #tpu.memory_space<semaphore_mem>>) src(%dma_wait3A_1856 : memref<2x128xi32, #tpu.memory_space<hbm>>) dst(%arg5 : memref<2x128xi32, #tpu.memory_space<vmem>>)
        %get3A_1857 = arith.constant 0 : i32
        %get3A_1858 = arith.index_cast %get3A_1857 : i32 to index
        %get3A_1859 = arith.constant 0 : index
        %get3A_1860 = tpu.vector_load %arg5[%get3A_1858, %get3A_1859] {strides = array<i32>} : memref<2x128xi32, #tpu.memory_space<vmem>>, vector<1x16xi32>,
        %get3A_1861 = vector.shape_cast %get3A_1860 : vector<1x16xi32> to vector<16xi32>
        %get3A_1862 = arith.constant 1 : i32
        %get3A_1863 = arith.index_cast %get3A_1862 : i32 to index
        %get3A_1864 = arith.constant 0 : index
        %get3A_1865 = tpu.vector_load %arg5[%get3A_1863, %get3A_1864] {strides = array<i32>} : memref<2x128xi32, #tpu.memory_space<vmem>>, vector<1x16xi32>,
        %get3A_1866 = vector.shape_cast %get3A_1865 : vector<1x16xi32> to vector<16xi32>
        %eq3A_1867 = arith.cmpi eq, %get3A_1861, %get3A_1866 : vector<16xi32>
        %broadcast_in_dim3A_1868 = arith.constant 10000 : i32
        %broadcast_in_dim3A_1869 = vector.broadcast %broadcast_in_dim3A_1868 : i32 to vector<16xi32>
        %select_n3A_1870 = arith.select %eq3A_1867, %broadcast_in_dim3A_1869, %get3A_1866 : vector<16xi1>, vector<16xi32>
        %swap3A_1871 = arith.constant 1 : i32
        %swap3A_1872 = arith.index_cast %swap3A_1871 : i32 to index
        %swap3A_1873 = arith.constant 0 : index
        %swap3A_1874 = tpu.vector_load %arg5[%swap3A_1872, %swap3A_1873] {strides = array<i32>} : memref<2x128xi32, #tpu.memory_space<vmem>>, vector<1x16xi32>,
        %swap3A_1875 = vector.shape_cast %swap3A_1874 : vector<1x16xi32> to vector<16xi32>
        %swap3A_1876 = vector.shape_cast %select_n3A_1870 : vector<16xi32> to vector<1x16xi32>
        tpu.vector_store %arg5[%swap3A_1872, %swap3A_1873], %swap3A_1876 {strides = array<i32>} : memref<2x128xi32, #tpu.memory_space<vmem>>, vector<1x16xi32>,
        %get3A_1877 = arith.constant 0 : i32
        %get3A_1878 = arith.index_cast %get3A_1877 : i32 to index
        %get3A_1879 = arith.constant 16 : index
        %get3A_1880 = tpu.vector_load %arg5[%get3A_1878, %get3A_1879] {strides = array<i32>} : memref<2x128xi32, #tpu.memory_space<vmem>>, vector<1x16xi32>,
        %get3A_1881 = vector.shape_cast %get3A_1880 : vector<1x16xi32> to vector<16xi32>
        %get3A_1882 = arith.constant 1 : i32
        %get3A_1883 = arith.index_cast %get3A_1882 : i32 to index
        %get3A_1884 = arith.constant 16 : index
        %get3A_1885 = tpu.vector_load %arg5[%get3A_1883, %get3A_1884] {strides = array<i32>} : memref<2x128xi32, #tpu.memory_space<vmem>>, vector<1x16xi32>,
        %get3A_1886 = vector.shape_cast %get3A_1885 : vector<1x16xi32> to vector<16xi32>
        %eq3A_1887 = arith.cmpi eq, %get3A_1881, %get3A_1886 : vector<16xi32>
        %broadcast_in_dim3A_1888 = arith.constant 10000 : i32
        %broadcast_in_dim3A_1889 = vector.broadcast %broadcast_in_dim3A_1888 : i32 to vector<16xi32>
        %select_n3A_1890 = arith.select %eq3A_1887, %broadcast_in_dim3A_1889, %get3A_1886 : vector<16xi1>, vector<16xi32>
        %swap3A_1891 = arith.constant 1 : i32
        %swap3A_1892 = arith.index_cast %swap3A_1891 : i32 to index
        %swap3A_1893 = arith.constant 16 : index
        %swap3A_1894 = tpu.vector_load %arg5[%swap3A_1892, %swap3A_1893] {strides = array<i32>} : memref<2x128xi32, #tpu.memory_space<vmem>>, vector<1x16xi32>,
        %swap3A_1895 = vector.shape_cast %swap3A_1894 : vector<1x16xi32> to vector<16xi32>
        %swap3A_1896 = vector.shape_cast %select_n3A_1890 : vector<16xi32> to vector<1x16xi32>
        tpu.vector_store %arg5[%swap3A_1892, %swap3A_1893], %swap3A_1896 {strides = array<i32>} : memref<2x128xi32, #tpu.memory_space<vmem>>, vector<1x16xi32>,
        %get3A_1897 = arith.constant 0 : i32
        %get3A_1898 = arith.index_cast %get3A_1897 : i32 to index
        %get3A_1899 = arith.constant 32 : index
        %get3A_1900 = tpu.vector_load %arg5[%get3A_1898, %get3A_1899] {strides = array<i32>} : memref<2x128xi32, #tpu.memory_space<vmem>>, vector<1x16xi32>,
        %get3A_1901 = vector.shape_cast %get3A_1900 : vector<1x16xi32> to vector<16xi32>
        %get3A_1902 = arith.constant 1 : i32
        %get3A_1903 = arith.index_cast %get3A_1902 : i32 to index
        %get3A_1904 = arith.constant 32 : index
        %get3A_1905 = tpu.vector_load %arg5[%get3A_1903, %get3A_1904] {strides = array<i32>} : memref<2x128xi32, #tpu.memory_space<vmem>>, vector<1x16xi32>,
        %get3A_1906 = vector.shape_cast %get3A_1905 : vector<1x16xi32> to vector<16xi32>
        %eq3A_1907 = arith.cmpi eq, %get3A_1901, %get3A_1906 : vector<16xi32>
        %broadcast_in_dim3A_1908 = arith.constant 10000 : i32
        %broadcast_in_dim3A_1909 = vector.broadcast %broadcast_in_dim3A_1908 : i32 to vector<16xi32>
        %select_n3A_1910 = arith.select %eq3A_1907, %broadcast_in_dim3A_1909, %get3A_1906 : vector<16xi1>, vector<16xi32>
        %swap3A_1911 = arith.constant 1 : i32
        %swap3A_1912 = arith.index_cast %swap3A_1911 : i32 to index
        %swap3A_1913 = arith.constant 32 : index
        %swap3A_1914 = tpu.vector_load %arg5[%swap3A_1912, %swap3A_1913] {strides = array<i32>} : memref<2x128xi32, #tpu.memory_space<vmem>>, vector<1x16xi32>,
        %swap3A_1915 = vector.shape_cast %swap3A_1914 : vector<1x16xi32> to vector<16xi32>
        %swap3A_1916 = vector.shape_cast %select_n3A_1910 : vector<16xi32> to vector<1x16xi32>
        tpu.vector_store %arg5[%swap3A_1912, %swap3A_1913], %swap3A_1916 {strides = array<i32>} : memref<2x128xi32, #tpu.memory_space<vmem>>, vector<1x16xi32>,
        %get3A_1917 = arith.constant 0 : i32
        %get3A_1918 = arith.index_cast %get3A_1917 : i32 to index
        %get3A_1919 = arith.constant 48 : index
        %get3A_1920 = tpu.vector_load %arg5[%get3A_1918, %get3A_1919] {strides = array<i32>} : memref<2x128xi32, #tpu.memory_space<vmem>>, vector<1x16xi32>,
        %get3A_1921 = vector.shape_cast %get3A_1920 : vector<1x16xi32> to vector<16xi32>
        %get3A_1922 = arith.constant 1 : i32
        %get3A_1923 = arith.index_cast %get3A_1922 : i32 to index
        %get3A_1924 = arith.constant 48 : index
        %get3A_1925 = tpu.vector_load %arg5[%get3A_1923, %get3A_1924] {strides = array<i32>} : memref<2x128xi32, #tpu.memory_space<vmem>>, vector<1x16xi32>,
        %get3A_1926 = vector.shape_cast %get3A_1925 : vector<1x16xi32> to vector<16xi32>
        %eq3A_1927 = arith.cmpi eq, %get3A_1921, %get3A_1926 : vector<16xi32>
        %broadcast_in_dim3A_1928 = arith.constant 10000 : i32
        %broadcast_in_dim3A_1929 = vector.broadcast %broadcast_in_dim3A_1928 : i32 to vector<16xi32>
        %select_n3A_1930 = arith.select %eq3A_1927, %broadcast_in_dim3A_1929, %get3A_1926 : vector<16xi1>, vector<16xi32>
        %swap3A_1931 = arith.constant 1 : i32
        %swap3A_1932 = arith.index_cast %swap3A_1931 : i32 to index
        %swap3A_1933 = arith.constant 48 : index
        %swap3A_1934 = tpu.vector_load %arg5[%swap3A_1932, %swap3A_1933] {strides = array<i32>} : memref<2x128xi32, #tpu.memory_space<vmem>>, vector<1x16xi32>,
        %swap3A_1935 = vector.shape_cast %swap3A_1934 : vector<1x16xi32> to vector<16xi32>
        %swap3A_1936 = vector.shape_cast %select_n3A_1930 : vector<16xi32> to vector<1x16xi32>
        tpu.vector_store %arg5[%swap3A_1932, %swap3A_1933], %swap3A_1936 {strides = array<i32>} : memref<2x128xi32, #tpu.memory_space<vmem>>, vector<1x16xi32>,
        %get3A_1937 = arith.constant 0 : i32
        %get3A_1938 = arith.index_cast %get3A_1937 : i32 to index
        %get3A_1939 = arith.constant 64 : index
        %get3A_1940 = tpu.vector_load %arg5[%get3A_1938, %get3A_1939] {strides = array<i32>} : memref<2x128xi32, #tpu.memory_space<vmem>>, vector<1x16xi32>,
        %get3A_1941 = vector.shape_cast %get3A_1940 : vector<1x16xi32> to vector<16xi32>
        %get3A_1942 = arith.constant 1 : i32
        %get3A_1943 = arith.index_cast %get3A_1942 : i32 to index
        %get3A_1944 = arith.constant 64 : index
        %get3A_1945 = tpu.vector_load %arg5[%get3A_1943, %get3A_1944] {strides = array<i32>} : memref<2x128xi32, #tpu.memory_space<vmem>>, vector<1x16xi32>,
        %get3A_1946 = vector.shape_cast %get3A_1945 : vector<1x16xi32> to vector<16xi32>
        %eq3A_1947 = arith.cmpi eq, %get3A_1941, %get3A_1946 : vector<16xi32>
        %broadcast_in_dim3A_1948 = arith.constant 10000 : i32
        %broadcast_in_dim3A_1949 = vector.broadcast %broadcast_in_dim3A_1948 : i32 to vector<16xi32>
        %select_n3A_1950 = arith.select %eq3A_1947, %broadcast_in_dim3A_1949, %get3A_1946 : vector<16xi1>, vector<16xi32>
        %swap3A_1951 = arith.constant 1 : i32
        %swap3A_1952 = arith.index_cast %swap3A_1951 : i32 to index
        %swap3A_1953 = arith.constant 64 : index
        %swap3A_1954 = tpu.vector_load %arg5[%swap3A_1952, %swap3A_1953] {strides = array<i32>} : memref<2x128xi32, #tpu.memory_space<vmem>>, vector<1x16xi32>,
        %swap3A_1955 = vector.shape_cast %swap3A_1954 : vector<1x16xi32> to vector<16xi32>
        %swap3A_1956 = vector.shape_cast %select_n3A_1950 : vector<16xi32> to vector<1x16xi32>
        tpu.vector_store %arg5[%swap3A_1952, %swap3A_1953], %swap3A_1956 {strides = array<i32>} : memref<2x128xi32, #tpu.memory_space<vmem>>, vector<1x16xi32>,
        %get3A_1957 = arith.constant 0 : i32
        %get3A_1958 = arith.index_cast %get3A_1957 : i32 to index
        %get3A_1959 = arith.constant 80 : index
        %get3A_1960 = tpu.vector_load %arg5[%get3A_1958, %get3A_1959] {strides = array<i32>} : memref<2x128xi32, #tpu.memory_space<vmem>>, vector<1x16xi32>,
        %get3A_1961 = vector.shape_cast %get3A_1960 : vector<1x16xi32> to vector<16xi32>
        %get3A_1962 = arith.constant 1 : i32
        %get3A_1963 = arith.index_cast %get3A_1962 : i32 to index
        %get3A_1964 = arith.constant 80 : index
        %get3A_1965 = tpu.vector_load %arg5[%get3A_1963, %get3A_1964] {strides = array<i32>} : memref<2x128xi32, #tpu.memory_space<vmem>>, vector<1x16xi32>,
        %get3A_1966 = vector.shape_cast %get3A_1965 : vector<1x16xi32> to vector<16xi32>
        %eq3A_1967 = arith.cmpi eq, %get3A_1961, %get3A_1966 : vector<16xi32>
        %broadcast_in_dim3A_1968 = arith.constant 10000 : i32
        %broadcast_in_dim3A_1969 = vector.broadcast %broadcast_in_dim3A_1968 : i32 to vector<16xi32>
        %select_n3A_1970 = arith.select %eq3A_1967, %broadcast_in_dim3A_1969, %get3A_1966 : vector<16xi1>, vector<16xi32>
        %swap3A_1971 = arith.constant 1 : i32
        %swap3A_1972 = arith.index_cast %swap3A_1971 : i32 to index
        %swap3A_1973 = arith.constant 80 : index
        %swap3A_1974 = tpu.vector_load %arg5[%swap3A_1972, %swap3A_1973] {strides = array<i32>} : memref<2x128xi32, #tpu.memory_space<vmem>>, vector<1x16xi32>,
        %swap3A_1975 = vector.shape_cast %swap3A_1974 : vector<1x16xi32> to vector<16xi32>
        %swap3A_1976 = vector.shape_cast %select_n3A_1970 : vector<16xi32> to vector<1x16xi32>
        tpu.vector_store %arg5[%swap3A_1972, %swap3A_1973], %swap3A_1976 {strides = array<i32>} : memref<2x128xi32, #tpu.memory_space<vmem>>, vector<1x16xi32>,
        %get3A_1977 = arith.constant 0 : i32
        %get3A_1978 = arith.index_cast %get3A_1977 : i32 to index
        %get3A_1979 = arith.constant 96 : index
        %get3A_1980 = tpu.vector_load %arg5[%get3A_1978, %get3A_1979] {strides = array<i32>} : memref<2x128xi32, #tpu.memory_space<vmem>>, vector<1x16xi32>,
        %get3A_1981 = vector.shape_cast %get3A_1980 : vector<1x16xi32> to vector<16xi32>
        %get3A_1982 = arith.constant 1 : i32
        %get3A_1983 = arith.index_cast %get3A_1982 : i32 to index
        %get3A_1984 = arith.constant 96 : index
        %get3A_1985 = tpu.vector_load %arg5[%get3A_1983, %get3A_1984] {strides = array<i32>} : memref<2x128xi32, #tpu.memory_space<vmem>>, vector<1x16xi32>,
        %get3A_1986 = vector.shape_cast %get3A_1985 : vector<1x16xi32> to vector<16xi32>
        %eq3A_1987 = arith.cmpi eq, %get3A_1981, %get3A_1986 : vector<16xi32>
        %broadcast_in_dim3A_1988 = arith.constant 10000 : i32
        %broadcast_in_dim3A_1989 = vector.broadcast %broadcast_in_dim3A_1988 : i32 to vector<16xi32>
        %select_n3A_1990 = arith.select %eq3A_1987, %broadcast_in_dim3A_1989, %get3A_1986 : vector<16xi1>, vector<16xi32>
        %swap3A_1991 = arith.constant 1 : i32
        %swap3A_1992 = arith.index_cast %swap3A_1991 : i32 to index
        %swap3A_1993 = arith.constant 96 : index
        %swap3A_1994 = tpu.vector_load %arg5[%swap3A_1992, %swap3A_1993] {strides = array<i32>} : memref<2x128xi32, #tpu.memory_space<vmem>>, vector<1x16xi32>,
        %swap3A_1995 = vector.shape_cast %swap3A_1994 : vector<1x16xi32> to vector<16xi32>
        %swap3A_1996 = vector.shape_cast %select_n3A_1990 : vector<16xi32> to vector<1x16xi32>
        tpu.vector_store %arg5[%swap3A_1992, %swap3A_1993], %swap3A_1996 {strides = array<i32>} : memref<2x128xi32, #tpu.memory_space<vmem>>, vector<1x16xi32>,
        %get3A_1997 = arith.constant 0 : i32
        %get3A_1998 = arith.index_cast %get3A_1997 : i32 to index
        %get3A_1999 = arith.constant 112 : index
        %get3A_2000 = tpu.vector_load %arg5[%get3A_1998, %get3A_1999] {strides = array<i32>} : memref<2x128xi32, #tpu.memory_space<vmem>>, vector<1x16xi32>,
        %get3A_2001 = vector.shape_cast %get3A_2000 : vector<1x16xi32> to vector<16xi32>
        %get3A_2002 = arith.constant 1 : i32
        %get3A_2003 = arith.index_cast %get3A_2002 : i32 to index
        %get3A_2004 = arith.constant 112 : index
        %get3A_2005 = tpu.vector_load %arg5[%get3A_2003, %get3A_2004] {strides = array<i32>} : memref<2x128xi32, #tpu.memory_space<vmem>>, vector<1x16xi32>,
        %get3A_2006 = vector.shape_cast %get3A_2005 : vector<1x16xi32> to vector<16xi32>
        %eq3A_2007 = arith.cmpi eq, %get3A_2001, %get3A_2006 : vector<16xi32>
        %broadcast_in_dim3A_2008 = arith.constant 10000 : i32
        %broadcast_in_dim3A_2009 = vector.broadcast %broadcast_in_dim3A_2008 : i32 to vector<16xi32>
        %select_n3A_2010 = arith.select %eq3A_2007, %broadcast_in_dim3A_2009, %get3A_2006 : vector<16xi1>, vector<16xi32>
        %swap3A_2011 = arith.constant 1 : i32
        %swap3A_2012 = arith.index_cast %swap3A_2011 : i32 to index
        %swap3A_2013 = arith.constant 112 : index
        %swap3A_2014 = tpu.vector_load %arg5[%swap3A_2012, %swap3A_2013] {strides = array<i32>} : memref<2x128xi32, #tpu.memory_space<vmem>>, vector<1x16xi32>,
        %swap3A_2015 = vector.shape_cast %swap3A_2014 : vector<1x16xi32> to vector<16xi32>
        %swap3A_2016 = vector.shape_cast %select_n3A_2010 : vector<16xi32> to vector<1x16xi32>
        tpu.vector_store %arg5[%swap3A_2012, %swap3A_2013], %swap3A_2016 {strides = array<i32>} : memref<2x128xi32, #tpu.memory_space<vmem>>, vector<1x16xi32>,
        %dma_start3A_2017 = arith.constant 0 : i32
        %dma_start3A_2018 = arith.constant 0 : i32
        %dma_start3A_2019 = arith.constant 0 : i32
        %dma_start3A_2020 = tpu.memref_slice %arg8[%dma_start3A_2018, %dma_start3A_2019] : memref<128x128xf32, #tpu.memory_space<vmem>> -> memref<64x128xf32, #tpu.memory_space<vmem>>
        %dma_start3A_2021 = arith.constant 0 : i32
        %dma_start3A_2022 = tpu.memref_slice %arg5[%dma_start3A_2017, %dma_start3A_2021] : memref<2x128xi32, #tpu.memory_space<vmem>> -> memref<1x64xi32, #tpu.memory_space<vmem>>
        %dma_start3A_2023 = tpu.memref_squeeze %dma_start3A_2022 : memref<1x64xi32, #tpu.memory_space<vmem>> -> memref<64xi32, #tpu.memory_space<vmem>>
        %dma_start3A_2024 = arith.constant 0 : i32
        %dma_start3A_2025 = arith.constant 0 : i32
        %dma_start3A_2026 = tpu.memref_slice %arg2[%dma_start3A_2024, %dma_start3A_2025] : memref<10000x128xf32, #tpu.memory_space<hbm>> -> memref<10000x128xf32, #tpu.memory_space<hbm>>
        tpu.enqueue_indirect_dma source(%dma_start3A_2026 : memref<10000x128xf32, #tpu.memory_space<hbm>>) target(%dma_start3A_2020 : memref<64x128xf32, #tpu.memory_space<vmem>>) offsets(%dma_start3A_2023 : memref<64xi32, #tpu.memory_space<vmem>>) semaphore(%arg15 : memref<!tpu.dma_semaphore, #tpu.memory_space<semaphore_mem>>)
        %dma_start3A_2027 = arith.constant 0 : i32
        %dma_start3A_2028 = arith.constant 64 : i32
        %dma_start3A_2029 = arith.constant 0 : i32
        %dma_start3A_2030 = tpu.memref_slice %arg8[%dma_start3A_2028, %dma_start3A_2029] : memref<128x128xf32, #tpu.memory_space<vmem>> -> memref<64x128xf32, #tpu.memory_space<vmem>>
        %dma_start3A_2031 = arith.constant 64 : i32
        %dma_start3A_2032 = tpu.memref_slice %arg5[%dma_start3A_2027, %dma_start3A_2031] : memref<2x128xi32, #tpu.memory_space<vmem>> -> memref<1x64xi32, #tpu.memory_space<vmem>>
        %dma_start3A_2033 = tpu.memref_squeeze %dma_start3A_2032 : memref<1x64xi32, #tpu.memory_space<vmem>> -> memref<64xi32, #tpu.memory_space<vmem>>
        %dma_start3A_2034 = arith.constant 0 : i32
        %dma_start3A_2035 = arith.constant 0 : i32
        %dma_start3A_2036 = tpu.memref_slice %arg2[%dma_start3A_2034, %dma_start3A_2035] : memref<10000x128xf32, #tpu.memory_space<hbm>> -> memref<10000x128xf32, #tpu.memory_space<hbm>>
        tpu.enqueue_indirect_dma source(%dma_start3A_2036 : memref<10000x128xf32, #tpu.memory_space<hbm>>) target(%dma_start3A_2030 : memref<64x128xf32, #tpu.memory_space<vmem>>) offsets(%dma_start3A_2033 : memref<64xi32, #tpu.memory_space<vmem>>) semaphore(%arg15 : memref<!tpu.dma_semaphore, #tpu.memory_space<semaphore_mem>>)
        %dma_wait3A_2037 = arith.constant 0 : i32
        %dma_wait3A_2038 = arith.constant 0 : i32
        %dma_wait3A_2039 = arith.constant 0 : i32
        %dma_wait3A_2040 = tpu.memref_slice %arg10[%dma_wait3A_2038, %dma_wait3A_2039] : memref<128x128xf32, #tpu.memory_space<vmem>> -> memref<64x128xf32, #tpu.memory_space<vmem>>
        %dma_wait3A_2041 = arith.constant 0 : i32
        %dma_wait3A_2042 = tpu.memref_slice %arg7[%dma_wait3A_2037, %dma_wait3A_2041] : memref<2x128xi32, #tpu.memory_space<vmem>> -> memref<1x64xi32, #tpu.memory_space<vmem>>
        %dma_wait3A_2043 = tpu.memref_squeeze %dma_wait3A_2042 : memref<1x64xi32, #tpu.memory_space<vmem>> -> memref<64xi32, #tpu.memory_space<vmem>>
        %dma_wait3A_2044 = arith.constant 0 : i32
        %dma_wait3A_2045 = arith.constant 0 : i32
        %dma_wait3A_2046 = tpu.memref_slice %arg2[%dma_wait3A_2044, %dma_wait3A_2045] : memref<10000x128xf32, #tpu.memory_space<hbm>> -> memref<10000x128xf32, #tpu.memory_space<hbm>>
        tpu.wait_indirect_dma semaphore(%arg17 : memref<!tpu.dma_semaphore, #tpu.memory_space<semaphore_mem>>) src(%dma_wait3A_2046 : memref<10000x128xf32, #tpu.memory_space<hbm>>) dst(%dma_wait3A_2040 : memref<64x128xf32, #tpu.memory_space<vmem>>)
        %dma_wait3A_2047 = arith.constant 0 : i32
        %dma_wait3A_2048 = arith.constant 64 : i32
        %dma_wait3A_2049 = arith.constant 0 : i32
        %dma_wait3A_2050 = tpu.memref_slice %arg10[%dma_wait3A_2048, %dma_wait3A_2049] : memref<128x128xf32, #tpu.memory_space<vmem>> -> memref<64x128xf32, #tpu.memory_space<vmem>>
        %dma_wait3A_2051 = arith.constant 64 : i32
        %dma_wait3A_2052 = tpu.memref_slice %arg7[%dma_wait3A_2047, %dma_wait3A_2051] : memref<2x128xi32, #tpu.memory_space<vmem>> -> memref<1x64xi32, #tpu.memory_space<vmem>>
        %dma_wait3A_2053 = tpu.memref_squeeze %dma_wait3A_2052 : memref<1x64xi32, #tpu.memory_space<vmem>> -> memref<64xi32, #tpu.memory_space<vmem>>
        %dma_wait3A_2054 = arith.constant 0 : i32
        %dma_wait3A_2055 = arith.constant 0 : i32
        %dma_wait3A_2056 = tpu.memref_slice %arg2[%dma_wait3A_2054, %dma_wait3A_2055] : memref<10000x128xf32, #tpu.memory_space<hbm>> -> memref<10000x128xf32, #tpu.memory_space<hbm>>
        tpu.wait_indirect_dma semaphore(%arg17 : memref<!tpu.dma_semaphore, #tpu.memory_space<semaphore_mem>>) src(%dma_wait3A_2056 : memref<10000x128xf32, #tpu.memory_space<hbm>>) dst(%dma_wait3A_2050 : memref<64x128xf32, #tpu.memory_space<vmem>>)
        %dma_start3A_2057 = arith.constant 1 : i32
        %dma_start3A_2058 = arith.constant 0 : i32
        %dma_start3A_2059 = tpu.memref_slice %arg7[%dma_start3A_2057, %dma_start3A_2058] : memref<2x128xi32, #tpu.memory_space<vmem>> -> memref<1x128xi32, #tpu.memory_space<vmem>>
        %dma_start3A_2060 = tpu.memref_squeeze %dma_start3A_2059 : memref<1x128xi32, #tpu.memory_space<vmem>> -> memref<128xi32, #tpu.memory_space<vmem>>
        %dma_start3A_2061 = arith.constant 0 : i32
        %dma_start3A_2062 = arith.constant 0 : i32
        %dma_start3A_2063 = tpu.memref_slice %arg11[%dma_start3A_2061, %dma_start3A_2062] : memref<10112x128xf32, #tpu.memory_space<vmem_shared>> -> memref<10112x128xf32, #tpu.memory_space<vmem_shared>>
        tpu.enqueue_indirect_dma source(%arg10 : memref<128x128xf32, #tpu.memory_space<vmem>>) target(%dma_start3A_2063 : memref<10112x128xf32, #tpu.memory_space<vmem_shared>>) offsets(%dma_start3A_2060 : memref<128xi32, #tpu.memory_space<vmem>>) semaphore(%arg20 : memref<!tpu.dma_semaphore, #tpu.memory_space<semaphore_mem>>) {add = true}
        %dma_wait3A_2064 = arith.constant 1 : i32
        %dma_wait3A_2065 = arith.constant 0 : i32
        %dma_wait3A_2066 = tpu.memref_slice %arg6[%dma_wait3A_2064, %dma_wait3A_2065] : memref<2x128xi32, #tpu.memory_space<vmem>> -> memref<1x128xi32, #tpu.memory_space<vmem>>
        %dma_wait3A_2067 = tpu.memref_squeeze %dma_wait3A_2066 : memref<1x128xi32, #tpu.memory_space<vmem>> -> memref<128xi32, #tpu.memory_space<vmem>>
        %dma_wait3A_2068 = arith.constant 0 : i32
        %dma_wait3A_2069 = arith.constant 0 : i32
        %dma_wait3A_2070 = tpu.memref_slice %arg11[%dma_wait3A_2068, %dma_wait3A_2069] : memref<10112x128xf32, #tpu.memory_space<vmem_shared>> -> memref<10112x128xf32, #tpu.memory_space<vmem_shared>>
        tpu.wait_indirect_dma semaphore(%arg19 : memref<!tpu.dma_semaphore, #tpu.memory_space<semaphore_mem>>) src(%arg9 : memref<128x128xf32, #tpu.memory_space<vmem>>) dst(%dma_wait3A_2070 : memref<10112x128xf32, #tpu.memory_space<vmem_shared>>)
        %add3A_2071 = arith.constant 2 : i32
        %add3A_2072 = arith.addi %add3A_1850, %add3A_2071 : i32
        %mul3A_2073 = arith.constant 128 : i32
        %mul3A_2074 = arith.muli %add3A_2072, %mul3A_2073 : i32
        %add3A_2075 = arith.addi %mul3A_15, %mul3A_2074 : i32
        %dma_start3A_2076 = arith.constant 0 : i32
        %dma_start3A_2077 = tpu.memref_slice %arg3[%dma_start3A_2076, %add3A_2075] : memref<2x320000xi32, #tpu.memory_space<hbm>> -> memref<2x128xi32, #tpu.memory_space<hbm>>
        %dma_start3A_2078 = arith.constant 0 : i32
        %dma_start3A_2079 = tpu.memref_slice %arg3[%dma_start3A_2078, %add3A_2075] : memref<2x320000xi32, #tpu.memory_space<hbm>> -> memref<2x128xi32, #tpu.memory_space<hbm>>
        tpu.enqueue_dma source(%dma_start3A_2079 : memref<2x128xi32, #tpu.memory_space<hbm>>) target(%arg6 : memref<2x128xi32, #tpu.memory_space<vmem>>) target_semaphore(%arg13 : memref<!tpu.dma_semaphore, #tpu.memory_space<semaphore_mem>>)
      }
      %scan3A_896 = arith.constant 24 : i32
      %dma_wait3A_897 = arith.constant 0 : i32
      %dma_wait3A_898 = arith.constant 0 : i32
      %dma_wait3A_899 = tpu.memref_slice %arg3[%dma_wait3A_897, %dma_wait3A_898] : memref<2x320000xi32, #tpu.memory_space<hbm>> -> memref<2x128xi32, #tpu.memory_space<hbm>>
      %dma_wait3A_900 = arith.constant 0 : i32
      %dma_wait3A_901 = arith.constant 0 : i32
      %dma_wait3A_902 = tpu.memref_slice %arg3[%dma_wait3A_900, %dma_wait3A_901] : memref<2x320000xi32, #tpu.memory_space<hbm>> -> memref<2x128xi32, #tpu.memory_space<hbm>>
      tpu.wait_dma2 semaphore(%arg13 : memref<!tpu.dma_semaphore, #tpu.memory_space<semaphore_mem>>) src(%dma_wait3A_902 : memref<2x128xi32, #tpu.memory_space<hbm>>) dst(%arg6 : memref<2x128xi32, #tpu.memory_space<vmem>>)
      %get3A_903 = arith.constant 0 : i32
      %get3A_904 = arith.index_cast %get3A_903 : i32 to index
      %get3A_905 = arith.constant 0 : index
      %get3A_906 = tpu.vector_load %arg6[%get3A_904, %get3A_905] {strides = array<i32>} : memref<2x128xi32, #tpu.memory_space<vmem>>, vector<1x16xi32>,
      %get3A_907 = vector.shape_cast %get3A_906 : vector<1x16xi32> to vector<16xi32>
      %get3A_908 = arith.constant 1 : i32
      %get3A_909 = arith.index_cast %get3A_908 : i32 to index
      %get3A_910 = arith.constant 0 : index
      %get3A_911 = tpu.vector_load %arg6[%get3A_909, %get3A_910] {strides = array<i32>} : memref<2x128xi32, #tpu.memory_space<vmem>>, vector<1x16xi32>,
      %get3A_912 = vector.shape_cast %get3A_911 : vector<1x16xi32> to vector<16xi32>
      %eq3A_913 = arith.cmpi eq, %get3A_907, %get3A_912 : vector<16xi32>
      %broadcast_in_dim3A_914 = arith.constant 10000 : i32
      %broadcast_in_dim3A_915 = vector.broadcast %broadcast_in_dim3A_914 : i32 to vector<16xi32>
      %select_n3A_916 = arith.select %eq3A_913, %broadcast_in_dim3A_915, %get3A_912 : vector<16xi1>, vector<16xi32>
      %swap3A_917 = arith.constant 1 : i32
      %swap3A_918 = arith.index_cast %swap3A_917 : i32 to index
      %swap3A_919 = arith.constant 0 : index
      %swap3A_920 = tpu.vector_load %arg6[%swap3A_918, %swap3A_919] {strides = array<i32>} : memref<2x128xi32, #tpu.memory_space<vmem>>, vector<1x16xi32>,
      %swap3A_921 = vector.shape_cast %swap3A_920 : vector<1x16xi32> to vector<16xi32>
      %swap3A_922 = vector.shape_cast %select_n3A_916 : vector<16xi32> to vector<1x16xi32>
      tpu.vector_store %arg6[%swap3A_918, %swap3A_919], %swap3A_922 {strides = array<i32>} : memref<2x128xi32, #tpu.memory_space<vmem>>, vector<1x16xi32>,
      %get3A_923 = arith.constant 0 : i32
      %get3A_924 = arith.index_cast %get3A_923 : i32 to index
      %get3A_925 = arith.constant 16 : index
      %get3A_926 = tpu.vector_load %arg6[%get3A_924, %get3A_925] {strides = array<i32>} : memref<2x128xi32, #tpu.memory_space<vmem>>, vector<1x16xi32>,
      %get3A_927 = vector.shape_cast %get3A_926 : vector<1x16xi32> to vector<16xi32>
      %get3A_928 = arith.constant 1 : i32
      %get3A_929 = arith.index_cast %get3A_928 : i32 to index
      %get3A_930 = arith.constant 16 : index
      %get3A_931 = tpu.vector_load %arg6[%get3A_929, %get3A_930] {strides = array<i32>} : memref<2x128xi32, #tpu.memory_space<vmem>>, vector<1x16xi32>,
      %get3A_932 = vector.shape_cast %get3A_931 : vector<1x16xi32> to vector<16xi32>
      %eq3A_933 = arith.cmpi eq, %get3A_927, %get3A_932 : vector<16xi32>
      %broadcast_in_dim3A_934 = arith.constant 10000 : i32
      %broadcast_in_dim3A_935 = vector.broadcast %broadcast_in_dim3A_934 : i32 to vector<16xi32>
      %select_n3A_936 = arith.select %eq3A_933, %broadcast_in_dim3A_935, %get3A_932 : vector<16xi1>, vector<16xi32>
      %swap3A_937 = arith.constant 1 : i32
      %swap3A_938 = arith.index_cast %swap3A_937 : i32 to index
      %swap3A_939 = arith.constant 16 : index
      %swap3A_940 = tpu.vector_load %arg6[%swap3A_938, %swap3A_939] {strides = array<i32>} : memref<2x128xi32, #tpu.memory_space<vmem>>, vector<1x16xi32>,
      %swap3A_941 = vector.shape_cast %swap3A_940 : vector<1x16xi32> to vector<16xi32>
      %swap3A_942 = vector.shape_cast %select_n3A_936 : vector<16xi32> to vector<1x16xi32>
      tpu.vector_store %arg6[%swap3A_938, %swap3A_939], %swap3A_942 {strides = array<i32>} : memref<2x128xi32, #tpu.memory_space<vmem>>, vector<1x16xi32>,
      %get3A_943 = arith.constant 0 : i32
      %get3A_944 = arith.index_cast %get3A_943 : i32 to index
      %get3A_945 = arith.constant 32 : index
      %get3A_946 = tpu.vector_load %arg6[%get3A_944, %get3A_945] {strides = array<i32>} : memref<2x128xi32, #tpu.memory_space<vmem>>, vector<1x16xi32>,
      %get3A_947 = vector.shape_cast %get3A_946 : vector<1x16xi32> to vector<16xi32>
      %get3A_948 = arith.constant 1 : i32
      %get3A_949 = arith.index_cast %get3A_948 : i32 to index
      %get3A_950 = arith.constant 32 : index
      %get3A_951 = tpu.vector_load %arg6[%get3A_949, %get3A_950] {strides = array<i32>} : memref<2x128xi32, #tpu.memory_space<vmem>>, vector<1x16xi32>,
      %get3A_952 = vector.shape_cast %get3A_951 : vector<1x16xi32> to vector<16xi32>
      %eq3A_953 = arith.cmpi eq, %get3A_947, %get3A_952 : vector<16xi32>
      %broadcast_in_dim3A_954 = arith.constant 10000 : i32
      %broadcast_in_dim3A_955 = vector.broadcast %broadcast_in_dim3A_954 : i32 to vector<16xi32>
      %select_n3A_956 = arith.select %eq3A_953, %broadcast_in_dim3A_955, %get3A_952 : vector<16xi1>, vector<16xi32>
      %swap3A_957 = arith.constant 1 : i32
      %swap3A_958 = arith.index_cast %swap3A_957 : i32 to index
      %swap3A_959 = arith.constant 32 : index
      %swap3A_960 = tpu.vector_load %arg6[%swap3A_958, %swap3A_959] {strides = array<i32>} : memref<2x128xi32, #tpu.memory_space<vmem>>, vector<1x16xi32>,
      %swap3A_961 = vector.shape_cast %swap3A_960 : vector<1x16xi32> to vector<16xi32>
      %swap3A_962 = vector.shape_cast %select_n3A_956 : vector<16xi32> to vector<1x16xi32>
      tpu.vector_store %arg6[%swap3A_958, %swap3A_959], %swap3A_962 {strides = array<i32>} : memref<2x128xi32, #tpu.memory_space<vmem>>, vector<1x16xi32>,
      %get3A_963 = arith.constant 0 : i32
      %get3A_964 = arith.index_cast %get3A_963 : i32 to index
      %get3A_965 = arith.constant 48 : index
      %get3A_966 = tpu.vector_load %arg6[%get3A_964, %get3A_965] {strides = array<i32>} : memref<2x128xi32, #tpu.memory_space<vmem>>, vector<1x16xi32>,
      %get3A_967 = vector.shape_cast %get3A_966 : vector<1x16xi32> to vector<16xi32>
      %get3A_968 = arith.constant 1 : i32
      %get3A_969 = arith.index_cast %get3A_968 : i32 to index
      %get3A_970 = arith.constant 48 : index
      %get3A_971 = tpu.vector_load %arg6[%get3A_969, %get3A_970] {strides = array<i32>} : memref<2x128xi32, #tpu.memory_space<vmem>>, vector<1x16xi32>,
      %get3A_972 = vector.shape_cast %get3A_971 : vector<1x16xi32> to vector<16xi32>
      %eq3A_973 = arith.cmpi eq, %get3A_967, %get3A_972 : vector<16xi32>
      %broadcast_in_dim3A_974 = arith.constant 10000 : i32
      %broadcast_in_dim3A_975 = vector.broadcast %broadcast_in_dim3A_974 : i32 to vector<16xi32>
      %select_n3A_976 = arith.select %eq3A_973, %broadcast_in_dim3A_975, %get3A_972 : vector<16xi1>, vector<16xi32>
      %swap3A_977 = arith.constant 1 : i32
      %swap3A_978 = arith.index_cast %swap3A_977 : i32 to index
      %swap3A_979 = arith.constant 48 : index
      %swap3A_980 = tpu.vector_load %arg6[%swap3A_978, %swap3A_979] {strides = array<i32>} : memref<2x128xi32, #tpu.memory_space<vmem>>, vector<1x16xi32>,
      %swap3A_981 = vector.shape_cast %swap3A_980 : vector<1x16xi32> to vector<16xi32>
      %swap3A_982 = vector.shape_cast %select_n3A_976 : vector<16xi32> to vector<1x16xi32>
      tpu.vector_store %arg6[%swap3A_978, %swap3A_979], %swap3A_982 {strides = array<i32>} : memref<2x128xi32, #tpu.memory_space<vmem>>, vector<1x16xi32>,
      %get3A_983 = arith.constant 0 : i32
      %get3A_984 = arith.index_cast %get3A_983 : i32 to index
      %get3A_985 = arith.constant 64 : index
      %get3A_986 = tpu.vector_load %arg6[%get3A_984, %get3A_985] {strides = array<i32>} : memref<2x128xi32, #tpu.memory_space<vmem>>, vector<1x16xi32>,
      %get3A_987 = vector.shape_cast %get3A_986 : vector<1x16xi32> to vector<16xi32>
      %get3A_988 = arith.constant 1 : i32
      %get3A_989 = arith.index_cast %get3A_988 : i32 to index
      %get3A_990 = arith.constant 64 : index
      %get3A_991 = tpu.vector_load %arg6[%get3A_989, %get3A_990] {strides = array<i32>} : memref<2x128xi32, #tpu.memory_space<vmem>>, vector<1x16xi32>,
      %get3A_992 = vector.shape_cast %get3A_991 : vector<1x16xi32> to vector<16xi32>
      %eq3A_993 = arith.cmpi eq, %get3A_987, %get3A_992 : vector<16xi32>
      %broadcast_in_dim3A_994 = arith.constant 10000 : i32
      %broadcast_in_dim3A_995 = vector.broadcast %broadcast_in_dim3A_994 : i32 to vector<16xi32>
      %select_n3A_996 = arith.select %eq3A_993, %broadcast_in_dim3A_995, %get3A_992 : vector<16xi1>, vector<16xi32>
      %swap3A_997 = arith.constant 1 : i32
      %swap3A_998 = arith.index_cast %swap3A_997 : i32 to index
      %swap3A_999 = arith.constant 64 : index
      %swap3A_1000 = tpu.vector_load %arg6[%swap3A_998, %swap3A_999] {strides = array<i32>} : memref<2x128xi32, #tpu.memory_space<vmem>>, vector<1x16xi32>,
      %swap3A_1001 = vector.shape_cast %swap3A_1000 : vector<1x16xi32> to vector<16xi32>
      %swap3A_1002 = vector.shape_cast %select_n3A_996 : vector<16xi32> to vector<1x16xi32>
      tpu.vector_store %arg6[%swap3A_998, %swap3A_999], %swap3A_1002 {strides = array<i32>} : memref<2x128xi32, #tpu.memory_space<vmem>>, vector<1x16xi32>,
      %get3A_1003 = arith.constant 0 : i32
      %get3A_1004 = arith.index_cast %get3A_1003 : i32 to index
      %get3A_1005 = arith.constant 80 : index
      %get3A_1006 = tpu.vector_load %arg6[%get3A_1004, %get3A_1005] {strides = array<i32>} : memref<2x128xi32, #tpu.memory_space<vmem>>, vector<1x16xi32>,
      %get3A_1007 = vector.shape_cast %get3A_1006 : vector<1x16xi32> to vector<16xi32>
      %get3A_1008 = arith.constant 1 : i32
      %get3A_1009 = arith.index_cast %get3A_1008 : i32 to index
      %get3A_1010 = arith.constant 80 : index
      %get3A_1011 = tpu.vector_load %arg6[%get3A_1009, %get3A_1010] {strides = array<i32>} : memref<2x128xi32, #tpu.memory_space<vmem>>, vector<1x16xi32>,
      %get3A_1012 = vector.shape_cast %get3A_1011 : vector<1x16xi32> to vector<16xi32>
      %eq3A_1013 = arith.cmpi eq, %get3A_1007, %get3A_1012 : vector<16xi32>
      %broadcast_in_dim3A_1014 = arith.constant 10000 : i32
      %broadcast_in_dim3A_1015 = vector.broadcast %broadcast_in_dim3A_1014 : i32 to vector<16xi32>
      %select_n3A_1016 = arith.select %eq3A_1013, %broadcast_in_dim3A_1015, %get3A_1012 : vector<16xi1>, vector<16xi32>
      %swap3A_1017 = arith.constant 1 : i32
      %swap3A_1018 = arith.index_cast %swap3A_1017 : i32 to index
      %swap3A_1019 = arith.constant 80 : index
      %swap3A_1020 = tpu.vector_load %arg6[%swap3A_1018, %swap3A_1019] {strides = array<i32>} : memref<2x128xi32, #tpu.memory_space<vmem>>, vector<1x16xi32>,
      %swap3A_1021 = vector.shape_cast %swap3A_1020 : vector<1x16xi32> to vector<16xi32>
      %swap3A_1022 = vector.shape_cast %select_n3A_1016 : vector<16xi32> to vector<1x16xi32>
      tpu.vector_store %arg6[%swap3A_1018, %swap3A_1019], %swap3A_1022 {strides = array<i32>} : memref<2x128xi32, #tpu.memory_space<vmem>>, vector<1x16xi32>,
      %get3A_1023 = arith.constant 0 : i32
      %get3A_1024 = arith.index_cast %get3A_1023 : i32 to index
      %get3A_1025 = arith.constant 96 : index
      %get3A_1026 = tpu.vector_load %arg6[%get3A_1024, %get3A_1025] {strides = array<i32>} : memref<2x128xi32, #tpu.memory_space<vmem>>, vector<1x16xi32>,
      %get3A_1027 = vector.shape_cast %get3A_1026 : vector<1x16xi32> to vector<16xi32>
      %get3A_1028 = arith.constant 1 : i32
      %get3A_1029 = arith.index_cast %get3A_1028 : i32 to index
      %get3A_1030 = arith.constant 96 : index
      %get3A_1031 = tpu.vector_load %arg6[%get3A_1029, %get3A_1030] {strides = array<i32>} : memref<2x128xi32, #tpu.memory_space<vmem>>, vector<1x16xi32>,
      %get3A_1032 = vector.shape_cast %get3A_1031 : vector<1x16xi32> to vector<16xi32>
      %eq3A_1033 = arith.cmpi eq, %get3A_1027, %get3A_1032 : vector<16xi32>
      %broadcast_in_dim3A_1034 = arith.constant 10000 : i32
      %broadcast_in_dim3A_1035 = vector.broadcast %broadcast_in_dim3A_1034 : i32 to vector<16xi32>
      %select_n3A_1036 = arith.select %eq3A_1033, %broadcast_in_dim3A_1035, %get3A_1032 : vector<16xi1>, vector<16xi32>
      %swap3A_1037 = arith.constant 1 : i32
      %swap3A_1038 = arith.index_cast %swap3A_1037 : i32 to index
      %swap3A_1039 = arith.constant 96 : index
      %swap3A_1040 = tpu.vector_load %arg6[%swap3A_1038, %swap3A_1039] {strides = array<i32>} : memref<2x128xi32, #tpu.memory_space<vmem>>, vector<1x16xi32>,
      %swap3A_1041 = vector.shape_cast %swap3A_1040 : vector<1x16xi32> to vector<16xi32>
      %swap3A_1042 = vector.shape_cast %select_n3A_1036 : vector<16xi32> to vector<1x16xi32>
      tpu.vector_store %arg6[%swap3A_1038, %swap3A_1039], %swap3A_1042 {strides = array<i32>} : memref<2x128xi32, #tpu.memory_space<vmem>>, vector<1x16xi32>,
      %get3A_1043 = arith.constant 0 : i32
      %get3A_1044 = arith.index_cast %get3A_1043 : i32 to index
      %get3A_1045 = arith.constant 112 : index
      %get3A_1046 = tpu.vector_load %arg6[%get3A_1044, %get3A_1045] {strides = array<i32>} : memref<2x128xi32, #tpu.memory_space<vmem>>, vector<1x16xi32>,
      %get3A_1047 = vector.shape_cast %get3A_1046 : vector<1x16xi32> to vector<16xi32>
      %get3A_1048 = arith.constant 1 : i32
      %get3A_1049 = arith.index_cast %get3A_1048 : i32 to index
      %get3A_1050 = arith.constant 112 : index
      %get3A_1051 = tpu.vector_load %arg6[%get3A_1049, %get3A_1050] {strides = array<i32>} : memref<2x128xi32, #tpu.memory_space<vmem>>, vector<1x16xi32>,
      %get3A_1052 = vector.shape_cast %get3A_1051 : vector<1x16xi32> to vector<16xi32>
      %eq3A_1053 = arith.cmpi eq, %get3A_1047, %get3A_1052 : vector<16xi32>
      %broadcast_in_dim3A_1054 = arith.constant 10000 : i32
      %broadcast_in_dim3A_1055 = vector.broadcast %broadcast_in_dim3A_1054 : i32 to vector<16xi32>
      %select_n3A_1056 = arith.select %eq3A_1053, %broadcast_in_dim3A_1055, %get3A_1052 : vector<16xi1>, vector<16xi32>
      %swap3A_1057 = arith.constant 1 : i32
      %swap3A_1058 = arith.index_cast %swap3A_1057 : i32 to index
      %swap3A_1059 = arith.constant 112 : index
      %swap3A_1060 = tpu.vector_load %arg6[%swap3A_1058, %swap3A_1059] {strides = array<i32>} : memref<2x128xi32, #tpu.memory_space<vmem>>, vector<1x16xi32>,
      %swap3A_1061 = vector.shape_cast %swap3A_1060 : vector<1x16xi32> to vector<16xi32>
      %swap3A_1062 = vector.shape_cast %select_n3A_1056 : vector<16xi32> to vector<1x16xi32>
      tpu.vector_store %arg6[%swap3A_1058, %swap3A_1059], %swap3A_1062 {strides = array<i32>} : memref<2x128xi32, #tpu.memory_space<vmem>>, vector<1x16xi32>,
      %dma_start3A_1063 = arith.constant 0 : i32
      %dma_start3A_1064 = arith.constant 0 : i32
      %dma_start3A_1065 = arith.constant 0 : i32
      %dma_start3A_1066 = tpu.memref_slice %arg9[%dma_start3A_1064, %dma_start3A_1065] : memref<128x128xf32, #tpu.memory_space<vmem>> -> memref<64x128xf32, #tpu.memory_space<vmem>>
      %dma_start3A_1067 = arith.constant 0 : i32
      %dma_start3A_1068 = tpu.memref_slice %arg6[%dma_start3A_1063, %dma_start3A_1067] : memref<2x128xi32, #tpu.memory_space<vmem>> -> memref<1x64xi32, #tpu.memory_space<vmem>>
      %dma_start3A_1069 = tpu.memref_squeeze %dma_start3A_1068 : memref<1x64xi32, #tpu.memory_space<vmem>> -> memref<64xi32, #tpu.memory_space<vmem>>
      %dma_start3A_1070 = arith.constant 0 : i32
      %dma_start3A_1071 = arith.constant 0 : i32
      %dma_start3A_1072 = tpu.memref_slice %arg2[%dma_start3A_1070, %dma_start3A_1071] : memref<10000x128xf32, #tpu.memory_space<hbm>> -> memref<10000x128xf32, #tpu.memory_space<hbm>>
      tpu.enqueue_indirect_dma source(%dma_start3A_1072 : memref<10000x128xf32, #tpu.memory_space<hbm>>) target(%dma_start3A_1066 : memref<64x128xf32, #tpu.memory_space<vmem>>) offsets(%dma_start3A_1069 : memref<64xi32, #tpu.memory_space<vmem>>) semaphore(%arg16 : memref<!tpu.dma_semaphore, #tpu.memory_space<semaphore_mem>>)
      %dma_start3A_1073 = arith.constant 0 : i32
      %dma_start3A_1074 = arith.constant 64 : i32
      %dma_start3A_1075 = arith.constant 0 : i32
      %dma_start3A_1076 = tpu.memref_slice %arg9[%dma_start3A_1074, %dma_start3A_1075] : memref<128x128xf32, #tpu.memory_space<vmem>> -> memref<64x128xf32, #tpu.memory_space<vmem>>
      %dma_start3A_1077 = arith.constant 64 : i32
      %dma_start3A_1078 = tpu.memref_slice %arg6[%dma_start3A_1073, %dma_start3A_1077] : memref<2x128xi32, #tpu.memory_space<vmem>> -> memref<1x64xi32, #tpu.memory_space<vmem>>
      %dma_start3A_1079 = tpu.memref_squeeze %dma_start3A_1078 : memref<1x64xi32, #tpu.memory_space<vmem>> -> memref<64xi32, #tpu.memory_space<vmem>>
      %dma_start3A_1080 = arith.constant 0 : i32
      %dma_start3A_1081 = arith.constant 0 : i32
      %dma_start3A_1082 = tpu.memref_slice %arg2[%dma_start3A_1080, %dma_start3A_1081] : memref<10000x128xf32, #tpu.memory_space<hbm>> -> memref<10000x128xf32, #tpu.memory_space<hbm>>
      tpu.enqueue_indirect_dma source(%dma_start3A_1082 : memref<10000x128xf32, #tpu.memory_space<hbm>>) target(%dma_start3A_1076 : memref<64x128xf32, #tpu.memory_space<vmem>>) offsets(%dma_start3A_1079 : memref<64xi32, #tpu.memory_space<vmem>>) semaphore(%arg16 : memref<!tpu.dma_semaphore, #tpu.memory_space<semaphore_mem>>)
      %dma_wait3A_1083 = arith.constant 0 : i32
      %dma_wait3A_1084 = arith.constant 0 : i32
      %dma_wait3A_1085 = arith.constant 0 : i32
      %dma_wait3A_1086 = tpu.memref_slice %arg8[%dma_wait3A_1084, %dma_wait3A_1085] : memref<128x128xf32, #tpu.memory_space<vmem>> -> memref<64x128xf32, #tpu.memory_space<vmem>>
      %dma_wait3A_1087 = arith.constant 0 : i32
      %dma_wait3A_1088 = tpu.memref_slice %arg5[%dma_wait3A_1083, %dma_wait3A_1087] : memref<2x128xi32, #tpu.memory_space<vmem>> -> memref<1x64xi32, #tpu.memory_space<vmem>>
      %dma_wait3A_1089 = tpu.memref_squeeze %dma_wait3A_1088 : memref<1x64xi32, #tpu.memory_space<vmem>> -> memref<64xi32, #tpu.memory_space<vmem>>
      %dma_wait3A_1090 = arith.constant 0 : i32
      %dma_wait3A_1091 = arith.constant 0 : i32
      %dma_wait3A_1092 = tpu.memref_slice %arg2[%dma_wait3A_1090, %dma_wait3A_1091] : memref<10000x128xf32, #tpu.memory_space<hbm>> -> memref<10000x128xf32, #tpu.memory_space<hbm>>
      tpu.wait_indirect_dma semaphore(%arg15 : memref<!tpu.dma_semaphore, #tpu.memory_space<semaphore_mem>>) src(%dma_wait3A_1092 : memref<10000x128xf32, #tpu.memory_space<hbm>>) dst(%dma_wait3A_1086 : memref<64x128xf32, #tpu.memory_space<vmem>>)
      %dma_wait3A_1093 = arith.constant 0 : i32
      %dma_wait3A_1094 = arith.constant 64 : i32
      %dma_wait3A_1095 = arith.constant 0 : i32
      %dma_wait3A_1096 = tpu.memref_slice %arg8[%dma_wait3A_1094, %dma_wait3A_1095] : memref<128x128xf32, #tpu.memory_space<vmem>> -> memref<64x128xf32, #tpu.memory_space<vmem>>
      %dma_wait3A_1097 = arith.constant 64 : i32
      %dma_wait3A_1098 = tpu.memref_slice %arg5[%dma_wait3A_1093, %dma_wait3A_1097] : memref<2x128xi32, #tpu.memory_space<vmem>> -> memref<1x64xi32, #tpu.memory_space<vmem>>
      %dma_wait3A_1099 = tpu.memref_squeeze %dma_wait3A_1098 : memref<1x64xi32, #tpu.memory_space<vmem>> -> memref<64xi32, #tpu.memory_space<vmem>>
      %dma_wait3A_1100 = arith.constant 0 : i32
      %dma_wait3A_1101 = arith.constant 0 : i32
      %dma_wait3A_1102 = tpu.memref_slice %arg2[%dma_wait3A_1100, %dma_wait3A_1101] : memref<10000x128xf32, #tpu.memory_space<hbm>> -> memref<10000x128xf32, #tpu.memory_space<hbm>>
      tpu.wait_indirect_dma semaphore(%arg15 : memref<!tpu.dma_semaphore, #tpu.memory_space<semaphore_mem>>) src(%dma_wait3A_1102 : memref<10000x128xf32, #tpu.memory_space<hbm>>) dst(%dma_wait3A_1096 : memref<64x128xf32, #tpu.memory_space<vmem>>)
      %dma_start3A_1103 = arith.constant 1 : i32
      %dma_start3A_1104 = arith.constant 0 : i32
      %dma_start3A_1105 = tpu.memref_slice %arg5[%dma_start3A_1103, %dma_start3A_1104] : memref<2x128xi32, #tpu.memory_space<vmem>> -> memref<1x128xi32, #tpu.memory_space<vmem>>
      %dma_start3A_1106 = tpu.memref_squeeze %dma_start3A_1105 : memref<1x128xi32, #tpu.memory_space<vmem>> -> memref<128xi32, #tpu.memory_space<vmem>>
      %dma_start3A_1107 = arith.constant 0 : i32
      %dma_start3A_1108 = arith.constant 0 : i32
      %dma_start3A_1109 = tpu.memref_slice %arg11[%dma_start3A_1107, %dma_start3A_1108] : memref<10112x128xf32, #tpu.memory_space<vmem_shared>> -> memref<10112x128xf32, #tpu.memory_space<vmem_shared>>
      tpu.enqueue_indirect_dma source(%arg8 : memref<128x128xf32, #tpu.memory_space<vmem>>) target(%dma_start3A_1109 : memref<10112x128xf32, #tpu.memory_space<vmem_shared>>) offsets(%dma_start3A_1106 : memref<128xi32, #tpu.memory_space<vmem>>) semaphore(%arg18 : memref<!tpu.dma_semaphore, #tpu.memory_space<semaphore_mem>>) {add = true}
      %dma_wait3A_1110 = arith.constant 1 : i32
      %dma_wait3A_1111 = arith.constant 0 : i32
      %dma_wait3A_1112 = tpu.memref_slice %arg7[%dma_wait3A_1110, %dma_wait3A_1111] : memref<2x128xi32, #tpu.memory_space<vmem>> -> memref<1x128xi32, #tpu.memory_space<vmem>>
      %dma_wait3A_1113 = tpu.memref_squeeze %dma_wait3A_1112 : memref<1x128xi32, #tpu.memory_space<vmem>> -> memref<128xi32, #tpu.memory_space<vmem>>
      %dma_wait3A_1114 = arith.constant 0 : i32
      %dma_wait3A_1115 = arith.constant 0 : i32
      %dma_wait3A_1116 = tpu.memref_slice %arg11[%dma_wait3A_1114, %dma_wait3A_1115] : memref<10112x128xf32, #tpu.memory_space<vmem_shared>> -> memref<10112x128xf32, #tpu.memory_space<vmem_shared>>
      tpu.wait_indirect_dma semaphore(%arg20 : memref<!tpu.dma_semaphore, #tpu.memory_space<semaphore_mem>>) src(%arg10 : memref<128x128xf32, #tpu.memory_space<vmem>>) dst(%dma_wait3A_1116 : memref<10112x128xf32, #tpu.memory_space<vmem_shared>>)
      %add3A_1117 = arith.constant 9856 : i32
      %add3A_1118 = arith.addi %mul3A_15, %add3A_1117 : i32
      %dma_start3A_1119 = arith.constant 0 : i32
      %dma_start3A_1120 = tpu.memref_slice %arg3[%dma_start3A_1119, %add3A_1118] : memref<2x320000xi32, #tpu.memory_space<hbm>> -> memref<2x128xi32, #tpu.memory_space<hbm>>
      %dma_start3A_1121 = arith.constant 0 : i32
      %dma_start3A_1122 = tpu.memref_slice %arg3[%dma_start3A_1121, %add3A_1118] : memref<2x320000xi32, #tpu.memory_space<hbm>> -> memref<2x128xi32, #tpu.memory_space<hbm>>
      tpu.enqueue_dma source(%dma_start3A_1122 : memref<2x128xi32, #tpu.memory_space<hbm>>) target(%arg7 : memref<2x128xi32, #tpu.memory_space<vmem>>) target_semaphore(%arg14 : memref<!tpu.dma_semaphore, #tpu.memory_space<semaphore_mem>>)
      %dma_wait3A_1123 = arith.constant 0 : i32
      %dma_wait3A_1124 = arith.constant 0 : i32
      %dma_wait3A_1125 = tpu.memref_slice %arg3[%dma_wait3A_1123, %dma_wait3A_1124] : memref<2x320000xi32, #tpu.memory_space<hbm>> -> memref<2x128xi32, #tpu.memory_space<hbm>>
      %dma_wait3A_1126 = arith.constant 0 : i32
      %dma_wait3A_1127 = arith.constant 0 : i32
      %dma_wait3A_1128 = tpu.memref_slice %arg3[%dma_wait3A_1126, %dma_wait3A_1127] : memref<2x320000xi32, #tpu.memory_space<hbm>> -> memref<2x128xi32, #tpu.memory_space<hbm>>
      tpu.wait_dma2 semaphore(%arg14 : memref<!tpu.dma_semaphore, #tpu.memory_space<semaphore_mem>>) src(%dma_wait3A_1128 : memref<2x128xi32, #tpu.memory_space<hbm>>) dst(%arg7 : memref<2x128xi32, #tpu.memory_space<vmem>>)
      %get3A_1129 = arith.constant 0 : i32
      %get3A_1130 = arith.index_cast %get3A_1129 : i32 to index
      %get3A_1131 = arith.constant 0 : index
      %get3A_1132 = tpu.vector_load %arg7[%get3A_1130, %get3A_1131] {strides = array<i32>} : memref<2x128xi32, #tpu.memory_space<vmem>>, vector<1x16xi32>,
      %get3A_1133 = vector.shape_cast %get3A_1132 : vector<1x16xi32> to vector<16xi32>
      %get3A_1134 = arith.constant 1 : i32
      %get3A_1135 = arith.index_cast %get3A_1134 : i32 to index
      %get3A_1136 = arith.constant 0 : index
      %get3A_1137 = tpu.vector_load %arg7[%get3A_1135, %get3A_1136] {strides = array<i32>} : memref<2x128xi32, #tpu.memory_space<vmem>>, vector<1x16xi32>,
      %get3A_1138 = vector.shape_cast %get3A_1137 : vector<1x16xi32> to vector<16xi32>
      %eq3A_1139 = arith.cmpi eq, %get3A_1133, %get3A_1138 : vector<16xi32>
      %broadcast_in_dim3A_1140 = arith.constant 10000 : i32
      %broadcast_in_dim3A_1141 = vector.broadcast %broadcast_in_dim3A_1140 : i32 to vector<16xi32>
      %select_n3A_1142 = arith.select %eq3A_1139, %broadcast_in_dim3A_1141, %get3A_1138 : vector<16xi1>, vector<16xi32>
      %swap3A_1143 = arith.constant 1 : i32
      %swap3A_1144 = arith.index_cast %swap3A_1143 : i32 to index
      %swap3A_1145 = arith.constant 0 : index
      %swap3A_1146 = tpu.vector_load %arg7[%swap3A_1144, %swap3A_1145] {strides = array<i32>} : memref<2x128xi32, #tpu.memory_space<vmem>>, vector<1x16xi32>,
      %swap3A_1147 = vector.shape_cast %swap3A_1146 : vector<1x16xi32> to vector<16xi32>
      %swap3A_1148 = vector.shape_cast %select_n3A_1142 : vector<16xi32> to vector<1x16xi32>
      tpu.vector_store %arg7[%swap3A_1144, %swap3A_1145], %swap3A_1148 {strides = array<i32>} : memref<2x128xi32, #tpu.memory_space<vmem>>, vector<1x16xi32>,
      %get3A_1149 = arith.constant 0 : i32
      %get3A_1150 = arith.index_cast %get3A_1149 : i32 to index
      %get3A_1151 = arith.constant 16 : index
      %get3A_1152 = tpu.vector_load %arg7[%get3A_1150, %get3A_1151] {strides = array<i32>} : memref<2x128xi32, #tpu.memory_space<vmem>>, vector<1x16xi32>,
      %get3A_1153 = vector.shape_cast %get3A_1152 : vector<1x16xi32> to vector<16xi32>
      %get3A_1154 = arith.constant 1 : i32
      %get3A_1155 = arith.index_cast %get3A_1154 : i32 to index
      %get3A_1156 = arith.constant 16 : index
      %get3A_1157 = tpu.vector_load %arg7[%get3A_1155, %get3A_1156] {strides = array<i32>} : memref<2x128xi32, #tpu.memory_space<vmem>>, vector<1x16xi32>,
      %get3A_1158 = vector.shape_cast %get3A_1157 : vector<1x16xi32> to vector<16xi32>
      %eq3A_1159 = arith.cmpi eq, %get3A_1153, %get3A_1158 : vector<16xi32>
      %broadcast_in_dim3A_1160 = arith.constant 10000 : i32
      %broadcast_in_dim3A_1161 = vector.broadcast %broadcast_in_dim3A_1160 : i32 to vector<16xi32>
      %select_n3A_1162 = arith.select %eq3A_1159, %broadcast_in_dim3A_1161, %get3A_1158 : vector<16xi1>, vector<16xi32>
      %swap3A_1163 = arith.constant 1 : i32
      %swap3A_1164 = arith.index_cast %swap3A_1163 : i32 to index
      %swap3A_1165 = arith.constant 16 : index
      %swap3A_1166 = tpu.vector_load %arg7[%swap3A_1164, %swap3A_1165] {strides = array<i32>} : memref<2x128xi32, #tpu.memory_space<vmem>>, vector<1x16xi32>,
      %swap3A_1167 = vector.shape_cast %swap3A_1166 : vector<1x16xi32> to vector<16xi32>
      %swap3A_1168 = vector.shape_cast %select_n3A_1162 : vector<16xi32> to vector<1x16xi32>
      tpu.vector_store %arg7[%swap3A_1164, %swap3A_1165], %swap3A_1168 {strides = array<i32>} : memref<2x128xi32, #tpu.memory_space<vmem>>, vector<1x16xi32>,
      %get3A_1169 = arith.constant 0 : i32
      %get3A_1170 = arith.index_cast %get3A_1169 : i32 to index
      %get3A_1171 = arith.constant 32 : index
      %get3A_1172 = tpu.vector_load %arg7[%get3A_1170, %get3A_1171] {strides = array<i32>} : memref<2x128xi32, #tpu.memory_space<vmem>>, vector<1x16xi32>,
      %get3A_1173 = vector.shape_cast %get3A_1172 : vector<1x16xi32> to vector<16xi32>
      %get3A_1174 = arith.constant 1 : i32
      %get3A_1175 = arith.index_cast %get3A_1174 : i32 to index
      %get3A_1176 = arith.constant 32 : index
      %get3A_1177 = tpu.vector_load %arg7[%get3A_1175, %get3A_1176] {strides = array<i32>} : memref<2x128xi32, #tpu.memory_space<vmem>>, vector<1x16xi32>,
      %get3A_1178 = vector.shape_cast %get3A_1177 : vector<1x16xi32> to vector<16xi32>
      %eq3A_1179 = arith.cmpi eq, %get3A_1173, %get3A_1178 : vector<16xi32>
      %broadcast_in_dim3A_1180 = arith.constant 10000 : i32
      %broadcast_in_dim3A_1181 = vector.broadcast %broadcast_in_dim3A_1180 : i32 to vector<16xi32>
      %select_n3A_1182 = arith.select %eq3A_1179, %broadcast_in_dim3A_1181, %get3A_1178 : vector<16xi1>, vector<16xi32>
      %swap3A_1183 = arith.constant 1 : i32
      %swap3A_1184 = arith.index_cast %swap3A_1183 : i32 to index
      %swap3A_1185 = arith.constant 32 : index
      %swap3A_1186 = tpu.vector_load %arg7[%swap3A_1184, %swap3A_1185] {strides = array<i32>} : memref<2x128xi32, #tpu.memory_space<vmem>>, vector<1x16xi32>,
      %swap3A_1187 = vector.shape_cast %swap3A_1186 : vector<1x16xi32> to vector<16xi32>
      %swap3A_1188 = vector.shape_cast %select_n3A_1182 : vector<16xi32> to vector<1x16xi32>
      tpu.vector_store %arg7[%swap3A_1184, %swap3A_1185], %swap3A_1188 {strides = array<i32>} : memref<2x128xi32, #tpu.memory_space<vmem>>, vector<1x16xi32>,
      %get3A_1189 = arith.constant 0 : i32
      %get3A_1190 = arith.index_cast %get3A_1189 : i32 to index
      %get3A_1191 = arith.constant 48 : index
      %get3A_1192 = tpu.vector_load %arg7[%get3A_1190, %get3A_1191] {strides = array<i32>} : memref<2x128xi32, #tpu.memory_space<vmem>>, vector<1x16xi32>,
      %get3A_1193 = vector.shape_cast %get3A_1192 : vector<1x16xi32> to vector<16xi32>
      %get3A_1194 = arith.constant 1 : i32
      %get3A_1195 = arith.index_cast %get3A_1194 : i32 to index
      %get3A_1196 = arith.constant 48 : index
      %get3A_1197 = tpu.vector_load %arg7[%get3A_1195, %get3A_1196] {strides = array<i32>} : memref<2x128xi32, #tpu.memory_space<vmem>>, vector<1x16xi32>,
      %get3A_1198 = vector.shape_cast %get3A_1197 : vector<1x16xi32> to vector<16xi32>
      %eq3A_1199 = arith.cmpi eq, %get3A_1193, %get3A_1198 : vector<16xi32>
      %broadcast_in_dim3A_1200 = arith.constant 10000 : i32
      %broadcast_in_dim3A_1201 = vector.broadcast %broadcast_in_dim3A_1200 : i32 to vector<16xi32>
      %select_n3A_1202 = arith.select %eq3A_1199, %broadcast_in_dim3A_1201, %get3A_1198 : vector<16xi1>, vector<16xi32>
      %swap3A_1203 = arith.constant 1 : i32
      %swap3A_1204 = arith.index_cast %swap3A_1203 : i32 to index
      %swap3A_1205 = arith.constant 48 : index
      %swap3A_1206 = tpu.vector_load %arg7[%swap3A_1204, %swap3A_1205] {strides = array<i32>} : memref<2x128xi32, #tpu.memory_space<vmem>>, vector<1x16xi32>,
      %swap3A_1207 = vector.shape_cast %swap3A_1206 : vector<1x16xi32> to vector<16xi32>
      %swap3A_1208 = vector.shape_cast %select_n3A_1202 : vector<16xi32> to vector<1x16xi32>
      tpu.vector_store %arg7[%swap3A_1204, %swap3A_1205], %swap3A_1208 {strides = array<i32>} : memref<2x128xi32, #tpu.memory_space<vmem>>, vector<1x16xi32>,
      %get3A_1209 = arith.constant 0 : i32
      %get3A_1210 = arith.index_cast %get3A_1209 : i32 to index
      %get3A_1211 = arith.constant 64 : index
      %get3A_1212 = tpu.vector_load %arg7[%get3A_1210, %get3A_1211] {strides = array<i32>} : memref<2x128xi32, #tpu.memory_space<vmem>>, vector<1x16xi32>,
      %get3A_1213 = vector.shape_cast %get3A_1212 : vector<1x16xi32> to vector<16xi32>
      %get3A_1214 = arith.constant 1 : i32
      %get3A_1215 = arith.index_cast %get3A_1214 : i32 to index
      %get3A_1216 = arith.constant 64 : index
      %get3A_1217 = tpu.vector_load %arg7[%get3A_1215, %get3A_1216] {strides = array<i32>} : memref<2x128xi32, #tpu.memory_space<vmem>>, vector<1x16xi32>,
      %get3A_1218 = vector.shape_cast %get3A_1217 : vector<1x16xi32> to vector<16xi32>
      %eq3A_1219 = arith.cmpi eq, %get3A_1213, %get3A_1218 : vector<16xi32>
      %broadcast_in_dim3A_1220 = arith.constant 10000 : i32
      %broadcast_in_dim3A_1221 = vector.broadcast %broadcast_in_dim3A_1220 : i32 to vector<16xi32>
      %select_n3A_1222 = arith.select %eq3A_1219, %broadcast_in_dim3A_1221, %get3A_1218 : vector<16xi1>, vector<16xi32>
      %swap3A_1223 = arith.constant 1 : i32
      %swap3A_1224 = arith.index_cast %swap3A_1223 : i32 to index
      %swap3A_1225 = arith.constant 64 : index
      %swap3A_1226 = tpu.vector_load %arg7[%swap3A_1224, %swap3A_1225] {strides = array<i32>} : memref<2x128xi32, #tpu.memory_space<vmem>>, vector<1x16xi32>,
      %swap3A_1227 = vector.shape_cast %swap3A_1226 : vector<1x16xi32> to vector<16xi32>
      %swap3A_1228 = vector.shape_cast %select_n3A_1222 : vector<16xi32> to vector<1x16xi32>
      tpu.vector_store %arg7[%swap3A_1224, %swap3A_1225], %swap3A_1228 {strides = array<i32>} : memref<2x128xi32, #tpu.memory_space<vmem>>, vector<1x16xi32>,
      %get3A_1229 = arith.constant 0 : i32
      %get3A_1230 = arith.index_cast %get3A_1229 : i32 to index
      %get3A_1231 = arith.constant 80 : index
      %get3A_1232 = tpu.vector_load %arg7[%get3A_1230, %get3A_1231] {strides = array<i32>} : memref<2x128xi32, #tpu.memory_space<vmem>>, vector<1x16xi32>,
      %get3A_1233 = vector.shape_cast %get3A_1232 : vector<1x16xi32> to vector<16xi32>
      %get3A_1234 = arith.constant 1 : i32
      %get3A_1235 = arith.index_cast %get3A_1234 : i32 to index
      %get3A_1236 = arith.constant 80 : index
      %get3A_1237 = tpu.vector_load %arg7[%get3A_1235, %get3A_1236] {strides = array<i32>} : memref<2x128xi32, #tpu.memory_space<vmem>>, vector<1x16xi32>,
      %get3A_1238 = vector.shape_cast %get3A_1237 : vector<1x16xi32> to vector<16xi32>
      %eq3A_1239 = arith.cmpi eq, %get3A_1233, %get3A_1238 : vector<16xi32>
      %broadcast_in_dim3A_1240 = arith.constant 10000 : i32
      %broadcast_in_dim3A_1241 = vector.broadcast %broadcast_in_dim3A_1240 : i32 to vector<16xi32>
      %select_n3A_1242 = arith.select %eq3A_1239, %broadcast_in_dim3A_1241, %get3A_1238 : vector<16xi1>, vector<16xi32>
      %swap3A_1243 = arith.constant 1 : i32
      %swap3A_1244 = arith.index_cast %swap3A_1243 : i32 to index
      %swap3A_1245 = arith.constant 80 : index
      %swap3A_1246 = tpu.vector_load %arg7[%swap3A_1244, %swap3A_1245] {strides = array<i32>} : memref<2x128xi32, #tpu.memory_space<vmem>>, vector<1x16xi32>,
      %swap3A_1247 = vector.shape_cast %swap3A_1246 : vector<1x16xi32> to vector<16xi32>
      %swap3A_1248 = vector.shape_cast %select_n3A_1242 : vector<16xi32> to vector<1x16xi32>
      tpu.vector_store %arg7[%swap3A_1244, %swap3A_1245], %swap3A_1248 {strides = array<i32>} : memref<2x128xi32, #tpu.memory_space<vmem>>, vector<1x16xi32>,
      %get3A_1249 = arith.constant 0 : i32
      %get3A_1250 = arith.index_cast %get3A_1249 : i32 to index
      %get3A_1251 = arith.constant 96 : index
      %get3A_1252 = tpu.vector_load %arg7[%get3A_1250, %get3A_1251] {strides = array<i32>} : memref<2x128xi32, #tpu.memory_space<vmem>>, vector<1x16xi32>,
      %get3A_1253 = vector.shape_cast %get3A_1252 : vector<1x16xi32> to vector<16xi32>
      %get3A_1254 = arith.constant 1 : i32
      %get3A_1255 = arith.index_cast %get3A_1254 : i32 to index
      %get3A_1256 = arith.constant 96 : index
      %get3A_1257 = tpu.vector_load %arg7[%get3A_1255, %get3A_1256] {strides = array<i32>} : memref<2x128xi32, #tpu.memory_space<vmem>>, vector<1x16xi32>,
      %get3A_1258 = vector.shape_cast %get3A_1257 : vector<1x16xi32> to vector<16xi32>
      %eq3A_1259 = arith.cmpi eq, %get3A_1253, %get3A_1258 : vector<16xi32>
      %broadcast_in_dim3A_1260 = arith.constant 10000 : i32
      %broadcast_in_dim3A_1261 = vector.broadcast %broadcast_in_dim3A_1260 : i32 to vector<16xi32>
      %select_n3A_1262 = arith.select %eq3A_1259, %broadcast_in_dim3A_1261, %get3A_1258 : vector<16xi1>, vector<16xi32>
      %swap3A_1263 = arith.constant 1 : i32
      %swap3A_1264 = arith.index_cast %swap3A_1263 : i32 to index
      %swap3A_1265 = arith.constant 96 : index
      %swap3A_1266 = tpu.vector_load %arg7[%swap3A_1264, %swap3A_1265] {strides = array<i32>} : memref<2x128xi32, #tpu.memory_space<vmem>>, vector<1x16xi32>,
      %swap3A_1267 = vector.shape_cast %swap3A_1266 : vector<1x16xi32> to vector<16xi32>
      %swap3A_1268 = vector.shape_cast %select_n3A_1262 : vector<16xi32> to vector<1x16xi32>
      tpu.vector_store %arg7[%swap3A_1264, %swap3A_1265], %swap3A_1268 {strides = array<i32>} : memref<2x128xi32, #tpu.memory_space<vmem>>, vector<1x16xi32>,
      %get3A_1269 = arith.constant 0 : i32
      %get3A_1270 = arith.index_cast %get3A_1269 : i32 to index
      %get3A_1271 = arith.constant 112 : index
      %get3A_1272 = tpu.vector_load %arg7[%get3A_1270, %get3A_1271] {strides = array<i32>} : memref<2x128xi32, #tpu.memory_space<vmem>>, vector<1x16xi32>,
      %get3A_1273 = vector.shape_cast %get3A_1272 : vector<1x16xi32> to vector<16xi32>
      %get3A_1274 = arith.constant 1 : i32
      %get3A_1275 = arith.index_cast %get3A_1274 : i32 to index
      %get3A_1276 = arith.constant 112 : index
      %get3A_1277 = tpu.vector_load %arg7[%get3A_1275, %get3A_1276] {strides = array<i32>} : memref<2x128xi32, #tpu.memory_space<vmem>>, vector<1x16xi32>,
      %get3A_1278 = vector.shape_cast %get3A_1277 : vector<1x16xi32> to vector<16xi32>
      %eq3A_1279 = arith.cmpi eq, %get3A_1273, %get3A_1278 : vector<16xi32>
      %broadcast_in_dim3A_1280 = arith.constant 10000 : i32
      %broadcast_in_dim3A_1281 = vector.broadcast %broadcast_in_dim3A_1280 : i32 to vector<16xi32>
      %select_n3A_1282 = arith.select %eq3A_1279, %broadcast_in_dim3A_1281, %get3A_1278 : vector<16xi1>, vector<16xi32>
      %swap3A_1283 = arith.constant 1 : i32
      %swap3A_1284 = arith.index_cast %swap3A_1283 : i32 to index
      %swap3A_1285 = arith.constant 112 : index
      %swap3A_1286 = tpu.vector_load %arg7[%swap3A_1284, %swap3A_1285] {strides = array<i32>} : memref<2x128xi32, #tpu.memory_space<vmem>>, vector<1x16xi32>,
      %swap3A_1287 = vector.shape_cast %swap3A_1286 : vector<1x16xi32> to vector<16xi32>
      %swap3A_1288 = vector.shape_cast %select_n3A_1282 : vector<16xi32> to vector<1x16xi32>
      tpu.vector_store %arg7[%swap3A_1284, %swap3A_1285], %swap3A_1288 {strides = array<i32>} : memref<2x128xi32, #tpu.memory_space<vmem>>, vector<1x16xi32>,
      %dma_start3A_1289 = arith.constant 0 : i32
      %dma_start3A_1290 = arith.constant 0 : i32
      %dma_start3A_1291 = arith.constant 0 : i32
      %dma_start3A_1292 = tpu.memref_slice %arg10[%dma_start3A_1290, %dma_start3A_1291] : memref<128x128xf32, #tpu.memory_space<vmem>> -> memref<64x128xf32, #tpu.memory_space<vmem>>
      %dma_start3A_1293 = arith.constant 0 : i32
      %dma_start3A_1294 = tpu.memref_slice %arg7[%dma_start3A_1289, %dma_start3A_1293] : memref<2x128xi32, #tpu.memory_space<vmem>> -> memref<1x64xi32, #tpu.memory_space<vmem>>
      %dma_start3A_1295 = tpu.memref_squeeze %dma_start3A_1294 : memref<1x64xi32, #tpu.memory_space<vmem>> -> memref<64xi32, #tpu.memory_space<vmem>>
      %dma_start3A_1296 = arith.constant 0 : i32
      %dma_start3A_1297 = arith.constant 0 : i32
      %dma_start3A_1298 = tpu.memref_slice %arg2[%dma_start3A_1296, %dma_start3A_1297] : memref<10000x128xf32, #tpu.memory_space<hbm>> -> memref<10000x128xf32, #tpu.memory_space<hbm>>
      tpu.enqueue_indirect_dma source(%dma_start3A_1298 : memref<10000x128xf32, #tpu.memory_space<hbm>>) target(%dma_start3A_1292 : memref<64x128xf32, #tpu.memory_space<vmem>>) offsets(%dma_start3A_1295 : memref<64xi32, #tpu.memory_space<vmem>>) semaphore(%arg17 : memref<!tpu.dma_semaphore, #tpu.memory_space<semaphore_mem>>)
      %dma_start3A_1299 = arith.constant 0 : i32
      %dma_start3A_1300 = arith.constant 64 : i32
      %dma_start3A_1301 = arith.constant 0 : i32
      %dma_start3A_1302 = tpu.memref_slice %arg10[%dma_start3A_1300, %dma_start3A_1301] : memref<128x128xf32, #tpu.memory_space<vmem>> -> memref<64x128xf32, #tpu.memory_space<vmem>>
      %dma_start3A_1303 = arith.constant 64 : i32
      %dma_start3A_1304 = tpu.memref_slice %arg7[%dma_start3A_1299, %dma_start3A_1303] : memref<2x128xi32, #tpu.memory_space<vmem>> -> memref<1x64xi32, #tpu.memory_space<vmem>>
      %dma_start3A_1305 = tpu.memref_squeeze %dma_start3A_1304 : memref<1x64xi32, #tpu.memory_space<vmem>> -> memref<64xi32, #tpu.memory_space<vmem>>
      %dma_start3A_1306 = arith.constant 0 : i32
      %dma_start3A_1307 = arith.constant 0 : i32
      %dma_start3A_1308 = tpu.memref_slice %arg2[%dma_start3A_1306, %dma_start3A_1307] : memref<10000x128xf32, #tpu.memory_space<hbm>> -> memref<10000x128xf32, #tpu.memory_space<hbm>>
      tpu.enqueue_indirect_dma source(%dma_start3A_1308 : memref<10000x128xf32, #tpu.memory_space<hbm>>) target(%dma_start3A_1302 : memref<64x128xf32, #tpu.memory_space<vmem>>) offsets(%dma_start3A_1305 : memref<64xi32, #tpu.memory_space<vmem>>) semaphore(%arg17 : memref<!tpu.dma_semaphore, #tpu.memory_space<semaphore_mem>>)
      %dma_wait3A_1309 = arith.constant 0 : i32
      %dma_wait3A_1310 = arith.constant 0 : i32
      %dma_wait3A_1311 = arith.constant 0 : i32
      %dma_wait3A_1312 = tpu.memref_slice %arg9[%dma_wait3A_1310, %dma_wait3A_1311] : memref<128x128xf32, #tpu.memory_space<vmem>> -> memref<64x128xf32, #tpu.memory_space<vmem>>
      %dma_wait3A_1313 = arith.constant 0 : i32
      %dma_wait3A_1314 = tpu.memref_slice %arg6[%dma_wait3A_1309, %dma_wait3A_1313] : memref<2x128xi32, #tpu.memory_space<vmem>> -> memref<1x64xi32, #tpu.memory_space<vmem>>
      %dma_wait3A_1315 = tpu.memref_squeeze %dma_wait3A_1314 : memref<1x64xi32, #tpu.memory_space<vmem>> -> memref<64xi32, #tpu.memory_space<vmem>>
      %dma_wait3A_1316 = arith.constant 0 : i32
      %dma_wait3A_1317 = arith.constant 0 : i32
      %dma_wait3A_1318 = tpu.memref_slice %arg2[%dma_wait3A_1316, %dma_wait3A_1317] : memref<10000x128xf32, #tpu.memory_space<hbm>> -> memref<10000x128xf32, #tpu.memory_space<hbm>>
      tpu.wait_indirect_dma semaphore(%arg16 : memref<!tpu.dma_semaphore, #tpu.memory_space<semaphore_mem>>) src(%dma_wait3A_1318 : memref<10000x128xf32, #tpu.memory_space<hbm>>) dst(%dma_wait3A_1312 : memref<64x128xf32, #tpu.memory_space<vmem>>)
      %dma_wait3A_1319 = arith.constant 0 : i32
      %dma_wait3A_1320 = arith.constant 64 : i32
      %dma_wait3A_1321 = arith.constant 0 : i32
      %dma_wait3A_1322 = tpu.memref_slice %arg9[%dma_wait3A_1320, %dma_wait3A_1321] : memref<128x128xf32, #tpu.memory_space<vmem>> -> memref<64x128xf32, #tpu.memory_space<vmem>>
      %dma_wait3A_1323 = arith.constant 64 : i32
      %dma_wait3A_1324 = tpu.memref_slice %arg6[%dma_wait3A_1319, %dma_wait3A_1323] : memref<2x128xi32, #tpu.memory_space<vmem>> -> memref<1x64xi32, #tpu.memory_space<vmem>>
      %dma_wait3A_1325 = tpu.memref_squeeze %dma_wait3A_1324 : memref<1x64xi32, #tpu.memory_space<vmem>> -> memref<64xi32, #tpu.memory_space<vmem>>
      %dma_wait3A_1326 = arith.constant 0 : i32
      %dma_wait3A_1327 = arith.constant 0 : i32
      %dma_wait3A_1328 = tpu.memref_slice %arg2[%dma_wait3A_1326, %dma_wait3A_1327] : memref<10000x128xf32, #tpu.memory_space<hbm>> -> memref<10000x128xf32, #tpu.memory_space<hbm>>
      tpu.wait_indirect_dma semaphore(%arg16 : memref<!tpu.dma_semaphore, #tpu.memory_space<semaphore_mem>>) src(%dma_wait3A_1328 : memref<10000x128xf32, #tpu.memory_space<hbm>>) dst(%dma_wait3A_1322 : memref<64x128xf32, #tpu.memory_space<vmem>>)
      %dma_start3A_1329 = arith.constant 1 : i32
      %dma_start3A_1330 = arith.constant 0 : i32
      %dma_start3A_1331 = tpu.memref_slice %arg6[%dma_start3A_1329, %dma_start3A_1330] : memref<2x128xi32, #tpu.memory_space<vmem>> -> memref<1x128xi32, #tpu.memory_space<vmem>>
      %dma_start3A_1332 = tpu.memref_squeeze %dma_start3A_1331 : memref<1x128xi32, #tpu.memory_space<vmem>> -> memref<128xi32, #tpu.memory_space<vmem>>
      %dma_start3A_1333 = arith.constant 0 : i32
      %dma_start3A_1334 = arith.constant 0 : i32
      %dma_start3A_1335 = tpu.memref_slice %arg11[%dma_start3A_1333, %dma_start3A_1334] : memref<10112x128xf32, #tpu.memory_space<vmem_shared>> -> memref<10112x128xf32, #tpu.memory_space<vmem_shared>>
      tpu.enqueue_indirect_dma source(%arg9 : memref<128x128xf32, #tpu.memory_space<vmem>>) target(%dma_start3A_1335 : memref<10112x128xf32, #tpu.memory_space<vmem_shared>>) offsets(%dma_start3A_1332 : memref<128xi32, #tpu.memory_space<vmem>>) semaphore(%arg19 : memref<!tpu.dma_semaphore, #tpu.memory_space<semaphore_mem>>) {add = true}
      %dma_wait3A_1336 = arith.constant 1 : i32
      %dma_wait3A_1337 = arith.constant 0 : i32
      %dma_wait3A_1338 = tpu.memref_slice %arg5[%dma_wait3A_1336, %dma_wait3A_1337] : memref<2x128xi32, #tpu.memory_space<vmem>> -> memref<1x128xi32, #tpu.memory_space<vmem>>
      %dma_wait3A_1339 = tpu.memref_squeeze %dma_wait3A_1338 : memref<1x128xi32, #tpu.memory_space<vmem>> -> memref<128xi32, #tpu.memory_space<vmem>>
      %dma_wait3A_1340 = arith.constant 0 : i32
      %dma_wait3A_1341 = arith.constant 0 : i32
      %dma_wait3A_1342 = tpu.memref_slice %arg11[%dma_wait3A_1340, %dma_wait3A_1341] : memref<10112x128xf32, #tpu.memory_space<vmem_shared>> -> memref<10112x128xf32, #tpu.memory_space<vmem_shared>>
      tpu.wait_indirect_dma semaphore(%arg18 : memref<!tpu.dma_semaphore, #tpu.memory_space<semaphore_mem>>) src(%arg8 : memref<128x128xf32, #tpu.memory_space<vmem>>) dst(%dma_wait3A_1342 : memref<10112x128xf32, #tpu.memory_space<vmem_shared>>)
      %dma_wait3A_1343 = arith.constant 0 : i32
      %dma_wait3A_1344 = arith.constant 0 : i32
      %dma_wait3A_1345 = arith.constant 0 : i32
      %dma_wait3A_1346 = tpu.memref_slice %arg10[%dma_wait3A_1344, %dma_wait3A_1345] : memref<128x128xf32, #tpu.memory_space<vmem>> -> memref<64x128xf32, #tpu.memory_space<vmem>>
      %dma_wait3A_1347 = arith.constant 0 : i32
      %dma_wait3A_1348 = tpu.memref_slice %arg7[%dma_wait3A_1343, %dma_wait3A_1347] : memref<2x128xi32, #tpu.memory_space<vmem>> -> memref<1x64xi32, #tpu.memory_space<vmem>>
      %dma_wait3A_1349 = tpu.memref_squeeze %dma_wait3A_1348 : memref<1x64xi32, #tpu.memory_space<vmem>> -> memref<64xi32, #tpu.memory_space<vmem>>
      %dma_wait3A_1350 = arith.constant 0 : i32
      %dma_wait3A_1351 = arith.constant 0 : i32
      %dma_wait3A_1352 = tpu.memref_slice %arg2[%dma_wait3A_1350, %dma_wait3A_1351] : memref<10000x128xf32, #tpu.memory_space<hbm>> -> memref<10000x128xf32, #tpu.memory_space<hbm>>
      tpu.wait_indirect_dma semaphore(%arg17 : memref<!tpu.dma_semaphore, #tpu.memory_space<semaphore_mem>>) src(%dma_wait3A_1352 : memref<10000x128xf32, #tpu.memory_space<hbm>>) dst(%dma_wait3A_1346 : memref<64x128xf32, #tpu.memory_space<vmem>>)
      %dma_wait3A_1353 = arith.constant 0 : i32
      %dma_wait3A_1354 = arith.constant 64 : i32
      %dma_wait3A_1355 = arith.constant 0 : i32
      %dma_wait3A_1356 = tpu.memref_slice %arg10[%dma_wait3A_1354, %dma_wait3A_1355] : memref<128x128xf32, #tpu.memory_space<vmem>> -> memref<64x128xf32, #tpu.memory_space<vmem>>
      %dma_wait3A_1357 = arith.constant 64 : i32
      %dma_wait3A_1358 = tpu.memref_slice %arg7[%dma_wait3A_1353, %dma_wait3A_1357] : memref<2x128xi32, #tpu.memory_space<vmem>> -> memref<1x64xi32, #tpu.memory_space<vmem>>
      %dma_wait3A_1359 = tpu.memref_squeeze %dma_wait3A_1358 : memref<1x64xi32, #tpu.memory_space<vmem>> -> memref<64xi32, #tpu.memory_space<vmem>>
      %dma_wait3A_1360 = arith.constant 0 : i32
      %dma_wait3A_1361 = arith.constant 0 : i32
      %dma_wait3A_1362 = tpu.memref_slice %arg2[%dma_wait3A_1360, %dma_wait3A_1361] : memref<10000x128xf32, #tpu.memory_space<hbm>> -> memref<10000x128xf32, #tpu.memory_space<hbm>>
      tpu.wait_indirect_dma semaphore(%arg17 : memref<!tpu.dma_semaphore, #tpu.memory_space<semaphore_mem>>) src(%dma_wait3A_1362 : memref<10000x128xf32, #tpu.memory_space<hbm>>) dst(%dma_wait3A_1356 : memref<64x128xf32, #tpu.memory_space<vmem>>)
      %dma_start3A_1363 = arith.constant 1 : i32
      %dma_start3A_1364 = arith.constant 0 : i32
      %dma_start3A_1365 = tpu.memref_slice %arg7[%dma_start3A_1363, %dma_start3A_1364] : memref<2x128xi32, #tpu.memory_space<vmem>> -> memref<1x128xi32, #tpu.memory_space<vmem>>
      %dma_start3A_1366 = tpu.memref_squeeze %dma_start3A_1365 : memref<1x128xi32, #tpu.memory_space<vmem>> -> memref<128xi32, #tpu.memory_space<vmem>>
      %dma_start3A_1367 = arith.constant 0 : i32
      %dma_start3A_1368 = arith.constant 0 : i32
      %dma_start3A_1369 = tpu.memref_slice %arg11[%dma_start3A_1367, %dma_start3A_1368] : memref<10112x128xf32, #tpu.memory_space<vmem_shared>> -> memref<10112x128xf32, #tpu.memory_space<vmem_shared>>
      tpu.enqueue_indirect_dma source(%arg10 : memref<128x128xf32, #tpu.memory_space<vmem>>) target(%dma_start3A_1369 : memref<10112x128xf32, #tpu.memory_space<vmem_shared>>) offsets(%dma_start3A_1366 : memref<128xi32, #tpu.memory_space<vmem>>) semaphore(%arg20 : memref<!tpu.dma_semaphore, #tpu.memory_space<semaphore_mem>>) {add = true}
      %dma_wait3A_1370 = arith.constant 1 : i32
      %dma_wait3A_1371 = arith.constant 0 : i32
      %dma_wait3A_1372 = tpu.memref_slice %arg6[%dma_wait3A_1370, %dma_wait3A_1371] : memref<2x128xi32, #tpu.memory_space<vmem>> -> memref<1x128xi32, #tpu.memory_space<vmem>>
      %dma_wait3A_1373 = tpu.memref_squeeze %dma_wait3A_1372 : memref<1x128xi32, #tpu.memory_space<vmem>> -> memref<128xi32, #tpu.memory_space<vmem>>
      %dma_wait3A_1374 = arith.constant 0 : i32
      %dma_wait3A_1375 = arith.constant 0 : i32
      %dma_wait3A_1376 = tpu.memref_slice %arg11[%dma_wait3A_1374, %dma_wait3A_1375] : memref<10112x128xf32, #tpu.memory_space<vmem_shared>> -> memref<10112x128xf32, #tpu.memory_space<vmem_shared>>
      tpu.wait_indirect_dma semaphore(%arg19 : memref<!tpu.dma_semaphore, #tpu.memory_space<semaphore_mem>>) src(%arg9 : memref<128x128xf32, #tpu.memory_space<vmem>>) dst(%dma_wait3A_1376 : memref<10112x128xf32, #tpu.memory_space<vmem_shared>>)
      %dma_wait3A_1377 = arith.constant 1 : i32
      %dma_wait3A_1378 = arith.constant 0 : i32
      %dma_wait3A_1379 = tpu.memref_slice %arg7[%dma_wait3A_1377, %dma_wait3A_1378] : memref<2x128xi32, #tpu.memory_space<vmem>> -> memref<1x128xi32, #tpu.memory_space<vmem>>
      %dma_wait3A_1380 = tpu.memref_squeeze %dma_wait3A_1379 : memref<1x128xi32, #tpu.memory_space<vmem>> -> memref<128xi32, #tpu.memory_space<vmem>>
      %dma_wait3A_1381 = arith.constant 0 : i32
      %dma_wait3A_1382 = arith.constant 0 : i32
      %dma_wait3A_1383 = tpu.memref_slice %arg11[%dma_wait3A_1381, %dma_wait3A_1382] : memref<10112x128xf32, #tpu.memory_space<vmem_shared>> -> memref<10112x128xf32, #tpu.memory_space<vmem_shared>>
      tpu.wait_indirect_dma semaphore(%arg20 : memref<!tpu.dma_semaphore, #tpu.memory_space<semaphore_mem>>) src(%arg10 : memref<128x128xf32, #tpu.memory_space<vmem>>) dst(%dma_wait3A_1383 : memref<10112x128xf32, #tpu.memory_space<vmem_shared>>)
    } else {
    }
    %barrier3A_29 = arith.constant 0 : index
    tpu.barrier barrier_id(%barrier3A_29)
    "tpu.region"() ({
      %run_scoped3A = tpu.sem_alloc : memref<!tpu.dma_semaphore, #tpu.memory_space<semaphore_mem>>
      %dma_start3A = arith.constant 0 : i32
      %dma_start3A_30 = arith.constant 0 : i32
      %dma_start3A_31 = tpu.memref_slice %arg4[%arg0, %dma_start3A, %dma_start3A_30] : memref<2x10112x128xf32, #tpu.memory_space<hbm>> -> memref<1x10112x128xf32, #tpu.memory_space<hbm>>
      %dma_start3A_32 = tpu.memref_squeeze %dma_start3A_31 : memref<1x10112x128xf32, #tpu.memory_space<hbm>> -> memref<10112x128xf32, #tpu.memory_space<hbm>>
      %dma_start3A_33 = arith.constant 0 : i32
      %dma_start3A_34 = tpu.memref_slice %dma_start3A_32[%mul3A_6, %dma_start3A_33] : memref<10112x128xf32, #tpu.memory_space<hbm>> -> memref<632x128xf32, #tpu.memory_space<hbm>>
      %dma_start3A_35 = arith.constant 0 : i32
      %dma_start3A_36 = tpu.memref_slice %arg11[%mul3A_6, %dma_start3A_35] : memref<10112x128xf32, #tpu.memory_space<vmem_shared>> -> memref<632x128xf32, #tpu.memory_space<vmem_shared>>
      tpu.enqueue_dma source(%dma_start3A_36 : memref<632x128xf32, #tpu.memory_space<vmem_shared>>) target(%dma_start3A_34 : memref<632x128xf32, #tpu.memory_space<hbm>>) target_semaphore(%run_scoped3A : memref<!tpu.dma_semaphore, #tpu.memory_space<semaphore_mem>>)
      %dma_wait3A = arith.constant 0 : i32
      %dma_wait3A_37 = arith.constant 0 : i32
      %dma_wait3A_38 = tpu.memref_slice %arg4[%arg0, %dma_wait3A, %dma_wait3A_37] : memref<2x10112x128xf32, #tpu.memory_space<hbm>> -> memref<1x10112x128xf32, #tpu.memory_space<hbm>>
      %dma_wait3A_39 = tpu.memref_squeeze %dma_wait3A_38 : memref<1x10112x128xf32, #tpu.memory_space<hbm>> -> memref<10112x128xf32, #tpu.memory_space<hbm>>
      %dma_wait3A_40 = arith.constant 0 : i32
      %dma_wait3A_41 = tpu.memref_slice %dma_wait3A_39[%mul3A_6, %dma_wait3A_40] : memref<10112x128xf32, #tpu.memory_space<hbm>> -> memref<632x128xf32, #tpu.memory_space<hbm>>
      %dma_wait3A_42 = arith.constant 0 : i32
      %dma_wait3A_43 = tpu.memref_slice %arg11[%mul3A_6, %dma_wait3A_42] : memref<10112x128xf32, #tpu.memory_space<vmem_shared>> -> memref<632x128xf32, #tpu.memory_space<vmem_shared>>
      tpu.wait_dma2 semaphore(%run_scoped3A : memref<!tpu.dma_semaphore, #tpu.memory_space<semaphore_mem>>) src(%dma_wait3A_43 : memref<632x128xf32, #tpu.memory_space<vmem_shared>>) dst(%dma_wait3A_41 : memref<632x128xf32, #tpu.memory_space<hbm>>)
      tpu.yield
    }) : () -> ()
    return
  }
}

</mosaic_0001>

<sc_bundles>
// kernel: _sc_scatter.3.cloned.1.call-start
scs
__scs_entry_jumppad:
0x0: {  	(pc) =	sbr.rel $0x88, $3  }
0x1: {  	(tag) =	ssettag $0x0;
	lr =	simm.s32 $0x1  }
0x2: {  	[smem:$0x3F9F] =	sst lr;
	_ =	strace $0xD0000000  }
0x3: {  	_ = 	snop  }
0x4: {  	_ = 	snop  }
0x5: {  	_ = 	snop  }
0x6: {  	_ = 	snop  }
0x7: {  	_ = 	snop  }
__scs_overlays_trampoline_lowered:
0x8: {  	[smem:$0x3FAE] =	sst s0  }
0x9: {  	[smem:$0x3FAF] =	sst s1  }
0xa: {  	[smem:$0x3FB0] =	sst s2  }
0xb: {  	[smem:$0x3FB1] =	sst s3  }
0xc: {  	[smem:$0x3FB2] =	sst s4  }
0xd: {  	[smem:$0x3FB3] =	sst s5  }
0xe: {  	[smem:$0x3FB4] =	sst s6  }
0xf: {  	[smem:$0x3FB5] =	sst s7  }
0x10: {  	[smem:$0x3FB6] =	sst s8  }
0x11: {  	[smem:$0x3FB7] =	sst s9;
	s0 =	simm.s32 @!p0 $0x0  }
0x12: {  	s1 =	sld [smem:$0x3F9D];
	s0 =	simm.s32 @p0 $0x1  }
0x13: {  	[smem:$0x3FB8] =	sst s0;
	s0 =	simm.s32 @!p1 $0x0  }
0x14: {  	s2 =	sld [smem:$0x3F9C];
	s0 =	simm.s32 @p1 $0x1  }
0x15: {  	[smem:$0x3FB9] =	sst s0;
	s0 =	simm.s32 @!p2 $0x0  }
0x16: {  	s3 =	sld [smem:$0x3FDB];
	s0 =	simm.s32 @p2 $0x1  }
0x17: {  	s4 =	simm.s32 $0x1BF5;
	[smem:$0x3FBB] =	sst s0  }
0x18: {  	s0 =	sld [smem:$0x3F9E];
	_ =	swait.ge [sflag:s4], $0x0  }
0x19: {  	s7 =	sld [smem:$0x3F9F]  }
0x1a: {  	s8 =	sadd.s32 $0xFFFFE003, lr  }
0x1b: {  	s9 =	sadd.s32 $0xFFFFFEF7, lr;
	s5 =	simm.s32 $0xFFFFFFFF;
	p2 =	slt.u32 s8, $0xFFFFF086  }
0x1c: {  	p1 =	slt.u32 s9, $0xF7A;
	s5 =	simm.s32 @!p2 $0x0  }
0x1d: {  	s5 =	simm.s32 @p1 $0x1;
	p0 =	seq.s32 s7, s2  }
0x1e: {  	s7 =	smul.u32 @!p0 $0xF7A, s2;
	p2 =	seq.s32 @!p0 s5, $0x0  }
0x1f: {  	s9 =	smul.u32 $0xF7A, s1;
	s8 =	simm.s32 @!p0 $0x1BF5;
	p2 =	por !p2, p0  }
0x20: {  	[sflag:s8] =	ssyncset.s32 @!p0 $0xFFFFF086;
	s6 =	sadd.s32 @!p0 s3, s7;
	s7 =	simm.s32 @!p0 $0x108  }
0x21: {  	s3 =	sadd.s32 s3, s9;
	s6 =	sadd.s32 @!p0 $0x88, s6;
	s7 =	simm.s32 @p2 $0x1082  }
0x22: {  	[simem:s7], [sflag:s8] =	dma.local @!p0 [hbm:s6], $0xF7A  }
0x23: {  	s9 =	sor.u32 $0xD0000000, s2;
	s6 =	simm.s32 $0x108;
	_ =	swait.ge @!p0 [sflag:s8], $0x0  }
0x24: {  	s3 =	sadd.s32 $0x88, s3;
	s6 =	simm.s32 @!p1 $0x1082;
	[sflag:s4] =	ssyncset.s32 $0xFFFFF086  }
0x25: {  	[simem:s6], [sflag:s4] =	dma.local [hbm:s3], $0xF7A  }
0x26: {  	[smem:$0x3F9F] =	sst s1;
	(tag) =	ssettag s2;
	_ =	strace s9  }
0x27: {  	s1 =	sld [smem:$0x3FAF]  }
0x28: {  	s2 =	sld [smem:$0x3FB0]  }
0x29: {  	s4 =	sld [smem:$0x3FB2]  }
0x2a: {  	p0 =	seq.s32 s5, $0x0;
	s5 =	sld [smem:$0x3FB3]  }
0x2b: {  	s6 =	sld [smem:$0x3FB4]  }
0x2c: {  	s7 =	sld [smem:$0x3FB5]  }
0x2d: {  	s3 =	simm.s32 $0x108;
	s8 =	sld [smem:$0x3FB6]  }
0x2e: {  	s3 =	simm.s32 @!p0 $0x1082;
	s9 =	sld [smem:$0x3FB7]  }
0x2f: {  	lr =	sadd.s32 s0, s3;
	s0 =	sld [smem:$0x3FAE]  }
0x30: {  	s3 =	sld [smem:$0x3FB1]  }
0x31: {  	[smem:$0x3FBA] =	sst s10  }
0x32: {  	s10 =	sld [smem:$0x3FB8];
	_ =	sdelay $0x3  }
0x33: {  	p0 =	seq.s32 s10, $0x1;
	s10 =	sld [smem:$0x3FBA];
	_ =	sdelay $0x3  }
0x34: {  	[smem:$0x3FBA] =	sst s10  }
0x35: {  	s10 =	sld [smem:$0x3FB9];
	_ =	sdelay $0x3  }
0x36: {  	p1 =	seq.s32 s10, $0x1;
	s10 =	sld [smem:$0x3FBA];
	_ =	sdelay $0x3  }
0x37: {  	[smem:$0x3FBA] =	sst s10  }
0x38: {  	s10 =	sld [smem:$0x3FBB]  }
0x39: {  	_ = 	snop;
	(pc) =	sbr.ind lr, $3  }
0x3a: {  	_ = 	snop  }
0x3b: {  	_ = 	snop  }
0x3c: {  	p2 =	seq.s32 s10, $0x1;
	s10 =	sld [smem:$0x3FBA]  }
0x3d: {  	_ =	shalt  }
0x3e: {  	_ =	shalt  }
0x3f: {  	_ =	shalt  }
0x40: {  	_ =	shalt  }
0x41: {  	_ =	shalt  }
0x42: {  	_ =	shalt  }
0x43: {  	_ =	shalt  }
0x44: {  	_ =	shalt  }
0x45: {  	_ =	shalt  }
0x46: {  	_ =	shalt  }
0x47: {  	_ =	shalt  }
0x48: {  	_ =	shalt  }
0x49: {  	_ =	shalt  }
0x4a: {  	_ =	shalt  }
0x4b: {  	_ =	shalt  }
0x4c: {  	_ =	shalt  }
0x4d: {  	_ =	shalt  }
0x4e: {  	_ =	shalt  }
0x4f: {  	_ =	shalt  }
0x50: {  	_ =	shalt  }
0x51: {  	_ =	shalt  }
0x52: {  	_ =	shalt  }
0x53: {  	_ =	shalt  }
0x54: {  	_ =	shalt  }
0x55: {  	_ =	shalt  }
0x56: {  	_ =	shalt  }
0x57: {  	_ =	shalt  }
0x58: {  	_ =	shalt  }
0x59: {  	_ =	shalt  }
0x5a: {  	_ =	shalt  }
0x5b: {  	_ =	shalt  }
0x5c: {  	_ =	shalt  }
0x5d: {  	_ =	shalt  }
0x5e: {  	_ =	shalt  }
0x5f: {  	_ =	shalt  }
0x60: {  	_ =	shalt  }
0x61: {  	_ =	shalt  }
0x62: {  	_ =	shalt  }
0x63: {  	_ =	shalt  }
0x64: {  	_ =	shalt  }
0x65: {  	_ =	shalt  }
0x66: {  	_ =	shalt  }
0x67: {  	_ =	shalt  }
0x68: {  	_ =	shalt  }
0x69: {  	_ =	shalt  }
0x6a: {  	_ =	shalt  }
0x6b: {  	_ =	shalt  }
0x6c: {  	_ =	shalt  }
0x6d: {  	_ =	shalt  }
0x6e: {  	_ =	shalt  }
0x6f: {  	_ =	shalt  }
0x70: {  	_ =	shalt  }
0x71: {  	_ =	shalt  }
0x72: {  	_ =	shalt  }
0x73: {  	_ =	shalt  }
0x74: {  	_ =	shalt  }
0x75: {  	_ =	shalt  }
0x76: {  	_ =	shalt  }
0x77: {  	_ =	shalt  }
0x78: {  	_ =	shalt  }
0x79: {  	_ =	shalt  }
0x7a: {  	_ =	shalt  }
0x7b: {  	_ =	shalt  }
0x7c: {  	_ =	shalt  }
0x7d: {  	_ =	shalt  }
0x7e: {  	_ =	shalt  }
0x7f: {  	_ =	shalt  }
0x80: {  	_ =	shalt  }
0x81: {  	_ =	shalt  }
0x82: {  	_ =	shalt  }
0x83: {  	_ =	shalt  }
0x84: {  	_ =	shalt  }
0x85: {  	_ =	shalt  }
0x86: {  	_ =	shalt  }
0x87: {  	_ =	shalt  }
.Lfunc_end0:
.L_simem_size_0:
called_computation_lowered:
.L_overlay_start_0:
0x88: {  	s2 =	sld [smem:$0x3FD9]  }
0x89: {  	s3 =	sld [smem:$0x3FFE];
	_ =	sdelay $0x1  }
0x8a: {  	s1 =	srdreg.scid  }
0x8b: {  	s0 =	sand.u32 $0x1, s1  }
0x8c: {  	s18 =	sshll.u32 s0, $0xA;
	s2 =	sadd.s32 s3, s2  }
0x8d: {  	s2 =	sadd.s32 s2, s18  }
0x8e: {  	[smem:$0x3FC6] =	sst s2  }
0x8f: {  	_ = 	snop  }
0x90: {  	s2 =	sld [smem:$0x3FC9]  }
0x91: {  	s19 =	sld [smem:$0x3FC8]  }
0x92: {  	s4 =	sld [smem:$0x3FD0];
	(tm) =	ssettm $0x1  }
0x93: {  	s5 =	sld [smem:$0x3FFB];
	_ =	sdelay $0x3  }
0x94: {  	_ =	strace s5  }
0x95: {  	s5 =	sld [smem:$0x3FFC];
	_ =	sdelay $0x3  }
0x96: {  	_ =	strace s5  }
0x97: {  	s5 =	sld [smem:$0x3FFD];
	_ =	sdelay $0x3  }
0x98: {  	_ =	strace s5  }
0x99: {  	_ =	strace $0x8FFFFFFF  }
0x9a: {  	s20 =	sld [smem:$0x3FDB];
	_ =	sdelay $0x1  }
0x9b: {  	s6 =	simm.s32 $_scs_section_size  }
0x9c: {  	s7 =	simm.s32 $_size__tile_overlayer_lowered;
	s8 =	simm.s32 $_tile_overlayer_lowered  }
0x9d: {  	s23 =	simm.s32 $0x1BFF;
	s22 =	sshll.u32 s8, $0x1;
	s5 =	sadd.s32 s6, s20  }
0x9e: {  	s9 =	simm.s32 $0x0;
	s21 =	sshll.u32 s7, $0x1;
	s7 =	sadd.s32 s22, s5  }
0x9f: {  	[timem:s9], [sflag:s23] =	dma.local [hbm:s7], s21  }
0xa0: {  	_ =	swait.ge [sflag:s23], s21  }
0xa1: {  	s6 =	ssub.s32 $0x0, s21;
	[sflag:s23] =	ssyncset.done $0x0  }
0xa2: {  	[sflag:s23] =	ssyncadd.s32 s6;
	_ =	sdelay $0x1  }
0xa3: {  	s24 =	simm.s32 $0x1B8B  }
0xa4: {  	_ =	swait.ge [sflag:s24], $0x1  }
0xa5: {  	[sflag:s24] =	ssyncset.done $0x0  }
0xa6: {  	s25 =	simm.s32 $0x1B8E;
	[sflag:s24] =	ssyncadd.s32 $0xFFFFFFFF  }
0xa7: {  	s26 =	simm.s32 $execute0_lowered;
	[smem:$0x3FD2] =	sst s25  }
0xa8: {  	s6 =	sshll.u32 s26, $0x1;
	_ =	strace $0x80000046;
	[dreg:$0x1] =	wrdreg $0xFFFFFFFF  }
0xa9: {  	s28 =	simm.s32 $_size_execute0_lowered;
	s5 =	sadd.s32 s5, s6;
	[dreg:$0x0] =	wrdreg $0x0  }
0xaa: {  	s6 =	sshll.u32 s28, $0x1;
	[dreg:$0x2] =	wrdreg s5  }
0xab: {  	[dreg:$0x3] =	wrdreg s6  }
0xac: {  	[dreg:$0x4] =	wrdreg $0xC0  }
0xad: {  	_ =	task [dreg:s9], $0x5FFFF  }
0xae: {  	[dreg:$0x1] =	wrdreg $0xFFFFFFFF  }
0xaf: {  	[dreg:$0x0] =	wrdreg $0x60  }
0xb0: {  	[dreg:$0x2] =	wrdreg s2  }
0xb1: {  	[dreg:$0x3] =	wrdreg s19  }
0xb2: {  	[dreg:$0x4] =	wrdreg s4  }
0xb3: {  	[dreg:$0x5] =	wrdreg $0xC3000  }
0xb4: {  	[dreg:$0x6] =	wrdreg $0x9  }
0xb5: {  	_ =	task.clear_ibuf [dreg:s9], $0x7FFFF;
	_ =	strace $0x90000046  }
0xb6: {  	s29 =	simm.s32 $0x9;
	_ =	strace $0x80000048  }
0xb7: {  	_ =	swait.ge [sflag:s29], $0x1  }
0xb8: {  	[sflag:s29] =	ssyncadd.s32 $0xFFFFFFFF  }
0xb9: {  	_ =	strace $0x90000048  }
0xba: {  	_ =	sfence  }
0xbb: {  	s30 =	sld [smem:$0x0];
	_ =	sdelay $0x2  }
0xbc: {  	s31 =	sshll.u32 s1, $0xD;
	s1 =	sshrl.u32 s1, $0x2  }
0xbd: {  	s3 =	sand.u32 $0x4000, s31;
	s1 =	sadd.s32 s1, s30  }
0xbe: {  	s0 =	sor.u32 s3, s0;
	s1 =	sshll.u32 s1, $0x11  }
0xbf: {  	s0 =	sor.u32 s1, s0  }
0xc0: {  	s0 =	sadd.s32 $0x8F2B, s0  }
0xc1: {  	[sflag:s0] =	ssyncadd.remote.s32 $0x1  }
0xc2: {  	_ =	sfence.sel $0xFFFF  }
0xc3: {  	[dreg:$0x0] =	wrdreg $0xFFFFFFFF;
	(pc) =	sbr.abs _section_cstart, $3  }
0xc4: {  	[dreg:$0x1] =	wrdreg $0xFFFFFFFF  }
0xc5: {  	_ =	task.clear_ibuf [dreg:s9], $0x2FFFF;
	_ =	strace $0x9FFFFFFF  }
0xc6: {  	(tm) =	ssettm $0x7FFFFFFF  }
0xc7: {  	_ =	shalt  }
tec
execute0_lowered:
.L_overlay_start_1:
0x0: {  	(tag) =	ssettag $0x1  }
0x1: {  	s1 =	rddreg [dreg:$0x0]  }
0x2: {  	s0 =	rddreg [dreg:$0x1]  }
0x3: {  	s2 =	rddreg [dreg:$0x2]  }
0x4: {  	s4 =	srdreg.scid;
	s3 =	rddreg [dreg:$0x3]  }
0x5: {  	s11 =	stileid.u32;
	s28 =	simm.s32 $0x2300;
	s29 =	simm.s32 $0x2  }
0x6: {  	s30 =	simm.s32 $0x4300;
	s31 =	simm.s32 $0x0;
	s7 =	smul.u32 $0x4F000, s11  }
0x7: {  	s5 =	sand.u32 $0x1, s4;
	s4 =	simm.s32 $0x0;
	s16 =	smul.u32 $0x2700, s11  }
0x8: {  	s13 =	sshll.u32 s11, $0x5;
	s17 =	smul.u32 $0x2780, s11;
	p0 =	sgt.u32 s11, $0x1  }
0x9: {  	s6 =	sshll.u32 s5, $0x4;
	[smem:$0x7FF] =	sst s4;
	s8 =	ssub.s32 $0x2, s5  }
0xa: {  	s14 =	smul.u32 $0x27800, s5;
	s6 =	sor.u32 s11, s6;
	_ =	strace $0x80000047  }
0xb: {  	s10 =	sshrl.u32 s8, $0x1;
	s7 =	sshrl.u32 s7, $0x2;
	s9 =	smul.u32 $0x4E00, s6  }
0xc: {  	s11 =	simm.s32 $0xA300;
	s6 =	smul.u32 $0x9C0, s6;
	s8 =	ssub.s32 s8, s10  }
0xd: {  	s21 =	sadd.s32 s7, s3;
	s2 =	sadd.s32 s2, s14;
	s10 =	simm.s32 $0x240  }
0xe: {  	s14 =	simm.s32 $0x180;
	s24 =	sadd.s32 $0x10000, s21;
	[dreg:$0x5] =	wrdreg s21  }
0xf: {  	s8 =	smax.u32 s8, $0x1;
	s9 =	sshrl.u32 s9, $0x3;
	[dreg:$0x7] =	wrdreg s24  }
0x10: {  	s22 =	sadd.s32 s0, s6;
	[dreg:$0x12] =	wrdreg s8;
	s24 =	sadd.s32 $0xC000, s21  }
0x11: {  	s23 =	sadd.s32 s0, s9;
	[dreg:$0x6] =	wrdreg s22;
	s7 =	sadd.s32 $0x20, s22  }
0x12: {  	s9 =	sshll.u32 s5, $0x6;
	s5 =	smul.u32 $0x27000, s5;
	[dreg:$0x10] =	wrdreg s24  }
0x13: {  	s22 =	sadd.s32 $0x4000, s21;
	s24 =	simm.s32 $0x9;
	[dreg:$0x8] =	wrdreg s7  }
0x14: {  	s25 =	sadd.s32 $0x40, s23;
	s26 =	sadd.s32 $0x60, s23;
	[dreg:$0xe] =	wrdreg s22  }
0x15: {  	s12 =	sadd.s32 $0x80, s23;
	s7 =	sadd.s32 s13, s9;
	[dreg:$0x9] =	wrdreg s25  }
0x16: {  	s6 =	sadd.s32 $0x9A0, s23;
	s23 =	sadd.s32 $0x8000, s21;
	[dreg:$0xa] =	wrdreg s26  }
0x17: {  	s21 =	simm.s32 $0x300;
	s13 =	simm.s32 $0x4;
	[dreg:$0xb] =	wrdreg s12  }
0x18: {  	s9 =	simm.s32 $0x8300;
	[dreg:$0xc] =	wrdreg s6;
	s15 =	sadd.s32 s7, s0  }
0x19: {  	[dreg:$0xf] =	wrdreg s23;
	s5 =	sadd.s32 s16, s5;
	s23 =	simm.s32 $0x100  }
0x1a: {  	s26 =	sadd.s32 s17, s2;
	s2 =	simm.s32 $0x80;
	s7 =	simm.s32 $0x200  }
0x1b: {  	s12 =	simm.s32 $0x5;
	s16 =	simm.s32 $0x6;
	s17 =	simm.s32 $0x280  }
0x1c: {  	s6 =	sadd.s32 $0x13800, s15;
	s25 =	sadd.s32 $0x300, s5;
	[dreg:$0x11] =	wrdreg s26  }
.Ltmp0:
0x1d: {  	s26 =	simm.s32 $0x40;
	s15 =	simm.s32 $0x7;
	(pc) =	sbr.rel .LBB2_1-.Ltmp0, $4  }
0x1e: {  	[dreg:$0xd] =	wrdreg s6;
	s6 =	sadd.s32 $0x380, s5;
	s5 =	sadd.s32 $0x280, s5  }
0x1f: {  	s8 =	sshrl.u32 s25, $0x2;
	s25 =	simm.s32 $0x1;
	s6 =	sshrl.u32 s6, $0x2  }
0x20: {  	s5 =	sshrl.u32 s5, $0x2;
	s19 =	sadd.s32 s8, s0;
	s8 =	simm.s32 $0x3  }
0x21: {  	v0 =	vimm.f32 $0.0e+00;
	s18 =	sadd.s32 s6, s0;
	s20 =	sadd.s32 s5, s0;
	s6 =	simm.s32 $0x8  }
.LBB2_8:
0x22: {  	_ =	swait.ge [sflag:s22], $0x4000  }
0x23: {  	[sflag:s22] =	ssyncset.done $0x0  }
0x24: {  	[sflag:s22] =	ssyncadd.s32 $0xFFFFC000  }
0x25: {  	_ =	swait.ge [sflag:s5], $0x4000  }
0x26: {  	[sflag:s5] =	ssyncset.done $0x0  }
0x27: {  	[sflag:s5] =	ssyncadd.s32 $0xFFFFC000  }
0x28: {  	s22 =	stileid.u32;
	[bflag:$0x0] =	sbarrier.arrive $0xFFFF  }
0x29: {  	s5 =	sshll.u32 s22, $0x6;
	s0 =	rddreg [dreg:$0x5]  }
0x2a: {  	s5 =	sor.u32 $0x1C0A, s5;
	s22 =	sshrl.u32 s0, $0x3;
	s0 =	rddreg [dreg:$0x11]  }
0x2b: {  	[hbm:s0], [sflag:s5] =	dma.local [spmem:s22], $0x2780  }
0x2c: {  	s0 =	simm.s32 $0xA  }
0x2d: {  	_ =	swait.ge [sflag:s0], $0x2780  }
0x2e: {  	s31 =	sadd.s32 $0x1, s31;
	s22 =	rddreg [dreg:$0x12]  }
0x2f: {  	p1 =	sne.s32 s31, s22  }
.Ltmp1:
0x30: {  	_ = 	snop;
	(pc) =	sbr.rel @!p1 .LBB2_9-.Ltmp1, $3  }
0x31: {  	_ =	sdelay $0x1  }
0x32: {  	[sflag:s0] =	ssyncset.done $0x0  }
0x33: {  	[sflag:s0] =	ssyncadd.s32 $0xFFFFD880  }
.LBB2_1:
0x34: {  	[dreg:$0x13] =	wrdreg s31;
	s5 =	simm.s32 $0x0;
	s22 =	simm.s32 $0x200  }
.LBB2_2:
0x35: {  	p1 =	sne.s32 s22, $0xFE00;
	[tilespmem:s5+$0x370] =	vst v0  }
0x36: {  	[tilespmem:s5+$0x300] =	vst v0  }
0x37: {  	[tilespmem:s5+$0x310] =	vst v0  }
.Ltmp2:
0x38: {  	[tilespmem:s5+$0x320] =	vst v0;
	(pc) =	sbr.rel @p1 .LBB2_2-.Ltmp2, $4  }
0x39: {  	[tilespmem:s5+$0x330] =	vst v0  }
0x3a: {  	[tilespmem:s5+$0x340] =	vst v0  }
0x3b: {  	[tilespmem:s5+$0x350] =	vst v0  }
0x3c: {  	[tilespmem:s5+$0x360] =	vst v0;
	s5 =	sshra.s32 s22, $0x2;
	s22 =	sadd.s32 $0x200, s22  }
0x3d: {  	[tilespmem:s5+$0x370] =	vst v0  }
0x3e: {  	[tilespmem:s5+$0x300] =	vst v0  }
0x3f: {  	[tilespmem:s5+$0x310] =	vst v0  }
0x40: {  	[tilespmem:s5+$0x320] =	vst v0  }
0x41: {  	[tilespmem:s5+$0x330] =	vst v0  }
0x42: {  	[tilespmem:s5+$0x340] =	vst v0  }
0x43: {  	[tilespmem:s5+$0x350] =	vst v0  }
0x44: {  	[tilespmem:s5+$0x360] =	vst v0;
	s0 =	rddreg [dreg:$0x5];
	s22 =	simm.s32 $0xA  }
0x45: {  	[spmem:s0] =	stream.linear.scatter [tilespmem:s21], [sflag:$0xA], $0x4000, $0x38;
	[tilespmem:$0x1FF00] =	vst v63  }
0x46: {  	_ =	swait.ge [sflag:s22], $0x4000  }
0x47: {  	[sflag:s22] =	ssyncset.done $0x0  }
0x48: {  	s0 =	rddreg [dreg:$0xe];
	[sflag:s22] =	ssyncadd.s32 $0xFFFFC000  }
0x49: {  	[spmem:s0] =	stream.linear.scatter [tilespmem:s21], [sflag:$0xA], $0x4000, $0x38;
	[tilespmem:$0x1FF00] =	vst v63  }
0x4a: {  	_ =	swait.ge [sflag:s22], $0x4000  }
0x4b: {  	[sflag:s22] =	ssyncset.done $0x0  }
0x4c: {  	s5 =	rddreg [dreg:$0xf];
	[sflag:s22] =	ssyncadd.s32 $0xFFFFC000  }
0x4d: {  	[spmem:s5] =	stream.linear.scatter [tilespmem:s21], [sflag:$0xA], $0x4000, $0x38;
	[tilespmem:$0x1FF00] =	vst v63  }
0x4e: {  	_ =	swait.ge [sflag:s22], $0x4000  }
0x4f: {  	[sflag:s22] =	ssyncset.done $0x0  }
0x50: {  	s5 =	rddreg [dreg:$0x10];
	[sflag:s22] =	ssyncadd.s32 $0xFFFFC000  }
0x51: {  	[spmem:s5] =	stream.linear.scatter [tilespmem:s21], [sflag:$0xA], $0x4000, $0x38;
	[tilespmem:$0x1FF00] =	vst v63  }
0x52: {  	_ =	swait.ge [sflag:s22], $0x4000  }
0x53: {  	[sflag:s22] =	ssyncset.done $0x0  }
0x54: {  	s0 =	rddreg [dreg:$0x7];
	[sflag:s22] =	ssyncadd.s32 $0xFFFFC000  }
0x55: {  	[spmem:s0] =	stream.linear.scatter [tilespmem:s21], [sflag:$0xA], $0x3C00, $0x38;
	[tilespmem:$0x1FF00] =	vst v63  }
0x56: {  	_ =	swait.ge [sflag:s22], $0x3C00  }
0x57: {  	[sflag:s22] =	ssyncset.done $0x0  }
0x58: {  	[sflag:s22] =	ssyncadd.s32 $0xFFFFC400  }
0x59: {  	[bflag:$0x0] =	sbarrier.arrive $0xFFFF  }
0x5a: {  	s5 =	simm.s32 $0x0;
	s0 =	rddreg [dreg:$0x6]  }
0x5b: {  	[tilespmem:s5], [sflag:$0x1] =	stream.linear.gather [hbm4b:s0+s5], $0x100, $0x38;
	[tilespmem:$0x1FF00] =	vst v63  }
0x5c: {  	s0 =	rddreg [dreg:$0x8]  }
0x5d: {  	[tilespmem:s23], [sflag:$0x2] =	stream.linear.gather [hbm4b:s0+s5], $0x100, $0x38;
	[tilespmem:$0x1FF00] =	vst v63  }
0x5e: {  	_ =	swait.ge [sflag:s25], $0x100  }
0x5f: {  	[sflag:s25] =	ssyncset.done $0x0  }
0x60: {  	[sflag:s25] =	ssyncadd.s32 $0xFFFFFF00  }
0x61: {  	v1 =	vld [tilespmem:$0x0]  }
0x62: {  	v2 =	vld [tilespmem:$0x80]  }
0x63: {  	v3 =	vld [tilespmem:$0x10]  }
0x64: {  	v4 =	vld [tilespmem:$0x90]  }
0x65: {  	v5 =	vld [tilespmem:$0x20]  }
0x66: {  	v6 =	vld [tilespmem:$0xA0]  }
0x67: {  	v7 =	vld [tilespmem:$0x30]  }
0x68: {  	v8 =	vld [tilespmem:$0xB0]  }
0x69: {  	v9 =	vld [tilespmem:$0x40]  }
0x6a: {  	v10 =	vld [tilespmem:$0xC0]  }
0x6b: {  	v11 =	vld [tilespmem:$0x50]  }
0x6c: {  	v12 =	vld [tilespmem:$0xD0]  }
0x6d: {  	v13 =	vld [tilespmem:$0x60]  }
0x6e: {  	v30 =	vld [tilespmem:$0xF0];
	vm0 =	veq.s32 v1, v2  }
0x6f: {  	v1 =	vld [tilespmem:$0xE0];
	vm9 =	veq.s32 v3, v4;
	v2 =	vsel vm0, $0x2710, v2  }
0x70: {  	v3 =	vld [tilespmem:$0x70];
	vm10 =	veq.s32 v5, v6;
	[tilespmem:$0x80] =	vst v2;
	v2 =	vsel vm9, $0x2710, v4  }
0x71: {  	vm11 =	veq.s32 v7, v8;
	[tilespmem:$0x90] =	vst v2;
	v2 =	vsel vm10, $0x2710, v6  }
0x72: {  	vm12 =	veq.s32 v9, v10;
	[tilespmem:$0xA0] =	vst v2;
	v2 =	vsel vm11, $0x2710, v8  }
0x73: {  	vm13 =	veq.s32 v11, v12;
	[tilespmem:$0xB0] =	vst v2;
	v2 =	vsel vm12, $0x2710, v10  }
0x74: {  	vm14 =	veq.s32 v13, v1;
	[tilespmem:$0xC0] =	vst v2;
	v2 =	vsel vm13, $0x2710, v12  }
0x75: {  	vm15 =	veq.s32 v3, v30;
	v1 =	vsel vm14, $0x2710, v1;
	[tilespmem:$0xD0] =	vst v2  }
0x76: {  	[tilespmem:$0xE0] =	vst v1;
	v1 =	vsel vm15, $0x2710, v30  }
0x77: {  	[tilespmem:$0xF0] =	vst v1  }
0x78: {  	[tilespmem:s21], [sflag:$0x4] =	stream.indirect.gather [hbm4b:s1+s26], $0x80, s5, s26, $0xb8;
	[tilespmem:$0x1FF00] =	vst v63  }
0x79: {  	_ = 	snop  }
0x7a: {  	[tilespmem:s28], [sflag:$0x4] =	stream.indirect.gather [hbm4b:s1+s26], $0x80, s26, s26, $0xb8;
	[tilespmem:$0x1FF00] =	vst v63  }
0x7b: {  	_ =	swait.ge [sflag:s29], $0x100  }
0x7c: {  	[sflag:s29] =	ssyncset.done $0x0  }
0x7d: {  	[sflag:s29] =	ssyncadd.s32 $0xFFFFFF00  }
0x7e: {  	v1 =	vld [tilespmem:$0x100]  }
0x7f: {  	v2 =	vld [tilespmem:$0x180]  }
0x80: {  	v3 =	vld [tilespmem:$0x110]  }
0x81: {  	v31 =	vld [tilespmem:$0x190]  }
0x82: {  	v32 =	vld [tilespmem:$0x120]  }
0x83: {  	v33 =	vld [tilespmem:$0x1A0]  }
0x84: {  	v34 =	vld [tilespmem:$0x130]  }
0x85: {  	v35 =	vld [tilespmem:$0x1B0]  }
0x86: {  	v36 =	vld [tilespmem:$0x140]  }
0x87: {  	v37 =	vld [tilespmem:$0x1C0]  }
0x88: {  	v38 =	vld [tilespmem:$0x150]  }
0x89: {  	v39 =	vld [tilespmem:$0x1D0]  }
0x8a: {  	v40 =	vld [tilespmem:$0x160]  }
0x8b: {  	v41 =	vld [tilespmem:$0x1F0];
	vm4 =	veq.s32 v1, v2  }
0x8c: {  	v1 =	vld [tilespmem:$0x1E0];
	vm5 =	veq.s32 v3, v31;
	v2 =	vsel vm4, $0x2710, v2  }
0x8d: {  	v3 =	vld [tilespmem:$0x170];
	vm6 =	veq.s32 v32, v33;
	[tilespmem:$0x180] =	vst v2;
	v2 =	vsel vm5, $0x2710, v31  }
0x8e: {  	vm7 =	veq.s32 v34, v35;
	[tilespmem:$0x190] =	vst v2;
	v2 =	vsel vm6, $0x2710, v33  }
0x8f: {  	vm8 =	veq.s32 v36, v37;
	[tilespmem:$0x1A0] =	vst v2;
	v2 =	vsel vm7, $0x2710, v35  }
0x90: {  	vm9 =	veq.s32 v38, v39;
	[tilespmem:$0x1B0] =	vst v2;
	v2 =	vsel vm8, $0x2710, v37  }
0x91: {  	vm10 =	veq.s32 v40, v1;
	[tilespmem:$0x1C0] =	vst v2;
	v2 =	vsel vm9, $0x2710, v39  }
0x92: {  	vm11 =	veq.s32 v3, v41;
	v1 =	vsel vm10, $0x2710, v1;
	[tilespmem:$0x1D0] =	vst v2  }
0x93: {  	[tilespmem:$0x1E0] =	vst v1;
	v1 =	vsel vm11, $0x2710, v41  }
0x94: {  	[tilespmem:$0x1F0] =	vst v1  }
0x95: {  	[tilespmem:s30], [sflag:$0x5] =	stream.indirect.gather [hbm4b:s1+s26], $0x80, s23, s26, $0xb8;
	[tilespmem:$0x1FF00] =	vst v63  }
0x96: {  	s31 =	simm.s32 $0x6300;
	s0 =	simm.s32 $0x140  }
0x97: {  	[tilespmem:s31], [sflag:$0x5] =	stream.indirect.gather [hbm4b:s1+s26], $0x80, s0, s26, $0xb8;
	[tilespmem:$0x1FF00] =	vst v63  }
0x98: {  	_ =	swait.ge [sflag:s13], $0x2000  }
0x99: {  	[sflag:s13] =	ssyncset.done $0x0  }
0x9a: {  	[sflag:s13] =	ssyncadd.s32 $0xFFFFE000  }
0x9b: {  	_ =	swait.ge [sflag:s13], $0x2000  }
0x9c: {  	[sflag:s13] =	ssyncset.done $0x0  }
0x9d: {  	[sflag:s13] =	ssyncadd.s32 $0xFFFFE000  }
0x9e: {  	[spmem:s3] =	stream.indirect.scatter.add.f32 [tilespmem:s21], [sflag:$0x7], $0x80, s2, s2, $0xb8;
	[tilespmem:$0x1FF00] =	vst v63  }
0x9f: {  	s22 =	rddreg [dreg:$0x9]  }
0xa0: {  	[tilespmem:s7], [sflag:$0x3] =	stream.linear.gather [hbm4b:s22+s5], $0x100, $0x38;
	[tilespmem:$0x1FF00] =	vst v63  }
0xa1: {  	_ =	swait.ge [sflag:s8], $0x100  }
0xa2: {  	[sflag:s8] =	ssyncset.done $0x0  }
0xa3: {  	[sflag:s8] =	ssyncadd.s32 $0xFFFFFF00  }
0xa4: {  	v1 =	vld [tilespmem:$0x200]  }
0xa5: {  	v2 =	vld [tilespmem:$0x280]  }
0xa6: {  	v3 =	vld [tilespmem:$0x210]  }
0xa7: {  	v42 =	vld [tilespmem:$0x290]  }
0xa8: {  	v43 =	vld [tilespmem:$0x220]  }
0xa9: {  	v44 =	vld [tilespmem:$0x2A0]  }
0xaa: {  	v45 =	vld [tilespmem:$0x230]  }
0xab: {  	v46 =	vld [tilespmem:$0x2B0]  }
0xac: {  	v47 =	vld [tilespmem:$0x240]  }
0xad: {  	v48 =	vld [tilespmem:$0x2C0]  }
0xae: {  	v49 =	vld [tilespmem:$0x250]  }
0xaf: {  	v50 =	vld [tilespmem:$0x2D0]  }
0xb0: {  	v51 =	vld [tilespmem:$0x260]  }
0xb1: {  	v52 =	vld [tilespmem:$0x2F0];
	vm12 =	veq.s32 v1, v2  }
0xb2: {  	v1 =	vld [tilespmem:$0x2E0];
	vm13 =	veq.s32 v3, v42;
	v2 =	vsel vm12, $0x2710, v2  }
0xb3: {  	v3 =	vld [tilespmem:$0x270];
	vm14 =	veq.s32 v43, v44;
	[tilespmem:$0x280] =	vst v2;
	v2 =	vsel vm13, $0x2710, v42  }
0xb4: {  	vm15 =	veq.s32 v45, v46;
	[tilespmem:$0x290] =	vst v2;
	v2 =	vsel vm14, $0x2710, v44  }
0xb5: {  	vm4 =	veq.s32 v47, v48;
	[tilespmem:$0x2A0] =	vst v2;
	v2 =	vsel vm15, $0x2710, v46  }
0xb6: {  	vm5 =	veq.s32 v49, v50;
	[tilespmem:$0x2B0] =	vst v2;
	v2 =	vsel vm4, $0x2710, v48  }
0xb7: {  	vm6 =	veq.s32 v51, v1;
	[tilespmem:$0x2C0] =	vst v2;
	v2 =	vsel vm5, $0x2710, v50  }
0xb8: {  	vm7 =	veq.s32 v3, v52;
	v1 =	vsel vm6, $0x2710, v1;
	[tilespmem:$0x2D0] =	vst v2  }
0xb9: {  	[tilespmem:$0x2E0] =	vst v1;
	v1 =	vsel vm7, $0x2710, v52  }
0xba: {  	[tilespmem:$0x2F0] =	vst v1  }
0xbb: {  	[tilespmem:s9], [sflag:$0x6] =	stream.indirect.gather [hbm4b:s1+s26], $0x80, s7, s26, $0xb8;
	[tilespmem:$0x1FF00] =	vst v63  }
0xbc: {  	_ = 	snop  }
0xbd: {  	[tilespmem:s11], [sflag:$0x6] =	stream.indirect.gather [hbm4b:s1+s26], $0x80, s10, s26, $0xb8;
	[tilespmem:$0x1FF00] =	vst v63  }
0xbe: {  	_ =	swait.ge [sflag:s12], $0x2000  }
0xbf: {  	[sflag:s12] =	ssyncset.done $0x0  }
0xc0: {  	[sflag:s12] =	ssyncadd.s32 $0xFFFFE000  }
0xc1: {  	_ =	swait.ge [sflag:s12], $0x2000  }
0xc2: {  	[sflag:s12] =	ssyncset.done $0x0  }
0xc3: {  	[sflag:s12] =	ssyncadd.s32 $0xFFFFE000  }
0xc4: {  	[spmem:s3] =	stream.indirect.scatter.add.f32 [tilespmem:s30], [sflag:$0x8], $0x80, s14, s2, $0xb8;
	[tilespmem:$0x1FF00] =	vst v63  }
0xc5: {  	_ =	swait.ge [sflag:s15], $0x4000  }
0xc6: {  	[sflag:s15] =	ssyncset.done $0x0  }
0xc7: {  	s22 =	rddreg [dreg:$0xa];
	[sflag:s15] =	ssyncadd.s32 $0xFFFFC000  }
0xc8: {  	[tilespmem:s5], [sflag:$0x1] =	stream.linear.gather [hbm4b:s22+s5], $0x100, $0x38;
	[tilespmem:$0x1FF00] =	vst v63  }
0xc9: {  	_ =	swait.ge [sflag:s25], $0x100  }
0xca: {  	[sflag:s25] =	ssyncset.done $0x0  }
0xcb: {  	[sflag:s25] =	ssyncadd.s32 $0xFFFFFF00  }
0xcc: {  	v1 =	vld [tilespmem:$0x0]  }
0xcd: {  	v2 =	vld [tilespmem:$0x80]  }
0xce: {  	v3 =	vld [tilespmem:$0x10]  }
0xcf: {  	v53 =	vld [tilespmem:$0x90]  }
0xd0: {  	v54 =	vld [tilespmem:$0x20]  }
0xd1: {  	v55 =	vld [tilespmem:$0xA0]  }
0xd2: {  	v56 =	vld [tilespmem:$0x30]  }
0xd3: {  	v57 =	vld [tilespmem:$0xB0]  }
0xd4: {  	v58 =	vld [tilespmem:$0x40]  }
0xd5: {  	v59 =	vld [tilespmem:$0xC0]  }
0xd6: {  	v60 =	vld [tilespmem:$0x50]  }
0xd7: {  	v61 =	vld [tilespmem:$0xD0]  }
0xd8: {  	v62 =	vld [tilespmem:$0x60]  }
0xd9: {  	v63 =	vld [tilespmem:$0xF0];
	vm8 =	veq.s32 v1, v2  }
0xda: {  	v1 =	vld [tilespmem:$0xE0];
	vm9 =	veq.s32 v3, v53;
	v2 =	vsel vm8, $0x2710, v2  }
0xdb: {  	v3 =	vld [tilespmem:$0x70];
	vm10 =	veq.s32 v54, v55;
	[tilespmem:$0x80] =	vst v2;
	v2 =	vsel vm9, $0x2710, v53  }
0xdc: {  	vm11 =	veq.s32 v56, v57;
	[tilespmem:$0x90] =	vst v2;
	v2 =	vsel vm10, $0x2710, v55  }
0xdd: {  	vm12 =	veq.s32 v58, v59;
	[tilespmem:$0xA0] =	vst v2;
	v2 =	vsel vm11, $0x2710, v57  }
0xde: {  	vm13 =	veq.s32 v60, v61;
	[tilespmem:$0xB0] =	vst v2;
	v2 =	vsel vm12, $0x2710, v59  }
0xdf: {  	vm14 =	veq.s32 v62, v1;
	[tilespmem:$0xC0] =	vst v2;
	v2 =	vsel vm13, $0x2710, v61  }
0xe0: {  	vm15 =	veq.s32 v3, v63;
	v1 =	vsel vm14, $0x2710, v1;
	[tilespmem:$0xD0] =	vst v2  }
0xe1: {  	[tilespmem:$0xE0] =	vst v1;
	v1 =	vsel vm15, $0x2710, v63  }
0xe2: {  	[tilespmem:$0xF0] =	vst v1  }
0xe3: {  	[tilespmem:s21], [sflag:$0x4] =	stream.indirect.gather [hbm4b:s1+s26], $0x80, s5, s26, $0xb8;
	[tilespmem:$0x1FF00] =	vst v63  }
0xe4: {  	_ = 	snop  }
0xe5: {  	[tilespmem:s28], [sflag:$0x4] =	stream.indirect.gather [hbm4b:s1+s26], $0x80, s26, s26, $0xb8;
	[tilespmem:$0x1FF00] =	vst v63  }
0xe6: {  	_ =	swait.ge [sflag:s16], $0x2000  }
0xe7: {  	[sflag:s16] =	ssyncset.done $0x0  }
0xe8: {  	[sflag:s16] =	ssyncadd.s32 $0xFFFFE000  }
0xe9: {  	_ =	swait.ge [sflag:s16], $0x2000  }
0xea: {  	[sflag:s16] =	ssyncset.done $0x0  }
0xeb: {  	[sflag:s16] =	ssyncadd.s32 $0xFFFFE000  }
0xec: {  	[spmem:s3] =	stream.indirect.scatter.add.f32 [tilespmem:s9], [sflag:$0x9], $0x80, s17, s2, $0xb8;
	[tilespmem:$0x1FF00] =	vst v63  }
.Ltmp3:
0xed: {  	_ = 	snop;
	(pc) =	sbr.rel @p0 .LBB2_6-.Ltmp3, $4  }
0xee: {  	_ =	swait.ge [sflag:s6], $0x4000  }
0xef: {  	[sflag:s6] =	ssyncset.done $0x0  }
0xf0: {  	s22 =	rddreg [dreg:$0xb];
	[sflag:s6] =	ssyncadd.s32 $0xFFFFC000  }
0xf1: {  	[tilespmem:s23], [sflag:$0x2] =	stream.linear.gather [hbm4b:s22+s5], $0x100, $0x38;
	[tilespmem:$0x1FF00] =	vst v63  }
.LBB2_4:
0xf2: {  	_ =	swait.ge [sflag:s29], $0x100  }
0xf3: {  	[sflag:s29] =	ssyncset.done $0x0  }
0xf4: {  	[sflag:s29] =	ssyncadd.s32 $0xFFFFFF00  }
0xf5: {  	v1 =	vld [tilespmem:$0x100]  }
0xf6: {  	v2 =	vld [tilespmem:$0x180]  }
0xf7: {  	v3 =	vld [tilespmem:$0x110]  }
0xf8: {  	v4 =	vld [tilespmem:$0x190]  }
0xf9: {  	v5 =	vld [tilespmem:$0x120]  }
0xfa: {  	v6 =	vld [tilespmem:$0x1A0]  }
0xfb: {  	v7 =	vld [tilespmem:$0x130]  }
0xfc: {  	v8 =	vld [tilespmem:$0x1B0]  }
0xfd: {  	v9 =	vld [tilespmem:$0x140]  }
0xfe: {  	v10 =	vld [tilespmem:$0x1C0]  }
0xff: {  	v11 =	vld [tilespmem:$0x150]  }
0x100: {  	v12 =	vld [tilespmem:$0x1D0]  }
0x101: {  	v13 =	vld [tilespmem:$0x160]  }
0x102: {  	v41 =	vld [tilespmem:$0x1F0];
	vm0 =	veq.s32 v1, v2  }
0x103: {  	v1 =	vld [tilespmem:$0x1E0];
	vm5 =	veq.s32 v3, v4;
	v2 =	vsel vm0, $0x2710, v2  }
0x104: {  	v3 =	vld [tilespmem:$0x170];
	vm6 =	veq.s32 v5, v6;
	[tilespmem:$0x180] =	vst v2;
	v2 =	vsel vm5, $0x2710, v4  }
0x105: {  	vm7 =	veq.s32 v7, v8;
	[tilespmem:$0x190] =	vst v2;
	v2 =	vsel vm6, $0x2710, v6  }
0x106: {  	vm8 =	veq.s32 v9, v10;
	[tilespmem:$0x1A0] =	vst v2;
	v2 =	vsel vm7, $0x2710, v8  }
0x107: {  	vm9 =	veq.s32 v11, v12;
	[tilespmem:$0x1B0] =	vst v2;
	v2 =	vsel vm8, $0x2710, v10  }
0x108: {  	vm10 =	veq.s32 v13, v1;
	[tilespmem:$0x1C0] =	vst v2;
	v2 =	vsel vm9, $0x2710, v12  }
0x109: {  	vm11 =	veq.s32 v3, v41;
	v1 =	vsel vm10, $0x2710, v1;
	[tilespmem:$0x1D0] =	vst v2  }
0x10a: {  	[tilespmem:$0x1E0] =	vst v1;
	v1 =	vsel vm11, $0x2710, v41  }
0x10b: {  	[tilespmem:$0x1F0] =	vst v1  }
0x10c: {  	[tilespmem:s30], [sflag:$0x5] =	stream.indirect.gather [hbm4b:s1+s26], $0x80, s23, s26, $0xb8;
	[tilespmem:$0x1FF00] =	vst v63  }
0x10d: {  	_ = 	snop  }
0x10e: {  	[tilespmem:s31], [sflag:$0x5] =	stream.indirect.gather [hbm4b:s1+s26], $0x80, s0, s26, $0xb8;
	[tilespmem:$0x1FF00] =	vst v63  }
0x10f: {  	_ =	swait.ge [sflag:s13], $0x2000  }
0x110: {  	[sflag:s13] =	ssyncset.done $0x0  }
0x111: {  	[sflag:s13] =	ssyncadd.s32 $0xFFFFE000  }
0x112: {  	_ =	swait.ge [sflag:s13], $0x2000  }
0x113: {  	[sflag:s13] =	ssyncset.done $0x0  }
0x114: {  	[sflag:s13] =	ssyncadd.s32 $0xFFFFE000  }
0x115: {  	[spmem:s3] =	stream.indirect.scatter.add.f32 [tilespmem:s21], [sflag:$0x7], $0x80, s2, s2, $0xb8;
	[tilespmem:$0x1FF00] =	vst v63  }
0x116: {  	_ =	swait.ge [sflag:s24], $0x4000  }
0x117: {  	[sflag:s24] =	ssyncset.done $0x0  }
0x118: {  	s22 =	sadd.s32 s5, s20;
	[sflag:s24] =	ssyncadd.s32 $0xFFFFC000  }
0x119: {  	[tilespmem:s7], [sflag:$0x3] =	stream.linear.gather [hbm4b:s22+s4], $0x100, $0x38;
	[tilespmem:$0x1FF00] =	vst v63  }
0x11a: {  	_ =	swait.ge [sflag:s8], $0x100  }
0x11b: {  	[sflag:s8] =	ssyncset.done $0x0  }
0x11c: {  	[sflag:s8] =	ssyncadd.s32 $0xFFFFFF00  }
0x11d: {  	v1 =	vld [tilespmem:$0x200]  }
0x11e: {  	v2 =	vld [tilespmem:$0x280]  }
0x11f: {  	v3 =	vld [tilespmem:$0x210]  }
0x120: {  	v42 =	vld [tilespmem:$0x290]  }
0x121: {  	v43 =	vld [tilespmem:$0x220]  }
0x122: {  	v44 =	vld [tilespmem:$0x2A0]  }
0x123: {  	v45 =	vld [tilespmem:$0x230]  }
0x124: {  	v46 =	vld [tilespmem:$0x2B0]  }
0x125: {  	v47 =	vld [tilespmem:$0x240]  }
0x126: {  	v48 =	vld [tilespmem:$0x2C0]  }
0x127: {  	v49 =	vld [tilespmem:$0x250]  }
0x128: {  	v50 =	vld [tilespmem:$0x2D0]  }
0x129: {  	v51 =	vld [tilespmem:$0x260]  }
0x12a: {  	v52 =	vld [tilespmem:$0x2F0];
	vm12 =	veq.s32 v1, v2  }
0x12b: {  	v1 =	vld [tilespmem:$0x2E0];
	vm13 =	veq.s32 v3, v42;
	v2 =	vsel vm12, $0x2710, v2  }
0x12c: {  	v3 =	vld [tilespmem:$0x270];
	vm14 =	veq.s32 v43, v44;
	[tilespmem:$0x280] =	vst v2;
	v2 =	vsel vm13, $0x2710, v42  }
0x12d: {  	vm15 =	veq.s32 v45, v46;
	[tilespmem:$0x290] =	vst v2;
	v2 =	vsel vm14, $0x2710, v44  }
0x12e: {  	vm4 =	veq.s32 v47, v48;
	[tilespmem:$0x2A0] =	vst v2;
	v2 =	vsel vm15, $0x2710, v46  }
0x12f: {  	vm5 =	veq.s32 v49, v50;
	[tilespmem:$0x2B0] =	vst v2;
	v2 =	vsel vm4, $0x2710, v48  }
0x130: {  	vm6 =	veq.s32 v51, v1;
	[tilespmem:$0x2C0] =	vst v2;
	v2 =	vsel vm5, $0x2710, v50  }
0x131: {  	vm7 =	veq.s32 v3, v52;
	v1 =	vsel vm6, $0x2710, v1;
	[tilespmem:$0x2D0] =	vst v2  }
0x132: {  	[tilespmem:$0x2E0] =	vst v1;
	v1 =	vsel vm7, $0x2710, v52  }
0x133: {  	[tilespmem:$0x2F0] =	vst v1  }
0x134: {  	[tilespmem:s9], [sflag:$0x6] =	stream.indirect.gather [hbm4b:s1+s26], $0x80, s7, s26, $0xb8;
	[tilespmem:$0x1FF00] =	vst v63  }
0x135: {  	_ = 	snop  }
0x136: {  	[tilespmem:s11], [sflag:$0x6] =	stream.indirect.gather [hbm4b:s1+s26], $0x80, s10, s26, $0xb8;
	[tilespmem:$0x1FF00] =	vst v63  }
0x137: {  	_ =	swait.ge [sflag:s12], $0x2000  }
0x138: {  	[sflag:s12] =	ssyncset.done $0x0  }
0x139: {  	[sflag:s12] =	ssyncadd.s32 $0xFFFFE000  }
0x13a: {  	_ =	swait.ge [sflag:s12], $0x2000  }
0x13b: {  	[sflag:s12] =	ssyncset.done $0x0  }
0x13c: {  	[sflag:s12] =	ssyncadd.s32 $0xFFFFE000  }
0x13d: {  	[spmem:s3] =	stream.indirect.scatter.add.f32 [tilespmem:s30], [sflag:$0x8], $0x80, s14, s2, $0xb8;
	[tilespmem:$0x1FF00] =	vst v63  }
0x13e: {  	_ =	swait.ge [sflag:s15], $0x4000  }
0x13f: {  	[sflag:s15] =	ssyncset.done $0x0  }
0x140: {  	s22 =	sadd.s32 s5, s19;
	[sflag:s15] =	ssyncadd.s32 $0xFFFFC000  }
0x141: {  	[tilespmem:s4], [sflag:$0x1] =	stream.linear.gather [hbm4b:s22+s4], $0x100, $0x38;
	[tilespmem:$0x1FF00] =	vst v63  }
0x142: {  	_ =	swait.ge [sflag:s25], $0x100  }
0x143: {  	[sflag:s25] =	ssyncset.done $0x0  }
0x144: {  	[sflag:s25] =	ssyncadd.s32 $0xFFFFFF00  }
0x145: {  	v1 =	vld [tilespmem:$0x0]  }
0x146: {  	v2 =	vld [tilespmem:$0x80]  }
0x147: {  	v3 =	vld [tilespmem:$0x10]  }
0x148: {  	v53 =	vld [tilespmem:$0x90]  }
0x149: {  	v54 =	vld [tilespmem:$0x20]  }
0x14a: {  	v55 =	vld [tilespmem:$0xA0]  }
0x14b: {  	v56 =	vld [tilespmem:$0x30]  }
0x14c: {  	v57 =	vld [tilespmem:$0xB0]  }
0x14d: {  	v58 =	vld [tilespmem:$0x40]  }
0x14e: {  	v59 =	vld [tilespmem:$0xC0]  }
0x14f: {  	v60 =	vld [tilespmem:$0x50]  }
0x150: {  	v61 =	vld [tilespmem:$0xD0]  }
0x151: {  	v62 =	vld [tilespmem:$0x60]  }
0x152: {  	v63 =	vld [tilespmem:$0xF0];
	vm8 =	veq.s32 v1, v2  }
0x153: {  	v1 =	vld [tilespmem:$0xE0];
	vm9 =	veq.s32 v3, v53;
	v2 =	vsel vm8, $0x2710, v2  }
0x154: {  	v3 =	vld [tilespmem:$0x70];
	vm10 =	veq.s32 v54, v55;
	[tilespmem:$0x80] =	vst v2;
	v2 =	vsel vm9, $0x2710, v53  }
0x155: {  	vm11 =	veq.s32 v56, v57;
	[tilespmem:$0x90] =	vst v2;
	v2 =	vsel vm10, $0x2710, v55  }
0x156: {  	vm12 =	veq.s32 v58, v59;
	[tilespmem:$0xA0] =	vst v2;
	v2 =	vsel vm11, $0x2710, v57  }
0x157: {  	vm13 =	veq.s32 v60, v61;
	[tilespmem:$0xB0] =	vst v2;
	v2 =	vsel vm12, $0x2710, v59  }
0x158: {  	vm14 =	veq.s32 v62, v1;
	[tilespmem:$0xC0] =	vst v2;
	v2 =	vsel vm13, $0x2710, v61  }
0x159: {  	vm15 =	veq.s32 v3, v63;
	v1 =	vsel vm14, $0x2710, v1;
	[tilespmem:$0xD0] =	vst v2  }
0x15a: {  	[tilespmem:$0xE0] =	vst v1;
	v1 =	vsel vm15, $0x2710, v63  }
0x15b: {  	[tilespmem:$0xF0] =	vst v1  }
0x15c: {  	[tilespmem:s21], [sflag:$0x4] =	stream.indirect.gather [hbm4b:s1+s26], $0x80, s4, s26, $0xb8;
	[tilespmem:$0x1FF00] =	vst v63  }
0x15d: {  	_ = 	snop  }
0x15e: {  	[tilespmem:s28], [sflag:$0x4] =	stream.indirect.gather [hbm4b:s1+s26], $0x80, s26, s26, $0xb8;
	[tilespmem:$0x1FF00] =	vst v63  }
0x15f: {  	_ =	swait.ge [sflag:s16], $0x2000  }
0x160: {  	[sflag:s16] =	ssyncset.done $0x0  }
0x161: {  	[sflag:s16] =	ssyncadd.s32 $0xFFFFE000  }
0x162: {  	_ =	swait.ge [sflag:s16], $0x2000  }
0x163: {  	[sflag:s16] =	ssyncset.done $0x0  }
0x164: {  	p1 =	sne.s32 s5, $0x8A0;
	[sflag:s16] =	ssyncadd.s32 $0xFFFFE000  }
0x165: {  	[spmem:s3] =	stream.indirect.scatter.add.f32 [tilespmem:s9], [sflag:$0x9], $0x80, s17, s2, $0xb8;
	[tilespmem:$0x1FF00] =	vst v63  }
.Ltmp4:
0x166: {  	_ = 	snop;
	(pc) =	sbr.rel @p1 .LBB2_4-.Ltmp4, $4  }
0x167: {  	_ =	swait.ge [sflag:s6], $0x4000  }
0x168: {  	[sflag:s6] =	ssyncset.done $0x0  }
0x169: {  	s22 =	sadd.s32 s5, s18;
	s5 =	sadd.s32 $0x60, s5;
	[sflag:s6] =	ssyncadd.s32 $0xFFFFC000  }
0x16a: {  	[tilespmem:s23], [sflag:$0x2] =	stream.linear.gather [hbm4b:s22+s4], $0x100, $0x38;
	[tilespmem:$0x1FF00] =	vst v63  }
0x16b: {  	_ =	swait.ge [sflag:s29], $0x100  }
0x16c: {  	[sflag:s29] =	ssyncset.done $0x0  }
0x16d: {  	[sflag:s29] =	ssyncadd.s32 $0xFFFFFF00  }
0x16e: {  	v1 =	vld [tilespmem:$0x100]  }
0x16f: {  	v2 =	vld [tilespmem:$0x180]  }
0x170: {  	v3 =	vld [tilespmem:$0x110]  }
0x171: {  	v4 =	vld [tilespmem:$0x190]  }
0x172: {  	v5 =	vld [tilespmem:$0x120]  }
0x173: {  	v6 =	vld [tilespmem:$0x1A0]  }
0x174: {  	v7 =	vld [tilespmem:$0x130]  }
0x175: {  	v8 =	vld [tilespmem:$0x1B0]  }
0x176: {  	v9 =	vld [tilespmem:$0x140]  }
0x177: {  	v10 =	vld [tilespmem:$0x1C0]  }
0x178: {  	v11 =	vld [tilespmem:$0x150]  }
0x179: {  	v12 =	vld [tilespmem:$0x1D0]  }
0x17a: {  	v13 =	vld [tilespmem:$0x160]  }
0x17b: {  	v41 =	vld [tilespmem:$0x1F0];
	vm0 =	veq.s32 v1, v2  }
0x17c: {  	v1 =	vld [tilespmem:$0x1E0];
	vm5 =	veq.s32 v3, v4;
	v2 =	vsel vm0, $0x2710, v2  }
0x17d: {  	v3 =	vld [tilespmem:$0x170];
	vm6 =	veq.s32 v5, v6;
	[tilespmem:$0x180] =	vst v2;
	v2 =	vsel vm5, $0x2710, v4  }
0x17e: {  	vm7 =	veq.s32 v7, v8;
	[tilespmem:$0x190] =	vst v2;
	v2 =	vsel vm6, $0x2710, v6  }
0x17f: {  	vm8 =	veq.s32 v9, v10;
	[tilespmem:$0x1A0] =	vst v2;
	v2 =	vsel vm7, $0x2710, v8  }
0x180: {  	vm9 =	veq.s32 v11, v12;
	[tilespmem:$0x1B0] =	vst v2;
	v2 =	vsel vm8, $0x2710, v10  }
0x181: {  	vm10 =	veq.s32 v13, v1;
	[tilespmem:$0x1C0] =	vst v2;
	v2 =	vsel vm9, $0x2710, v12  }
0x182: {  	vm11 =	veq.s32 v3, v41;
	v1 =	vsel vm10, $0x2710, v1;
	[tilespmem:$0x1D0] =	vst v2  }
0x183: {  	[tilespmem:$0x1E0] =	vst v1;
	v1 =	vsel vm11, $0x2710, v41  }
0x184: {  	[tilespmem:$0x1F0] =	vst v1  }
0x185: {  	[tilespmem:s30], [sflag:$0x5] =	stream.indirect.gather [hbm4b:s1+s26], $0x80, s23, s26, $0xb8;
	[tilespmem:$0x1FF00] =	vst v63  }
0x186: {  	_ = 	snop  }
0x187: {  	[tilespmem:s31], [sflag:$0x5] =	stream.indirect.gather [hbm4b:s1+s26], $0x80, s0, s26, $0xb8;
	[tilespmem:$0x1FF00] =	vst v63  }
0x188: {  	_ =	swait.ge [sflag:s13], $0x2000  }
0x189: {  	[sflag:s13] =	ssyncset.done $0x0  }
0x18a: {  	[sflag:s13] =	ssyncadd.s32 $0xFFFFE000  }
0x18b: {  	_ =	swait.ge [sflag:s13], $0x2000  }
0x18c: {  	[sflag:s13] =	ssyncset.done $0x0  }
0x18d: {  	s22 =	simm.s32 $0x9;
	[sflag:s13] =	ssyncadd.s32 $0xFFFFE000  }
0x18e: {  	[spmem:s3] =	stream.indirect.scatter.add.f32 [tilespmem:s21], [sflag:$0x7], $0x80, s2, s2, $0xb8;
	[tilespmem:$0x1FF00] =	vst v63  }
0x18f: {  	_ =	swait.ge [sflag:s22], $0x4000  }
0x190: {  	[sflag:s22] =	ssyncset.done $0x0  }
0x191: {  	s5 =	rddreg [dreg:$0xc];
	[sflag:s22] =	ssyncadd.s32 $0xFFFFC000  }
0x192: {  	[tilespmem:s7], [sflag:$0x3] =	stream.linear.gather [hbm4b:s5+s4], $0x100, $0x38;
	[tilespmem:$0x1FF00] =	vst v63  }
0x193: {  	_ =	swait.ge [sflag:s8], $0x100  }
0x194: {  	[sflag:s8] =	ssyncset.done $0x0  }
0x195: {  	[sflag:s8] =	ssyncadd.s32 $0xFFFFFF00  }
0x196: {  	v1 =	vld [tilespmem:$0x200]  }
0x197: {  	v2 =	vld [tilespmem:$0x280]  }
0x198: {  	v3 =	vld [tilespmem:$0x210]  }
0x199: {  	v42 =	vld [tilespmem:$0x290]  }
0x19a: {  	v43 =	vld [tilespmem:$0x220]  }
0x19b: {  	v44 =	vld [tilespmem:$0x2A0]  }
0x19c: {  	v45 =	vld [tilespmem:$0x230]  }
0x19d: {  	v46 =	vld [tilespmem:$0x2B0]  }
0x19e: {  	v47 =	vld [tilespmem:$0x240]  }
0x19f: {  	v48 =	vld [tilespmem:$0x2C0]  }
0x1a0: {  	v49 =	vld [tilespmem:$0x250]  }
0x1a1: {  	v50 =	vld [tilespmem:$0x2D0]  }
0x1a2: {  	v51 =	vld [tilespmem:$0x260]  }
0x1a3: {  	v52 =	vld [tilespmem:$0x2F0];
	vm12 =	veq.s32 v1, v2  }
0x1a4: {  	v1 =	vld [tilespmem:$0x2E0];
	vm13 =	veq.s32 v3, v42;
	v2 =	vsel vm12, $0x2710, v2  }
0x1a5: {  	v3 =	vld [tilespmem:$0x270];
	vm14 =	veq.s32 v43, v44;
	[tilespmem:$0x280] =	vst v2;
	v2 =	vsel vm13, $0x2710, v42  }
0x1a6: {  	vm15 =	veq.s32 v45, v46;
	[tilespmem:$0x290] =	vst v2;
	v2 =	vsel vm14, $0x2710, v44  }
0x1a7: {  	vm4 =	veq.s32 v47, v48;
	[tilespmem:$0x2A0] =	vst v2;
	v2 =	vsel vm15, $0x2710, v46  }
0x1a8: {  	vm5 =	veq.s32 v49, v50;
	[tilespmem:$0x2B0] =	vst v2;
	v2 =	vsel vm4, $0x2710, v48  }
0x1a9: {  	vm6 =	veq.s32 v51, v1;
	[tilespmem:$0x2C0] =	vst v2;
	v2 =	vsel vm5, $0x2710, v50  }
0x1aa: {  	vm7 =	veq.s32 v3, v52;
	v1 =	vsel vm6, $0x2710, v1;
	[tilespmem:$0x2D0] =	vst v2  }
0x1ab: {  	[tilespmem:$0x2E0] =	vst v1;
	v1 =	vsel vm7, $0x2710, v52  }
0x1ac: {  	[tilespmem:$0x2F0] =	vst v1  }
0x1ad: {  	[tilespmem:s9], [sflag:$0x6] =	stream.indirect.gather [hbm4b:s1+s26], $0x80, s7, s26, $0xb8;
	[tilespmem:$0x1FF00] =	vst v63  }
0x1ae: {  	_ = 	snop  }
0x1af: {  	[tilespmem:s11], [sflag:$0x6] =	stream.indirect.gather [hbm4b:s1+s26], $0x80, s10, s26, $0xb8;
	[tilespmem:$0x1FF00] =	vst v63  }
0x1b0: {  	_ =	swait.ge [sflag:s12], $0x2000  }
0x1b1: {  	[sflag:s12] =	ssyncset.done $0x0  }
0x1b2: {  	[sflag:s12] =	ssyncadd.s32 $0xFFFFE000  }
0x1b3: {  	_ =	swait.ge [sflag:s12], $0x2000  }
0x1b4: {  	[sflag:s12] =	ssyncset.done $0x0  }
0x1b5: {  	s5 =	simm.s32 $0x7;
	[sflag:s12] =	ssyncadd.s32 $0xFFFFE000  }
0x1b6: {  	[spmem:s3] =	stream.indirect.scatter.add.f32 [tilespmem:s30], [sflag:$0x8], $0x80, s14, s2, $0xb8;
	[tilespmem:$0x1FF00] =	vst v63  }
0x1b7: {  	_ =	swait.ge [sflag:s5], $0x4000  }
0x1b8: {  	[sflag:s5] =	ssyncset.done $0x0  }
0x1b9: {  	s31 =	rddreg [dreg:$0xd];
	[sflag:s5] =	ssyncadd.s32 $0xFFFFC000  }
0x1ba: {  	[tilespmem:s4], [sflag:$0x1] =	stream.linear.gather [hbm4b:s31+s4], $0x100, $0x38;
	[tilespmem:$0x1FF00] =	vst v63  }
0x1bb: {  	_ =	swait.ge [sflag:s25], $0x100  }
0x1bc: {  	[sflag:s25] =	ssyncset.done $0x0  }
0x1bd: {  	[sflag:s25] =	ssyncadd.s32 $0xFFFFFF00  }
0x1be: {  	v1 =	vld [tilespmem:$0x0]  }
0x1bf: {  	v2 =	vld [tilespmem:$0x80]  }
0x1c0: {  	v3 =	vld [tilespmem:$0x10]  }
0x1c1: {  	v53 =	vld [tilespmem:$0x90]  }
0x1c2: {  	v54 =	vld [tilespmem:$0x20]  }
0x1c3: {  	v55 =	vld [tilespmem:$0xA0]  }
0x1c4: {  	v56 =	vld [tilespmem:$0x30]  }
0x1c5: {  	v57 =	vld [tilespmem:$0xB0]  }
0x1c6: {  	v58 =	vld [tilespmem:$0x40]  }
0x1c7: {  	v59 =	vld [tilespmem:$0xC0]  }
0x1c8: {  	v60 =	vld [tilespmem:$0x50]  }
0x1c9: {  	v61 =	vld [tilespmem:$0xD0]  }
0x1ca: {  	v62 =	vld [tilespmem:$0x60]  }
0x1cb: {  	v63 =	vld [tilespmem:$0xF0];
	vm8 =	veq.s32 v1, v2  }
0x1cc: {  	v1 =	vld [tilespmem:$0xE0];
	vm9 =	veq.s32 v3, v53;
	v2 =	vsel vm8, $0x2710, v2  }
0x1cd: {  	v3 =	vld [tilespmem:$0x70];
	vm10 =	veq.s32 v54, v55;
	[tilespmem:$0x80] =	vst v2;
	v2 =	vsel vm9, $0x2710, v53  }
0x1ce: {  	vm11 =	veq.s32 v56, v57;
	[tilespmem:$0x90] =	vst v2;
	v2 =	vsel vm10, $0x2710, v55  }
0x1cf: {  	vm12 =	veq.s32 v58, v59;
	[tilespmem:$0xA0] =	vst v2;
	v2 =	vsel vm11, $0x2710, v57  }
0x1d0: {  	vm13 =	veq.s32 v60, v61;
	[tilespmem:$0xB0] =	vst v2;
	v2 =	vsel vm12, $0x2710, v59  }
0x1d1: {  	vm14 =	veq.s32 v62, v1;
	[tilespmem:$0xC0] =	vst v2;
	v2 =	vsel vm13, $0x2710, v61  }
0x1d2: {  	vm15 =	veq.s32 v3, v63;
	v1 =	vsel vm14, $0x2710, v1;
	[tilespmem:$0xD0] =	vst v2  }
0x1d3: {  	[tilespmem:$0xE0] =	vst v1;
	v1 =	vsel vm15, $0x2710, v63  }
0x1d4: {  	[tilespmem:$0xF0] =	vst v1  }
0x1d5: {  	[tilespmem:s21], [sflag:$0x4] =	stream.indirect.gather [hbm4b:s1+s26], $0x80, s4, s26, $0xb8;
	[tilespmem:$0x1FF00] =	vst v63  }
0x1d6: {  	_ = 	snop  }
0x1d7: {  	[tilespmem:s28], [sflag:$0x4] =	stream.indirect.gather [hbm4b:s1+s26], $0x80, s26, s26, $0xb8;
	[tilespmem:$0x1FF00] =	vst v63  }
0x1d8: {  	_ =	swait.ge [sflag:s16], $0x2000  }
0x1d9: {  	[sflag:s16] =	ssyncset.done $0x0  }
0x1da: {  	[sflag:s16] =	ssyncadd.s32 $0xFFFFE000  }
0x1db: {  	_ =	swait.ge [sflag:s16], $0x2000  }
0x1dc: {  	[sflag:s16] =	ssyncset.done $0x0  }
0x1dd: {  	[sflag:s16] =	ssyncadd.s32 $0xFFFFE000  }
0x1de: {  	[spmem:s3] =	stream.indirect.scatter.add.f32 [tilespmem:s9], [sflag:$0x9], $0x80, s17, s2, $0xb8;
	[tilespmem:$0x1FF00] =	vst v63  }
0x1df: {  	_ =	swait.ge [sflag:s6], $0x4000  }
0x1e0: {  	[sflag:s6] =	ssyncset.done $0x0  }
0x1e1: {  	[sflag:s6] =	ssyncadd.s32 $0xFFFFC000  }
0x1e2: {  	_ =	swait.ge [sflag:s13], $0x2000  }
0x1e3: {  	[sflag:s13] =	ssyncset.done $0x0  }
.Ltmp5:
0x1e4: {  	[sflag:s13] =	ssyncadd.s32 $0xFFFFE000;
	(pc) =	sbr.rel .LBB2_8-.Ltmp5, $4  }
0x1e5: {  	_ =	swait.ge [sflag:s13], $0x2000  }
0x1e6: {  	[sflag:s13] =	ssyncset.done $0x0  }
0x1e7: {  	s31 =	rddreg [dreg:$0x13];
	[sflag:s13] =	ssyncadd.s32 $0xFFFFE000  }
0x1e8: {  	[spmem:s3] =	stream.indirect.scatter.add.f32 [tilespmem:s21], [sflag:$0x7], $0x80, s2, s2, $0xb8;
	[tilespmem:$0x1FF00] =	vst v63  }
.LBB2_6:
0x1e9: {  	_ =	swait.ge [sflag:s29], $0x100  }
0x1ea: {  	[sflag:s29] =	ssyncset.done $0x0  }
0x1eb: {  	[sflag:s29] =	ssyncadd.s32 $0xFFFFFF00  }
0x1ec: {  	v1 =	vld [tilespmem:$0x100]  }
0x1ed: {  	v2 =	vld [tilespmem:$0x180]  }
0x1ee: {  	v3 =	vld [tilespmem:$0x110]  }
0x1ef: {  	v4 =	vld [tilespmem:$0x190]  }
0x1f0: {  	v5 =	vld [tilespmem:$0x120]  }
0x1f1: {  	v6 =	vld [tilespmem:$0x1A0]  }
0x1f2: {  	v7 =	vld [tilespmem:$0x130]  }
0x1f3: {  	v8 =	vld [tilespmem:$0x1B0]  }
0x1f4: {  	v9 =	vld [tilespmem:$0x140]  }
0x1f5: {  	v10 =	vld [tilespmem:$0x1C0]  }
0x1f6: {  	v11 =	vld [tilespmem:$0x150]  }
0x1f7: {  	v12 =	vld [tilespmem:$0x1D0]  }
0x1f8: {  	v13 =	vld [tilespmem:$0x160]  }
0x1f9: {  	v41 =	vld [tilespmem:$0x1F0];
	vm0 =	veq.s32 v1, v2  }
0x1fa: {  	v1 =	vld [tilespmem:$0x1E0];
	vm5 =	veq.s32 v3, v4;
	v2 =	vsel vm0, $0x2710, v2  }
0x1fb: {  	v3 =	vld [tilespmem:$0x170];
	vm6 =	veq.s32 v5, v6;
	[tilespmem:$0x180] =	vst v2;
	v2 =	vsel vm5, $0x2710, v4  }
0x1fc: {  	vm7 =	veq.s32 v7, v8;
	[tilespmem:$0x190] =	vst v2;
	v2 =	vsel vm6, $0x2710, v6  }
0x1fd: {  	vm8 =	veq.s32 v9, v10;
	[tilespmem:$0x1A0] =	vst v2;
	v2 =	vsel vm7, $0x2710, v8  }
0x1fe: {  	vm9 =	veq.s32 v11, v12;
	[tilespmem:$0x1B0] =	vst v2;
	v2 =	vsel vm8, $0x2710, v10  }
0x1ff: {  	vm10 =	veq.s32 v13, v1;
	[tilespmem:$0x1C0] =	vst v2;
	v2 =	vsel vm9, $0x2710, v12  }
0x200: {  	vm11 =	veq.s32 v3, v41;
	v1 =	vsel vm10, $0x2710, v1;
	[tilespmem:$0x1D0] =	vst v2  }
0x201: {  	[tilespmem:$0x1E0] =	vst v1;
	v1 =	vsel vm11, $0x2710, v41  }
0x202: {  	[tilespmem:$0x1F0] =	vst v1  }
0x203: {  	[tilespmem:s30], [sflag:$0x5] =	stream.indirect.gather [hbm4b:s1+s26], $0x80, s23, s26, $0xb8;
	[tilespmem:$0x1FF00] =	vst v63  }
0x204: {  	_ = 	snop  }
0x205: {  	[tilespmem:s31], [sflag:$0x5] =	stream.indirect.gather [hbm4b:s1+s26], $0x80, s0, s26, $0xb8;
	[tilespmem:$0x1FF00] =	vst v63  }
0x206: {  	_ =	swait.ge [sflag:s13], $0x2000  }
0x207: {  	[sflag:s13] =	ssyncset.done $0x0  }
0x208: {  	[sflag:s13] =	ssyncadd.s32 $0xFFFFE000  }
0x209: {  	_ =	swait.ge [sflag:s13], $0x2000  }
0x20a: {  	[sflag:s13] =	ssyncset.done $0x0  }
0x20b: {  	[sflag:s13] =	ssyncadd.s32 $0xFFFFE000  }
0x20c: {  	[spmem:s3] =	stream.indirect.scatter.add.f32 [tilespmem:s21], [sflag:$0x7], $0x80, s2, s2, $0xb8;
	[tilespmem:$0x1FF00] =	vst v63  }
0x20d: {  	_ =	swait.ge [sflag:s24], $0x4000  }
0x20e: {  	[sflag:s24] =	ssyncset.done $0x0  }
0x20f: {  	s22 =	sadd.s32 s5, s20;
	[sflag:s24] =	ssyncadd.s32 $0xFFFFC000  }
0x210: {  	[tilespmem:s7], [sflag:$0x3] =	stream.linear.gather [hbm4b:s22+s4], $0x100, $0x38;
	[tilespmem:$0x1FF00] =	vst v63  }
0x211: {  	_ =	swait.ge [sflag:s8], $0x100  }
0x212: {  	[sflag:s8] =	ssyncset.done $0x0  }
0x213: {  	[sflag:s8] =	ssyncadd.s32 $0xFFFFFF00  }
0x214: {  	v1 =	vld [tilespmem:$0x200]  }
0x215: {  	v2 =	vld [tilespmem:$0x280]  }
0x216: {  	v3 =	vld [tilespmem:$0x210]  }
0x217: {  	v42 =	vld [tilespmem:$0x290]  }
0x218: {  	v43 =	vld [tilespmem:$0x220]  }
0x219: {  	v44 =	vld [tilespmem:$0x2A0]  }
0x21a: {  	v45 =	vld [tilespmem:$0x230]  }
0x21b: {  	v46 =	vld [tilespmem:$0x2B0]  }
0x21c: {  	v47 =	vld [tilespmem:$0x240]  }
0x21d: {  	v48 =	vld [tilespmem:$0x2C0]  }
0x21e: {  	v49 =	vld [tilespmem:$0x250]  }
0x21f: {  	v50 =	vld [tilespmem:$0x2D0]  }
0x220: {  	v51 =	vld [tilespmem:$0x260]  }
0x221: {  	v52 =	vld [tilespmem:$0x2F0];
	vm12 =	veq.s32 v1, v2  }
0x222: {  	v1 =	vld [tilespmem:$0x2E0];
	vm13 =	veq.s32 v3, v42;
	v2 =	vsel vm12, $0x2710, v2  }
0x223: {  	v3 =	vld [tilespmem:$0x270];
	vm14 =	veq.s32 v43, v44;
	[tilespmem:$0x280] =	vst v2;
	v2 =	vsel vm13, $0x2710, v42  }
0x224: {  	vm15 =	veq.s32 v45, v46;
	[tilespmem:$0x290] =	vst v2;
	v2 =	vsel vm14, $0x2710, v44  }
0x225: {  	vm4 =	veq.s32 v47, v48;
	[tilespmem:$0x2A0] =	vst v2;
	v2 =	vsel vm15, $0x2710, v46  }
0x226: {  	vm5 =	veq.s32 v49, v50;
	[tilespmem:$0x2B0] =	vst v2;
	v2 =	vsel vm4, $0x2710, v48  }
0x227: {  	vm6 =	veq.s32 v51, v1;
	[tilespmem:$0x2C0] =	vst v2;
	v2 =	vsel vm5, $0x2710, v50  }
0x228: {  	vm7 =	veq.s32 v3, v52;
	v1 =	vsel vm6, $0x2710, v1;
	[tilespmem:$0x2D0] =	vst v2  }
0x229: {  	[tilespmem:$0x2E0] =	vst v1;
	v1 =	vsel vm7, $0x2710, v52  }
0x22a: {  	[tilespmem:$0x2F0] =	vst v1  }
0x22b: {  	[tilespmem:s9], [sflag:$0x6] =	stream.indirect.gather [hbm4b:s1+s26], $0x80, s7, s26, $0xb8;
	[tilespmem:$0x1FF00] =	vst v63  }
0x22c: {  	_ = 	snop  }
0x22d: {  	[tilespmem:s11], [sflag:$0x6] =	stream.indirect.gather [hbm4b:s1+s26], $0x80, s10, s26, $0xb8;
	[tilespmem:$0x1FF00] =	vst v63  }
0x22e: {  	_ =	swait.ge [sflag:s12], $0x2000  }
0x22f: {  	[sflag:s12] =	ssyncset.done $0x0  }
0x230: {  	[sflag:s12] =	ssyncadd.s32 $0xFFFFE000  }
0x231: {  	_ =	swait.ge [sflag:s12], $0x2000  }
0x232: {  	[sflag:s12] =	ssyncset.done $0x0  }
0x233: {  	[sflag:s12] =	ssyncadd.s32 $0xFFFFE000  }
0x234: {  	[spmem:s3] =	stream.indirect.scatter.add.f32 [tilespmem:s30], [sflag:$0x8], $0x80, s14, s2, $0xb8;
	[tilespmem:$0x1FF00] =	vst v63  }
0x235: {  	_ =	swait.ge [sflag:s15], $0x4000  }
0x236: {  	[sflag:s15] =	ssyncset.done $0x0  }
0x237: {  	s22 =	sadd.s32 s5, s19;
	[sflag:s15] =	ssyncadd.s32 $0xFFFFC000  }
0x238: {  	[tilespmem:s4], [sflag:$0x1] =	stream.linear.gather [hbm4b:s22+s4], $0x100, $0x38;
	[tilespmem:$0x1FF00] =	vst v63  }
0x239: {  	_ =	swait.ge [sflag:s25], $0x100  }
0x23a: {  	[sflag:s25] =	ssyncset.done $0x0  }
0x23b: {  	[sflag:s25] =	ssyncadd.s32 $0xFFFFFF00  }
0x23c: {  	v1 =	vld [tilespmem:$0x0]  }
0x23d: {  	v2 =	vld [tilespmem:$0x80]  }
0x23e: {  	v3 =	vld [tilespmem:$0x10]  }
0x23f: {  	v53 =	vld [tilespmem:$0x90]  }
0x240: {  	v54 =	vld [tilespmem:$0x20]  }
0x241: {  	v55 =	vld [tilespmem:$0xA0]  }
0x242: {  	v56 =	vld [tilespmem:$0x30]  }
0x243: {  	v57 =	vld [tilespmem:$0xB0]  }
0x244: {  	v58 =	vld [tilespmem:$0x40]  }
0x245: {  	v59 =	vld [tilespmem:$0xC0]  }
0x246: {  	v60 =	vld [tilespmem:$0x50]  }
0x247: {  	v61 =	vld [tilespmem:$0xD0]  }
0x248: {  	v62 =	vld [tilespmem:$0x60]  }
0x249: {  	v63 =	vld [tilespmem:$0xF0];
	vm8 =	veq.s32 v1, v2  }
0x24a: {  	v1 =	vld [tilespmem:$0xE0];
	vm9 =	veq.s32 v3, v53;
	v2 =	vsel vm8, $0x2710, v2  }
0x24b: {  	v3 =	vld [tilespmem:$0x70];
	vm10 =	veq.s32 v54, v55;
	[tilespmem:$0x80] =	vst v2;
	v2 =	vsel vm9, $0x2710, v53  }
0x24c: {  	vm11 =	veq.s32 v56, v57;
	[tilespmem:$0x90] =	vst v2;
	v2 =	vsel vm10, $0x2710, v55  }
0x24d: {  	vm12 =	veq.s32 v58, v59;
	[tilespmem:$0xA0] =	vst v2;
	v2 =	vsel vm11, $0x2710, v57  }
0x24e: {  	vm13 =	veq.s32 v60, v61;
	[tilespmem:$0xB0] =	vst v2;
	v2 =	vsel vm12, $0x2710, v59  }
0x24f: {  	vm14 =	veq.s32 v62, v1;
	[tilespmem:$0xC0] =	vst v2;
	v2 =	vsel vm13, $0x2710, v61  }
0x250: {  	vm15 =	veq.s32 v3, v63;
	v1 =	vsel vm14, $0x2710, v1;
	[tilespmem:$0xD0] =	vst v2  }
0x251: {  	[tilespmem:$0xE0] =	vst v1;
	v1 =	vsel vm15, $0x2710, v63  }
0x252: {  	[tilespmem:$0xF0] =	vst v1  }
0x253: {  	[tilespmem:s21], [sflag:$0x4] =	stream.indirect.gather [hbm4b:s1+s26], $0x80, s4, s26, $0xb8;
	[tilespmem:$0x1FF00] =	vst v63  }
0x254: {  	_ = 	snop  }
0x255: {  	[tilespmem:s28], [sflag:$0x4] =	stream.indirect.gather [hbm4b:s1+s26], $0x80, s26, s26, $0xb8;
	[tilespmem:$0x1FF00] =	vst v63  }
0x256: {  	_ =	swait.ge [sflag:s16], $0x2000  }
0x257: {  	[sflag:s16] =	ssyncset.done $0x0  }
0x258: {  	[sflag:s16] =	ssyncadd.s32 $0xFFFFE000  }
0x259: {  	_ =	swait.ge [sflag:s16], $0x2000  }
0x25a: {  	[sflag:s16] =	ssyncset.done $0x0  }
0x25b: {  	p1 =	sne.s32 s5, $0x8A0;
	[sflag:s16] =	ssyncadd.s32 $0xFFFFE000  }
0x25c: {  	[spmem:s3] =	stream.indirect.scatter.add.f32 [tilespmem:s9], [sflag:$0x9], $0x80, s17, s2, $0xb8;
	[tilespmem:$0x1FF00] =	vst v63  }
.Ltmp6:
0x25d: {  	_ = 	snop;
	(pc) =	sbr.rel @p1 .LBB2_6-.Ltmp6, $4  }
0x25e: {  	_ =	swait.ge [sflag:s6], $0x4000  }
0x25f: {  	[sflag:s6] =	ssyncset.done $0x0  }
0x260: {  	s22 =	sadd.s32 s5, s18;
	s5 =	sadd.s32 $0x60, s5;
	[sflag:s6] =	ssyncadd.s32 $0xFFFFC000  }
0x261: {  	[tilespmem:s23], [sflag:$0x2] =	stream.linear.gather [hbm4b:s22+s4], $0x100, $0x38;
	[tilespmem:$0x1FF00] =	vst v63  }
0x262: {  	_ =	swait.ge [sflag:s29], $0x100  }
0x263: {  	[sflag:s29] =	ssyncset.done $0x0  }
0x264: {  	[sflag:s29] =	ssyncadd.s32 $0xFFFFFF00  }
0x265: {  	v1 =	vld [tilespmem:$0x100]  }
0x266: {  	v2 =	vld [tilespmem:$0x180]  }
0x267: {  	v3 =	vld [tilespmem:$0x110]  }
0x268: {  	v4 =	vld [tilespmem:$0x190]  }
0x269: {  	v5 =	vld [tilespmem:$0x120]  }
0x26a: {  	v6 =	vld [tilespmem:$0x1A0]  }
0x26b: {  	v7 =	vld [tilespmem:$0x130]  }
0x26c: {  	v8 =	vld [tilespmem:$0x1B0]  }
0x26d: {  	v9 =	vld [tilespmem:$0x140]  }
0x26e: {  	v10 =	vld [tilespmem:$0x1C0]  }
0x26f: {  	v11 =	vld [tilespmem:$0x150]  }
0x270: {  	v12 =	vld [tilespmem:$0x1D0]  }
0x271: {  	v13 =	vld [tilespmem:$0x160]  }
0x272: {  	v52 =	vld [tilespmem:$0x1F0];
	vm0 =	veq.s32 v1, v2  }
0x273: {  	v1 =	vld [tilespmem:$0x1E0];
	vm13 =	veq.s32 v3, v4;
	v2 =	vsel vm0, $0x2710, v2  }
0x274: {  	v3 =	vld [tilespmem:$0x170];
	vm14 =	veq.s32 v5, v6;
	[tilespmem:$0x180] =	vst v2;
	v2 =	vsel vm13, $0x2710, v4  }
0x275: {  	vm15 =	veq.s32 v7, v8;
	[tilespmem:$0x190] =	vst v2;
	v2 =	vsel vm14, $0x2710, v6  }
0x276: {  	vm4 =	veq.s32 v9, v10;
	[tilespmem:$0x1A0] =	vst v2;
	v2 =	vsel vm15, $0x2710, v8  }
0x277: {  	vm5 =	veq.s32 v11, v12;
	[tilespmem:$0x1B0] =	vst v2;
	v2 =	vsel vm4, $0x2710, v10  }
0x278: {  	vm6 =	veq.s32 v13, v1;
	[tilespmem:$0x1C0] =	vst v2;
	v2 =	vsel vm5, $0x2710, v12  }
0x279: {  	vm7 =	veq.s32 v3, v52;
	v1 =	vsel vm6, $0x2710, v1;
	[tilespmem:$0x1D0] =	vst v2  }
0x27a: {  	[tilespmem:$0x1E0] =	vst v1;
	v1 =	vsel vm7, $0x2710, v52  }
0x27b: {  	[tilespmem:$0x1F0] =	vst v1  }
0x27c: {  	[tilespmem:s30], [sflag:$0x5] =	stream.indirect.gather [hbm4b:s1+s26], $0x80, s23, s26, $0xb8;
	[tilespmem:$0x1FF00] =	vst v63  }
0x27d: {  	_ = 	snop  }
0x27e: {  	[tilespmem:s31], [sflag:$0x5] =	stream.indirect.gather [hbm4b:s1+s26], $0x80, s0, s26, $0xb8;
	[tilespmem:$0x1FF00] =	vst v63  }
0x27f: {  	_ =	swait.ge [sflag:s13], $0x2000  }
0x280: {  	[sflag:s13] =	ssyncset.done $0x0  }
0x281: {  	[sflag:s13] =	ssyncadd.s32 $0xFFFFE000  }
0x282: {  	_ =	swait.ge [sflag:s13], $0x2000  }
0x283: {  	[sflag:s13] =	ssyncset.done $0x0  }
0x284: {  	s5 =	simm.s32 $0x9;
	[sflag:s13] =	ssyncadd.s32 $0xFFFFE000  }
0x285: {  	[spmem:s3] =	stream.indirect.scatter.add.f32 [tilespmem:s21], [sflag:$0x7], $0x80, s2, s2, $0xb8;
	[tilespmem:$0x1FF00] =	vst v63  }
0x286: {  	_ =	swait.ge [sflag:s5], $0x4000  }
0x287: {  	[sflag:s5] =	ssyncset.done $0x0  }
0x288: {  	s22 =	rddreg [dreg:$0xc];
	[sflag:s5] =	ssyncadd.s32 $0xFFFFC000  }
0x289: {  	[tilespmem:s7], [sflag:$0x3] =	stream.linear.gather [hbm4b:s22+s4], $0x100, $0x38;
	[tilespmem:$0x1FF00] =	vst v63  }
0x28a: {  	_ =	swait.ge [sflag:s8], $0x100  }
0x28b: {  	[sflag:s8] =	ssyncset.done $0x0  }
0x28c: {  	[sflag:s8] =	ssyncadd.s32 $0xFFFFFF00  }
0x28d: {  	v1 =	vld [tilespmem:$0x200]  }
0x28e: {  	v2 =	vld [tilespmem:$0x280]  }
0x28f: {  	v3 =	vld [tilespmem:$0x210]  }
0x290: {  	v53 =	vld [tilespmem:$0x290]  }
0x291: {  	v54 =	vld [tilespmem:$0x220]  }
0x292: {  	v55 =	vld [tilespmem:$0x2A0]  }
0x293: {  	v56 =	vld [tilespmem:$0x230]  }
0x294: {  	v57 =	vld [tilespmem:$0x2B0]  }
0x295: {  	v58 =	vld [tilespmem:$0x240]  }
0x296: {  	v59 =	vld [tilespmem:$0x2C0]  }
0x297: {  	v60 =	vld [tilespmem:$0x250]  }
0x298: {  	v61 =	vld [tilespmem:$0x2D0]  }
0x299: {  	v62 =	vld [tilespmem:$0x260]  }
0x29a: {  	v63 =	vld [tilespmem:$0x2F0];
	vm8 =	veq.s32 v1, v2  }
0x29b: {  	v1 =	vld [tilespmem:$0x2E0];
	vm9 =	veq.s32 v3, v53;
	v2 =	vsel vm8, $0x2710, v2  }
0x29c: {  	v3 =	vld [tilespmem:$0x270];
	vm10 =	veq.s32 v54, v55;
	[tilespmem:$0x280] =	vst v2;
	v2 =	vsel vm9, $0x2710, v53  }
0x29d: {  	vm11 =	veq.s32 v56, v57;
	[tilespmem:$0x290] =	vst v2;
	v2 =	vsel vm10, $0x2710, v55  }
0x29e: {  	vm12 =	veq.s32 v58, v59;
	[tilespmem:$0x2A0] =	vst v2;
	v2 =	vsel vm11, $0x2710, v57  }
0x29f: {  	vm13 =	veq.s32 v60, v61;
	[tilespmem:$0x2B0] =	vst v2;
	v2 =	vsel vm12, $0x2710, v59  }
0x2a0: {  	vm14 =	veq.s32 v62, v1;
	[tilespmem:$0x2C0] =	vst v2;
	v2 =	vsel vm13, $0x2710, v61  }
0x2a1: {  	vm15 =	veq.s32 v3, v63;
	v1 =	vsel vm14, $0x2710, v1;
	[tilespmem:$0x2D0] =	vst v2  }
0x2a2: {  	[tilespmem:$0x2E0] =	vst v1;
	v1 =	vsel vm15, $0x2710, v63  }
0x2a3: {  	[tilespmem:$0x2F0] =	vst v1  }
0x2a4: {  	[tilespmem:s9], [sflag:$0x6] =	stream.indirect.gather [hbm4b:s1+s26], $0x80, s7, s26, $0xb8;
	[tilespmem:$0x1FF00] =	vst v63  }
0x2a5: {  	_ = 	snop  }
0x2a6: {  	[tilespmem:s11], [sflag:$0x6] =	stream.indirect.gather [hbm4b:s1+s26], $0x80, s10, s26, $0xb8;
	[tilespmem:$0x1FF00] =	vst v63  }
0x2a7: {  	_ =	swait.ge [sflag:s12], $0x2000  }
0x2a8: {  	[sflag:s12] =	ssyncset.done $0x0  }
0x2a9: {  	[sflag:s12] =	ssyncadd.s32 $0xFFFFE000  }
0x2aa: {  	_ =	swait.ge [sflag:s12], $0x2000  }
0x2ab: {  	[sflag:s12] =	ssyncset.done $0x0  }
0x2ac: {  	[sflag:s12] =	ssyncadd.s32 $0xFFFFE000  }
0x2ad: {  	[spmem:s3] =	stream.indirect.scatter.add.f32 [tilespmem:s30], [sflag:$0x8], $0x80, s14, s2, $0xb8;
	[tilespmem:$0x1FF00] =	vst v63  }
0x2ae: {  	_ =	swait.ge [sflag:s15], $0x4000  }
0x2af: {  	[sflag:s15] =	ssyncset.done $0x0  }
0x2b0: {  	[sflag:s15] =	ssyncadd.s32 $0xFFFFC000  }
0x2b1: {  	_ =	swait.ge [sflag:s16], $0x2000  }
0x2b2: {  	[sflag:s16] =	ssyncset.done $0x0  }
.Ltmp7:
0x2b3: {  	[sflag:s16] =	ssyncadd.s32 $0xFFFFE000;
	(pc) =	sbr.rel .LBB2_8-.Ltmp7, $4  }
0x2b4: {  	_ =	swait.ge [sflag:s16], $0x2000  }
0x2b5: {  	[sflag:s16] =	ssyncset.done $0x0  }
0x2b6: {  	s22 =	simm.s32 $0x8;
	s31 =	rddreg [dreg:$0x13];
	[sflag:s16] =	ssyncadd.s32 $0xFFFFE000  }
0x2b7: {  	[spmem:s3] =	stream.indirect.scatter.add.f32 [tilespmem:s9], [sflag:$0x9], $0x80, s17, s2, $0xb8;
	[tilespmem:$0x1FF00] =	vst v63  }
.LBB2_9:
0x2b8: {  	_ =	sfence.sel $0x180000  }
0x2b9: {  	[bflag:$0x0] =	sbarrier.arrive $0xFFFF  }
0x2ba: {  	_ =	strace $0x90000047  }
0x2bb: {  	s0 =	stileid.u32;
	[bflag:$0x2] =	sbarrier.arrive $0xFFFF  }
0x2bc: {  	p0 =	sne.s32 s0, $0x0;
	s0 =	rddreg [dreg:$0x4]  }
0x2bd: {  	s0 =	sadd.s32 @!p0 $0x100000, s0  }
0x2be: {  	[sflag:s0] =	ssyncadd.tile.s32 @!p0 $0x1;
	_ =	shalt  }
.Lfunc_end2:
_tile_overlayer_lowered:
.L_overlay_start_2:
0x2bf: {  	(tag) =	ssettag $0x2  }
0x2c0: {  	s0 =	rddreg [dreg:$0x0];
	s2 =	stileid.u32  }
0x2c1: {  	s1 =	rddreg [dreg:$0x1];
	p0 =	sne.s32 s2, $0x0  }
0x2c2: {  	s3 =	rddreg [dreg:$0x2];
	[bflag:$0x3] =	sbarrier.arrive $0xFFFF;
	s2 =	simm.s32 @!p0 $0x1C0A  }
0x2c3: {  	[timem:s3], [sflag:s2] =	dma.local @!p0 [hbm:s0], s1  }
0x2c4: {  	s0 =	simm.s32 @!p0 $0xA  }
0x2c5: {  	_ =	swait.ge @!p0 [sflag:s0], s1  }
0x2c6: {  	s1 =	ssub.s32 @!p0 $0x0, s1;
	[sflag:s0] =	ssyncset.done @!p0 $0x0  }
0x2c7: {  	[sflag:s0] =	ssyncadd.s32 @!p0 s1  }
0x2c8: {  	[bflag:$0x3] =	sbarrier.arrive $0xFFFF  }
0x2c9: {  	_ =	shalt  }

</sc_bundles>
